<compile_context>
chip_gen: v7x
topology: tpu7x:2x2x1
jax: 0.10.2.dev20260603
libtpu: 0.0.44.dev20260713+nightly
codegen_flags: <defaults>
</compile_context>

<pallas_src>
import functools

import jax
import jax.numpy as jnp
from jax import lax
from jax.experimental import pallas as pl
from jax.experimental.pallas import tpu as pltpu
from jax.experimental.pallas import tpu_sc as plsc

_N = 10000
_E = 320000
_NCORES = 2
_NSUB = 16
_K = 2560
_NCHUNK = _E // _K


def _prep_body(xt_ref, wt_ref, at_ref, ht_ref, alphat_ref):
    ht = wt_ref[...] @ xt_ref[...]
    ht_ref[...] = ht
    alphat_ref[...] = at_ref[...] @ ht


def _prep(xT, WT, AT):
    c = WT.shape[0]
    return pl.pallas_call(
        _prep_body,
        out_shape=[
            jax.ShapeDtypeStruct((c, _N), jnp.float32),
            jax.ShapeDtypeStruct((4, _N), jnp.float32),
        ],
    )(xT, WT, AT)


def _combine_body(p_ref, ht_ref, alphat_ref, b_ref, o_ref, *, heads, ncpt, relu):
    alphat = alphat_ref[...]
    ch = 64
    rows = []
    for hh in range(heads):
        a_self = alphat[hh] + alphat[2 + hh]
        e_self = jnp.exp(jnp.where(a_self >= 0, a_self, 0.2 * a_self))
        if heads == 2:
            feat = p_ref[hh, :, :ncpt, :].reshape(ch, _N)
            s_edges = p_ref[hh, :, ncpt, :].sum(axis=0)
        else:
            feat = p_ref[:, :, :ncpt, :].reshape(ch, _N)
            s_edges = p_ref[:, :, ncpt, :].sum(axis=(0, 1))
        s = s_edges + e_self
        num = feat + ht_ref[hh * ch:(hh + 1) * ch, :] * e_self[None, :]
        rows.append(num / s[None, :])
    out = jnp.concatenate(rows, axis=0) if heads > 1 else rows[0]
    out = out + b_ref[...]
    if relu:
        out = jnp.maximum(out, 0.0)
    o_ref[...] = out


def _combine(p, hT, alphaT, bias, heads, ncpt, relu):
    hc = heads * 64
    body = functools.partial(_combine_body, heads=heads, ncpt=ncpt, relu=relu)
    return pl.pallas_call(
        body,
        out_shape=jax.ShapeDtypeStruct((hc, _N), jnp.float32),
    )(p, hT, alphaT, bias.reshape(hc, 1))


def _sc_edge_body(ht_hbm, alphat_hbm, src_hbm, dst_hbm, out_hbm,
                  slab_v, alpha_v, acc_v, src_v, dst_v, sem0, sem1,
                  *, heads, ncpt):
    cid = lax.axis_index("c")
    sid = lax.axis_index("s")
    row0 = cid * (_NSUB * ncpt) + sid * ncpt

    pltpu.sync_copy(ht_hbm.at[pl.ds(row0, ncpt)], slab_v)
    if heads == 2:
        pltpu.sync_copy(alphat_hbm.at[cid], alpha_v.at[0])
        pltpu.sync_copy(alphat_hbm.at[2 + cid], alpha_v.at[1])
    else:
        pltpu.sync_copy(alphat_hbm.at[0], alpha_v.at[0])
        pltpu.sync_copy(alphat_hbm.at[2], alpha_v.at[1])

    z16f = jnp.zeros((16,), jnp.float32)

    def _zero(m, carry):
        for r in range(ncpt + 1):
            acc_v[r, pl.ds(m * 16, 16)] = z16f
        return carry
    lax.fori_loop(0, _N // 16, _zero, 0)

    z16 = jnp.zeros((16,), jnp.int32)

    ntiles_e = _NSUB if heads == 2 else _NCORES * _NSUB
    egroups = (_K // 16) // ntiles_e
    wid_e = sid if heads == 2 else cid * _NSUB + sid
    eg0 = wid_e * egroups

    def _compute(b):
        @plsc.parallel_loop(0, _K // 16, unroll=8)
        def _group(g):
            si = src_v[b, pl.ds(g * 16, 16)]
            di = dst_v[b, pl.ds(g * 16, 16)]
            a0 = (plsc.load_gather(alpha_v, [z16, si]) +
                  plsc.load_gather(alpha_v, [z16 + 1, di]))
            e0v = jnp.exp(jnp.where(a0 >= 0, a0, 0.2 * a0))
            for r in range(ncpt):
                hv = plsc.load_gather(slab_v, [z16 + r, si])
                plsc.addupdate_scatter(acc_v, [z16 + r, di], hv * e0v)

        @plsc.parallel_loop(0, egroups, unroll=2)
        def _egroup(k):
            g = eg0 + k
            si = src_v[b, pl.ds(g * 16, 16)]
            di = dst_v[b, pl.ds(g * 16, 16)]
            a0 = (plsc.load_gather(alpha_v, [z16, si]) +
                  plsc.load_gather(alpha_v, [z16 + 1, di]))
            e0v = jnp.exp(jnp.where(a0 >= 0, a0, 0.2 * a0))
            plsc.addupdate_scatter(acc_v, [z16 + ncpt, di], e0v)

    def _start(i, b, sem):
        off = i * _K
        c0 = pltpu.async_copy(src_hbm.at[pl.ds(off, _K)], src_v.at[b], sem)
        c1 = pltpu.async_copy(dst_hbm.at[pl.ds(off, _K)], dst_v.at[b], sem)
        return c0, c1

    p0 = _start(0, 0, sem0)

    def _chunk2(m, carry):
        i = m * 2
        pltpu.async_copy(src_hbm.at[pl.ds((i + 1) * _K, _K)], src_v.at[1], sem1)
        pltpu.async_copy(dst_hbm.at[pl.ds((i + 1) * _K, _K)], dst_v.at[1], sem1)
        pltpu.make_async_copy(src_hbm.at[pl.ds(0, _K)], src_v.at[0], sem0).wait()
        pltpu.make_async_copy(dst_hbm.at[pl.ds(0, _K)], dst_v.at[0], sem0).wait()
        _compute(0)

        @pl.when(i + 2 < _NCHUNK)
        def _():
            pltpu.async_copy(src_hbm.at[pl.ds((i + 2) * _K, _K)], src_v.at[0], sem0)
            pltpu.async_copy(dst_hbm.at[pl.ds((i + 2) * _K, _K)], dst_v.at[0], sem0)
        pltpu.make_async_copy(src_hbm.at[pl.ds(0, _K)], src_v.at[1], sem1).wait()
        pltpu.make_async_copy(dst_hbm.at[pl.ds(0, _K)], dst_v.at[1], sem1).wait()
        _compute(1)
        return carry
    lax.fori_loop(0, _NCHUNK // 2, _chunk2, 0)
    pltpu.make_async_copy(src_hbm.at[pl.ds(0, _K)], src_v.at[0], sem0).wait()
    pltpu.make_async_copy(dst_hbm.at[pl.ds(0, _K)], dst_v.at[0], sem0).wait()
    _compute(0)

    pltpu.sync_copy(acc_v, out_hbm.at[cid, sid])


def _sc_edge(hT, alphaT, src, dst, heads):
    ncpt = 4 if heads == 2 else 2
    body = functools.partial(_sc_edge_body, heads=heads, ncpt=ncpt)
    mesh = plsc.VectorSubcoreMesh(
        core_axis_name="c", subcore_axis_name="s",
        num_cores=_NCORES, num_subcores=_NSUB)
    f = pl.kernel(
        body,
        out_type=jax.ShapeDtypeStruct((_NCORES, _NSUB, ncpt + 1, _N), jnp.float32),
        mesh=mesh,
        scratch_types=[
            pltpu.VMEM((ncpt, _N), jnp.float32),
            pltpu.VMEM((2, _N), jnp.float32),
            pltpu.VMEM((ncpt + 1, _N), jnp.float32),
            pltpu.VMEM((2, _K), jnp.int32),
            pltpu.VMEM((2, _K), jnp.int32),
            pltpu.SemaphoreType.DMA,
            pltpu.SemaphoreType.DMA,
        ],
        compiler_params=pltpu.CompilerParams(
            use_tc_tiling_on_sc=False, needs_layout_passes=False),
    )
    return f(hT, alphaT, src, dst)


def _pack_alpha(a_src, a_dst, din):
    heads, ch = a_src.shape
    a = jnp.zeros((din, 4), jnp.float32)
    for hh in range(heads):
        a = a.at[hh * ch:(hh + 1) * ch, hh].set(a_src[hh])
        a = a.at[hh * ch:(hh + 1) * ch, 2 + hh].set(a_dst[hh])
    return a


def kernel(x, edge_index, W1, a_src1, a_dst1, b1, W2, a_src2, a_dst2, b2):
    src = edge_index[0]
    dst = edge_index[1]
    xT = x.T
    hT1, alphaT1 = _prep(xT, W1.T, _pack_alpha(a_src1, a_dst1, 128).T)
    p1 = _sc_edge(hT1, alphaT1, src, dst, 2)
    o1T = _combine(p1, hT1, alphaT1, b1, 2, 4, relu=True)

    hT2, alphaT2 = _prep(o1T, W2.T, _pack_alpha(a_src2, a_dst2, 64).T)
    p2 = _sc_edge(hT2, alphaT2, src, dst, 1)
    o2T = _combine(p2, hT2, alphaT2, b2, 1, 2, relu=False)
    return o2T.T

# --- scband reference (transcript-rebuilt; emitter-appended) ---
"""Pipeline reference for scband-patch-gat-146028888216 (READ-ONLY COPY).

The authoritative reference and input builder live on the scoring server;
editing this copy changes nothing except your own understanding.
"""

import jax, jax.numpy as jnp
import numpy as np

N = 10000
E = 320000
IN = 128
HID = 64
HEADS = 2
OUT = 64


def setup_inputs(seed: int = 0) -> dict:
    key = jax.random.key(seed)
    ks = jax.random.split(key, 12)
    x = jax.random.normal(ks[0], (N, IN), dtype=jnp.float32)
    edge_index = jax.random.randint(ks[1], (2, E), 0, N, dtype=jnp.int32)
    # layer 1 params (GATConv(IN, HID, heads=HEADS), concat=True)
    W1 = jax.random.normal(ks[2], (IN, HEADS * HID), dtype=jnp.float32) * (1.0 / np.sqrt(IN))
    a_src1 = jax.random.normal(ks[3], (HEADS, HID), dtype=jnp.float32) * 0.1
    a_dst1 = jax.random.normal(ks[4], (HEADS, HID), dtype=jnp.float32) * 0.1
    b1 = jnp.zeros((HEADS * HID,), dtype=jnp.float32)
    # layer 2 params (GATConv(HEADS*HID, OUT, heads=1))
    W2 = jax.random.normal(ks[5], (HEADS * HID, OUT), dtype=jnp.float32) * (1.0 / np.sqrt(HEADS * HID))
    a_src2 = jax.random.normal(ks[6], (1, OUT), dtype=jnp.float32) * 0.1
    a_dst2 = jax.random.normal(ks[7], (1, OUT), dtype=jnp.float32) * 0.1
    b2 = jnp.zeros((OUT,), dtype=jnp.float32)
    return {"x": x, "edge_index": edge_index, "W1": W1, "a_src1": a_src1,
            "a_dst1": a_dst1, "b1": b1, "W2": W2, "a_src2": a_src2,
            "a_dst2": a_dst2, "b2": b2}


def gat_layer(x, edge_index, W, a_src, a_dst, bias, heads, out_ch):
    n = x.shape[0]
    # PyG GATConv default: add self-loops
    loop = jnp.arange(n, dtype=edge_index.dtype)
    src = jnp.concatenate([edge_index[0], loop])
    dst = jnp.concatenate([edge_index[1], loop])
    h = (x @ W).reshape(n, heads, out_ch)
    alpha_src = (h * a_src[None, :, :]).sum(-1)  # [N, H]
    alpha_dst = (h * a_dst[None, :, :]).sum(-1)  # [N, H]
    alpha = jax.nn.leaky_relu(alpha_src[src] + alpha_dst[dst], negative_slope=0.2)  # [E', H]
    amax = jax.ops.segment_max(alpha, dst, num_segments=n)
    e = jnp.exp(alpha - amax[dst])
    s = jax.ops.segment_sum(e, dst, num_segments=n)
    coef = e / (s[dst] + 1e-16)  # softmax over incoming edges per dst
    msg = h[src] * coef[:, :, None]
    out = jax.ops.segment_sum(msg, dst, num_segments=n)  # [N, H, C]
    return out.reshape(n, heads * out_ch) + bias


def reference(x, edge_index, W1, a_src1, a_dst1, b1, W2, a_src2, a_dst2, b2):
    h = gat_layer(x, edge_index, W1, a_src1, a_dst1, b1, HEADS, HID)
    h = jax.nn.relu(h)
    out = gat_layer(h, edge_index, W2, a_src2, a_dst2, b2, 1, OUT)
    return out

if __name__ == "__main__":
    import jax
    _d = setup_inputs()
    print(jax.jit(kernel)(*tuple(_d.values())))

</pallas_src>

<mosaic_0001>
#map = affine_map<(d0, d1) -> (0, 0)>
#map1 = affine_map<(d0, d1) -> (0)>
#map2 = affine_map<(d0, d1) -> (0, 0, 0, 0)>
module attributes {stable_mosaic.version = 14 : i64} {
  func.func @_sc_edge_body(%arg0: i32, %arg1: i32, %arg2: memref<128x10000xf32, #tpu.memory_space<hbm>>, %arg3: memref<4x10000xf32, #tpu.memory_space<hbm>>, %arg4: memref<320000xi32, #tpu.memory_space<hbm>>, %arg5: memref<320000xi32, #tpu.memory_space<hbm>>, %arg6: memref<2x16x5x10000xf32, #tpu.memory_space<hbm>>, %arg7: memref<4x10000xf32, #tpu.memory_space<vmem>>, %arg8: memref<2x10000xf32, #tpu.memory_space<vmem>>, %arg9: memref<5x10000xf32, #tpu.memory_space<vmem>>, %arg10: memref<2x2560xi32, #tpu.memory_space<vmem>>, %arg11: memref<2x2560xi32, #tpu.memory_space<vmem>>, %arg12: memref<!tpu.dma_semaphore, #tpu.memory_space<semaphore_mem>>, %arg13: memref<!tpu.dma_semaphore, #tpu.memory_space<semaphore_mem>>) attributes {dimension_semantics = [#tpu.dimension_semantics<core_parallel>, #tpu.dimension_semantics<subcore_parallel>], iteration_bounds = array<i64: 2, 16>, scalar_prefetch = 0 : i64, scratch_operands = 7 : i64, tpu.core_type = #tpu.core_type<sc_vector_subcore>, window_params = [{transform_indices = #map}, {transform_indices = #map}, {transform_indices = #map1}, {transform_indices = #map1}, {transform_indices = #map2}]} {
    %mul3A = arith.constant 64 : i32
    %mul3A_0 = arith.muli %arg0, %mul3A : i32
    %mul3A_1 = arith.constant 4 : i32
    %mul3A_2 = arith.muli %arg1, %mul3A_1 : i32
    %add3A = arith.addi %mul3A_0, %mul3A_2 : i32
    "tpu.region"() ({
      %run_scoped3A_69 = tpu.sem_alloc : memref<!tpu.dma_semaphore, #tpu.memory_space<semaphore_mem>>
      %dma_start3A_70 = arith.constant 0 : i32
      %dma_start3A_71 = tpu.memref_slice %arg2[%add3A, %dma_start3A_70] : memref<128x10000xf32, #tpu.memory_space<hbm>> -> memref<4x10000xf32, #tpu.memory_space<hbm>>
      %dma_start3A_72 = arith.constant 0 : i32
      %dma_start3A_73 = tpu.memref_slice %arg2[%add3A, %dma_start3A_72] : memref<128x10000xf32, #tpu.memory_space<hbm>> -> memref<4x10000xf32, #tpu.memory_space<hbm>>
      tpu.enqueue_dma source(%dma_start3A_73 : memref<4x10000xf32, #tpu.memory_space<hbm>>) target(%arg7 : memref<4x10000xf32, #tpu.memory_space<vmem>>) target_semaphore(%run_scoped3A_69 : memref<!tpu.dma_semaphore, #tpu.memory_space<semaphore_mem>>)
      %dma_wait3A_74 = arith.constant 0 : i32
      %dma_wait3A_75 = tpu.memref_slice %arg2[%add3A, %dma_wait3A_74] : memref<128x10000xf32, #tpu.memory_space<hbm>> -> memref<4x10000xf32, #tpu.memory_space<hbm>>
      %dma_wait3A_76 = arith.constant 0 : i32
      %dma_wait3A_77 = tpu.memref_slice %arg2[%add3A, %dma_wait3A_76] : memref<128x10000xf32, #tpu.memory_space<hbm>> -> memref<4x10000xf32, #tpu.memory_space<hbm>>
      tpu.wait_dma2 semaphore(%run_scoped3A_69 : memref<!tpu.dma_semaphore, #tpu.memory_space<semaphore_mem>>) src(%dma_wait3A_77 : memref<4x10000xf32, #tpu.memory_space<hbm>>) dst(%arg7 : memref<4x10000xf32, #tpu.memory_space<vmem>>)
      tpu.yield
    }) : () -> ()
    %run_scoped3A = arith.constant 0 : i32
    "tpu.region"() ({
      %run_scoped3A_69 = tpu.sem_alloc : memref<!tpu.dma_semaphore, #tpu.memory_space<semaphore_mem>>
      %dma_start3A_70 = arith.constant 0 : i32
      %dma_start3A_71 = tpu.memref_slice %arg8[%run_scoped3A, %dma_start3A_70] : memref<2x10000xf32, #tpu.memory_space<vmem>> -> memref<1x10000xf32, #tpu.memory_space<vmem>>
      %dma_start3A_72 = tpu.memref_squeeze %dma_start3A_71 : memref<1x10000xf32, #tpu.memory_space<vmem>> -> memref<10000xf32, #tpu.memory_space<vmem>>
      %dma_start3A_73 = arith.constant 0 : i32
      %dma_start3A_74 = tpu.memref_slice %arg3[%arg0, %dma_start3A_73] : memref<4x10000xf32, #tpu.memory_space<hbm>> -> memref<1x10000xf32, #tpu.memory_space<hbm>>
      %dma_start3A_75 = tpu.memref_squeeze %dma_start3A_74 : memref<1x10000xf32, #tpu.memory_space<hbm>> -> memref<10000xf32, #tpu.memory_space<hbm>>
      %dma_start3A_76 = arith.constant 0 : i32
      %dma_start3A_77 = tpu.memref_slice %arg8[%run_scoped3A, %dma_start3A_76] : memref<2x10000xf32, #tpu.memory_space<vmem>> -> memref<1x10000xf32, #tpu.memory_space<vmem>>
      %dma_start3A_78 = tpu.memref_squeeze %dma_start3A_77 : memref<1x10000xf32, #tpu.memory_space<vmem>> -> memref<10000xf32, #tpu.memory_space<vmem>>
      %dma_start3A_79 = arith.constant 0 : i32
      %dma_start3A_80 = tpu.memref_slice %arg3[%arg0, %dma_start3A_79] : memref<4x10000xf32, #tpu.memory_space<hbm>> -> memref<1x10000xf32, #tpu.memory_space<hbm>>
      %dma_start3A_81 = tpu.memref_squeeze %dma_start3A_80 : memref<1x10000xf32, #tpu.memory_space<hbm>> -> memref<10000xf32, #tpu.memory_space<hbm>>
      tpu.enqueue_dma source(%dma_start3A_81 : memref<10000xf32, #tpu.memory_space<hbm>>) target(%dma_start3A_78 : memref<10000xf32, #tpu.memory_space<vmem>>) target_semaphore(%run_scoped3A_69 : memref<!tpu.dma_semaphore, #tpu.memory_space<semaphore_mem>>)
      %dma_wait3A_82 = arith.constant 0 : i32
      %dma_wait3A_83 = tpu.memref_slice %arg8[%run_scoped3A, %dma_wait3A_82] : memref<2x10000xf32, #tpu.memory_space<vmem>> -> memref<1x10000xf32, #tpu.memory_space<vmem>>
      %dma_wait3A_84 = tpu.memref_squeeze %dma_wait3A_83 : memref<1x10000xf32, #tpu.memory_space<vmem>> -> memref<10000xf32, #tpu.memory_space<vmem>>
      %dma_wait3A_85 = arith.constant 0 : i32
      %dma_wait3A_86 = tpu.memref_slice %arg3[%arg0, %dma_wait3A_85] : memref<4x10000xf32, #tpu.memory_space<hbm>> -> memref<1x10000xf32, #tpu.memory_space<hbm>>
      %dma_wait3A_87 = tpu.memref_squeeze %dma_wait3A_86 : memref<1x10000xf32, #tpu.memory_space<hbm>> -> memref<10000xf32, #tpu.memory_space<hbm>>
      %dma_wait3A_88 = arith.constant 0 : i32
      %dma_wait3A_89 = tpu.memref_slice %arg8[%run_scoped3A, %dma_wait3A_88] : memref<2x10000xf32, #tpu.memory_space<vmem>> -> memref<1x10000xf32, #tpu.memory_space<vmem>>
      %dma_wait3A_90 = tpu.memref_squeeze %dma_wait3A_89 : memref<1x10000xf32, #tpu.memory_space<vmem>> -> memref<10000xf32, #tpu.memory_space<vmem>>
      %dma_wait3A_91 = arith.constant 0 : i32
      %dma_wait3A_92 = tpu.memref_slice %arg3[%arg0, %dma_wait3A_91] : memref<4x10000xf32, #tpu.memory_space<hbm>> -> memref<1x10000xf32, #tpu.memory_space<hbm>>
      %dma_wait3A_93 = tpu.memref_squeeze %dma_wait3A_92 : memref<1x10000xf32, #tpu.memory_space<hbm>> -> memref<10000xf32, #tpu.memory_space<hbm>>
      tpu.wait_dma2 semaphore(%run_scoped3A_69 : memref<!tpu.dma_semaphore, #tpu.memory_space<semaphore_mem>>) src(%dma_wait3A_93 : memref<10000xf32, #tpu.memory_space<hbm>>) dst(%dma_wait3A_90 : memref<10000xf32, #tpu.memory_space<vmem>>)
      tpu.yield
    }) : () -> ()
    %add3A_3 = arith.constant 2 : i32
    %add3A_4 = arith.addi %add3A_3, %arg0 : i32
    %run_scoped3A_5 = arith.constant 1 : i32
    "tpu.region"() ({
      %run_scoped3A_69 = tpu.sem_alloc : memref<!tpu.dma_semaphore, #tpu.memory_space<semaphore_mem>>
      %dma_start3A_70 = arith.constant 0 : i32
      %dma_start3A_71 = tpu.memref_slice %arg8[%run_scoped3A_5, %dma_start3A_70] : memref<2x10000xf32, #tpu.memory_space<vmem>> -> memref<1x10000xf32, #tpu.memory_space<vmem>>
      %dma_start3A_72 = tpu.memref_squeeze %dma_start3A_71 : memref<1x10000xf32, #tpu.memory_space<vmem>> -> memref<10000xf32, #tpu.memory_space<vmem>>
      %dma_start3A_73 = arith.constant 0 : i32
      %dma_start3A_74 = tpu.memref_slice %arg3[%add3A_4, %dma_start3A_73] : memref<4x10000xf32, #tpu.memory_space<hbm>> -> memref<1x10000xf32, #tpu.memory_space<hbm>>
      %dma_start3A_75 = tpu.memref_squeeze %dma_start3A_74 : memref<1x10000xf32, #tpu.memory_space<hbm>> -> memref<10000xf32, #tpu.memory_space<hbm>>
      %dma_start3A_76 = arith.constant 0 : i32
      %dma_start3A_77 = tpu.memref_slice %arg8[%run_scoped3A_5, %dma_start3A_76] : memref<2x10000xf32, #tpu.memory_space<vmem>> -> memref<1x10000xf32, #tpu.memory_space<vmem>>
      %dma_start3A_78 = tpu.memref_squeeze %dma_start3A_77 : memref<1x10000xf32, #tpu.memory_space<vmem>> -> memref<10000xf32, #tpu.memory_space<vmem>>
      %dma_start3A_79 = arith.constant 0 : i32
      %dma_start3A_80 = tpu.memref_slice %arg3[%add3A_4, %dma_start3A_79] : memref<4x10000xf32, #tpu.memory_space<hbm>> -> memref<1x10000xf32, #tpu.memory_space<hbm>>
      %dma_start3A_81 = tpu.memref_squeeze %dma_start3A_80 : memref<1x10000xf32, #tpu.memory_space<hbm>> -> memref<10000xf32, #tpu.memory_space<hbm>>
      tpu.enqueue_dma source(%dma_start3A_81 : memref<10000xf32, #tpu.memory_space<hbm>>) target(%dma_start3A_78 : memref<10000xf32, #tpu.memory_space<vmem>>) target_semaphore(%run_scoped3A_69 : memref<!tpu.dma_semaphore, #tpu.memory_space<semaphore_mem>>)
      %dma_wait3A_82 = arith.constant 0 : i32
      %dma_wait3A_83 = tpu.memref_slice %arg8[%run_scoped3A_5, %dma_wait3A_82] : memref<2x10000xf32, #tpu.memory_space<vmem>> -> memref<1x10000xf32, #tpu.memory_space<vmem>>
      %dma_wait3A_84 = tpu.memref_squeeze %dma_wait3A_83 : memref<1x10000xf32, #tpu.memory_space<vmem>> -> memref<10000xf32, #tpu.memory_space<vmem>>
      %dma_wait3A_85 = arith.constant 0 : i32
      %dma_wait3A_86 = tpu.memref_slice %arg3[%add3A_4, %dma_wait3A_85] : memref<4x10000xf32, #tpu.memory_space<hbm>> -> memref<1x10000xf32, #tpu.memory_space<hbm>>
      %dma_wait3A_87 = tpu.memref_squeeze %dma_wait3A_86 : memref<1x10000xf32, #tpu.memory_space<hbm>> -> memref<10000xf32, #tpu.memory_space<hbm>>
      %dma_wait3A_88 = arith.constant 0 : i32
      %dma_wait3A_89 = tpu.memref_slice %arg8[%run_scoped3A_5, %dma_wait3A_88] : memref<2x10000xf32, #tpu.memory_space<vmem>> -> memref<1x10000xf32, #tpu.memory_space<vmem>>
      %dma_wait3A_90 = tpu.memref_squeeze %dma_wait3A_89 : memref<1x10000xf32, #tpu.memory_space<vmem>> -> memref<10000xf32, #tpu.memory_space<vmem>>
      %dma_wait3A_91 = arith.constant 0 : i32
      %dma_wait3A_92 = tpu.memref_slice %arg3[%add3A_4, %dma_wait3A_91] : memref<4x10000xf32, #tpu.memory_space<hbm>> -> memref<1x10000xf32, #tpu.memory_space<hbm>>
      %dma_wait3A_93 = tpu.memref_squeeze %dma_wait3A_92 : memref<1x10000xf32, #tpu.memory_space<hbm>> -> memref<10000xf32, #tpu.memory_space<hbm>>
      tpu.wait_dma2 semaphore(%run_scoped3A_69 : memref<!tpu.dma_semaphore, #tpu.memory_space<semaphore_mem>>) src(%dma_wait3A_93 : memref<10000xf32, #tpu.memory_space<hbm>>) dst(%dma_wait3A_90 : memref<10000xf32, #tpu.memory_space<vmem>>)
      tpu.yield
    }) : () -> ()
    %broadcast_in_dim3A = arith.constant 0.000000e+00 : f32
    %broadcast_in_dim3A_6 = vector.broadcast %broadcast_in_dim3A : f32 to vector<16xf32>
    %scan3A = arith.constant 0 : i32
    %scan3A_7 = arith.constant 0 : i32
    %scan3A_8 = arith.constant 625 : i32
    %scan3A_9 = arith.addi %scan3A_7, %scan3A_8 : i32
    %scan3A_10 = arith.constant 1 : i32
    scf.for %scan3A_69 = %scan3A_7 to %scan3A_9 step %scan3A_10  : i32 {
      %mul3A_70 = arith.constant 16 : i32
      %mul3A_71 = arith.muli %scan3A_69, %mul3A_70 : i32
      %swap3A = arith.constant 0 : i32
      %swap3A_72 = arith.index_cast %swap3A : i32 to index
      %swap3A_73 = arith.index_cast %mul3A_71 : i32 to index
      %swap3A_74 = tpu.vector_load %arg9[%swap3A_72, %swap3A_73] {strides = array<i32>} : memref<5x10000xf32, #tpu.memory_space<vmem>>, vector<16xf32>,
      tpu.vector_store %arg9[%swap3A_72, %swap3A_73], %broadcast_in_dim3A_6 {strides = array<i32>} : memref<5x10000xf32, #tpu.memory_space<vmem>>, vector<16xf32>,
      %mul3A_75 = arith.constant 16 : i32
      %mul3A_76 = arith.muli %scan3A_69, %mul3A_75 : i32
      %swap3A_77 = arith.constant 1 : i32
      %swap3A_78 = arith.index_cast %swap3A_77 : i32 to index
      %swap3A_79 = arith.index_cast %mul3A_76 : i32 to index
      %swap3A_80 = tpu.vector_load %arg9[%swap3A_78, %swap3A_79] {strides = array<i32>} : memref<5x10000xf32, #tpu.memory_space<vmem>>, vector<16xf32>,
      tpu.vector_store %arg9[%swap3A_78, %swap3A_79], %broadcast_in_dim3A_6 {strides = array<i32>} : memref<5x10000xf32, #tpu.memory_space<vmem>>, vector<16xf32>,
      %mul3A_81 = arith.constant 16 : i32
      %mul3A_82 = arith.muli %scan3A_69, %mul3A_81 : i32
      %swap3A_83 = arith.constant 2 : i32
      %swap3A_84 = arith.index_cast %swap3A_83 : i32 to index
      %swap3A_85 = arith.index_cast %mul3A_82 : i32 to index
      %swap3A_86 = tpu.vector_load %arg9[%swap3A_84, %swap3A_85] {strides = array<i32>} : memref<5x10000xf32, #tpu.memory_space<vmem>>, vector<16xf32>,
      tpu.vector_store %arg9[%swap3A_84, %swap3A_85], %broadcast_in_dim3A_6 {strides = array<i32>} : memref<5x10000xf32, #tpu.memory_space<vmem>>, vector<16xf32>,
      %mul3A_87 = arith.constant 16 : i32
      %mul3A_88 = arith.muli %scan3A_69, %mul3A_87 : i32
      %swap3A_89 = arith.constant 3 : i32
      %swap3A_90 = arith.index_cast %swap3A_89 : i32 to index
      %swap3A_91 = arith.index_cast %mul3A_88 : i32 to index
      %swap3A_92 = tpu.vector_load %arg9[%swap3A_90, %swap3A_91] {strides = array<i32>} : memref<5x10000xf32, #tpu.memory_space<vmem>>, vector<16xf32>,
      tpu.vector_store %arg9[%swap3A_90, %swap3A_91], %broadcast_in_dim3A_6 {strides = array<i32>} : memref<5x10000xf32, #tpu.memory_space<vmem>>, vector<16xf32>,
      %mul3A_93 = arith.constant 16 : i32
      %mul3A_94 = arith.muli %scan3A_69, %mul3A_93 : i32
      %swap3A_95 = arith.constant 4 : i32
      %swap3A_96 = arith.index_cast %swap3A_95 : i32 to index
      %swap3A_97 = arith.index_cast %mul3A_94 : i32 to index
      %swap3A_98 = tpu.vector_load %arg9[%swap3A_96, %swap3A_97] {strides = array<i32>} : memref<5x10000xf32, #tpu.memory_space<vmem>>, vector<16xf32>,
      tpu.vector_store %arg9[%swap3A_96, %swap3A_97], %broadcast_in_dim3A_6 {strides = array<i32>} : memref<5x10000xf32, #tpu.memory_space<vmem>>, vector<16xf32>,
    }
    %scan3A_11 = arith.constant 625 : i32
    %broadcast_in_dim3A_12 = arith.constant 0 : i32
    %broadcast_in_dim3A_13 = vector.broadcast %broadcast_in_dim3A_12 : i32 to vector<16xi32>
    %mul3A_14 = arith.constant 10 : i32
    %mul3A_15 = arith.muli %arg1, %mul3A_14 : i32
    %dma_start3A = arith.constant 0 : i32
    %dma_start3A_16 = arith.constant 0 : i32
    %dma_start3A_17 = tpu.memref_slice %arg10[%dma_start3A, %dma_start3A_16] : memref<2x2560xi32, #tpu.memory_space<vmem>> -> memref<1x2560xi32, #tpu.memory_space<vmem>>
    %dma_start3A_18 = tpu.memref_squeeze %dma_start3A_17 : memref<1x2560xi32, #tpu.memory_space<vmem>> -> memref<2560xi32, #tpu.memory_space<vmem>>
    %dma_start3A_19 = arith.constant 0 : i32
    %dma_start3A_20 = tpu.memref_slice %arg4[%dma_start3A_19] : memref<320000xi32, #tpu.memory_space<hbm>> -> memref<2560xi32, #tpu.memory_space<hbm>>
    %dma_start3A_21 = arith.constant 0 : i32
    %dma_start3A_22 = tpu.memref_slice %arg10[%dma_start3A, %dma_start3A_21] : memref<2x2560xi32, #tpu.memory_space<vmem>> -> memref<1x2560xi32, #tpu.memory_space<vmem>>
    %dma_start3A_23 = tpu.memref_squeeze %dma_start3A_22 : memref<1x2560xi32, #tpu.memory_space<vmem>> -> memref<2560xi32, #tpu.memory_space<vmem>>
    %dma_start3A_24 = arith.constant 0 : i32
    %dma_start3A_25 = tpu.memref_slice %arg4[%dma_start3A_24] : memref<320000xi32, #tpu.memory_space<hbm>> -> memref<2560xi32, #tpu.memory_space<hbm>>
    tpu.enqueue_dma source(%dma_start3A_25 : memref<2560xi32, #tpu.memory_space<hbm>>) target(%dma_start3A_23 : memref<2560xi32, #tpu.memory_space<vmem>>) target_semaphore(%arg12 : memref<!tpu.dma_semaphore, #tpu.memory_space<semaphore_mem>>)
    %dma_start3A_26 = arith.constant 0 : i32
    %dma_start3A_27 = arith.constant 0 : i32
    %dma_start3A_28 = tpu.memref_slice %arg11[%dma_start3A_26, %dma_start3A_27] : memref<2x2560xi32, #tpu.memory_space<vmem>> -> memref<1x2560xi32, #tpu.memory_space<vmem>>
    %dma_start3A_29 = tpu.memref_squeeze %dma_start3A_28 : memref<1x2560xi32, #tpu.memory_space<vmem>> -> memref<2560xi32, #tpu.memory_space<vmem>>
    %dma_start3A_30 = arith.constant 0 : i32
    %dma_start3A_31 = tpu.memref_slice %arg5[%dma_start3A_30] : memref<320000xi32, #tpu.memory_space<hbm>> -> memref<2560xi32, #tpu.memory_space<hbm>>
    %dma_start3A_32 = arith.constant 0 : i32
    %dma_start3A_33 = tpu.memref_slice %arg11[%dma_start3A_26, %dma_start3A_32] : memref<2x2560xi32, #tpu.memory_space<vmem>> -> memref<1x2560xi32, #tpu.memory_space<vmem>>
    %dma_start3A_34 = tpu.memref_squeeze %dma_start3A_33 : memref<1x2560xi32, #tpu.memory_space<vmem>> -> memref<2560xi32, #tpu.memory_space<vmem>>
    %dma_start3A_35 = arith.constant 0 : i32
    %dma_start3A_36 = tpu.memref_slice %arg5[%dma_start3A_35] : memref<320000xi32, #tpu.memory_space<hbm>> -> memref<2560xi32, #tpu.memory_space<hbm>>
    tpu.enqueue_dma source(%dma_start3A_36 : memref<2560xi32, #tpu.memory_space<hbm>>) target(%dma_start3A_34 : memref<2560xi32, #tpu.memory_space<vmem>>) target_semaphore(%arg12 : memref<!tpu.dma_semaphore, #tpu.memory_space<semaphore_mem>>)
    %scan3A_37 = arith.constant 0 : i32
    %scan3A_38 = arith.constant 0 : i32
    %scan3A_39 = arith.constant 62 : i32
    %scan3A_40 = arith.addi %scan3A_38, %scan3A_39 : i32
    %scan3A_41 = arith.constant 1 : i32
    scf.for %scan3A_69 = %scan3A_38 to %scan3A_40 step %scan3A_41  : i32 {
      %mul3A_70 = arith.constant 2 : i32
      %mul3A_71 = arith.muli %scan3A_69, %mul3A_70 : i32
      %add3A_72 = arith.constant 1 : i32
      %add3A_73 = arith.addi %mul3A_71, %add3A_72 : i32
      %mul3A_74 = arith.constant 2560 : i32
      %mul3A_75 = arith.muli %add3A_73, %mul3A_74 : i32
      %dma_start3A_76 = arith.constant 1 : i32
      %dma_start3A_77 = arith.constant 0 : i32
      %dma_start3A_78 = tpu.memref_slice %arg10[%dma_start3A_76, %dma_start3A_77] : memref<2x2560xi32, #tpu.memory_space<vmem>> -> memref<1x2560xi32, #tpu.memory_space<vmem>>
      %dma_start3A_79 = tpu.memref_squeeze %dma_start3A_78 : memref<1x2560xi32, #tpu.memory_space<vmem>> -> memref<2560xi32, #tpu.memory_space<vmem>>
      %dma_start3A_80 = tpu.memref_slice %arg4[%mul3A_75] : memref<320000xi32, #tpu.memory_space<hbm>> -> memref<2560xi32, #tpu.memory_space<hbm>>
      %dma_start3A_81 = arith.constant 0 : i32
      %dma_start3A_82 = tpu.memref_slice %arg10[%dma_start3A_76, %dma_start3A_81] : memref<2x2560xi32, #tpu.memory_space<vmem>> -> memref<1x2560xi32, #tpu.memory_space<vmem>>
      %dma_start3A_83 = tpu.memref_squeeze %dma_start3A_82 : memref<1x2560xi32, #tpu.memory_space<vmem>> -> memref<2560xi32, #tpu.memory_space<vmem>>
      %dma_start3A_84 = tpu.memref_slice %arg4[%mul3A_75] : memref<320000xi32, #tpu.memory_space<hbm>> -> memref<2560xi32, #tpu.memory_space<hbm>>
      tpu.enqueue_dma source(%dma_start3A_84 : memref<2560xi32, #tpu.memory_space<hbm>>) target(%dma_start3A_83 : memref<2560xi32, #tpu.memory_space<vmem>>) target_semaphore(%arg13 : memref<!tpu.dma_semaphore, #tpu.memory_space<semaphore_mem>>)
      %add3A_85 = arith.constant 1 : i32
      %add3A_86 = arith.addi %mul3A_71, %add3A_85 : i32
      %mul3A_87 = arith.constant 2560 : i32
      %mul3A_88 = arith.muli %add3A_86, %mul3A_87 : i32
      %dma_start3A_89 = arith.constant 1 : i32
      %dma_start3A_90 = arith.constant 0 : i32
      %dma_start3A_91 = tpu.memref_slice %arg11[%dma_start3A_89, %dma_start3A_90] : memref<2x2560xi32, #tpu.memory_space<vmem>> -> memref<1x2560xi32, #tpu.memory_space<vmem>>
      %dma_start3A_92 = tpu.memref_squeeze %dma_start3A_91 : memref<1x2560xi32, #tpu.memory_space<vmem>> -> memref<2560xi32, #tpu.memory_space<vmem>>
      %dma_start3A_93 = tpu.memref_slice %arg5[%mul3A_88] : memref<320000xi32, #tpu.memory_space<hbm>> -> memref<2560xi32, #tpu.memory_space<hbm>>
      %dma_start3A_94 = arith.constant 0 : i32
      %dma_start3A_95 = tpu.memref_slice %arg11[%dma_start3A_89, %dma_start3A_94] : memref<2x2560xi32, #tpu.memory_space<vmem>> -> memref<1x2560xi32, #tpu.memory_space<vmem>>
      %dma_start3A_96 = tpu.memref_squeeze %dma_start3A_95 : memref<1x2560xi32, #tpu.memory_space<vmem>> -> memref<2560xi32, #tpu.memory_space<vmem>>
      %dma_start3A_97 = tpu.memref_slice %arg5[%mul3A_88] : memref<320000xi32, #tpu.memory_space<hbm>> -> memref<2560xi32, #tpu.memory_space<hbm>>
      tpu.enqueue_dma source(%dma_start3A_97 : memref<2560xi32, #tpu.memory_space<hbm>>) target(%dma_start3A_96 : memref<2560xi32, #tpu.memory_space<vmem>>) target_semaphore(%arg13 : memref<!tpu.dma_semaphore, #tpu.memory_space<semaphore_mem>>)
      %dma_wait3A_98 = arith.constant 0 : i32
      %dma_wait3A_99 = arith.constant 0 : i32
      %dma_wait3A_100 = tpu.memref_slice %arg10[%dma_wait3A_98, %dma_wait3A_99] : memref<2x2560xi32, #tpu.memory_space<vmem>> -> memref<1x2560xi32, #tpu.memory_space<vmem>>
      %dma_wait3A_101 = tpu.memref_squeeze %dma_wait3A_100 : memref<1x2560xi32, #tpu.memory_space<vmem>> -> memref<2560xi32, #tpu.memory_space<vmem>>
      %dma_wait3A_102 = arith.constant 0 : i32
      %dma_wait3A_103 = tpu.memref_slice %arg4[%dma_wait3A_102] : memref<320000xi32, #tpu.memory_space<hbm>> -> memref<2560xi32, #tpu.memory_space<hbm>>
      %dma_wait3A_104 = arith.constant 0 : i32
      %dma_wait3A_105 = tpu.memref_slice %arg10[%dma_wait3A_98, %dma_wait3A_104] : memref<2x2560xi32, #tpu.memory_space<vmem>> -> memref<1x2560xi32, #tpu.memory_space<vmem>>
      %dma_wait3A_106 = tpu.memref_squeeze %dma_wait3A_105 : memref<1x2560xi32, #tpu.memory_space<vmem>> -> memref<2560xi32, #tpu.memory_space<vmem>>
      %dma_wait3A_107 = arith.constant 0 : i32
      %dma_wait3A_108 = tpu.memref_slice %arg4[%dma_wait3A_107] : memref<320000xi32, #tpu.memory_space<hbm>> -> memref<2560xi32, #tpu.memory_space<hbm>>
      tpu.wait_dma2 semaphore(%arg12 : memref<!tpu.dma_semaphore, #tpu.memory_space<semaphore_mem>>) src(%dma_wait3A_108 : memref<2560xi32, #tpu.memory_space<hbm>>) dst(%dma_wait3A_106 : memref<2560xi32, #tpu.memory_space<vmem>>)
      %dma_wait3A_109 = arith.constant 0 : i32
      %dma_wait3A_110 = arith.constant 0 : i32
      %dma_wait3A_111 = tpu.memref_slice %arg11[%dma_wait3A_109, %dma_wait3A_110] : memref<2x2560xi32, #tpu.memory_space<vmem>> -> memref<1x2560xi32, #tpu.memory_space<vmem>>
      %dma_wait3A_112 = tpu.memref_squeeze %dma_wait3A_111 : memref<1x2560xi32, #tpu.memory_space<vmem>> -> memref<2560xi32, #tpu.memory_space<vmem>>
      %dma_wait3A_113 = arith.constant 0 : i32
      %dma_wait3A_114 = tpu.memref_slice %arg5[%dma_wait3A_113] : memref<320000xi32, #tpu.memory_space<hbm>> -> memref<2560xi32, #tpu.memory_space<hbm>>
      %dma_wait3A_115 = arith.constant 0 : i32
      %dma_wait3A_116 = tpu.memref_slice %arg11[%dma_wait3A_109, %dma_wait3A_115] : memref<2x2560xi32, #tpu.memory_space<vmem>> -> memref<1x2560xi32, #tpu.memory_space<vmem>>
      %dma_wait3A_117 = tpu.memref_squeeze %dma_wait3A_116 : memref<1x2560xi32, #tpu.memory_space<vmem>> -> memref<2560xi32, #tpu.memory_space<vmem>>
      %dma_wait3A_118 = arith.constant 0 : i32
      %dma_wait3A_119 = tpu.memref_slice %arg5[%dma_wait3A_118] : memref<320000xi32, #tpu.memory_space<hbm>> -> memref<2560xi32, #tpu.memory_space<hbm>>
      tpu.wait_dma2 semaphore(%arg12 : memref<!tpu.dma_semaphore, #tpu.memory_space<semaphore_mem>>) src(%dma_wait3A_119 : memref<2560xi32, #tpu.memory_space<hbm>>) dst(%dma_wait3A_117 : memref<2560xi32, #tpu.memory_space<vmem>>)
      %parallel_loop3A_120 = arith.constant 0 : i32
      %parallel_loop3A_121 = arith.constant 160 : i32
      %parallel_loop3A_122 = arith.constant 1 : i32
      scf.for %parallel_loop3A_158 = %parallel_loop3A_120 to %parallel_loop3A_121 step %parallel_loop3A_122  : i32 {
        %parallel_loop3A_159 = arith.constant 16 : i32
        %parallel_loop3A_160 = arith.muli %parallel_loop3A_158, %parallel_loop3A_159 : i32
        %parallel_loop3A_161 = arith.constant 0 : i32
        %parallel_loop3A_162 = arith.index_cast %parallel_loop3A_161 : i32 to index
        %parallel_loop3A_163 = arith.index_cast %parallel_loop3A_160 : i32 to index
        %parallel_loop3A_164 = tpu.vector_load %arg10[%parallel_loop3A_162, %parallel_loop3A_163] {strides = array<i32>} : memref<2x2560xi32, #tpu.memory_space<vmem>>, vector<16xi32>,
        %parallel_loop3A_165 = arith.constant 16 : i32
        %parallel_loop3A_166 = arith.muli %parallel_loop3A_158, %parallel_loop3A_165 : i32
        %parallel_loop3A_167 = arith.constant 0 : i32
        %parallel_loop3A_168 = arith.index_cast %parallel_loop3A_167 : i32 to index
        %parallel_loop3A_169 = arith.index_cast %parallel_loop3A_166 : i32 to index
        %parallel_loop3A_170 = tpu.vector_load %arg11[%parallel_loop3A_168, %parallel_loop3A_169] {strides = array<i32>} : memref<2x2560xi32, #tpu.memory_space<vmem>>, vector<16xi32>,
        %parallel_loop3A_171 = tpu.vector_load_idx %arg8[%broadcast_in_dim3A_13, %parallel_loop3A_164] : memref<2x10000xf32, #tpu.memory_space<vmem>>[vector<16xi32>, vector<16xi32>], vector<16xf32>,
        %parallel_loop3A_172 = arith.constant 1 : i32
        %parallel_loop3A_173 = vector.broadcast %parallel_loop3A_172 : i32 to vector<16xi32>
        %parallel_loop3A_174 = arith.addi %broadcast_in_dim3A_13, %parallel_loop3A_173 : vector<16xi32>
        %parallel_loop3A_175 = tpu.vector_load_idx %arg8[%parallel_loop3A_174, %parallel_loop3A_170] : memref<2x10000xf32, #tpu.memory_space<vmem>>[vector<16xi32>, vector<16xi32>], vector<16xf32>,
        %parallel_loop3A_176 = arith.addf %parallel_loop3A_171, %parallel_loop3A_175 : vector<16xf32>
        %parallel_loop3A_177 = arith.constant 0.000000e+00 : f32
        %parallel_loop3A_178 = vector.broadcast %parallel_loop3A_177 : f32 to vector<16xf32>
        %parallel_loop3A_179 = arith.cmpf oge, %parallel_loop3A_176, %parallel_loop3A_178 : vector<16xf32>
        %parallel_loop3A_180 = arith.constant 2.000000e-01 : f32
        %parallel_loop3A_181 = vector.broadcast %parallel_loop3A_180 : f32 to vector<16xf32>
        %parallel_loop3A_182 = arith.mulf %parallel_loop3A_181, %parallel_loop3A_176 : vector<16xf32>
        %parallel_loop3A_183 = arith.select %parallel_loop3A_179, %parallel_loop3A_176, %parallel_loop3A_182 : vector<16xi1>, vector<16xf32>
        %parallel_loop3A_184 = math.exp %parallel_loop3A_183 : vector<16xf32>
        %parallel_loop3A_185 = arith.constant 0 : i32
        %parallel_loop3A_186 = vector.broadcast %parallel_loop3A_185 : i32 to vector<16xi32>
        %parallel_loop3A_187 = arith.addi %broadcast_in_dim3A_13, %parallel_loop3A_186 : vector<16xi32>
        %parallel_loop3A_188 = tpu.vector_load_idx %arg7[%parallel_loop3A_187, %parallel_loop3A_164] : memref<4x10000xf32, #tpu.memory_space<vmem>>[vector<16xi32>, vector<16xi32>], vector<16xf32>,
        %parallel_loop3A_189 = arith.constant 0 : i32
        %parallel_loop3A_190 = vector.broadcast %parallel_loop3A_189 : i32 to vector<16xi32>
        %parallel_loop3A_191 = arith.addi %broadcast_in_dim3A_13, %parallel_loop3A_190 : vector<16xi32>
        %parallel_loop3A_192 = arith.mulf %parallel_loop3A_188, %parallel_loop3A_184 : vector<16xf32>
        tpu.vector_store_idx %arg9[%parallel_loop3A_191, %parallel_loop3A_170], %parallel_loop3A_192 {add = true} : memref<5x10000xf32, #tpu.memory_space<vmem>>[vector<16xi32>, vector<16xi32>], vector<16xf32>,
        %parallel_loop3A_193 = arith.constant 1 : i32
        %parallel_loop3A_194 = vector.broadcast %parallel_loop3A_193 : i32 to vector<16xi32>
        %parallel_loop3A_195 = arith.addi %broadcast_in_dim3A_13, %parallel_loop3A_194 : vector<16xi32>
        %parallel_loop3A_196 = tpu.vector_load_idx %arg7[%parallel_loop3A_195, %parallel_loop3A_164] : memref<4x10000xf32, #tpu.memory_space<vmem>>[vector<16xi32>, vector<16xi32>], vector<16xf32>,
        %parallel_loop3A_197 = arith.constant 1 : i32
        %parallel_loop3A_198 = vector.broadcast %parallel_loop3A_197 : i32 to vector<16xi32>
        %parallel_loop3A_199 = arith.addi %broadcast_in_dim3A_13, %parallel_loop3A_198 : vector<16xi32>
        %parallel_loop3A_200 = arith.mulf %parallel_loop3A_196, %parallel_loop3A_184 : vector<16xf32>
        tpu.vector_store_idx %arg9[%parallel_loop3A_199, %parallel_loop3A_170], %parallel_loop3A_200 {add = true} : memref<5x10000xf32, #tpu.memory_space<vmem>>[vector<16xi32>, vector<16xi32>], vector<16xf32>,
        %parallel_loop3A_201 = arith.constant 2 : i32
        %parallel_loop3A_202 = vector.broadcast %parallel_loop3A_201 : i32 to vector<16xi32>
        %parallel_loop3A_203 = arith.addi %broadcast_in_dim3A_13, %parallel_loop3A_202 : vector<16xi32>
        %parallel_loop3A_204 = tpu.vector_load_idx %arg7[%parallel_loop3A_203, %parallel_loop3A_164] : memref<4x10000xf32, #tpu.memory_space<vmem>>[vector<16xi32>, vector<16xi32>], vector<16xf32>,
        %parallel_loop3A_205 = arith.constant 2 : i32
        %parallel_loop3A_206 = vector.broadcast %parallel_loop3A_205 : i32 to vector<16xi32>
        %parallel_loop3A_207 = arith.addi %broadcast_in_dim3A_13, %parallel_loop3A_206 : vector<16xi32>
        %parallel_loop3A_208 = arith.mulf %parallel_loop3A_204, %parallel_loop3A_184 : vector<16xf32>
        tpu.vector_store_idx %arg9[%parallel_loop3A_207, %parallel_loop3A_170], %parallel_loop3A_208 {add = true} : memref<5x10000xf32, #tpu.memory_space<vmem>>[vector<16xi32>, vector<16xi32>], vector<16xf32>,
        %parallel_loop3A_209 = arith.constant 3 : i32
        %parallel_loop3A_210 = vector.broadcast %parallel_loop3A_209 : i32 to vector<16xi32>
        %parallel_loop3A_211 = arith.addi %broadcast_in_dim3A_13, %parallel_loop3A_210 : vector<16xi32>
        %parallel_loop3A_212 = tpu.vector_load_idx %arg7[%parallel_loop3A_211, %parallel_loop3A_164] : memref<4x10000xf32, #tpu.memory_space<vmem>>[vector<16xi32>, vector<16xi32>], vector<16xf32>,
        %parallel_loop3A_213 = arith.constant 3 : i32
        %parallel_loop3A_214 = vector.broadcast %parallel_loop3A_213 : i32 to vector<16xi32>
        %parallel_loop3A_215 = arith.addi %broadcast_in_dim3A_13, %parallel_loop3A_214 : vector<16xi32>
        %parallel_loop3A_216 = arith.mulf %parallel_loop3A_212, %parallel_loop3A_184 : vector<16xf32>
        tpu.vector_store_idx %arg9[%parallel_loop3A_215, %parallel_loop3A_170], %parallel_loop3A_216 {add = true} : memref<5x10000xf32, #tpu.memory_space<vmem>>[vector<16xi32>, vector<16xi32>], vector<16xf32>,
      } {sc.loop_unroll_factor = 8 : i64, sc.parallel_access}
      %parallel_loop3A_123 = arith.constant 0 : i32
      %parallel_loop3A_124 = arith.constant 10 : i32
      %parallel_loop3A_125 = arith.constant 1 : i32
      scf.for %parallel_loop3A_158 = %parallel_loop3A_123 to %parallel_loop3A_124 step %parallel_loop3A_125  : i32 {
        %parallel_loop3A_159 = arith.addi %mul3A_15, %parallel_loop3A_158 : i32
        %parallel_loop3A_160 = arith.constant 16 : i32
        %parallel_loop3A_161 = arith.muli %parallel_loop3A_159, %parallel_loop3A_160 : i32
        %parallel_loop3A_162 = arith.constant 0 : i32
        %parallel_loop3A_163 = arith.index_cast %parallel_loop3A_162 : i32 to index
        %parallel_loop3A_164 = arith.index_cast %parallel_loop3A_161 : i32 to index
        %parallel_loop3A_165 = tpu.vector_load %arg10[%parallel_loop3A_163, %parallel_loop3A_164] {strides = array<i32>} : memref<2x2560xi32, #tpu.memory_space<vmem>>, vector<16xi32>,
        %parallel_loop3A_166 = arith.constant 16 : i32
        %parallel_loop3A_167 = arith.muli %parallel_loop3A_159, %parallel_loop3A_166 : i32
        %parallel_loop3A_168 = arith.constant 0 : i32
        %parallel_loop3A_169 = arith.index_cast %parallel_loop3A_168 : i32 to index
        %parallel_loop3A_170 = arith.index_cast %parallel_loop3A_167 : i32 to index
        %parallel_loop3A_171 = tpu.vector_load %arg11[%parallel_loop3A_169, %parallel_loop3A_170] {strides = array<i32>} : memref<2x2560xi32, #tpu.memory_space<vmem>>, vector<16xi32>,
        %parallel_loop3A_172 = tpu.vector_load_idx %arg8[%broadcast_in_dim3A_13, %parallel_loop3A_165] : memref<2x10000xf32, #tpu.memory_space<vmem>>[vector<16xi32>, vector<16xi32>], vector<16xf32>,
        %parallel_loop3A_173 = arith.constant 1 : i32
        %parallel_loop3A_174 = vector.broadcast %parallel_loop3A_173 : i32 to vector<16xi32>
        %parallel_loop3A_175 = arith.addi %broadcast_in_dim3A_13, %parallel_loop3A_174 : vector<16xi32>
        %parallel_loop3A_176 = tpu.vector_load_idx %arg8[%parallel_loop3A_175, %parallel_loop3A_171] : memref<2x10000xf32, #tpu.memory_space<vmem>>[vector<16xi32>, vector<16xi32>], vector<16xf32>,
        %parallel_loop3A_177 = arith.addf %parallel_loop3A_172, %parallel_loop3A_176 : vector<16xf32>
        %parallel_loop3A_178 = arith.constant 0.000000e+00 : f32
        %parallel_loop3A_179 = vector.broadcast %parallel_loop3A_178 : f32 to vector<16xf32>
        %parallel_loop3A_180 = arith.cmpf oge, %parallel_loop3A_177, %parallel_loop3A_179 : vector<16xf32>
        %parallel_loop3A_181 = arith.constant 2.000000e-01 : f32
        %parallel_loop3A_182 = vector.broadcast %parallel_loop3A_181 : f32 to vector<16xf32>
        %parallel_loop3A_183 = arith.mulf %parallel_loop3A_182, %parallel_loop3A_177 : vector<16xf32>
        %parallel_loop3A_184 = arith.select %parallel_loop3A_180, %parallel_loop3A_177, %parallel_loop3A_183 : vector<16xi1>, vector<16xf32>
        %parallel_loop3A_185 = math.exp %parallel_loop3A_184 : vector<16xf32>
        %parallel_loop3A_186 = arith.constant 4 : i32
        %parallel_loop3A_187 = vector.broadcast %parallel_loop3A_186 : i32 to vector<16xi32>
        %parallel_loop3A_188 = arith.addi %broadcast_in_dim3A_13, %parallel_loop3A_187 : vector<16xi32>
        tpu.vector_store_idx %arg9[%parallel_loop3A_188, %parallel_loop3A_171], %parallel_loop3A_185 {add = true} : memref<5x10000xf32, #tpu.memory_space<vmem>>[vector<16xi32>, vector<16xi32>], vector<16xf32>,
      } {sc.loop_unroll_factor = 2 : i64, sc.parallel_access}
      %add3A_126 = arith.constant 2 : i32
      %add3A_127 = arith.addi %mul3A_71, %add3A_126 : i32
      %lt3A = arith.constant 125 : i32
      %lt3A_128 = arith.cmpi slt, %add3A_127, %lt3A : i32
      %convert_element_type3A = arith.extui %lt3A_128 : i1 to i32
      %cond3A = arith.constant 0 : i32
      %cond3A_129 = arith.cmpi ne, %convert_element_type3A, %cond3A : i32
      scf.if %cond3A_129 {
        %add3A_158 = arith.constant 2 : i32
        %add3A_159 = arith.addi %mul3A_71, %add3A_158 : i32
        %mul3A_160 = arith.constant 2560 : i32
        %mul3A_161 = arith.muli %add3A_159, %mul3A_160 : i32
        %dma_start3A_162 = arith.constant 0 : i32
        %dma_start3A_163 = arith.constant 0 : i32
        %dma_start3A_164 = tpu.memref_slice %arg10[%dma_start3A_162, %dma_start3A_163] : memref<2x2560xi32, #tpu.memory_space<vmem>> -> memref<1x2560xi32, #tpu.memory_space<vmem>>
        %dma_start3A_165 = tpu.memref_squeeze %dma_start3A_164 : memref<1x2560xi32, #tpu.memory_space<vmem>> -> memref<2560xi32, #tpu.memory_space<vmem>>
        %dma_start3A_166 = tpu.memref_slice %arg4[%mul3A_161] : memref<320000xi32, #tpu.memory_space<hbm>> -> memref<2560xi32, #tpu.memory_space<hbm>>
        %dma_start3A_167 = arith.constant 0 : i32
        %dma_start3A_168 = tpu.memref_slice %arg10[%dma_start3A_162, %dma_start3A_167] : memref<2x2560xi32, #tpu.memory_space<vmem>> -> memref<1x2560xi32, #tpu.memory_space<vmem>>
        %dma_start3A_169 = tpu.memref_squeeze %dma_start3A_168 : memref<1x2560xi32, #tpu.memory_space<vmem>> -> memref<2560xi32, #tpu.memory_space<vmem>>
        %dma_start3A_170 = tpu.memref_slice %arg4[%mul3A_161] : memref<320000xi32, #tpu.memory_space<hbm>> -> memref<2560xi32, #tpu.memory_space<hbm>>
        tpu.enqueue_dma source(%dma_start3A_170 : memref<2560xi32, #tpu.memory_space<hbm>>) target(%dma_start3A_169 : memref<2560xi32, #tpu.memory_space<vmem>>) target_semaphore(%arg12 : memref<!tpu.dma_semaphore, #tpu.memory_space<semaphore_mem>>)
        %add3A_171 = arith.constant 2 : i32
        %add3A_172 = arith.addi %mul3A_71, %add3A_171 : i32
        %mul3A_173 = arith.constant 2560 : i32
        %mul3A_174 = arith.muli %add3A_172, %mul3A_173 : i32
        %dma_start3A_175 = arith.constant 0 : i32
        %dma_start3A_176 = arith.constant 0 : i32
        %dma_start3A_177 = tpu.memref_slice %arg11[%dma_start3A_175, %dma_start3A_176] : memref<2x2560xi32, #tpu.memory_space<vmem>> -> memref<1x2560xi32, #tpu.memory_space<vmem>>
        %dma_start3A_178 = tpu.memref_squeeze %dma_start3A_177 : memref<1x2560xi32, #tpu.memory_space<vmem>> -> memref<2560xi32, #tpu.memory_space<vmem>>
        %dma_start3A_179 = tpu.memref_slice %arg5[%mul3A_174] : memref<320000xi32, #tpu.memory_space<hbm>> -> memref<2560xi32, #tpu.memory_space<hbm>>
        %dma_start3A_180 = arith.constant 0 : i32
        %dma_start3A_181 = tpu.memref_slice %arg11[%dma_start3A_175, %dma_start3A_180] : memref<2x2560xi32, #tpu.memory_space<vmem>> -> memref<1x2560xi32, #tpu.memory_space<vmem>>
        %dma_start3A_182 = tpu.memref_squeeze %dma_start3A_181 : memref<1x2560xi32, #tpu.memory_space<vmem>> -> memref<2560xi32, #tpu.memory_space<vmem>>
        %dma_start3A_183 = tpu.memref_slice %arg5[%mul3A_174] : memref<320000xi32, #tpu.memory_space<hbm>> -> memref<2560xi32, #tpu.memory_space<hbm>>
        tpu.enqueue_dma source(%dma_start3A_183 : memref<2560xi32, #tpu.memory_space<hbm>>) target(%dma_start3A_182 : memref<2560xi32, #tpu.memory_space<vmem>>) target_semaphore(%arg12 : memref<!tpu.dma_semaphore, #tpu.memory_space<semaphore_mem>>)
      } else {
      }
      %dma_wait3A_130 = arith.constant 1 : i32
      %dma_wait3A_131 = arith.constant 0 : i32
      %dma_wait3A_132 = tpu.memref_slice %arg10[%dma_wait3A_130, %dma_wait3A_131] : memref<2x2560xi32, #tpu.memory_space<vmem>> -> memref<1x2560xi32, #tpu.memory_space<vmem>>
      %dma_wait3A_133 = tpu.memref_squeeze %dma_wait3A_132 : memref<1x2560xi32, #tpu.memory_space<vmem>> -> memref<2560xi32, #tpu.memory_space<vmem>>
      %dma_wait3A_134 = arith.constant 0 : i32
      %dma_wait3A_135 = tpu.memref_slice %arg4[%dma_wait3A_134] : memref<320000xi32, #tpu.memory_space<hbm>> -> memref<2560xi32, #tpu.memory_space<hbm>>
      %dma_wait3A_136 = arith.constant 0 : i32
      %dma_wait3A_137 = tpu.memref_slice %arg10[%dma_wait3A_130, %dma_wait3A_136] : memref<2x2560xi32, #tpu.memory_space<vmem>> -> memref<1x2560xi32, #tpu.memory_space<vmem>>
      %dma_wait3A_138 = tpu.memref_squeeze %dma_wait3A_137 : memref<1x2560xi32, #tpu.memory_space<vmem>> -> memref<2560xi32, #tpu.memory_space<vmem>>
      %dma_wait3A_139 = arith.constant 0 : i32
      %dma_wait3A_140 = tpu.memref_slice %arg4[%dma_wait3A_139] : memref<320000xi32, #tpu.memory_space<hbm>> -> memref<2560xi32, #tpu.memory_space<hbm>>
      tpu.wait_dma2 semaphore(%arg13 : memref<!tpu.dma_semaphore, #tpu.memory_space<semaphore_mem>>) src(%dma_wait3A_140 : memref<2560xi32, #tpu.memory_space<hbm>>) dst(%dma_wait3A_138 : memref<2560xi32, #tpu.memory_space<vmem>>)
      %dma_wait3A_141 = arith.constant 1 : i32
      %dma_wait3A_142 = arith.constant 0 : i32
      %dma_wait3A_143 = tpu.memref_slice %arg11[%dma_wait3A_141, %dma_wait3A_142] : memref<2x2560xi32, #tpu.memory_space<vmem>> -> memref<1x2560xi32, #tpu.memory_space<vmem>>
      %dma_wait3A_144 = tpu.memref_squeeze %dma_wait3A_143 : memref<1x2560xi32, #tpu.memory_space<vmem>> -> memref<2560xi32, #tpu.memory_space<vmem>>
      %dma_wait3A_145 = arith.constant 0 : i32
      %dma_wait3A_146 = tpu.memref_slice %arg5[%dma_wait3A_145] : memref<320000xi32, #tpu.memory_space<hbm>> -> memref<2560xi32, #tpu.memory_space<hbm>>
      %dma_wait3A_147 = arith.constant 0 : i32
      %dma_wait3A_148 = tpu.memref_slice %arg11[%dma_wait3A_141, %dma_wait3A_147] : memref<2x2560xi32, #tpu.memory_space<vmem>> -> memref<1x2560xi32, #tpu.memory_space<vmem>>
      %dma_wait3A_149 = tpu.memref_squeeze %dma_wait3A_148 : memref<1x2560xi32, #tpu.memory_space<vmem>> -> memref<2560xi32, #tpu.memory_space<vmem>>
      %dma_wait3A_150 = arith.constant 0 : i32
      %dma_wait3A_151 = tpu.memref_slice %arg5[%dma_wait3A_150] : memref<320000xi32, #tpu.memory_space<hbm>> -> memref<2560xi32, #tpu.memory_space<hbm>>
      tpu.wait_dma2 semaphore(%arg13 : memref<!tpu.dma_semaphore, #tpu.memory_space<semaphore_mem>>) src(%dma_wait3A_151 : memref<2560xi32, #tpu.memory_space<hbm>>) dst(%dma_wait3A_149 : memref<2560xi32, #tpu.memory_space<vmem>>)
      %parallel_loop3A_152 = arith.constant 0 : i32
      %parallel_loop3A_153 = arith.constant 160 : i32
      %parallel_loop3A_154 = arith.constant 1 : i32
      scf.for %parallel_loop3A_158 = %parallel_loop3A_152 to %parallel_loop3A_153 step %parallel_loop3A_154  : i32 {
        %parallel_loop3A_159 = arith.constant 16 : i32
        %parallel_loop3A_160 = arith.muli %parallel_loop3A_158, %parallel_loop3A_159 : i32
        %parallel_loop3A_161 = arith.constant 1 : i32
        %parallel_loop3A_162 = arith.index_cast %parallel_loop3A_161 : i32 to index
        %parallel_loop3A_163 = arith.index_cast %parallel_loop3A_160 : i32 to index
        %parallel_loop3A_164 = tpu.vector_load %arg10[%parallel_loop3A_162, %parallel_loop3A_163] {strides = array<i32>} : memref<2x2560xi32, #tpu.memory_space<vmem>>, vector<16xi32>,
        %parallel_loop3A_165 = arith.constant 16 : i32
        %parallel_loop3A_166 = arith.muli %parallel_loop3A_158, %parallel_loop3A_165 : i32
        %parallel_loop3A_167 = arith.constant 1 : i32
        %parallel_loop3A_168 = arith.index_cast %parallel_loop3A_167 : i32 to index
        %parallel_loop3A_169 = arith.index_cast %parallel_loop3A_166 : i32 to index
        %parallel_loop3A_170 = tpu.vector_load %arg11[%parallel_loop3A_168, %parallel_loop3A_169] {strides = array<i32>} : memref<2x2560xi32, #tpu.memory_space<vmem>>, vector<16xi32>,
        %parallel_loop3A_171 = tpu.vector_load_idx %arg8[%broadcast_in_dim3A_13, %parallel_loop3A_164] : memref<2x10000xf32, #tpu.memory_space<vmem>>[vector<16xi32>, vector<16xi32>], vector<16xf32>,
        %parallel_loop3A_172 = arith.constant 1 : i32
        %parallel_loop3A_173 = vector.broadcast %parallel_loop3A_172 : i32 to vector<16xi32>
        %parallel_loop3A_174 = arith.addi %broadcast_in_dim3A_13, %parallel_loop3A_173 : vector<16xi32>
        %parallel_loop3A_175 = tpu.vector_load_idx %arg8[%parallel_loop3A_174, %parallel_loop3A_170] : memref<2x10000xf32, #tpu.memory_space<vmem>>[vector<16xi32>, vector<16xi32>], vector<16xf32>,
        %parallel_loop3A_176 = arith.addf %parallel_loop3A_171, %parallel_loop3A_175 : vector<16xf32>
        %parallel_loop3A_177 = arith.constant 0.000000e+00 : f32
        %parallel_loop3A_178 = vector.broadcast %parallel_loop3A_177 : f32 to vector<16xf32>
        %parallel_loop3A_179 = arith.cmpf oge, %parallel_loop3A_176, %parallel_loop3A_178 : vector<16xf32>
        %parallel_loop3A_180 = arith.constant 2.000000e-01 : f32
        %parallel_loop3A_181 = vector.broadcast %parallel_loop3A_180 : f32 to vector<16xf32>
        %parallel_loop3A_182 = arith.mulf %parallel_loop3A_181, %parallel_loop3A_176 : vector<16xf32>
        %parallel_loop3A_183 = arith.select %parallel_loop3A_179, %parallel_loop3A_176, %parallel_loop3A_182 : vector<16xi1>, vector<16xf32>
        %parallel_loop3A_184 = math.exp %parallel_loop3A_183 : vector<16xf32>
        %parallel_loop3A_185 = arith.constant 0 : i32
        %parallel_loop3A_186 = vector.broadcast %parallel_loop3A_185 : i32 to vector<16xi32>
        %parallel_loop3A_187 = arith.addi %broadcast_in_dim3A_13, %parallel_loop3A_186 : vector<16xi32>
        %parallel_loop3A_188 = tpu.vector_load_idx %arg7[%parallel_loop3A_187, %parallel_loop3A_164] : memref<4x10000xf32, #tpu.memory_space<vmem>>[vector<16xi32>, vector<16xi32>], vector<16xf32>,
        %parallel_loop3A_189 = arith.constant 0 : i32
        %parallel_loop3A_190 = vector.broadcast %parallel_loop3A_189 : i32 to vector<16xi32>
        %parallel_loop3A_191 = arith.addi %broadcast_in_dim3A_13, %parallel_loop3A_190 : vector<16xi32>
        %parallel_loop3A_192 = arith.mulf %parallel_loop3A_188, %parallel_loop3A_184 : vector<16xf32>
        tpu.vector_store_idx %arg9[%parallel_loop3A_191, %parallel_loop3A_170], %parallel_loop3A_192 {add = true} : memref<5x10000xf32, #tpu.memory_space<vmem>>[vector<16xi32>, vector<16xi32>], vector<16xf32>,
        %parallel_loop3A_193 = arith.constant 1 : i32
        %parallel_loop3A_194 = vector.broadcast %parallel_loop3A_193 : i32 to vector<16xi32>
        %parallel_loop3A_195 = arith.addi %broadcast_in_dim3A_13, %parallel_loop3A_194 : vector<16xi32>
        %parallel_loop3A_196 = tpu.vector_load_idx %arg7[%parallel_loop3A_195, %parallel_loop3A_164] : memref<4x10000xf32, #tpu.memory_space<vmem>>[vector<16xi32>, vector<16xi32>], vector<16xf32>,
        %parallel_loop3A_197 = arith.constant 1 : i32
        %parallel_loop3A_198 = vector.broadcast %parallel_loop3A_197 : i32 to vector<16xi32>
        %parallel_loop3A_199 = arith.addi %broadcast_in_dim3A_13, %parallel_loop3A_198 : vector<16xi32>
        %parallel_loop3A_200 = arith.mulf %parallel_loop3A_196, %parallel_loop3A_184 : vector<16xf32>
        tpu.vector_store_idx %arg9[%parallel_loop3A_199, %parallel_loop3A_170], %parallel_loop3A_200 {add = true} : memref<5x10000xf32, #tpu.memory_space<vmem>>[vector<16xi32>, vector<16xi32>], vector<16xf32>,
        %parallel_loop3A_201 = arith.constant 2 : i32
        %parallel_loop3A_202 = vector.broadcast %parallel_loop3A_201 : i32 to vector<16xi32>
        %parallel_loop3A_203 = arith.addi %broadcast_in_dim3A_13, %parallel_loop3A_202 : vector<16xi32>
        %parallel_loop3A_204 = tpu.vector_load_idx %arg7[%parallel_loop3A_203, %parallel_loop3A_164] : memref<4x10000xf32, #tpu.memory_space<vmem>>[vector<16xi32>, vector<16xi32>], vector<16xf32>,
        %parallel_loop3A_205 = arith.constant 2 : i32
        %parallel_loop3A_206 = vector.broadcast %parallel_loop3A_205 : i32 to vector<16xi32>
        %parallel_loop3A_207 = arith.addi %broadcast_in_dim3A_13, %parallel_loop3A_206 : vector<16xi32>
        %parallel_loop3A_208 = arith.mulf %parallel_loop3A_204, %parallel_loop3A_184 : vector<16xf32>
        tpu.vector_store_idx %arg9[%parallel_loop3A_207, %parallel_loop3A_170], %parallel_loop3A_208 {add = true} : memref<5x10000xf32, #tpu.memory_space<vmem>>[vector<16xi32>, vector<16xi32>], vector<16xf32>,
        %parallel_loop3A_209 = arith.constant 3 : i32
        %parallel_loop3A_210 = vector.broadcast %parallel_loop3A_209 : i32 to vector<16xi32>
        %parallel_loop3A_211 = arith.addi %broadcast_in_dim3A_13, %parallel_loop3A_210 : vector<16xi32>
        %parallel_loop3A_212 = tpu.vector_load_idx %arg7[%parallel_loop3A_211, %parallel_loop3A_164] : memref<4x10000xf32, #tpu.memory_space<vmem>>[vector<16xi32>, vector<16xi32>], vector<16xf32>,
        %parallel_loop3A_213 = arith.constant 3 : i32
        %parallel_loop3A_214 = vector.broadcast %parallel_loop3A_213 : i32 to vector<16xi32>
        %parallel_loop3A_215 = arith.addi %broadcast_in_dim3A_13, %parallel_loop3A_214 : vector<16xi32>
        %parallel_loop3A_216 = arith.mulf %parallel_loop3A_212, %parallel_loop3A_184 : vector<16xf32>
        tpu.vector_store_idx %arg9[%parallel_loop3A_215, %parallel_loop3A_170], %parallel_loop3A_216 {add = true} : memref<5x10000xf32, #tpu.memory_space<vmem>>[vector<16xi32>, vector<16xi32>], vector<16xf32>,
      } {sc.loop_unroll_factor = 8 : i64, sc.parallel_access}
      %parallel_loop3A_155 = arith.constant 0 : i32
      %parallel_loop3A_156 = arith.constant 10 : i32
      %parallel_loop3A_157 = arith.constant 1 : i32
      scf.for %parallel_loop3A_158 = %parallel_loop3A_155 to %parallel_loop3A_156 step %parallel_loop3A_157  : i32 {
        %parallel_loop3A_159 = arith.addi %mul3A_15, %parallel_loop3A_158 : i32
        %parallel_loop3A_160 = arith.constant 16 : i32
        %parallel_loop3A_161 = arith.muli %parallel_loop3A_159, %parallel_loop3A_160 : i32
        %parallel_loop3A_162 = arith.constant 1 : i32
        %parallel_loop3A_163 = arith.index_cast %parallel_loop3A_162 : i32 to index
        %parallel_loop3A_164 = arith.index_cast %parallel_loop3A_161 : i32 to index
        %parallel_loop3A_165 = tpu.vector_load %arg10[%parallel_loop3A_163, %parallel_loop3A_164] {strides = array<i32>} : memref<2x2560xi32, #tpu.memory_space<vmem>>, vector<16xi32>,
        %parallel_loop3A_166 = arith.constant 16 : i32
        %parallel_loop3A_167 = arith.muli %parallel_loop3A_159, %parallel_loop3A_166 : i32
        %parallel_loop3A_168 = arith.constant 1 : i32
        %parallel_loop3A_169 = arith.index_cast %parallel_loop3A_168 : i32 to index
        %parallel_loop3A_170 = arith.index_cast %parallel_loop3A_167 : i32 to index
        %parallel_loop3A_171 = tpu.vector_load %arg11[%parallel_loop3A_169, %parallel_loop3A_170] {strides = array<i32>} : memref<2x2560xi32, #tpu.memory_space<vmem>>, vector<16xi32>,
        %parallel_loop3A_172 = tpu.vector_load_idx %arg8[%broadcast_in_dim3A_13, %parallel_loop3A_165] : memref<2x10000xf32, #tpu.memory_space<vmem>>[vector<16xi32>, vector<16xi32>], vector<16xf32>,
        %parallel_loop3A_173 = arith.constant 1 : i32
        %parallel_loop3A_174 = vector.broadcast %parallel_loop3A_173 : i32 to vector<16xi32>
        %parallel_loop3A_175 = arith.addi %broadcast_in_dim3A_13, %parallel_loop3A_174 : vector<16xi32>
        %parallel_loop3A_176 = tpu.vector_load_idx %arg8[%parallel_loop3A_175, %parallel_loop3A_171] : memref<2x10000xf32, #tpu.memory_space<vmem>>[vector<16xi32>, vector<16xi32>], vector<16xf32>,
        %parallel_loop3A_177 = arith.addf %parallel_loop3A_172, %parallel_loop3A_176 : vector<16xf32>
        %parallel_loop3A_178 = arith.constant 0.000000e+00 : f32
        %parallel_loop3A_179 = vector.broadcast %parallel_loop3A_178 : f32 to vector<16xf32>
        %parallel_loop3A_180 = arith.cmpf oge, %parallel_loop3A_177, %parallel_loop3A_179 : vector<16xf32>
        %parallel_loop3A_181 = arith.constant 2.000000e-01 : f32
        %parallel_loop3A_182 = vector.broadcast %parallel_loop3A_181 : f32 to vector<16xf32>
        %parallel_loop3A_183 = arith.mulf %parallel_loop3A_182, %parallel_loop3A_177 : vector<16xf32>
        %parallel_loop3A_184 = arith.select %parallel_loop3A_180, %parallel_loop3A_177, %parallel_loop3A_183 : vector<16xi1>, vector<16xf32>
        %parallel_loop3A_185 = math.exp %parallel_loop3A_184 : vector<16xf32>
        %parallel_loop3A_186 = arith.constant 4 : i32
        %parallel_loop3A_187 = vector.broadcast %parallel_loop3A_186 : i32 to vector<16xi32>
        %parallel_loop3A_188 = arith.addi %broadcast_in_dim3A_13, %parallel_loop3A_187 : vector<16xi32>
        tpu.vector_store_idx %arg9[%parallel_loop3A_188, %parallel_loop3A_171], %parallel_loop3A_185 {add = true} : memref<5x10000xf32, #tpu.memory_space<vmem>>[vector<16xi32>, vector<16xi32>], vector<16xf32>,
      } {sc.loop_unroll_factor = 2 : i64, sc.parallel_access}
    }
    %scan3A_42 = arith.constant 62 : i32
    %dma_wait3A = arith.constant 0 : i32
    %dma_wait3A_43 = arith.constant 0 : i32
    %dma_wait3A_44 = tpu.memref_slice %arg10[%dma_wait3A, %dma_wait3A_43] : memref<2x2560xi32, #tpu.memory_space<vmem>> -> memref<1x2560xi32, #tpu.memory_space<vmem>>
    %dma_wait3A_45 = tpu.memref_squeeze %dma_wait3A_44 : memref<1x2560xi32, #tpu.memory_space<vmem>> -> memref<2560xi32, #tpu.memory_space<vmem>>
    %dma_wait3A_46 = arith.constant 0 : i32
    %dma_wait3A_47 = tpu.memref_slice %arg4[%dma_wait3A_46] : memref<320000xi32, #tpu.memory_space<hbm>> -> memref<2560xi32, #tpu.memory_space<hbm>>
    %dma_wait3A_48 = arith.constant 0 : i32
    %dma_wait3A_49 = tpu.memref_slice %arg10[%dma_wait3A, %dma_wait3A_48] : memref<2x2560xi32, #tpu.memory_space<vmem>> -> memref<1x2560xi32, #tpu.memory_space<vmem>>
    %dma_wait3A_50 = tpu.memref_squeeze %dma_wait3A_49 : memref<1x2560xi32, #tpu.memory_space<vmem>> -> memref<2560xi32, #tpu.memory_space<vmem>>
    %dma_wait3A_51 = arith.constant 0 : i32
    %dma_wait3A_52 = tpu.memref_slice %arg4[%dma_wait3A_51] : memref<320000xi32, #tpu.memory_space<hbm>> -> memref<2560xi32, #tpu.memory_space<hbm>>
    tpu.wait_dma2 semaphore(%arg12 : memref<!tpu.dma_semaphore, #tpu.memory_space<semaphore_mem>>) src(%dma_wait3A_52 : memref<2560xi32, #tpu.memory_space<hbm>>) dst(%dma_wait3A_50 : memref<2560xi32, #tpu.memory_space<vmem>>)
    %dma_wait3A_53 = arith.constant 0 : i32
    %dma_wait3A_54 = arith.constant 0 : i32
    %dma_wait3A_55 = tpu.memref_slice %arg11[%dma_wait3A_53, %dma_wait3A_54] : memref<2x2560xi32, #tpu.memory_space<vmem>> -> memref<1x2560xi32, #tpu.memory_space<vmem>>
    %dma_wait3A_56 = tpu.memref_squeeze %dma_wait3A_55 : memref<1x2560xi32, #tpu.memory_space<vmem>> -> memref<2560xi32, #tpu.memory_space<vmem>>
    %dma_wait3A_57 = arith.constant 0 : i32
    %dma_wait3A_58 = tpu.memref_slice %arg5[%dma_wait3A_57] : memref<320000xi32, #tpu.memory_space<hbm>> -> memref<2560xi32, #tpu.memory_space<hbm>>
    %dma_wait3A_59 = arith.constant 0 : i32
    %dma_wait3A_60 = tpu.memref_slice %arg11[%dma_wait3A_53, %dma_wait3A_59] : memref<2x2560xi32, #tpu.memory_space<vmem>> -> memref<1x2560xi32, #tpu.memory_space<vmem>>
    %dma_wait3A_61 = tpu.memref_squeeze %dma_wait3A_60 : memref<1x2560xi32, #tpu.memory_space<vmem>> -> memref<2560xi32, #tpu.memory_space<vmem>>
    %dma_wait3A_62 = arith.constant 0 : i32
    %dma_wait3A_63 = tpu.memref_slice %arg5[%dma_wait3A_62] : memref<320000xi32, #tpu.memory_space<hbm>> -> memref<2560xi32, #tpu.memory_space<hbm>>
    tpu.wait_dma2 semaphore(%arg12 : memref<!tpu.dma_semaphore, #tpu.memory_space<semaphore_mem>>) src(%dma_wait3A_63 : memref<2560xi32, #tpu.memory_space<hbm>>) dst(%dma_wait3A_61 : memref<2560xi32, #tpu.memory_space<vmem>>)
    %parallel_loop3A = arith.constant 0 : i32
    %parallel_loop3A_64 = arith.constant 160 : i32
    %parallel_loop3A_65 = arith.constant 1 : i32
    scf.for %parallel_loop3A_69 = %parallel_loop3A to %parallel_loop3A_64 step %parallel_loop3A_65  : i32 {
      %parallel_loop3A_70 = arith.constant 16 : i32
      %parallel_loop3A_71 = arith.muli %parallel_loop3A_69, %parallel_loop3A_70 : i32
      %parallel_loop3A_72 = arith.constant 0 : i32
      %parallel_loop3A_73 = arith.index_cast %parallel_loop3A_72 : i32 to index
      %parallel_loop3A_74 = arith.index_cast %parallel_loop3A_71 : i32 to index
      %parallel_loop3A_75 = tpu.vector_load %arg10[%parallel_loop3A_73, %parallel_loop3A_74] {strides = array<i32>} : memref<2x2560xi32, #tpu.memory_space<vmem>>, vector<16xi32>,
      %parallel_loop3A_76 = arith.constant 16 : i32
      %parallel_loop3A_77 = arith.muli %parallel_loop3A_69, %parallel_loop3A_76 : i32
      %parallel_loop3A_78 = arith.constant 0 : i32
      %parallel_loop3A_79 = arith.index_cast %parallel_loop3A_78 : i32 to index
      %parallel_loop3A_80 = arith.index_cast %parallel_loop3A_77 : i32 to index
      %parallel_loop3A_81 = tpu.vector_load %arg11[%parallel_loop3A_79, %parallel_loop3A_80] {strides = array<i32>} : memref<2x2560xi32, #tpu.memory_space<vmem>>, vector<16xi32>,
      %parallel_loop3A_82 = tpu.vector_load_idx %arg8[%broadcast_in_dim3A_13, %parallel_loop3A_75] : memref<2x10000xf32, #tpu.memory_space<vmem>>[vector<16xi32>, vector<16xi32>], vector<16xf32>,
      %parallel_loop3A_83 = arith.constant 1 : i32
      %parallel_loop3A_84 = vector.broadcast %parallel_loop3A_83 : i32 to vector<16xi32>
      %parallel_loop3A_85 = arith.addi %broadcast_in_dim3A_13, %parallel_loop3A_84 : vector<16xi32>
      %parallel_loop3A_86 = tpu.vector_load_idx %arg8[%parallel_loop3A_85, %parallel_loop3A_81] : memref<2x10000xf32, #tpu.memory_space<vmem>>[vector<16xi32>, vector<16xi32>], vector<16xf32>,
      %parallel_loop3A_87 = arith.addf %parallel_loop3A_82, %parallel_loop3A_86 : vector<16xf32>
      %parallel_loop3A_88 = arith.constant 0.000000e+00 : f32
      %parallel_loop3A_89 = vector.broadcast %parallel_loop3A_88 : f32 to vector<16xf32>
      %parallel_loop3A_90 = arith.cmpf oge, %parallel_loop3A_87, %parallel_loop3A_89 : vector<16xf32>
      %parallel_loop3A_91 = arith.constant 2.000000e-01 : f32
      %parallel_loop3A_92 = vector.broadcast %parallel_loop3A_91 : f32 to vector<16xf32>
      %parallel_loop3A_93 = arith.mulf %parallel_loop3A_92, %parallel_loop3A_87 : vector<16xf32>
      %parallel_loop3A_94 = arith.select %parallel_loop3A_90, %parallel_loop3A_87, %parallel_loop3A_93 : vector<16xi1>, vector<16xf32>
      %parallel_loop3A_95 = math.exp %parallel_loop3A_94 : vector<16xf32>
      %parallel_loop3A_96 = arith.constant 0 : i32
      %parallel_loop3A_97 = vector.broadcast %parallel_loop3A_96 : i32 to vector<16xi32>
      %parallel_loop3A_98 = arith.addi %broadcast_in_dim3A_13, %parallel_loop3A_97 : vector<16xi32>
      %parallel_loop3A_99 = tpu.vector_load_idx %arg7[%parallel_loop3A_98, %parallel_loop3A_75] : memref<4x10000xf32, #tpu.memory_space<vmem>>[vector<16xi32>, vector<16xi32>], vector<16xf32>,
      %parallel_loop3A_100 = arith.constant 0 : i32
      %parallel_loop3A_101 = vector.broadcast %parallel_loop3A_100 : i32 to vector<16xi32>
      %parallel_loop3A_102 = arith.addi %broadcast_in_dim3A_13, %parallel_loop3A_101 : vector<16xi32>
      %parallel_loop3A_103 = arith.mulf %parallel_loop3A_99, %parallel_loop3A_95 : vector<16xf32>
      tpu.vector_store_idx %arg9[%parallel_loop3A_102, %parallel_loop3A_81], %parallel_loop3A_103 {add = true} : memref<5x10000xf32, #tpu.memory_space<vmem>>[vector<16xi32>, vector<16xi32>], vector<16xf32>,
      %parallel_loop3A_104 = arith.constant 1 : i32
      %parallel_loop3A_105 = vector.broadcast %parallel_loop3A_104 : i32 to vector<16xi32>
      %parallel_loop3A_106 = arith.addi %broadcast_in_dim3A_13, %parallel_loop3A_105 : vector<16xi32>
      %parallel_loop3A_107 = tpu.vector_load_idx %arg7[%parallel_loop3A_106, %parallel_loop3A_75] : memref<4x10000xf32, #tpu.memory_space<vmem>>[vector<16xi32>, vector<16xi32>], vector<16xf32>,
      %parallel_loop3A_108 = arith.constant 1 : i32
      %parallel_loop3A_109 = vector.broadcast %parallel_loop3A_108 : i32 to vector<16xi32>
      %parallel_loop3A_110 = arith.addi %broadcast_in_dim3A_13, %parallel_loop3A_109 : vector<16xi32>
      %parallel_loop3A_111 = arith.mulf %parallel_loop3A_107, %parallel_loop3A_95 : vector<16xf32>
      tpu.vector_store_idx %arg9[%parallel_loop3A_110, %parallel_loop3A_81], %parallel_loop3A_111 {add = true} : memref<5x10000xf32, #tpu.memory_space<vmem>>[vector<16xi32>, vector<16xi32>], vector<16xf32>,
      %parallel_loop3A_112 = arith.constant 2 : i32
      %parallel_loop3A_113 = vector.broadcast %parallel_loop3A_112 : i32 to vector<16xi32>
      %parallel_loop3A_114 = arith.addi %broadcast_in_dim3A_13, %parallel_loop3A_113 : vector<16xi32>
      %parallel_loop3A_115 = tpu.vector_load_idx %arg7[%parallel_loop3A_114, %parallel_loop3A_75] : memref<4x10000xf32, #tpu.memory_space<vmem>>[vector<16xi32>, vector<16xi32>], vector<16xf32>,
      %parallel_loop3A_116 = arith.constant 2 : i32
      %parallel_loop3A_117 = vector.broadcast %parallel_loop3A_116 : i32 to vector<16xi32>
      %parallel_loop3A_118 = arith.addi %broadcast_in_dim3A_13, %parallel_loop3A_117 : vector<16xi32>
      %parallel_loop3A_119 = arith.mulf %parallel_loop3A_115, %parallel_loop3A_95 : vector<16xf32>
      tpu.vector_store_idx %arg9[%parallel_loop3A_118, %parallel_loop3A_81], %parallel_loop3A_119 {add = true} : memref<5x10000xf32, #tpu.memory_space<vmem>>[vector<16xi32>, vector<16xi32>], vector<16xf32>,
      %parallel_loop3A_120 = arith.constant 3 : i32
      %parallel_loop3A_121 = vector.broadcast %parallel_loop3A_120 : i32 to vector<16xi32>
      %parallel_loop3A_122 = arith.addi %broadcast_in_dim3A_13, %parallel_loop3A_121 : vector<16xi32>
      %parallel_loop3A_123 = tpu.vector_load_idx %arg7[%parallel_loop3A_122, %parallel_loop3A_75] : memref<4x10000xf32, #tpu.memory_space<vmem>>[vector<16xi32>, vector<16xi32>], vector<16xf32>,
      %parallel_loop3A_124 = arith.constant 3 : i32
      %parallel_loop3A_125 = vector.broadcast %parallel_loop3A_124 : i32 to vector<16xi32>
      %parallel_loop3A_126 = arith.addi %broadcast_in_dim3A_13, %parallel_loop3A_125 : vector<16xi32>
      %parallel_loop3A_127 = arith.mulf %parallel_loop3A_123, %parallel_loop3A_95 : vector<16xf32>
      tpu.vector_store_idx %arg9[%parallel_loop3A_126, %parallel_loop3A_81], %parallel_loop3A_127 {add = true} : memref<5x10000xf32, #tpu.memory_space<vmem>>[vector<16xi32>, vector<16xi32>], vector<16xf32>,
    } {sc.loop_unroll_factor = 8 : i64, sc.parallel_access}
    %parallel_loop3A_66 = arith.constant 0 : i32
    %parallel_loop3A_67 = arith.constant 10 : i32
    %parallel_loop3A_68 = arith.constant 1 : i32
    scf.for %parallel_loop3A_69 = %parallel_loop3A_66 to %parallel_loop3A_67 step %parallel_loop3A_68  : i32 {
      %parallel_loop3A_70 = arith.addi %mul3A_15, %parallel_loop3A_69 : i32
      %parallel_loop3A_71 = arith.constant 16 : i32
      %parallel_loop3A_72 = arith.muli %parallel_loop3A_70, %parallel_loop3A_71 : i32
      %parallel_loop3A_73 = arith.constant 0 : i32
      %parallel_loop3A_74 = arith.index_cast %parallel_loop3A_73 : i32 to index
      %parallel_loop3A_75 = arith.index_cast %parallel_loop3A_72 : i32 to index
      %parallel_loop3A_76 = tpu.vector_load %arg10[%parallel_loop3A_74, %parallel_loop3A_75] {strides = array<i32>} : memref<2x2560xi32, #tpu.memory_space<vmem>>, vector<16xi32>,
      %parallel_loop3A_77 = arith.constant 16 : i32
      %parallel_loop3A_78 = arith.muli %parallel_loop3A_70, %parallel_loop3A_77 : i32
      %parallel_loop3A_79 = arith.constant 0 : i32
      %parallel_loop3A_80 = arith.index_cast %parallel_loop3A_79 : i32 to index
      %parallel_loop3A_81 = arith.index_cast %parallel_loop3A_78 : i32 to index
      %parallel_loop3A_82 = tpu.vector_load %arg11[%parallel_loop3A_80, %parallel_loop3A_81] {strides = array<i32>} : memref<2x2560xi32, #tpu.memory_space<vmem>>, vector<16xi32>,
      %parallel_loop3A_83 = tpu.vector_load_idx %arg8[%broadcast_in_dim3A_13, %parallel_loop3A_76] : memref<2x10000xf32, #tpu.memory_space<vmem>>[vector<16xi32>, vector<16xi32>], vector<16xf32>,
      %parallel_loop3A_84 = arith.constant 1 : i32
      %parallel_loop3A_85 = vector.broadcast %parallel_loop3A_84 : i32 to vector<16xi32>
      %parallel_loop3A_86 = arith.addi %broadcast_in_dim3A_13, %parallel_loop3A_85 : vector<16xi32>
      %parallel_loop3A_87 = tpu.vector_load_idx %arg8[%parallel_loop3A_86, %parallel_loop3A_82] : memref<2x10000xf32, #tpu.memory_space<vmem>>[vector<16xi32>, vector<16xi32>], vector<16xf32>,
      %parallel_loop3A_88 = arith.addf %parallel_loop3A_83, %parallel_loop3A_87 : vector<16xf32>
      %parallel_loop3A_89 = arith.constant 0.000000e+00 : f32
      %parallel_loop3A_90 = vector.broadcast %parallel_loop3A_89 : f32 to vector<16xf32>
      %parallel_loop3A_91 = arith.cmpf oge, %parallel_loop3A_88, %parallel_loop3A_90 : vector<16xf32>
      %parallel_loop3A_92 = arith.constant 2.000000e-01 : f32
      %parallel_loop3A_93 = vector.broadcast %parallel_loop3A_92 : f32 to vector<16xf32>
      %parallel_loop3A_94 = arith.mulf %parallel_loop3A_93, %parallel_loop3A_88 : vector<16xf32>
      %parallel_loop3A_95 = arith.select %parallel_loop3A_91, %parallel_loop3A_88, %parallel_loop3A_94 : vector<16xi1>, vector<16xf32>
      %parallel_loop3A_96 = math.exp %parallel_loop3A_95 : vector<16xf32>
      %parallel_loop3A_97 = arith.constant 4 : i32
      %parallel_loop3A_98 = vector.broadcast %parallel_loop3A_97 : i32 to vector<16xi32>
      %parallel_loop3A_99 = arith.addi %broadcast_in_dim3A_13, %parallel_loop3A_98 : vector<16xi32>
      tpu.vector_store_idx %arg9[%parallel_loop3A_99, %parallel_loop3A_82], %parallel_loop3A_96 {add = true} : memref<5x10000xf32, #tpu.memory_space<vmem>>[vector<16xi32>, vector<16xi32>], vector<16xf32>,
    } {sc.loop_unroll_factor = 2 : i64, sc.parallel_access}
    "tpu.region"() ({
      %run_scoped3A_69 = tpu.sem_alloc : memref<!tpu.dma_semaphore, #tpu.memory_space<semaphore_mem>>
      %dma_start3A_70 = arith.constant 0 : i32
      %dma_start3A_71 = arith.constant 0 : i32
      %dma_start3A_72 = tpu.memref_slice %arg6[%arg0, %arg1, %dma_start3A_70, %dma_start3A_71] : memref<2x16x5x10000xf32, #tpu.memory_space<hbm>> -> memref<1x1x5x10000xf32, #tpu.memory_space<hbm>>
      %dma_start3A_73 = tpu.memref_squeeze %dma_start3A_72 : memref<1x1x5x10000xf32, #tpu.memory_space<hbm>> -> memref<5x10000xf32, #tpu.memory_space<hbm>>
      %dma_start3A_74 = arith.constant 0 : i32
      %dma_start3A_75 = arith.constant 0 : i32
      %dma_start3A_76 = tpu.memref_slice %arg6[%arg0, %arg1, %dma_start3A_74, %dma_start3A_75] : memref<2x16x5x10000xf32, #tpu.memory_space<hbm>> -> memref<1x1x5x10000xf32, #tpu.memory_space<hbm>>
      %dma_start3A_77 = tpu.memref_squeeze %dma_start3A_76 : memref<1x1x5x10000xf32, #tpu.memory_space<hbm>> -> memref<5x10000xf32, #tpu.memory_space<hbm>>
      tpu.enqueue_dma source(%arg9 : memref<5x10000xf32, #tpu.memory_space<vmem>>) target(%dma_start3A_77 : memref<5x10000xf32, #tpu.memory_space<hbm>>) target_semaphore(%run_scoped3A_69 : memref<!tpu.dma_semaphore, #tpu.memory_space<semaphore_mem>>)
      %dma_wait3A_78 = arith.constant 0 : i32
      %dma_wait3A_79 = arith.constant 0 : i32
      %dma_wait3A_80 = tpu.memref_slice %arg6[%arg0, %arg1, %dma_wait3A_78, %dma_wait3A_79] : memref<2x16x5x10000xf32, #tpu.memory_space<hbm>> -> memref<1x1x5x10000xf32, #tpu.memory_space<hbm>>
      %dma_wait3A_81 = tpu.memref_squeeze %dma_wait3A_80 : memref<1x1x5x10000xf32, #tpu.memory_space<hbm>> -> memref<5x10000xf32, #tpu.memory_space<hbm>>
      %dma_wait3A_82 = arith.constant 0 : i32
      %dma_wait3A_83 = arith.constant 0 : i32
      %dma_wait3A_84 = tpu.memref_slice %arg6[%arg0, %arg1, %dma_wait3A_82, %dma_wait3A_83] : memref<2x16x5x10000xf32, #tpu.memory_space<hbm>> -> memref<1x1x5x10000xf32, #tpu.memory_space<hbm>>
      %dma_wait3A_85 = tpu.memref_squeeze %dma_wait3A_84 : memref<1x1x5x10000xf32, #tpu.memory_space<hbm>> -> memref<5x10000xf32, #tpu.memory_space<hbm>>
      tpu.wait_dma2 semaphore(%run_scoped3A_69 : memref<!tpu.dma_semaphore, #tpu.memory_space<semaphore_mem>>) src(%arg9 : memref<5x10000xf32, #tpu.memory_space<vmem>>) dst(%dma_wait3A_85 : memref<5x10000xf32, #tpu.memory_space<hbm>>)
      tpu.yield
    }) : () -> ()
    return
  }
}

#map = affine_map<(d0, d1) -> (0, 0)>
#map1 = affine_map<(d0, d1) -> (0)>
#map2 = affine_map<(d0, d1) -> (0, 0, 0, 0)>
module attributes {stable_mosaic.version = 14 : i64} {
  func.func @_sc_edge_body(%arg0: i32, %arg1: i32, %arg2: memref<64x10000xf32, #tpu.memory_space<hbm>>, %arg3: memref<4x10000xf32, #tpu.memory_space<hbm>>, %arg4: memref<320000xi32, #tpu.memory_space<hbm>>, %arg5: memref<320000xi32, #tpu.memory_space<hbm>>, %arg6: memref<2x16x3x10000xf32, #tpu.memory_space<hbm>>, %arg7: memref<2x10000xf32, #tpu.memory_space<vmem>>, %arg8: memref<2x10000xf32, #tpu.memory_space<vmem>>, %arg9: memref<3x10000xf32, #tpu.memory_space<vmem>>, %arg10: memref<2x2560xi32, #tpu.memory_space<vmem>>, %arg11: memref<2x2560xi32, #tpu.memory_space<vmem>>, %arg12: memref<!tpu.dma_semaphore, #tpu.memory_space<semaphore_mem>>, %arg13: memref<!tpu.dma_semaphore, #tpu.memory_space<semaphore_mem>>) attributes {dimension_semantics = [#tpu.dimension_semantics<core_parallel>, #tpu.dimension_semantics<subcore_parallel>], iteration_bounds = array<i64: 2, 16>, scalar_prefetch = 0 : i64, scratch_operands = 7 : i64, tpu.core_type = #tpu.core_type<sc_vector_subcore>, window_params = [{transform_indices = #map}, {transform_indices = #map}, {transform_indices = #map1}, {transform_indices = #map1}, {transform_indices = #map2}]} {
    %mul3A = arith.constant 32 : i32
    %mul3A_0 = arith.muli %arg0, %mul3A : i32
    %mul3A_1 = arith.constant 2 : i32
    %mul3A_2 = arith.muli %arg1, %mul3A_1 : i32
    %add3A = arith.addi %mul3A_0, %mul3A_2 : i32
    "tpu.region"() ({
      %run_scoped3A_72 = tpu.sem_alloc : memref<!tpu.dma_semaphore, #tpu.memory_space<semaphore_mem>>
      %dma_start3A_73 = arith.constant 0 : i32
      %dma_start3A_74 = tpu.memref_slice %arg2[%add3A, %dma_start3A_73] : memref<64x10000xf32, #tpu.memory_space<hbm>> -> memref<2x10000xf32, #tpu.memory_space<hbm>>
      %dma_start3A_75 = arith.constant 0 : i32
      %dma_start3A_76 = tpu.memref_slice %arg2[%add3A, %dma_start3A_75] : memref<64x10000xf32, #tpu.memory_space<hbm>> -> memref<2x10000xf32, #tpu.memory_space<hbm>>
      tpu.enqueue_dma source(%dma_start3A_76 : memref<2x10000xf32, #tpu.memory_space<hbm>>) target(%arg7 : memref<2x10000xf32, #tpu.memory_space<vmem>>) target_semaphore(%run_scoped3A_72 : memref<!tpu.dma_semaphore, #tpu.memory_space<semaphore_mem>>)
      %dma_wait3A_77 = arith.constant 0 : i32
      %dma_wait3A_78 = tpu.memref_slice %arg2[%add3A, %dma_wait3A_77] : memref<64x10000xf32, #tpu.memory_space<hbm>> -> memref<2x10000xf32, #tpu.memory_space<hbm>>
      %dma_wait3A_79 = arith.constant 0 : i32
      %dma_wait3A_80 = tpu.memref_slice %arg2[%add3A, %dma_wait3A_79] : memref<64x10000xf32, #tpu.memory_space<hbm>> -> memref<2x10000xf32, #tpu.memory_space<hbm>>
      tpu.wait_dma2 semaphore(%run_scoped3A_72 : memref<!tpu.dma_semaphore, #tpu.memory_space<semaphore_mem>>) src(%dma_wait3A_80 : memref<2x10000xf32, #tpu.memory_space<hbm>>) dst(%arg7 : memref<2x10000xf32, #tpu.memory_space<vmem>>)
      tpu.yield
    }) : () -> ()
    %run_scoped3A = arith.constant 0 : i32
    %run_scoped3A_3 = arith.constant 0 : i32
    "tpu.region"() ({
      %run_scoped3A_72 = tpu.sem_alloc : memref<!tpu.dma_semaphore, #tpu.memory_space<semaphore_mem>>
      %dma_start3A_73 = arith.constant 0 : i32
      %dma_start3A_74 = tpu.memref_slice %arg8[%run_scoped3A_3, %dma_start3A_73] : memref<2x10000xf32, #tpu.memory_space<vmem>> -> memref<1x10000xf32, #tpu.memory_space<vmem>>
      %dma_start3A_75 = tpu.memref_squeeze %dma_start3A_74 : memref<1x10000xf32, #tpu.memory_space<vmem>> -> memref<10000xf32, #tpu.memory_space<vmem>>
      %dma_start3A_76 = arith.constant 0 : i32
      %dma_start3A_77 = tpu.memref_slice %arg3[%run_scoped3A, %dma_start3A_76] : memref<4x10000xf32, #tpu.memory_space<hbm>> -> memref<1x10000xf32, #tpu.memory_space<hbm>>
      %dma_start3A_78 = tpu.memref_squeeze %dma_start3A_77 : memref<1x10000xf32, #tpu.memory_space<hbm>> -> memref<10000xf32, #tpu.memory_space<hbm>>
      %dma_start3A_79 = arith.constant 0 : i32
      %dma_start3A_80 = tpu.memref_slice %arg8[%run_scoped3A_3, %dma_start3A_79] : memref<2x10000xf32, #tpu.memory_space<vmem>> -> memref<1x10000xf32, #tpu.memory_space<vmem>>
      %dma_start3A_81 = tpu.memref_squeeze %dma_start3A_80 : memref<1x10000xf32, #tpu.memory_space<vmem>> -> memref<10000xf32, #tpu.memory_space<vmem>>
      %dma_start3A_82 = arith.constant 0 : i32
      %dma_start3A_83 = tpu.memref_slice %arg3[%run_scoped3A, %dma_start3A_82] : memref<4x10000xf32, #tpu.memory_space<hbm>> -> memref<1x10000xf32, #tpu.memory_space<hbm>>
      %dma_start3A_84 = tpu.memref_squeeze %dma_start3A_83 : memref<1x10000xf32, #tpu.memory_space<hbm>> -> memref<10000xf32, #tpu.memory_space<hbm>>
      tpu.enqueue_dma source(%dma_start3A_84 : memref<10000xf32, #tpu.memory_space<hbm>>) target(%dma_start3A_81 : memref<10000xf32, #tpu.memory_space<vmem>>) target_semaphore(%run_scoped3A_72 : memref<!tpu.dma_semaphore, #tpu.memory_space<semaphore_mem>>)
      %dma_wait3A_85 = arith.constant 0 : i32
      %dma_wait3A_86 = tpu.memref_slice %arg8[%run_scoped3A_3, %dma_wait3A_85] : memref<2x10000xf32, #tpu.memory_space<vmem>> -> memref<1x10000xf32, #tpu.memory_space<vmem>>
      %dma_wait3A_87 = tpu.memref_squeeze %dma_wait3A_86 : memref<1x10000xf32, #tpu.memory_space<vmem>> -> memref<10000xf32, #tpu.memory_space<vmem>>
      %dma_wait3A_88 = arith.constant 0 : i32
      %dma_wait3A_89 = tpu.memref_slice %arg3[%run_scoped3A, %dma_wait3A_88] : memref<4x10000xf32, #tpu.memory_space<hbm>> -> memref<1x10000xf32, #tpu.memory_space<hbm>>
      %dma_wait3A_90 = tpu.memref_squeeze %dma_wait3A_89 : memref<1x10000xf32, #tpu.memory_space<hbm>> -> memref<10000xf32, #tpu.memory_space<hbm>>
      %dma_wait3A_91 = arith.constant 0 : i32
      %dma_wait3A_92 = tpu.memref_slice %arg8[%run_scoped3A_3, %dma_wait3A_91] : memref<2x10000xf32, #tpu.memory_space<vmem>> -> memref<1x10000xf32, #tpu.memory_space<vmem>>
      %dma_wait3A_93 = tpu.memref_squeeze %dma_wait3A_92 : memref<1x10000xf32, #tpu.memory_space<vmem>> -> memref<10000xf32, #tpu.memory_space<vmem>>
      %dma_wait3A_94 = arith.constant 0 : i32
      %dma_wait3A_95 = tpu.memref_slice %arg3[%run_scoped3A, %dma_wait3A_94] : memref<4x10000xf32, #tpu.memory_space<hbm>> -> memref<1x10000xf32, #tpu.memory_space<hbm>>
      %dma_wait3A_96 = tpu.memref_squeeze %dma_wait3A_95 : memref<1x10000xf32, #tpu.memory_space<hbm>> -> memref<10000xf32, #tpu.memory_space<hbm>>
      tpu.wait_dma2 semaphore(%run_scoped3A_72 : memref<!tpu.dma_semaphore, #tpu.memory_space<semaphore_mem>>) src(%dma_wait3A_96 : memref<10000xf32, #tpu.memory_space<hbm>>) dst(%dma_wait3A_93 : memref<10000xf32, #tpu.memory_space<vmem>>)
      tpu.yield
    }) : () -> ()
    %run_scoped3A_4 = arith.constant 2 : i32
    %run_scoped3A_5 = arith.constant 1 : i32
    "tpu.region"() ({
      %run_scoped3A_72 = tpu.sem_alloc : memref<!tpu.dma_semaphore, #tpu.memory_space<semaphore_mem>>
      %dma_start3A_73 = arith.constant 0 : i32
      %dma_start3A_74 = tpu.memref_slice %arg8[%run_scoped3A_5, %dma_start3A_73] : memref<2x10000xf32, #tpu.memory_space<vmem>> -> memref<1x10000xf32, #tpu.memory_space<vmem>>
      %dma_start3A_75 = tpu.memref_squeeze %dma_start3A_74 : memref<1x10000xf32, #tpu.memory_space<vmem>> -> memref<10000xf32, #tpu.memory_space<vmem>>
      %dma_start3A_76 = arith.constant 0 : i32
      %dma_start3A_77 = tpu.memref_slice %arg3[%run_scoped3A_4, %dma_start3A_76] : memref<4x10000xf32, #tpu.memory_space<hbm>> -> memref<1x10000xf32, #tpu.memory_space<hbm>>
      %dma_start3A_78 = tpu.memref_squeeze %dma_start3A_77 : memref<1x10000xf32, #tpu.memory_space<hbm>> -> memref<10000xf32, #tpu.memory_space<hbm>>
      %dma_start3A_79 = arith.constant 0 : i32
      %dma_start3A_80 = tpu.memref_slice %arg8[%run_scoped3A_5, %dma_start3A_79] : memref<2x10000xf32, #tpu.memory_space<vmem>> -> memref<1x10000xf32, #tpu.memory_space<vmem>>
      %dma_start3A_81 = tpu.memref_squeeze %dma_start3A_80 : memref<1x10000xf32, #tpu.memory_space<vmem>> -> memref<10000xf32, #tpu.memory_space<vmem>>
      %dma_start3A_82 = arith.constant 0 : i32
      %dma_start3A_83 = tpu.memref_slice %arg3[%run_scoped3A_4, %dma_start3A_82] : memref<4x10000xf32, #tpu.memory_space<hbm>> -> memref<1x10000xf32, #tpu.memory_space<hbm>>
      %dma_start3A_84 = tpu.memref_squeeze %dma_start3A_83 : memref<1x10000xf32, #tpu.memory_space<hbm>> -> memref<10000xf32, #tpu.memory_space<hbm>>
      tpu.enqueue_dma source(%dma_start3A_84 : memref<10000xf32, #tpu.memory_space<hbm>>) target(%dma_start3A_81 : memref<10000xf32, #tpu.memory_space<vmem>>) target_semaphore(%run_scoped3A_72 : memref<!tpu.dma_semaphore, #tpu.memory_space<semaphore_mem>>)
      %dma_wait3A_85 = arith.constant 0 : i32
      %dma_wait3A_86 = tpu.memref_slice %arg8[%run_scoped3A_5, %dma_wait3A_85] : memref<2x10000xf32, #tpu.memory_space<vmem>> -> memref<1x10000xf32, #tpu.memory_space<vmem>>
      %dma_wait3A_87 = tpu.memref_squeeze %dma_wait3A_86 : memref<1x10000xf32, #tpu.memory_space<vmem>> -> memref<10000xf32, #tpu.memory_space<vmem>>
      %dma_wait3A_88 = arith.constant 0 : i32
      %dma_wait3A_89 = tpu.memref_slice %arg3[%run_scoped3A_4, %dma_wait3A_88] : memref<4x10000xf32, #tpu.memory_space<hbm>> -> memref<1x10000xf32, #tpu.memory_space<hbm>>
      %dma_wait3A_90 = tpu.memref_squeeze %dma_wait3A_89 : memref<1x10000xf32, #tpu.memory_space<hbm>> -> memref<10000xf32, #tpu.memory_space<hbm>>
      %dma_wait3A_91 = arith.constant 0 : i32
      %dma_wait3A_92 = tpu.memref_slice %arg8[%run_scoped3A_5, %dma_wait3A_91] : memref<2x10000xf32, #tpu.memory_space<vmem>> -> memref<1x10000xf32, #tpu.memory_space<vmem>>
      %dma_wait3A_93 = tpu.memref_squeeze %dma_wait3A_92 : memref<1x10000xf32, #tpu.memory_space<vmem>> -> memref<10000xf32, #tpu.memory_space<vmem>>
      %dma_wait3A_94 = arith.constant 0 : i32
      %dma_wait3A_95 = tpu.memref_slice %arg3[%run_scoped3A_4, %dma_wait3A_94] : memref<4x10000xf32, #tpu.memory_space<hbm>> -> memref<1x10000xf32, #tpu.memory_space<hbm>>
      %dma_wait3A_96 = tpu.memref_squeeze %dma_wait3A_95 : memref<1x10000xf32, #tpu.memory_space<hbm>> -> memref<10000xf32, #tpu.memory_space<hbm>>
      tpu.wait_dma2 semaphore(%run_scoped3A_72 : memref<!tpu.dma_semaphore, #tpu.memory_space<semaphore_mem>>) src(%dma_wait3A_96 : memref<10000xf32, #tpu.memory_space<hbm>>) dst(%dma_wait3A_93 : memref<10000xf32, #tpu.memory_space<vmem>>)
      tpu.yield
    }) : () -> ()
    %broadcast_in_dim3A = arith.constant 0.000000e+00 : f32
    %broadcast_in_dim3A_6 = vector.broadcast %broadcast_in_dim3A : f32 to vector<16xf32>
    %scan3A = arith.constant 0 : i32
    %scan3A_7 = arith.constant 0 : i32
    %scan3A_8 = arith.constant 625 : i32
    %scan3A_9 = arith.addi %scan3A_7, %scan3A_8 : i32
    %scan3A_10 = arith.constant 1 : i32
    scf.for %scan3A_72 = %scan3A_7 to %scan3A_9 step %scan3A_10  : i32 {
      %mul3A_73 = arith.constant 16 : i32
      %mul3A_74 = arith.muli %scan3A_72, %mul3A_73 : i32
      %swap3A = arith.constant 0 : i32
      %swap3A_75 = arith.index_cast %swap3A : i32 to index
      %swap3A_76 = arith.index_cast %mul3A_74 : i32 to index
      %swap3A_77 = tpu.vector_load %arg9[%swap3A_75, %swap3A_76] {strides = array<i32>} : memref<3x10000xf32, #tpu.memory_space<vmem>>, vector<16xf32>,
      tpu.vector_store %arg9[%swap3A_75, %swap3A_76], %broadcast_in_dim3A_6 {strides = array<i32>} : memref<3x10000xf32, #tpu.memory_space<vmem>>, vector<16xf32>,
      %mul3A_78 = arith.constant 16 : i32
      %mul3A_79 = arith.muli %scan3A_72, %mul3A_78 : i32
      %swap3A_80 = arith.constant 1 : i32
      %swap3A_81 = arith.index_cast %swap3A_80 : i32 to index
      %swap3A_82 = arith.index_cast %mul3A_79 : i32 to index
      %swap3A_83 = tpu.vector_load %arg9[%swap3A_81, %swap3A_82] {strides = array<i32>} : memref<3x10000xf32, #tpu.memory_space<vmem>>, vector<16xf32>,
      tpu.vector_store %arg9[%swap3A_81, %swap3A_82], %broadcast_in_dim3A_6 {strides = array<i32>} : memref<3x10000xf32, #tpu.memory_space<vmem>>, vector<16xf32>,
      %mul3A_84 = arith.constant 16 : i32
      %mul3A_85 = arith.muli %scan3A_72, %mul3A_84 : i32
      %swap3A_86 = arith.constant 2 : i32
      %swap3A_87 = arith.index_cast %swap3A_86 : i32 to index
      %swap3A_88 = arith.index_cast %mul3A_85 : i32 to index
      %swap3A_89 = tpu.vector_load %arg9[%swap3A_87, %swap3A_88] {strides = array<i32>} : memref<3x10000xf32, #tpu.memory_space<vmem>>, vector<16xf32>,
      tpu.vector_store %arg9[%swap3A_87, %swap3A_88], %broadcast_in_dim3A_6 {strides = array<i32>} : memref<3x10000xf32, #tpu.memory_space<vmem>>, vector<16xf32>,
    }
    %scan3A_11 = arith.constant 625 : i32
    %broadcast_in_dim3A_12 = arith.constant 0 : i32
    %broadcast_in_dim3A_13 = vector.broadcast %broadcast_in_dim3A_12 : i32 to vector<16xi32>
    %mul3A_14 = arith.constant 16 : i32
    %mul3A_15 = arith.muli %arg0, %mul3A_14 : i32
    %add3A_16 = arith.addi %mul3A_15, %arg1 : i32
    %mul3A_17 = arith.constant 5 : i32
    %mul3A_18 = arith.muli %add3A_16, %mul3A_17 : i32
    %dma_start3A = arith.constant 0 : i32
    %dma_start3A_19 = arith.constant 0 : i32
    %dma_start3A_20 = tpu.memref_slice %arg10[%dma_start3A, %dma_start3A_19] : memref<2x2560xi32, #tpu.memory_space<vmem>> -> memref<1x2560xi32, #tpu.memory_space<vmem>>
    %dma_start3A_21 = tpu.memref_squeeze %dma_start3A_20 : memref<1x2560xi32, #tpu.memory_space<vmem>> -> memref<2560xi32, #tpu.memory_space<vmem>>
    %dma_start3A_22 = arith.constant 0 : i32
    %dma_start3A_23 = tpu.memref_slice %arg4[%dma_start3A_22] : memref<320000xi32, #tpu.memory_space<hbm>> -> memref<2560xi32, #tpu.memory_space<hbm>>
    %dma_start3A_24 = arith.constant 0 : i32
    %dma_start3A_25 = tpu.memref_slice %arg10[%dma_start3A, %dma_start3A_24] : memref<2x2560xi32, #tpu.memory_space<vmem>> -> memref<1x2560xi32, #tpu.memory_space<vmem>>
    %dma_start3A_26 = tpu.memref_squeeze %dma_start3A_25 : memref<1x2560xi32, #tpu.memory_space<vmem>> -> memref<2560xi32, #tpu.memory_space<vmem>>
    %dma_start3A_27 = arith.constant 0 : i32
    %dma_start3A_28 = tpu.memref_slice %arg4[%dma_start3A_27] : memref<320000xi32, #tpu.memory_space<hbm>> -> memref<2560xi32, #tpu.memory_space<hbm>>
    tpu.enqueue_dma source(%dma_start3A_28 : memref<2560xi32, #tpu.memory_space<hbm>>) target(%dma_start3A_26 : memref<2560xi32, #tpu.memory_space<vmem>>) target_semaphore(%arg12 : memref<!tpu.dma_semaphore, #tpu.memory_space<semaphore_mem>>)
    %dma_start3A_29 = arith.constant 0 : i32
    %dma_start3A_30 = arith.constant 0 : i32
    %dma_start3A_31 = tpu.memref_slice %arg11[%dma_start3A_29, %dma_start3A_30] : memref<2x2560xi32, #tpu.memory_space<vmem>> -> memref<1x2560xi32, #tpu.memory_space<vmem>>
    %dma_start3A_32 = tpu.memref_squeeze %dma_start3A_31 : memref<1x2560xi32, #tpu.memory_space<vmem>> -> memref<2560xi32, #tpu.memory_space<vmem>>
    %dma_start3A_33 = arith.constant 0 : i32
    %dma_start3A_34 = tpu.memref_slice %arg5[%dma_start3A_33] : memref<320000xi32, #tpu.memory_space<hbm>> -> memref<2560xi32, #tpu.memory_space<hbm>>
    %dma_start3A_35 = arith.constant 0 : i32
    %dma_start3A_36 = tpu.memref_slice %arg11[%dma_start3A_29, %dma_start3A_35] : memref<2x2560xi32, #tpu.memory_space<vmem>> -> memref<1x2560xi32, #tpu.memory_space<vmem>>
    %dma_start3A_37 = tpu.memref_squeeze %dma_start3A_36 : memref<1x2560xi32, #tpu.memory_space<vmem>> -> memref<2560xi32, #tpu.memory_space<vmem>>
    %dma_start3A_38 = arith.constant 0 : i32
    %dma_start3A_39 = tpu.memref_slice %arg5[%dma_start3A_38] : memref<320000xi32, #tpu.memory_space<hbm>> -> memref<2560xi32, #tpu.memory_space<hbm>>
    tpu.enqueue_dma source(%dma_start3A_39 : memref<2560xi32, #tpu.memory_space<hbm>>) target(%dma_start3A_37 : memref<2560xi32, #tpu.memory_space<vmem>>) target_semaphore(%arg12 : memref<!tpu.dma_semaphore, #tpu.memory_space<semaphore_mem>>)
    %scan3A_40 = arith.constant 0 : i32
    %scan3A_41 = arith.constant 0 : i32
    %scan3A_42 = arith.constant 62 : i32
    %scan3A_43 = arith.addi %scan3A_41, %scan3A_42 : i32
    %scan3A_44 = arith.constant 1 : i32
    scf.for %scan3A_72 = %scan3A_41 to %scan3A_43 step %scan3A_44  : i32 {
      %mul3A_73 = arith.constant 2 : i32
      %mul3A_74 = arith.muli %scan3A_72, %mul3A_73 : i32
      %add3A_75 = arith.constant 1 : i32
      %add3A_76 = arith.addi %mul3A_74, %add3A_75 : i32
      %mul3A_77 = arith.constant 2560 : i32
      %mul3A_78 = arith.muli %add3A_76, %mul3A_77 : i32
      %dma_start3A_79 = arith.constant 1 : i32
      %dma_start3A_80 = arith.constant 0 : i32
      %dma_start3A_81 = tpu.memref_slice %arg10[%dma_start3A_79, %dma_start3A_80] : memref<2x2560xi32, #tpu.memory_space<vmem>> -> memref<1x2560xi32, #tpu.memory_space<vmem>>
      %dma_start3A_82 = tpu.memref_squeeze %dma_start3A_81 : memref<1x2560xi32, #tpu.memory_space<vmem>> -> memref<2560xi32, #tpu.memory_space<vmem>>
      %dma_start3A_83 = tpu.memref_slice %arg4[%mul3A_78] : memref<320000xi32, #tpu.memory_space<hbm>> -> memref<2560xi32, #tpu.memory_space<hbm>>
      %dma_start3A_84 = arith.constant 0 : i32
      %dma_start3A_85 = tpu.memref_slice %arg10[%dma_start3A_79, %dma_start3A_84] : memref<2x2560xi32, #tpu.memory_space<vmem>> -> memref<1x2560xi32, #tpu.memory_space<vmem>>
      %dma_start3A_86 = tpu.memref_squeeze %dma_start3A_85 : memref<1x2560xi32, #tpu.memory_space<vmem>> -> memref<2560xi32, #tpu.memory_space<vmem>>
      %dma_start3A_87 = tpu.memref_slice %arg4[%mul3A_78] : memref<320000xi32, #tpu.memory_space<hbm>> -> memref<2560xi32, #tpu.memory_space<hbm>>
      tpu.enqueue_dma source(%dma_start3A_87 : memref<2560xi32, #tpu.memory_space<hbm>>) target(%dma_start3A_86 : memref<2560xi32, #tpu.memory_space<vmem>>) target_semaphore(%arg13 : memref<!tpu.dma_semaphore, #tpu.memory_space<semaphore_mem>>)
      %add3A_88 = arith.constant 1 : i32
      %add3A_89 = arith.addi %mul3A_74, %add3A_88 : i32
      %mul3A_90 = arith.constant 2560 : i32
      %mul3A_91 = arith.muli %add3A_89, %mul3A_90 : i32
      %dma_start3A_92 = arith.constant 1 : i32
      %dma_start3A_93 = arith.constant 0 : i32
      %dma_start3A_94 = tpu.memref_slice %arg11[%dma_start3A_92, %dma_start3A_93] : memref<2x2560xi32, #tpu.memory_space<vmem>> -> memref<1x2560xi32, #tpu.memory_space<vmem>>
      %dma_start3A_95 = tpu.memref_squeeze %dma_start3A_94 : memref<1x2560xi32, #tpu.memory_space<vmem>> -> memref<2560xi32, #tpu.memory_space<vmem>>
      %dma_start3A_96 = tpu.memref_slice %arg5[%mul3A_91] : memref<320000xi32, #tpu.memory_space<hbm>> -> memref<2560xi32, #tpu.memory_space<hbm>>
      %dma_start3A_97 = arith.constant 0 : i32
      %dma_start3A_98 = tpu.memref_slice %arg11[%dma_start3A_92, %dma_start3A_97] : memref<2x2560xi32, #tpu.memory_space<vmem>> -> memref<1x2560xi32, #tpu.memory_space<vmem>>
      %dma_start3A_99 = tpu.memref_squeeze %dma_start3A_98 : memref<1x2560xi32, #tpu.memory_space<vmem>> -> memref<2560xi32, #tpu.memory_space<vmem>>
      %dma_start3A_100 = tpu.memref_slice %arg5[%mul3A_91] : memref<320000xi32, #tpu.memory_space<hbm>> -> memref<2560xi32, #tpu.memory_space<hbm>>
      tpu.enqueue_dma source(%dma_start3A_100 : memref<2560xi32, #tpu.memory_space<hbm>>) target(%dma_start3A_99 : memref<2560xi32, #tpu.memory_space<vmem>>) target_semaphore(%arg13 : memref<!tpu.dma_semaphore, #tpu.memory_space<semaphore_mem>>)
      %dma_wait3A_101 = arith.constant 0 : i32
      %dma_wait3A_102 = arith.constant 0 : i32
      %dma_wait3A_103 = tpu.memref_slice %arg10[%dma_wait3A_101, %dma_wait3A_102] : memref<2x2560xi32, #tpu.memory_space<vmem>> -> memref<1x2560xi32, #tpu.memory_space<vmem>>
      %dma_wait3A_104 = tpu.memref_squeeze %dma_wait3A_103 : memref<1x2560xi32, #tpu.memory_space<vmem>> -> memref<2560xi32, #tpu.memory_space<vmem>>
      %dma_wait3A_105 = arith.constant 0 : i32
      %dma_wait3A_106 = tpu.memref_slice %arg4[%dma_wait3A_105] : memref<320000xi32, #tpu.memory_space<hbm>> -> memref<2560xi32, #tpu.memory_space<hbm>>
      %dma_wait3A_107 = arith.constant 0 : i32
      %dma_wait3A_108 = tpu.memref_slice %arg10[%dma_wait3A_101, %dma_wait3A_107] : memref<2x2560xi32, #tpu.memory_space<vmem>> -> memref<1x2560xi32, #tpu.memory_space<vmem>>
      %dma_wait3A_109 = tpu.memref_squeeze %dma_wait3A_108 : memref<1x2560xi32, #tpu.memory_space<vmem>> -> memref<2560xi32, #tpu.memory_space<vmem>>
      %dma_wait3A_110 = arith.constant 0 : i32
      %dma_wait3A_111 = tpu.memref_slice %arg4[%dma_wait3A_110] : memref<320000xi32, #tpu.memory_space<hbm>> -> memref<2560xi32, #tpu.memory_space<hbm>>
      tpu.wait_dma2 semaphore(%arg12 : memref<!tpu.dma_semaphore, #tpu.memory_space<semaphore_mem>>) src(%dma_wait3A_111 : memref<2560xi32, #tpu.memory_space<hbm>>) dst(%dma_wait3A_109 : memref<2560xi32, #tpu.memory_space<vmem>>)
      %dma_wait3A_112 = arith.constant 0 : i32
      %dma_wait3A_113 = arith.constant 0 : i32
      %dma_wait3A_114 = tpu.memref_slice %arg11[%dma_wait3A_112, %dma_wait3A_113] : memref<2x2560xi32, #tpu.memory_space<vmem>> -> memref<1x2560xi32, #tpu.memory_space<vmem>>
      %dma_wait3A_115 = tpu.memref_squeeze %dma_wait3A_114 : memref<1x2560xi32, #tpu.memory_space<vmem>> -> memref<2560xi32, #tpu.memory_space<vmem>>
      %dma_wait3A_116 = arith.constant 0 : i32
      %dma_wait3A_117 = tpu.memref_slice %arg5[%dma_wait3A_116] : memref<320000xi32, #tpu.memory_space<hbm>> -> memref<2560xi32, #tpu.memory_space<hbm>>
      %dma_wait3A_118 = arith.constant 0 : i32
      %dma_wait3A_119 = tpu.memref_slice %arg11[%dma_wait3A_112, %dma_wait3A_118] : memref<2x2560xi32, #tpu.memory_space<vmem>> -> memref<1x2560xi32, #tpu.memory_space<vmem>>
      %dma_wait3A_120 = tpu.memref_squeeze %dma_wait3A_119 : memref<1x2560xi32, #tpu.memory_space<vmem>> -> memref<2560xi32, #tpu.memory_space<vmem>>
      %dma_wait3A_121 = arith.constant 0 : i32
      %dma_wait3A_122 = tpu.memref_slice %arg5[%dma_wait3A_121] : memref<320000xi32, #tpu.memory_space<hbm>> -> memref<2560xi32, #tpu.memory_space<hbm>>
      tpu.wait_dma2 semaphore(%arg12 : memref<!tpu.dma_semaphore, #tpu.memory_space<semaphore_mem>>) src(%dma_wait3A_122 : memref<2560xi32, #tpu.memory_space<hbm>>) dst(%dma_wait3A_120 : memref<2560xi32, #tpu.memory_space<vmem>>)
      %parallel_loop3A_123 = arith.constant 0 : i32
      %parallel_loop3A_124 = arith.constant 160 : i32
      %parallel_loop3A_125 = arith.constant 1 : i32
      scf.for %parallel_loop3A_161 = %parallel_loop3A_123 to %parallel_loop3A_124 step %parallel_loop3A_125  : i32 {
        %parallel_loop3A_162 = arith.constant 16 : i32
        %parallel_loop3A_163 = arith.muli %parallel_loop3A_161, %parallel_loop3A_162 : i32
        %parallel_loop3A_164 = arith.constant 0 : i32
        %parallel_loop3A_165 = arith.index_cast %parallel_loop3A_164 : i32 to index
        %parallel_loop3A_166 = arith.index_cast %parallel_loop3A_163 : i32 to index
        %parallel_loop3A_167 = tpu.vector_load %arg10[%parallel_loop3A_165, %parallel_loop3A_166] {strides = array<i32>} : memref<2x2560xi32, #tpu.memory_space<vmem>>, vector<16xi32>,
        %parallel_loop3A_168 = arith.constant 16 : i32
        %parallel_loop3A_169 = arith.muli %parallel_loop3A_161, %parallel_loop3A_168 : i32
        %parallel_loop3A_170 = arith.constant 0 : i32
        %parallel_loop3A_171 = arith.index_cast %parallel_loop3A_170 : i32 to index
        %parallel_loop3A_172 = arith.index_cast %parallel_loop3A_169 : i32 to index
        %parallel_loop3A_173 = tpu.vector_load %arg11[%parallel_loop3A_171, %parallel_loop3A_172] {strides = array<i32>} : memref<2x2560xi32, #tpu.memory_space<vmem>>, vector<16xi32>,
        %parallel_loop3A_174 = tpu.vector_load_idx %arg8[%broadcast_in_dim3A_13, %parallel_loop3A_167] : memref<2x10000xf32, #tpu.memory_space<vmem>>[vector<16xi32>, vector<16xi32>], vector<16xf32>,
        %parallel_loop3A_175 = arith.constant 1 : i32
        %parallel_loop3A_176 = vector.broadcast %parallel_loop3A_175 : i32 to vector<16xi32>
        %parallel_loop3A_177 = arith.addi %broadcast_in_dim3A_13, %parallel_loop3A_176 : vector<16xi32>
        %parallel_loop3A_178 = tpu.vector_load_idx %arg8[%parallel_loop3A_177, %parallel_loop3A_173] : memref<2x10000xf32, #tpu.memory_space<vmem>>[vector<16xi32>, vector<16xi32>], vector<16xf32>,
        %parallel_loop3A_179 = arith.addf %parallel_loop3A_174, %parallel_loop3A_178 : vector<16xf32>
        %parallel_loop3A_180 = arith.constant 0.000000e+00 : f32
        %parallel_loop3A_181 = vector.broadcast %parallel_loop3A_180 : f32 to vector<16xf32>
        %parallel_loop3A_182 = arith.cmpf oge, %parallel_loop3A_179, %parallel_loop3A_181 : vector<16xf32>
        %parallel_loop3A_183 = arith.constant 2.000000e-01 : f32
        %parallel_loop3A_184 = vector.broadcast %parallel_loop3A_183 : f32 to vector<16xf32>
        %parallel_loop3A_185 = arith.mulf %parallel_loop3A_184, %parallel_loop3A_179 : vector<16xf32>
        %parallel_loop3A_186 = arith.select %parallel_loop3A_182, %parallel_loop3A_179, %parallel_loop3A_185 : vector<16xi1>, vector<16xf32>
        %parallel_loop3A_187 = math.exp %parallel_loop3A_186 : vector<16xf32>
        %parallel_loop3A_188 = arith.constant 0 : i32
        %parallel_loop3A_189 = vector.broadcast %parallel_loop3A_188 : i32 to vector<16xi32>
        %parallel_loop3A_190 = arith.addi %broadcast_in_dim3A_13, %parallel_loop3A_189 : vector<16xi32>
        %parallel_loop3A_191 = tpu.vector_load_idx %arg7[%parallel_loop3A_190, %parallel_loop3A_167] : memref<2x10000xf32, #tpu.memory_space<vmem>>[vector<16xi32>, vector<16xi32>], vector<16xf32>,
        %parallel_loop3A_192 = arith.constant 0 : i32
        %parallel_loop3A_193 = vector.broadcast %parallel_loop3A_192 : i32 to vector<16xi32>
        %parallel_loop3A_194 = arith.addi %broadcast_in_dim3A_13, %parallel_loop3A_193 : vector<16xi32>
        %parallel_loop3A_195 = arith.mulf %parallel_loop3A_191, %parallel_loop3A_187 : vector<16xf32>
        tpu.vector_store_idx %arg9[%parallel_loop3A_194, %parallel_loop3A_173], %parallel_loop3A_195 {add = true} : memref<3x10000xf32, #tpu.memory_space<vmem>>[vector<16xi32>, vector<16xi32>], vector<16xf32>,
        %parallel_loop3A_196 = arith.constant 1 : i32
        %parallel_loop3A_197 = vector.broadcast %parallel_loop3A_196 : i32 to vector<16xi32>
        %parallel_loop3A_198 = arith.addi %broadcast_in_dim3A_13, %parallel_loop3A_197 : vector<16xi32>
        %parallel_loop3A_199 = tpu.vector_load_idx %arg7[%parallel_loop3A_198, %parallel_loop3A_167] : memref<2x10000xf32, #tpu.memory_space<vmem>>[vector<16xi32>, vector<16xi32>], vector<16xf32>,
        %parallel_loop3A_200 = arith.constant 1 : i32
        %parallel_loop3A_201 = vector.broadcast %parallel_loop3A_200 : i32 to vector<16xi32>
        %parallel_loop3A_202 = arith.addi %broadcast_in_dim3A_13, %parallel_loop3A_201 : vector<16xi32>
        %parallel_loop3A_203 = arith.mulf %parallel_loop3A_199, %parallel_loop3A_187 : vector<16xf32>
        tpu.vector_store_idx %arg9[%parallel_loop3A_202, %parallel_loop3A_173], %parallel_loop3A_203 {add = true} : memref<3x10000xf32, #tpu.memory_space<vmem>>[vector<16xi32>, vector<16xi32>], vector<16xf32>,
      } {sc.loop_unroll_factor = 8 : i64, sc.parallel_access}
      %parallel_loop3A_126 = arith.constant 0 : i32
      %parallel_loop3A_127 = arith.constant 5 : i32
      %parallel_loop3A_128 = arith.constant 1 : i32
      scf.for %parallel_loop3A_161 = %parallel_loop3A_126 to %parallel_loop3A_127 step %parallel_loop3A_128  : i32 {
        %parallel_loop3A_162 = arith.addi %mul3A_18, %parallel_loop3A_161 : i32
        %parallel_loop3A_163 = arith.constant 16 : i32
        %parallel_loop3A_164 = arith.muli %parallel_loop3A_162, %parallel_loop3A_163 : i32
        %parallel_loop3A_165 = arith.constant 0 : i32
        %parallel_loop3A_166 = arith.index_cast %parallel_loop3A_165 : i32 to index
        %parallel_loop3A_167 = arith.index_cast %parallel_loop3A_164 : i32 to index
        %parallel_loop3A_168 = tpu.vector_load %arg10[%parallel_loop3A_166, %parallel_loop3A_167] {strides = array<i32>} : memref<2x2560xi32, #tpu.memory_space<vmem>>, vector<16xi32>,
        %parallel_loop3A_169 = arith.constant 16 : i32
        %parallel_loop3A_170 = arith.muli %parallel_loop3A_162, %parallel_loop3A_169 : i32
        %parallel_loop3A_171 = arith.constant 0 : i32
        %parallel_loop3A_172 = arith.index_cast %parallel_loop3A_171 : i32 to index
        %parallel_loop3A_173 = arith.index_cast %parallel_loop3A_170 : i32 to index
        %parallel_loop3A_174 = tpu.vector_load %arg11[%parallel_loop3A_172, %parallel_loop3A_173] {strides = array<i32>} : memref<2x2560xi32, #tpu.memory_space<vmem>>, vector<16xi32>,
        %parallel_loop3A_175 = tpu.vector_load_idx %arg8[%broadcast_in_dim3A_13, %parallel_loop3A_168] : memref<2x10000xf32, #tpu.memory_space<vmem>>[vector<16xi32>, vector<16xi32>], vector<16xf32>,
        %parallel_loop3A_176 = arith.constant 1 : i32
        %parallel_loop3A_177 = vector.broadcast %parallel_loop3A_176 : i32 to vector<16xi32>
        %parallel_loop3A_178 = arith.addi %broadcast_in_dim3A_13, %parallel_loop3A_177 : vector<16xi32>
        %parallel_loop3A_179 = tpu.vector_load_idx %arg8[%parallel_loop3A_178, %parallel_loop3A_174] : memref<2x10000xf32, #tpu.memory_space<vmem>>[vector<16xi32>, vector<16xi32>], vector<16xf32>,
        %parallel_loop3A_180 = arith.addf %parallel_loop3A_175, %parallel_loop3A_179 : vector<16xf32>
        %parallel_loop3A_181 = arith.constant 0.000000e+00 : f32
        %parallel_loop3A_182 = vector.broadcast %parallel_loop3A_181 : f32 to vector<16xf32>
        %parallel_loop3A_183 = arith.cmpf oge, %parallel_loop3A_180, %parallel_loop3A_182 : vector<16xf32>
        %parallel_loop3A_184 = arith.constant 2.000000e-01 : f32
        %parallel_loop3A_185 = vector.broadcast %parallel_loop3A_184 : f32 to vector<16xf32>
        %parallel_loop3A_186 = arith.mulf %parallel_loop3A_185, %parallel_loop3A_180 : vector<16xf32>
        %parallel_loop3A_187 = arith.select %parallel_loop3A_183, %parallel_loop3A_180, %parallel_loop3A_186 : vector<16xi1>, vector<16xf32>
        %parallel_loop3A_188 = math.exp %parallel_loop3A_187 : vector<16xf32>
        %parallel_loop3A_189 = arith.constant 2 : i32
        %parallel_loop3A_190 = vector.broadcast %parallel_loop3A_189 : i32 to vector<16xi32>
        %parallel_loop3A_191 = arith.addi %broadcast_in_dim3A_13, %parallel_loop3A_190 : vector<16xi32>
        tpu.vector_store_idx %arg9[%parallel_loop3A_191, %parallel_loop3A_174], %parallel_loop3A_188 {add = true} : memref<3x10000xf32, #tpu.memory_space<vmem>>[vector<16xi32>, vector<16xi32>], vector<16xf32>,
      } {sc.loop_unroll_factor = 2 : i64, sc.parallel_access}
      %add3A_129 = arith.constant 2 : i32
      %add3A_130 = arith.addi %mul3A_74, %add3A_129 : i32
      %lt3A = arith.constant 125 : i32
      %lt3A_131 = arith.cmpi slt, %add3A_130, %lt3A : i32
      %convert_element_type3A = arith.extui %lt3A_131 : i1 to i32
      %cond3A = arith.constant 0 : i32
      %cond3A_132 = arith.cmpi ne, %convert_element_type3A, %cond3A : i32
      scf.if %cond3A_132 {
        %add3A_161 = arith.constant 2 : i32
        %add3A_162 = arith.addi %mul3A_74, %add3A_161 : i32
        %mul3A_163 = arith.constant 2560 : i32
        %mul3A_164 = arith.muli %add3A_162, %mul3A_163 : i32
        %dma_start3A_165 = arith.constant 0 : i32
        %dma_start3A_166 = arith.constant 0 : i32
        %dma_start3A_167 = tpu.memref_slice %arg10[%dma_start3A_165, %dma_start3A_166] : memref<2x2560xi32, #tpu.memory_space<vmem>> -> memref<1x2560xi32, #tpu.memory_space<vmem>>
        %dma_start3A_168 = tpu.memref_squeeze %dma_start3A_167 : memref<1x2560xi32, #tpu.memory_space<vmem>> -> memref<2560xi32, #tpu.memory_space<vmem>>
        %dma_start3A_169 = tpu.memref_slice %arg4[%mul3A_164] : memref<320000xi32, #tpu.memory_space<hbm>> -> memref<2560xi32, #tpu.memory_space<hbm>>
        %dma_start3A_170 = arith.constant 0 : i32
        %dma_start3A_171 = tpu.memref_slice %arg10[%dma_start3A_165, %dma_start3A_170] : memref<2x2560xi32, #tpu.memory_space<vmem>> -> memref<1x2560xi32, #tpu.memory_space<vmem>>
        %dma_start3A_172 = tpu.memref_squeeze %dma_start3A_171 : memref<1x2560xi32, #tpu.memory_space<vmem>> -> memref<2560xi32, #tpu.memory_space<vmem>>
        %dma_start3A_173 = tpu.memref_slice %arg4[%mul3A_164] : memref<320000xi32, #tpu.memory_space<hbm>> -> memref<2560xi32, #tpu.memory_space<hbm>>
        tpu.enqueue_dma source(%dma_start3A_173 : memref<2560xi32, #tpu.memory_space<hbm>>) target(%dma_start3A_172 : memref<2560xi32, #tpu.memory_space<vmem>>) target_semaphore(%arg12 : memref<!tpu.dma_semaphore, #tpu.memory_space<semaphore_mem>>)
        %add3A_174 = arith.constant 2 : i32
        %add3A_175 = arith.addi %mul3A_74, %add3A_174 : i32
        %mul3A_176 = arith.constant 2560 : i32
        %mul3A_177 = arith.muli %add3A_175, %mul3A_176 : i32
        %dma_start3A_178 = arith.constant 0 : i32
        %dma_start3A_179 = arith.constant 0 : i32
        %dma_start3A_180 = tpu.memref_slice %arg11[%dma_start3A_178, %dma_start3A_179] : memref<2x2560xi32, #tpu.memory_space<vmem>> -> memref<1x2560xi32, #tpu.memory_space<vmem>>
        %dma_start3A_181 = tpu.memref_squeeze %dma_start3A_180 : memref<1x2560xi32, #tpu.memory_space<vmem>> -> memref<2560xi32, #tpu.memory_space<vmem>>
        %dma_start3A_182 = tpu.memref_slice %arg5[%mul3A_177] : memref<320000xi32, #tpu.memory_space<hbm>> -> memref<2560xi32, #tpu.memory_space<hbm>>
        %dma_start3A_183 = arith.constant 0 : i32
        %dma_start3A_184 = tpu.memref_slice %arg11[%dma_start3A_178, %dma_start3A_183] : memref<2x2560xi32, #tpu.memory_space<vmem>> -> memref<1x2560xi32, #tpu.memory_space<vmem>>
        %dma_start3A_185 = tpu.memref_squeeze %dma_start3A_184 : memref<1x2560xi32, #tpu.memory_space<vmem>> -> memref<2560xi32, #tpu.memory_space<vmem>>
        %dma_start3A_186 = tpu.memref_slice %arg5[%mul3A_177] : memref<320000xi32, #tpu.memory_space<hbm>> -> memref<2560xi32, #tpu.memory_space<hbm>>
        tpu.enqueue_dma source(%dma_start3A_186 : memref<2560xi32, #tpu.memory_space<hbm>>) target(%dma_start3A_185 : memref<2560xi32, #tpu.memory_space<vmem>>) target_semaphore(%arg12 : memref<!tpu.dma_semaphore, #tpu.memory_space<semaphore_mem>>)
      } else {
      }
      %dma_wait3A_133 = arith.constant 1 : i32
      %dma_wait3A_134 = arith.constant 0 : i32
      %dma_wait3A_135 = tpu.memref_slice %arg10[%dma_wait3A_133, %dma_wait3A_134] : memref<2x2560xi32, #tpu.memory_space<vmem>> -> memref<1x2560xi32, #tpu.memory_space<vmem>>
      %dma_wait3A_136 = tpu.memref_squeeze %dma_wait3A_135 : memref<1x2560xi32, #tpu.memory_space<vmem>> -> memref<2560xi32, #tpu.memory_space<vmem>>
      %dma_wait3A_137 = arith.constant 0 : i32
      %dma_wait3A_138 = tpu.memref_slice %arg4[%dma_wait3A_137] : memref<320000xi32, #tpu.memory_space<hbm>> -> memref<2560xi32, #tpu.memory_space<hbm>>
      %dma_wait3A_139 = arith.constant 0 : i32
      %dma_wait3A_140 = tpu.memref_slice %arg10[%dma_wait3A_133, %dma_wait3A_139] : memref<2x2560xi32, #tpu.memory_space<vmem>> -> memref<1x2560xi32, #tpu.memory_space<vmem>>
      %dma_wait3A_141 = tpu.memref_squeeze %dma_wait3A_140 : memref<1x2560xi32, #tpu.memory_space<vmem>> -> memref<2560xi32, #tpu.memory_space<vmem>>
      %dma_wait3A_142 = arith.constant 0 : i32
      %dma_wait3A_143 = tpu.memref_slice %arg4[%dma_wait3A_142] : memref<320000xi32, #tpu.memory_space<hbm>> -> memref<2560xi32, #tpu.memory_space<hbm>>
      tpu.wait_dma2 semaphore(%arg13 : memref<!tpu.dma_semaphore, #tpu.memory_space<semaphore_mem>>) src(%dma_wait3A_143 : memref<2560xi32, #tpu.memory_space<hbm>>) dst(%dma_wait3A_141 : memref<2560xi32, #tpu.memory_space<vmem>>)
      %dma_wait3A_144 = arith.constant 1 : i32
      %dma_wait3A_145 = arith.constant 0 : i32
      %dma_wait3A_146 = tpu.memref_slice %arg11[%dma_wait3A_144, %dma_wait3A_145] : memref<2x2560xi32, #tpu.memory_space<vmem>> -> memref<1x2560xi32, #tpu.memory_space<vmem>>
      %dma_wait3A_147 = tpu.memref_squeeze %dma_wait3A_146 : memref<1x2560xi32, #tpu.memory_space<vmem>> -> memref<2560xi32, #tpu.memory_space<vmem>>
      %dma_wait3A_148 = arith.constant 0 : i32
      %dma_wait3A_149 = tpu.memref_slice %arg5[%dma_wait3A_148] : memref<320000xi32, #tpu.memory_space<hbm>> -> memref<2560xi32, #tpu.memory_space<hbm>>
      %dma_wait3A_150 = arith.constant 0 : i32
      %dma_wait3A_151 = tpu.memref_slice %arg11[%dma_wait3A_144, %dma_wait3A_150] : memref<2x2560xi32, #tpu.memory_space<vmem>> -> memref<1x2560xi32, #tpu.memory_space<vmem>>
      %dma_wait3A_152 = tpu.memref_squeeze %dma_wait3A_151 : memref<1x2560xi32, #tpu.memory_space<vmem>> -> memref<2560xi32, #tpu.memory_space<vmem>>
      %dma_wait3A_153 = arith.constant 0 : i32
      %dma_wait3A_154 = tpu.memref_slice %arg5[%dma_wait3A_153] : memref<320000xi32, #tpu.memory_space<hbm>> -> memref<2560xi32, #tpu.memory_space<hbm>>
      tpu.wait_dma2 semaphore(%arg13 : memref<!tpu.dma_semaphore, #tpu.memory_space<semaphore_mem>>) src(%dma_wait3A_154 : memref<2560xi32, #tpu.memory_space<hbm>>) dst(%dma_wait3A_152 : memref<2560xi32, #tpu.memory_space<vmem>>)
      %parallel_loop3A_155 = arith.constant 0 : i32
      %parallel_loop3A_156 = arith.constant 160 : i32
      %parallel_loop3A_157 = arith.constant 1 : i32
      scf.for %parallel_loop3A_161 = %parallel_loop3A_155 to %parallel_loop3A_156 step %parallel_loop3A_157  : i32 {
        %parallel_loop3A_162 = arith.constant 16 : i32
        %parallel_loop3A_163 = arith.muli %parallel_loop3A_161, %parallel_loop3A_162 : i32
        %parallel_loop3A_164 = arith.constant 1 : i32
        %parallel_loop3A_165 = arith.index_cast %parallel_loop3A_164 : i32 to index
        %parallel_loop3A_166 = arith.index_cast %parallel_loop3A_163 : i32 to index
        %parallel_loop3A_167 = tpu.vector_load %arg10[%parallel_loop3A_165, %parallel_loop3A_166] {strides = array<i32>} : memref<2x2560xi32, #tpu.memory_space<vmem>>, vector<16xi32>,
        %parallel_loop3A_168 = arith.constant 16 : i32
        %parallel_loop3A_169 = arith.muli %parallel_loop3A_161, %parallel_loop3A_168 : i32
        %parallel_loop3A_170 = arith.constant 1 : i32
        %parallel_loop3A_171 = arith.index_cast %parallel_loop3A_170 : i32 to index
        %parallel_loop3A_172 = arith.index_cast %parallel_loop3A_169 : i32 to index
        %parallel_loop3A_173 = tpu.vector_load %arg11[%parallel_loop3A_171, %parallel_loop3A_172] {strides = array<i32>} : memref<2x2560xi32, #tpu.memory_space<vmem>>, vector<16xi32>,
        %parallel_loop3A_174 = tpu.vector_load_idx %arg8[%broadcast_in_dim3A_13, %parallel_loop3A_167] : memref<2x10000xf32, #tpu.memory_space<vmem>>[vector<16xi32>, vector<16xi32>], vector<16xf32>,
        %parallel_loop3A_175 = arith.constant 1 : i32
        %parallel_loop3A_176 = vector.broadcast %parallel_loop3A_175 : i32 to vector<16xi32>
        %parallel_loop3A_177 = arith.addi %broadcast_in_dim3A_13, %parallel_loop3A_176 : vector<16xi32>
        %parallel_loop3A_178 = tpu.vector_load_idx %arg8[%parallel_loop3A_177, %parallel_loop3A_173] : memref<2x10000xf32, #tpu.memory_space<vmem>>[vector<16xi32>, vector<16xi32>], vector<16xf32>,
        %parallel_loop3A_179 = arith.addf %parallel_loop3A_174, %parallel_loop3A_178 : vector<16xf32>
        %parallel_loop3A_180 = arith.constant 0.000000e+00 : f32
        %parallel_loop3A_181 = vector.broadcast %parallel_loop3A_180 : f32 to vector<16xf32>
        %parallel_loop3A_182 = arith.cmpf oge, %parallel_loop3A_179, %parallel_loop3A_181 : vector<16xf32>
        %parallel_loop3A_183 = arith.constant 2.000000e-01 : f32
        %parallel_loop3A_184 = vector.broadcast %parallel_loop3A_183 : f32 to vector<16xf32>
        %parallel_loop3A_185 = arith.mulf %parallel_loop3A_184, %parallel_loop3A_179 : vector<16xf32>
        %parallel_loop3A_186 = arith.select %parallel_loop3A_182, %parallel_loop3A_179, %parallel_loop3A_185 : vector<16xi1>, vector<16xf32>
        %parallel_loop3A_187 = math.exp %parallel_loop3A_186 : vector<16xf32>
        %parallel_loop3A_188 = arith.constant 0 : i32
        %parallel_loop3A_189 = vector.broadcast %parallel_loop3A_188 : i32 to vector<16xi32>
        %parallel_loop3A_190 = arith.addi %broadcast_in_dim3A_13, %parallel_loop3A_189 : vector<16xi32>
        %parallel_loop3A_191 = tpu.vector_load_idx %arg7[%parallel_loop3A_190, %parallel_loop3A_167] : memref<2x10000xf32, #tpu.memory_space<vmem>>[vector<16xi32>, vector<16xi32>], vector<16xf32>,
        %parallel_loop3A_192 = arith.constant 0 : i32
        %parallel_loop3A_193 = vector.broadcast %parallel_loop3A_192 : i32 to vector<16xi32>
        %parallel_loop3A_194 = arith.addi %broadcast_in_dim3A_13, %parallel_loop3A_193 : vector<16xi32>
        %parallel_loop3A_195 = arith.mulf %parallel_loop3A_191, %parallel_loop3A_187 : vector<16xf32>
        tpu.vector_store_idx %arg9[%parallel_loop3A_194, %parallel_loop3A_173], %parallel_loop3A_195 {add = true} : memref<3x10000xf32, #tpu.memory_space<vmem>>[vector<16xi32>, vector<16xi32>], vector<16xf32>,
        %parallel_loop3A_196 = arith.constant 1 : i32
        %parallel_loop3A_197 = vector.broadcast %parallel_loop3A_196 : i32 to vector<16xi32>
        %parallel_loop3A_198 = arith.addi %broadcast_in_dim3A_13, %parallel_loop3A_197 : vector<16xi32>
        %parallel_loop3A_199 = tpu.vector_load_idx %arg7[%parallel_loop3A_198, %parallel_loop3A_167] : memref<2x10000xf32, #tpu.memory_space<vmem>>[vector<16xi32>, vector<16xi32>], vector<16xf32>,
        %parallel_loop3A_200 = arith.constant 1 : i32
        %parallel_loop3A_201 = vector.broadcast %parallel_loop3A_200 : i32 to vector<16xi32>
        %parallel_loop3A_202 = arith.addi %broadcast_in_dim3A_13, %parallel_loop3A_201 : vector<16xi32>
        %parallel_loop3A_203 = arith.mulf %parallel_loop3A_199, %parallel_loop3A_187 : vector<16xf32>
        tpu.vector_store_idx %arg9[%parallel_loop3A_202, %parallel_loop3A_173], %parallel_loop3A_203 {add = true} : memref<3x10000xf32, #tpu.memory_space<vmem>>[vector<16xi32>, vector<16xi32>], vector<16xf32>,
      } {sc.loop_unroll_factor = 8 : i64, sc.parallel_access}
      %parallel_loop3A_158 = arith.constant 0 : i32
      %parallel_loop3A_159 = arith.constant 5 : i32
      %parallel_loop3A_160 = arith.constant 1 : i32
      scf.for %parallel_loop3A_161 = %parallel_loop3A_158 to %parallel_loop3A_159 step %parallel_loop3A_160  : i32 {
        %parallel_loop3A_162 = arith.addi %mul3A_18, %parallel_loop3A_161 : i32
        %parallel_loop3A_163 = arith.constant 16 : i32
        %parallel_loop3A_164 = arith.muli %parallel_loop3A_162, %parallel_loop3A_163 : i32
        %parallel_loop3A_165 = arith.constant 1 : i32
        %parallel_loop3A_166 = arith.index_cast %parallel_loop3A_165 : i32 to index
        %parallel_loop3A_167 = arith.index_cast %parallel_loop3A_164 : i32 to index
        %parallel_loop3A_168 = tpu.vector_load %arg10[%parallel_loop3A_166, %parallel_loop3A_167] {strides = array<i32>} : memref<2x2560xi32, #tpu.memory_space<vmem>>, vector<16xi32>,
        %parallel_loop3A_169 = arith.constant 16 : i32
        %parallel_loop3A_170 = arith.muli %parallel_loop3A_162, %parallel_loop3A_169 : i32
        %parallel_loop3A_171 = arith.constant 1 : i32
        %parallel_loop3A_172 = arith.index_cast %parallel_loop3A_171 : i32 to index
        %parallel_loop3A_173 = arith.index_cast %parallel_loop3A_170 : i32 to index
        %parallel_loop3A_174 = tpu.vector_load %arg11[%parallel_loop3A_172, %parallel_loop3A_173] {strides = array<i32>} : memref<2x2560xi32, #tpu.memory_space<vmem>>, vector<16xi32>,
        %parallel_loop3A_175 = tpu.vector_load_idx %arg8[%broadcast_in_dim3A_13, %parallel_loop3A_168] : memref<2x10000xf32, #tpu.memory_space<vmem>>[vector<16xi32>, vector<16xi32>], vector<16xf32>,
        %parallel_loop3A_176 = arith.constant 1 : i32
        %parallel_loop3A_177 = vector.broadcast %parallel_loop3A_176 : i32 to vector<16xi32>
        %parallel_loop3A_178 = arith.addi %broadcast_in_dim3A_13, %parallel_loop3A_177 : vector<16xi32>
        %parallel_loop3A_179 = tpu.vector_load_idx %arg8[%parallel_loop3A_178, %parallel_loop3A_174] : memref<2x10000xf32, #tpu.memory_space<vmem>>[vector<16xi32>, vector<16xi32>], vector<16xf32>,
        %parallel_loop3A_180 = arith.addf %parallel_loop3A_175, %parallel_loop3A_179 : vector<16xf32>
        %parallel_loop3A_181 = arith.constant 0.000000e+00 : f32
        %parallel_loop3A_182 = vector.broadcast %parallel_loop3A_181 : f32 to vector<16xf32>
        %parallel_loop3A_183 = arith.cmpf oge, %parallel_loop3A_180, %parallel_loop3A_182 : vector<16xf32>
        %parallel_loop3A_184 = arith.constant 2.000000e-01 : f32
        %parallel_loop3A_185 = vector.broadcast %parallel_loop3A_184 : f32 to vector<16xf32>
        %parallel_loop3A_186 = arith.mulf %parallel_loop3A_185, %parallel_loop3A_180 : vector<16xf32>
        %parallel_loop3A_187 = arith.select %parallel_loop3A_183, %parallel_loop3A_180, %parallel_loop3A_186 : vector<16xi1>, vector<16xf32>
        %parallel_loop3A_188 = math.exp %parallel_loop3A_187 : vector<16xf32>
        %parallel_loop3A_189 = arith.constant 2 : i32
        %parallel_loop3A_190 = vector.broadcast %parallel_loop3A_189 : i32 to vector<16xi32>
        %parallel_loop3A_191 = arith.addi %broadcast_in_dim3A_13, %parallel_loop3A_190 : vector<16xi32>
        tpu.vector_store_idx %arg9[%parallel_loop3A_191, %parallel_loop3A_174], %parallel_loop3A_188 {add = true} : memref<3x10000xf32, #tpu.memory_space<vmem>>[vector<16xi32>, vector<16xi32>], vector<16xf32>,
      } {sc.loop_unroll_factor = 2 : i64, sc.parallel_access}
    }
    %scan3A_45 = arith.constant 62 : i32
    %dma_wait3A = arith.constant 0 : i32
    %dma_wait3A_46 = arith.constant 0 : i32
    %dma_wait3A_47 = tpu.memref_slice %arg10[%dma_wait3A, %dma_wait3A_46] : memref<2x2560xi32, #tpu.memory_space<vmem>> -> memref<1x2560xi32, #tpu.memory_space<vmem>>
    %dma_wait3A_48 = tpu.memref_squeeze %dma_wait3A_47 : memref<1x2560xi32, #tpu.memory_space<vmem>> -> memref<2560xi32, #tpu.memory_space<vmem>>
    %dma_wait3A_49 = arith.constant 0 : i32
    %dma_wait3A_50 = tpu.memref_slice %arg4[%dma_wait3A_49] : memref<320000xi32, #tpu.memory_space<hbm>> -> memref<2560xi32, #tpu.memory_space<hbm>>
    %dma_wait3A_51 = arith.constant 0 : i32
    %dma_wait3A_52 = tpu.memref_slice %arg10[%dma_wait3A, %dma_wait3A_51] : memref<2x2560xi32, #tpu.memory_space<vmem>> -> memref<1x2560xi32, #tpu.memory_space<vmem>>
    %dma_wait3A_53 = tpu.memref_squeeze %dma_wait3A_52 : memref<1x2560xi32, #tpu.memory_space<vmem>> -> memref<2560xi32, #tpu.memory_space<vmem>>
    %dma_wait3A_54 = arith.constant 0 : i32
    %dma_wait3A_55 = tpu.memref_slice %arg4[%dma_wait3A_54] : memref<320000xi32, #tpu.memory_space<hbm>> -> memref<2560xi32, #tpu.memory_space<hbm>>
    tpu.wait_dma2 semaphore(%arg12 : memref<!tpu.dma_semaphore, #tpu.memory_space<semaphore_mem>>) src(%dma_wait3A_55 : memref<2560xi32, #tpu.memory_space<hbm>>) dst(%dma_wait3A_53 : memref<2560xi32, #tpu.memory_space<vmem>>)
    %dma_wait3A_56 = arith.constant 0 : i32
    %dma_wait3A_57 = arith.constant 0 : i32
    %dma_wait3A_58 = tpu.memref_slice %arg11[%dma_wait3A_56, %dma_wait3A_57] : memref<2x2560xi32, #tpu.memory_space<vmem>> -> memref<1x2560xi32, #tpu.memory_space<vmem>>
    %dma_wait3A_59 = tpu.memref_squeeze %dma_wait3A_58 : memref<1x2560xi32, #tpu.memory_space<vmem>> -> memref<2560xi32, #tpu.memory_space<vmem>>
    %dma_wait3A_60 = arith.constant 0 : i32
    %dma_wait3A_61 = tpu.memref_slice %arg5[%dma_wait3A_60] : memref<320000xi32, #tpu.memory_space<hbm>> -> memref<2560xi32, #tpu.memory_space<hbm>>
    %dma_wait3A_62 = arith.constant 0 : i32
    %dma_wait3A_63 = tpu.memref_slice %arg11[%dma_wait3A_56, %dma_wait3A_62] : memref<2x2560xi32, #tpu.memory_space<vmem>> -> memref<1x2560xi32, #tpu.memory_space<vmem>>
    %dma_wait3A_64 = tpu.memref_squeeze %dma_wait3A_63 : memref<1x2560xi32, #tpu.memory_space<vmem>> -> memref<2560xi32, #tpu.memory_space<vmem>>
    %dma_wait3A_65 = arith.constant 0 : i32
    %dma_wait3A_66 = tpu.memref_slice %arg5[%dma_wait3A_65] : memref<320000xi32, #tpu.memory_space<hbm>> -> memref<2560xi32, #tpu.memory_space<hbm>>
    tpu.wait_dma2 semaphore(%arg12 : memref<!tpu.dma_semaphore, #tpu.memory_space<semaphore_mem>>) src(%dma_wait3A_66 : memref<2560xi32, #tpu.memory_space<hbm>>) dst(%dma_wait3A_64 : memref<2560xi32, #tpu.memory_space<vmem>>)
    %parallel_loop3A = arith.constant 0 : i32
    %parallel_loop3A_67 = arith.constant 160 : i32
    %parallel_loop3A_68 = arith.constant 1 : i32
    scf.for %parallel_loop3A_72 = %parallel_loop3A to %parallel_loop3A_67 step %parallel_loop3A_68  : i32 {
      %parallel_loop3A_73 = arith.constant 16 : i32
      %parallel_loop3A_74 = arith.muli %parallel_loop3A_72, %parallel_loop3A_73 : i32
      %parallel_loop3A_75 = arith.constant 0 : i32
      %parallel_loop3A_76 = arith.index_cast %parallel_loop3A_75 : i32 to index
      %parallel_loop3A_77 = arith.index_cast %parallel_loop3A_74 : i32 to index
      %parallel_loop3A_78 = tpu.vector_load %arg10[%parallel_loop3A_76, %parallel_loop3A_77] {strides = array<i32>} : memref<2x2560xi32, #tpu.memory_space<vmem>>, vector<16xi32>,
      %parallel_loop3A_79 = arith.constant 16 : i32
      %parallel_loop3A_80 = arith.muli %parallel_loop3A_72, %parallel_loop3A_79 : i32
      %parallel_loop3A_81 = arith.constant 0 : i32
      %parallel_loop3A_82 = arith.index_cast %parallel_loop3A_81 : i32 to index
      %parallel_loop3A_83 = arith.index_cast %parallel_loop3A_80 : i32 to index
      %parallel_loop3A_84 = tpu.vector_load %arg11[%parallel_loop3A_82, %parallel_loop3A_83] {strides = array<i32>} : memref<2x2560xi32, #tpu.memory_space<vmem>>, vector<16xi32>,
      %parallel_loop3A_85 = tpu.vector_load_idx %arg8[%broadcast_in_dim3A_13, %parallel_loop3A_78] : memref<2x10000xf32, #tpu.memory_space<vmem>>[vector<16xi32>, vector<16xi32>], vector<16xf32>,
      %parallel_loop3A_86 = arith.constant 1 : i32
      %parallel_loop3A_87 = vector.broadcast %parallel_loop3A_86 : i32 to vector<16xi32>
      %parallel_loop3A_88 = arith.addi %broadcast_in_dim3A_13, %parallel_loop3A_87 : vector<16xi32>
      %parallel_loop3A_89 = tpu.vector_load_idx %arg8[%parallel_loop3A_88, %parallel_loop3A_84] : memref<2x10000xf32, #tpu.memory_space<vmem>>[vector<16xi32>, vector<16xi32>], vector<16xf32>,
      %parallel_loop3A_90 = arith.addf %parallel_loop3A_85, %parallel_loop3A_89 : vector<16xf32>
      %parallel_loop3A_91 = arith.constant 0.000000e+00 : f32
      %parallel_loop3A_92 = vector.broadcast %parallel_loop3A_91 : f32 to vector<16xf32>
      %parallel_loop3A_93 = arith.cmpf oge, %parallel_loop3A_90, %parallel_loop3A_92 : vector<16xf32>
      %parallel_loop3A_94 = arith.constant 2.000000e-01 : f32
      %parallel_loop3A_95 = vector.broadcast %parallel_loop3A_94 : f32 to vector<16xf32>
      %parallel_loop3A_96 = arith.mulf %parallel_loop3A_95, %parallel_loop3A_90 : vector<16xf32>
      %parallel_loop3A_97 = arith.select %parallel_loop3A_93, %parallel_loop3A_90, %parallel_loop3A_96 : vector<16xi1>, vector<16xf32>
      %parallel_loop3A_98 = math.exp %parallel_loop3A_97 : vector<16xf32>
      %parallel_loop3A_99 = arith.constant 0 : i32
      %parallel_loop3A_100 = vector.broadcast %parallel_loop3A_99 : i32 to vector<16xi32>
      %parallel_loop3A_101 = arith.addi %broadcast_in_dim3A_13, %parallel_loop3A_100 : vector<16xi32>
      %parallel_loop3A_102 = tpu.vector_load_idx %arg7[%parallel_loop3A_101, %parallel_loop3A_78] : memref<2x10000xf32, #tpu.memory_space<vmem>>[vector<16xi32>, vector<16xi32>], vector<16xf32>,
      %parallel_loop3A_103 = arith.constant 0 : i32
      %parallel_loop3A_104 = vector.broadcast %parallel_loop3A_103 : i32 to vector<16xi32>
      %parallel_loop3A_105 = arith.addi %broadcast_in_dim3A_13, %parallel_loop3A_104 : vector<16xi32>
      %parallel_loop3A_106 = arith.mulf %parallel_loop3A_102, %parallel_loop3A_98 : vector<16xf32>
      tpu.vector_store_idx %arg9[%parallel_loop3A_105, %parallel_loop3A_84], %parallel_loop3A_106 {add = true} : memref<3x10000xf32, #tpu.memory_space<vmem>>[vector<16xi32>, vector<16xi32>], vector<16xf32>,
      %parallel_loop3A_107 = arith.constant 1 : i32
      %parallel_loop3A_108 = vector.broadcast %parallel_loop3A_107 : i32 to vector<16xi32>
      %parallel_loop3A_109 = arith.addi %broadcast_in_dim3A_13, %parallel_loop3A_108 : vector<16xi32>
      %parallel_loop3A_110 = tpu.vector_load_idx %arg7[%parallel_loop3A_109, %parallel_loop3A_78] : memref<2x10000xf32, #tpu.memory_space<vmem>>[vector<16xi32>, vector<16xi32>], vector<16xf32>,
      %parallel_loop3A_111 = arith.constant 1 : i32
      %parallel_loop3A_112 = vector.broadcast %parallel_loop3A_111 : i32 to vector<16xi32>
      %parallel_loop3A_113 = arith.addi %broadcast_in_dim3A_13, %parallel_loop3A_112 : vector<16xi32>
      %parallel_loop3A_114 = arith.mulf %parallel_loop3A_110, %parallel_loop3A_98 : vector<16xf32>
      tpu.vector_store_idx %arg9[%parallel_loop3A_113, %parallel_loop3A_84], %parallel_loop3A_114 {add = true} : memref<3x10000xf32, #tpu.memory_space<vmem>>[vector<16xi32>, vector<16xi32>], vector<16xf32>,
    } {sc.loop_unroll_factor = 8 : i64, sc.parallel_access}
    %parallel_loop3A_69 = arith.constant 0 : i32
    %parallel_loop3A_70 = arith.constant 5 : i32
    %parallel_loop3A_71 = arith.constant 1 : i32
    scf.for %parallel_loop3A_72 = %parallel_loop3A_69 to %parallel_loop3A_70 step %parallel_loop3A_71  : i32 {
      %parallel_loop3A_73 = arith.addi %mul3A_18, %parallel_loop3A_72 : i32
      %parallel_loop3A_74 = arith.constant 16 : i32
      %parallel_loop3A_75 = arith.muli %parallel_loop3A_73, %parallel_loop3A_74 : i32
      %parallel_loop3A_76 = arith.constant 0 : i32
      %parallel_loop3A_77 = arith.index_cast %parallel_loop3A_76 : i32 to index
      %parallel_loop3A_78 = arith.index_cast %parallel_loop3A_75 : i32 to index
      %parallel_loop3A_79 = tpu.vector_load %arg10[%parallel_loop3A_77, %parallel_loop3A_78] {strides = array<i32>} : memref<2x2560xi32, #tpu.memory_space<vmem>>, vector<16xi32>,
      %parallel_loop3A_80 = arith.constant 16 : i32
      %parallel_loop3A_81 = arith.muli %parallel_loop3A_73, %parallel_loop3A_80 : i32
      %parallel_loop3A_82 = arith.constant 0 : i32
      %parallel_loop3A_83 = arith.index_cast %parallel_loop3A_82 : i32 to index
      %parallel_loop3A_84 = arith.index_cast %parallel_loop3A_81 : i32 to index
      %parallel_loop3A_85 = tpu.vector_load %arg11[%parallel_loop3A_83, %parallel_loop3A_84] {strides = array<i32>} : memref<2x2560xi32, #tpu.memory_space<vmem>>, vector<16xi32>,
      %parallel_loop3A_86 = tpu.vector_load_idx %arg8[%broadcast_in_dim3A_13, %parallel_loop3A_79] : memref<2x10000xf32, #tpu.memory_space<vmem>>[vector<16xi32>, vector<16xi32>], vector<16xf32>,
      %parallel_loop3A_87 = arith.constant 1 : i32
      %parallel_loop3A_88 = vector.broadcast %parallel_loop3A_87 : i32 to vector<16xi32>
      %parallel_loop3A_89 = arith.addi %broadcast_in_dim3A_13, %parallel_loop3A_88 : vector<16xi32>
      %parallel_loop3A_90 = tpu.vector_load_idx %arg8[%parallel_loop3A_89, %parallel_loop3A_85] : memref<2x10000xf32, #tpu.memory_space<vmem>>[vector<16xi32>, vector<16xi32>], vector<16xf32>,
      %parallel_loop3A_91 = arith.addf %parallel_loop3A_86, %parallel_loop3A_90 : vector<16xf32>
      %parallel_loop3A_92 = arith.constant 0.000000e+00 : f32
      %parallel_loop3A_93 = vector.broadcast %parallel_loop3A_92 : f32 to vector<16xf32>
      %parallel_loop3A_94 = arith.cmpf oge, %parallel_loop3A_91, %parallel_loop3A_93 : vector<16xf32>
      %parallel_loop3A_95 = arith.constant 2.000000e-01 : f32
      %parallel_loop3A_96 = vector.broadcast %parallel_loop3A_95 : f32 to vector<16xf32>
      %parallel_loop3A_97 = arith.mulf %parallel_loop3A_96, %parallel_loop3A_91 : vector<16xf32>
      %parallel_loop3A_98 = arith.select %parallel_loop3A_94, %parallel_loop3A_91, %parallel_loop3A_97 : vector<16xi1>, vector<16xf32>
      %parallel_loop3A_99 = math.exp %parallel_loop3A_98 : vector<16xf32>
      %parallel_loop3A_100 = arith.constant 2 : i32
      %parallel_loop3A_101 = vector.broadcast %parallel_loop3A_100 : i32 to vector<16xi32>
      %parallel_loop3A_102 = arith.addi %broadcast_in_dim3A_13, %parallel_loop3A_101 : vector<16xi32>
      tpu.vector_store_idx %arg9[%parallel_loop3A_102, %parallel_loop3A_85], %parallel_loop3A_99 {add = true} : memref<3x10000xf32, #tpu.memory_space<vmem>>[vector<16xi32>, vector<16xi32>], vector<16xf32>,
    } {sc.loop_unroll_factor = 2 : i64, sc.parallel_access}
    "tpu.region"() ({
      %run_scoped3A_72 = tpu.sem_alloc : memref<!tpu.dma_semaphore, #tpu.memory_space<semaphore_mem>>
      %dma_start3A_73 = arith.constant 0 : i32
      %dma_start3A_74 = arith.constant 0 : i32
      %dma_start3A_75 = tpu.memref_slice %arg6[%arg0, %arg1, %dma_start3A_73, %dma_start3A_74] : memref<2x16x3x10000xf32, #tpu.memory_space<hbm>> -> memref<1x1x3x10000xf32, #tpu.memory_space<hbm>>
      %dma_start3A_76 = tpu.memref_squeeze %dma_start3A_75 : memref<1x1x3x10000xf32, #tpu.memory_space<hbm>> -> memref<3x10000xf32, #tpu.memory_space<hbm>>
      %dma_start3A_77 = arith.constant 0 : i32
      %dma_start3A_78 = arith.constant 0 : i32
      %dma_start3A_79 = tpu.memref_slice %arg6[%arg0, %arg1, %dma_start3A_77, %dma_start3A_78] : memref<2x16x3x10000xf32, #tpu.memory_space<hbm>> -> memref<1x1x3x10000xf32, #tpu.memory_space<hbm>>
      %dma_start3A_80 = tpu.memref_squeeze %dma_start3A_79 : memref<1x1x3x10000xf32, #tpu.memory_space<hbm>> -> memref<3x10000xf32, #tpu.memory_space<hbm>>
      tpu.enqueue_dma source(%arg9 : memref<3x10000xf32, #tpu.memory_space<vmem>>) target(%dma_start3A_80 : memref<3x10000xf32, #tpu.memory_space<hbm>>) target_semaphore(%run_scoped3A_72 : memref<!tpu.dma_semaphore, #tpu.memory_space<semaphore_mem>>)
      %dma_wait3A_81 = arith.constant 0 : i32
      %dma_wait3A_82 = arith.constant 0 : i32
      %dma_wait3A_83 = tpu.memref_slice %arg6[%arg0, %arg1, %dma_wait3A_81, %dma_wait3A_82] : memref<2x16x3x10000xf32, #tpu.memory_space<hbm>> -> memref<1x1x3x10000xf32, #tpu.memory_space<hbm>>
      %dma_wait3A_84 = tpu.memref_squeeze %dma_wait3A_83 : memref<1x1x3x10000xf32, #tpu.memory_space<hbm>> -> memref<3x10000xf32, #tpu.memory_space<hbm>>
      %dma_wait3A_85 = arith.constant 0 : i32
      %dma_wait3A_86 = arith.constant 0 : i32
      %dma_wait3A_87 = tpu.memref_slice %arg6[%arg0, %arg1, %dma_wait3A_85, %dma_wait3A_86] : memref<2x16x3x10000xf32, #tpu.memory_space<hbm>> -> memref<1x1x3x10000xf32, #tpu.memory_space<hbm>>
      %dma_wait3A_88 = tpu.memref_squeeze %dma_wait3A_87 : memref<1x1x3x10000xf32, #tpu.memory_space<hbm>> -> memref<3x10000xf32, #tpu.memory_space<hbm>>
      tpu.wait_dma2 semaphore(%run_scoped3A_72 : memref<!tpu.dma_semaphore, #tpu.memory_space<semaphore_mem>>) src(%arg9 : memref<3x10000xf32, #tpu.memory_space<vmem>>) dst(%dma_wait3A_88 : memref<3x10000xf32, #tpu.memory_space<hbm>>)
      tpu.yield
    }) : () -> ()
    return
  }
}

module attributes {stable_mosaic.version = 14 : i64} {
  func.func @_prep_body(%arg0: memref<128x10000xf32, #tpu.memory_space<vmem>>, %arg1: memref<128x128xf32, #tpu.memory_space<vmem>>, %arg2: memref<4x128xf32, #tpu.memory_space<vmem>>, %arg3: memref<128x10000xf32, #tpu.memory_space<vmem>>, %arg4: memref<4x10000xf32, #tpu.memory_space<vmem>>) attributes {dimension_semantics = [], scalar_prefetch = 0 : i64, scratch_operands = 0 : i64, tpu.core_type = #tpu.core_type<tc>} {
    %get3A = arith.constant 0 : index
    %get3A_0 = arith.constant 0 : index
    %get3A_1 = vector.load %arg1[%get3A, %get3A_0] : memref<128x128xf32, #tpu.memory_space<vmem>>, vector<128x128xf32>
    %get3A_2 = arith.constant 0 : index
    %get3A_3 = arith.constant 0 : index
    %get3A_4 = vector.load %arg0[%get3A_2, %get3A_3] : memref<128x10000xf32, #tpu.memory_space<vmem>>, vector<128x10000xf32>
    %dot_general3A = arith.constant dense<0.000000e+00> : vector<128x10000xf32>
    %dot_general3A_5 = tpu.matmul %get3A_1, %get3A_4, %dot_general3A {dimension_numbers = #tpu.dot_dimension_numbers<[1], [0], [0], [1], [0, 0, 1, 1], [], []>, transpose_lhs_hint = false} : vector<128x128xf32>, vector<128x10000xf32>, vector<128x10000xf32> -> vector<128x10000xf32>
    %swap3A = arith.constant 0 : index
    %swap3A_6 = arith.constant 0 : index
    %swap3A_7 = vector.load %arg3[%swap3A, %swap3A_6] : memref<128x10000xf32, #tpu.memory_space<vmem>>, vector<128x10000xf32>
    tpu.vector_store %arg3[%swap3A, %swap3A_6], %dot_general3A_5 {strides = array<i32>} : memref<128x10000xf32, #tpu.memory_space<vmem>>, vector<128x10000xf32>,
    %get3A_8 = arith.constant 0 : index
    %get3A_9 = arith.constant 0 : index
    %get3A_10 = vector.load %arg2[%get3A_8, %get3A_9] : memref<4x128xf32, #tpu.memory_space<vmem>>, vector<4x128xf32>
    %dot_general3A_11 = arith.constant dense<0.000000e+00> : vector<4x10000xf32>
    %dot_general3A_12 = tpu.matmul %get3A_10, %dot_general3A_5, %dot_general3A_11 {dimension_numbers = #tpu.dot_dimension_numbers<[1], [0], [0], [1], [0, 0, 1, 1], [], []>, transpose_lhs_hint = false} : vector<4x128xf32>, vector<128x10000xf32>, vector<4x10000xf32> -> vector<4x10000xf32>
    %swap3A_13 = arith.constant 0 : index
    %swap3A_14 = arith.constant 0 : index
    %swap3A_15 = vector.load %arg4[%swap3A_13, %swap3A_14] : memref<4x10000xf32, #tpu.memory_space<vmem>>, vector<4x10000xf32>
    tpu.vector_store %arg4[%swap3A_13, %swap3A_14], %dot_general3A_12 {strides = array<i32>} : memref<4x10000xf32, #tpu.memory_space<vmem>>, vector<4x10000xf32>,
    return
  }
}

module attributes {stable_mosaic.version = 14 : i64} {
  func.func @_combine_body(%arg0: memref<2x16x5x10000xf32, #tpu.memory_space<vmem>>, %arg1: memref<128x10000xf32, #tpu.memory_space<vmem>>, %arg2: memref<4x10000xf32, #tpu.memory_space<vmem>>, %arg3: memref<128x1xf32, #tpu.memory_space<vmem>>, %arg4: memref<128x10000xf32, #tpu.memory_space<vmem>>) attributes {dimension_semantics = [], scalar_prefetch = 0 : i64, scratch_operands = 0 : i64, tpu.core_type = #tpu.core_type<tc>} {
    %get3A = arith.constant 0 : index
    %get3A_0 = arith.constant 0 : index
    %get3A_1 = vector.load %arg2[%get3A, %get3A_0] : memref<4x10000xf32, #tpu.memory_space<vmem>>, vector<4x10000xf32>
    %slice3A = vector.extract_strided_slice %get3A_1 {offsets = [0, 0], sizes = [1, 10000], strides = [1, 1]} : vector<4x10000xf32> to vector<1x10000xf32>
    %squeeze3A = vector.shape_cast %slice3A : vector<1x10000xf32> to vector<10000xf32>
    %slice3A_2 = vector.extract_strided_slice %get3A_1 {offsets = [2, 0], sizes = [1, 10000], strides = [1, 1]} : vector<4x10000xf32> to vector<1x10000xf32>
    %squeeze3A_3 = vector.shape_cast %slice3A_2 : vector<1x10000xf32> to vector<10000xf32>
    %add3A = arith.addf %squeeze3A, %squeeze3A_3 : vector<10000xf32>
    %ge3A = arith.constant 0.000000e+00 : f32
    %ge3A_4 = vector.broadcast %ge3A : f32 to vector<10000xf32>
    %ge3A_5 = arith.cmpf oge, %add3A, %ge3A_4 : vector<10000xf32>
    %mul3A = arith.constant 2.000000e-01 : f32
    %mul3A_6 = vector.broadcast %mul3A : f32 to vector<10000xf32>
    %mul3A_7 = arith.mulf %mul3A_6, %add3A : vector<10000xf32>
    %select_n3A = arith.select %ge3A_5, %add3A, %mul3A_7 : vector<10000xi1>, vector<10000xf32>
    %exp3A = math.exp %select_n3A : vector<10000xf32>
    %get3A_8 = arith.constant 0 : index
    %get3A_9 = arith.constant 0 : index
    %get3A_10 = arith.constant 0 : index
    %get3A_11 = arith.constant 0 : index
    %get3A_12 = vector.load %arg0[%get3A_8, %get3A_9, %get3A_10, %get3A_11] : memref<2x16x5x10000xf32, #tpu.memory_space<vmem>>, vector<1x16x4x10000xf32>
    %get3A_13 = vector.shape_cast %get3A_12 : vector<1x16x4x10000xf32> to vector<16x4x10000xf32>
    %reshape3A = vector.shape_cast %get3A_13 : vector<16x4x10000xf32> to vector<64x10000xf32>
    %get3A_14 = arith.constant 0 : index
    %get3A_15 = arith.constant 0 : index
    %get3A_16 = arith.constant 4 : index
    %get3A_17 = arith.constant 0 : index
    %get3A_18 = vector.load %arg0[%get3A_14, %get3A_15, %get3A_16, %get3A_17] : memref<2x16x5x10000xf32, #tpu.memory_space<vmem>>, vector<1x16x1x10000xf32>
    %get3A_19 = vector.shape_cast %get3A_18 : vector<1x16x1x10000xf32> to vector<16x10000xf32>
    %reduce_sum3A = arith.constant dense<0.000000e+00> : vector<10000xf32>
    %reduce_sum3A_20 = vector.multi_reduction <add>, %get3A_19, %reduce_sum3A [0] : vector<16x10000xf32> to vector<10000xf32>
    %add3A_21 = arith.addf %reduce_sum3A_20, %exp3A : vector<10000xf32>
    %get3A_22 = arith.constant 0 : index
    %get3A_23 = arith.constant 0 : index
    %get3A_24 = vector.load %arg1[%get3A_22, %get3A_23] : memref<128x10000xf32, #tpu.memory_space<vmem>>, vector<64x10000xf32>
    %broadcast_in_dim3A = vector.shape_cast %exp3A : vector<10000xf32> to vector<1x10000xf32>
    %mul3A_25 = vector.broadcast %broadcast_in_dim3A : vector<1x10000xf32> to vector<64x10000xf32>
    %mul3A_26 = arith.mulf %get3A_24, %mul3A_25 : vector<64x10000xf32>
    %add3A_27 = arith.addf %reshape3A, %mul3A_26 : vector<64x10000xf32>
    %broadcast_in_dim3A_28 = vector.shape_cast %add3A_21 : vector<10000xf32> to vector<1x10000xf32>
    %div3A = vector.broadcast %broadcast_in_dim3A_28 : vector<1x10000xf32> to vector<64x10000xf32>
    %div3A_29 = arith.divf %add3A_27, %div3A : vector<64x10000xf32>
    %slice3A_30 = vector.extract_strided_slice %get3A_1 {offsets = [1, 0], sizes = [1, 10000], strides = [1, 1]} : vector<4x10000xf32> to vector<1x10000xf32>
    %squeeze3A_31 = vector.shape_cast %slice3A_30 : vector<1x10000xf32> to vector<10000xf32>
    %slice3A_32 = vector.extract_strided_slice %get3A_1 {offsets = [3, 0], sizes = [1, 10000], strides = [1, 1]} : vector<4x10000xf32> to vector<1x10000xf32>
    %squeeze3A_33 = vector.shape_cast %slice3A_32 : vector<1x10000xf32> to vector<10000xf32>
    %add3A_34 = arith.addf %squeeze3A_31, %squeeze3A_33 : vector<10000xf32>
    %ge3A_35 = arith.constant 0.000000e+00 : f32
    %ge3A_36 = vector.broadcast %ge3A_35 : f32 to vector<10000xf32>
    %ge3A_37 = arith.cmpf oge, %add3A_34, %ge3A_36 : vector<10000xf32>
    %mul3A_38 = arith.constant 2.000000e-01 : f32
    %mul3A_39 = vector.broadcast %mul3A_38 : f32 to vector<10000xf32>
    %mul3A_40 = arith.mulf %mul3A_39, %add3A_34 : vector<10000xf32>
    %select_n3A_41 = arith.select %ge3A_37, %add3A_34, %mul3A_40 : vector<10000xi1>, vector<10000xf32>
    %exp3A_42 = math.exp %select_n3A_41 : vector<10000xf32>
    %get3A_43 = arith.constant 1 : index
    %get3A_44 = arith.constant 0 : index
    %get3A_45 = arith.constant 0 : index
    %get3A_46 = arith.constant 0 : index
    %get3A_47 = vector.load %arg0[%get3A_43, %get3A_44, %get3A_45, %get3A_46] : memref<2x16x5x10000xf32, #tpu.memory_space<vmem>>, vector<1x16x4x10000xf32>
    %get3A_48 = vector.shape_cast %get3A_47 : vector<1x16x4x10000xf32> to vector<16x4x10000xf32>
    %reshape3A_49 = vector.shape_cast %get3A_48 : vector<16x4x10000xf32> to vector<64x10000xf32>
    %get3A_50 = arith.constant 1 : index
    %get3A_51 = arith.constant 0 : index
    %get3A_52 = arith.constant 4 : index
    %get3A_53 = arith.constant 0 : index
    %get3A_54 = vector.load %arg0[%get3A_50, %get3A_51, %get3A_52, %get3A_53] : memref<2x16x5x10000xf32, #tpu.memory_space<vmem>>, vector<1x16x1x10000xf32>
    %get3A_55 = vector.shape_cast %get3A_54 : vector<1x16x1x10000xf32> to vector<16x10000xf32>
    %reduce_sum3A_56 = arith.constant dense<0.000000e+00> : vector<10000xf32>
    %reduce_sum3A_57 = vector.multi_reduction <add>, %get3A_55, %reduce_sum3A_56 [0] : vector<16x10000xf32> to vector<10000xf32>
    %add3A_58 = arith.addf %reduce_sum3A_57, %exp3A_42 : vector<10000xf32>
    %get3A_59 = arith.constant 64 : index
    %get3A_60 = arith.constant 0 : index
    %get3A_61 = vector.load %arg1[%get3A_59, %get3A_60] : memref<128x10000xf32, #tpu.memory_space<vmem>>, vector<64x10000xf32>
    %broadcast_in_dim3A_62 = vector.shape_cast %exp3A_42 : vector<10000xf32> to vector<1x10000xf32>
    %mul3A_63 = vector.broadcast %broadcast_in_dim3A_62 : vector<1x10000xf32> to vector<64x10000xf32>
    %mul3A_64 = arith.mulf %get3A_61, %mul3A_63 : vector<64x10000xf32>
    %add3A_65 = arith.addf %reshape3A_49, %mul3A_64 : vector<64x10000xf32>
    %broadcast_in_dim3A_66 = vector.shape_cast %add3A_58 : vector<10000xf32> to vector<1x10000xf32>
    %div3A_67 = vector.broadcast %broadcast_in_dim3A_66 : vector<1x10000xf32> to vector<64x10000xf32>
    %div3A_68 = arith.divf %add3A_65, %div3A_67 : vector<64x10000xf32>
    %concatenate3A = tpu.concatenate %div3A_29, %div3A_68 in 0 : vector<64x10000xf32>, vector<64x10000xf32> -> vector<128x10000xf32>
    %get3A_69 = arith.constant 0 : index
    %get3A_70 = arith.constant 0 : index
    %get3A_71 = vector.load %arg3[%get3A_69, %get3A_70] : memref<128x1xf32, #tpu.memory_space<vmem>>, vector<128x1xf32>
    %add3A_72 = vector.broadcast %get3A_71 : vector<128x1xf32> to vector<128x10000xf32>
    %add3A_73 = arith.addf %concatenate3A, %add3A_72 : vector<128x10000xf32>
    %max3A = arith.constant 0.000000e+00 : f32
    %max3A_74 = vector.broadcast %max3A : f32 to vector<128x10000xf32>
    %max3A_75 = arith.maximumf %add3A_73, %max3A_74 : vector<128x10000xf32>
    %swap3A = arith.constant 0 : index
    %swap3A_76 = arith.constant 0 : index
    %swap3A_77 = vector.load %arg4[%swap3A, %swap3A_76] : memref<128x10000xf32, #tpu.memory_space<vmem>>, vector<128x10000xf32>
    tpu.vector_store %arg4[%swap3A, %swap3A_76], %max3A_75 {strides = array<i32>} : memref<128x10000xf32, #tpu.memory_space<vmem>>, vector<128x10000xf32>,
    return
  }
}

module attributes {stable_mosaic.version = 14 : i64} {
  func.func @_prep_body(%arg0: memref<128x10000xf32, #tpu.memory_space<vmem>>, %arg1: memref<64x128xf32, #tpu.memory_space<vmem>>, %arg2: memref<4x64xf32, #tpu.memory_space<vmem>>, %arg3: memref<64x10000xf32, #tpu.memory_space<vmem>>, %arg4: memref<4x10000xf32, #tpu.memory_space<vmem>>) attributes {dimension_semantics = [], scalar_prefetch = 0 : i64, scratch_operands = 0 : i64, tpu.core_type = #tpu.core_type<tc>} {
    %get3A = arith.constant 0 : index
    %get3A_0 = arith.constant 0 : index
    %get3A_1 = vector.load %arg1[%get3A, %get3A_0] : memref<64x128xf32, #tpu.memory_space<vmem>>, vector<64x128xf32>
    %get3A_2 = arith.constant 0 : index
    %get3A_3 = arith.constant 0 : index
    %get3A_4 = vector.load %arg0[%get3A_2, %get3A_3] : memref<128x10000xf32, #tpu.memory_space<vmem>>, vector<128x10000xf32>
    %dot_general3A = arith.constant dense<0.000000e+00> : vector<64x10000xf32>
    %dot_general3A_5 = tpu.matmul %get3A_1, %get3A_4, %dot_general3A {dimension_numbers = #tpu.dot_dimension_numbers<[1], [0], [0], [1], [0, 0, 1, 1], [], []>, transpose_lhs_hint = false} : vector<64x128xf32>, vector<128x10000xf32>, vector<64x10000xf32> -> vector<64x10000xf32>
    %swap3A = arith.constant 0 : index
    %swap3A_6 = arith.constant 0 : index
    %swap3A_7 = vector.load %arg3[%swap3A, %swap3A_6] : memref<64x10000xf32, #tpu.memory_space<vmem>>, vector<64x10000xf32>
    tpu.vector_store %arg3[%swap3A, %swap3A_6], %dot_general3A_5 {strides = array<i32>} : memref<64x10000xf32, #tpu.memory_space<vmem>>, vector<64x10000xf32>,
    %get3A_8 = arith.constant 0 : index
    %get3A_9 = arith.constant 0 : index
    %get3A_10 = vector.load %arg2[%get3A_8, %get3A_9] : memref<4x64xf32, #tpu.memory_space<vmem>>, vector<4x64xf32>
    %dot_general3A_11 = arith.constant dense<0.000000e+00> : vector<4x10000xf32>
    %dot_general3A_12 = tpu.matmul %get3A_10, %dot_general3A_5, %dot_general3A_11 {dimension_numbers = #tpu.dot_dimension_numbers<[1], [0], [0], [1], [0, 0, 1, 1], [], []>, transpose_lhs_hint = false} : vector<4x64xf32>, vector<64x10000xf32>, vector<4x10000xf32> -> vector<4x10000xf32>
    %swap3A_13 = arith.constant 0 : index
    %swap3A_14 = arith.constant 0 : index
    %swap3A_15 = vector.load %arg4[%swap3A_13, %swap3A_14] : memref<4x10000xf32, #tpu.memory_space<vmem>>, vector<4x10000xf32>
    tpu.vector_store %arg4[%swap3A_13, %swap3A_14], %dot_general3A_12 {strides = array<i32>} : memref<4x10000xf32, #tpu.memory_space<vmem>>, vector<4x10000xf32>,
    return
  }
}

module attributes {stable_mosaic.version = 14 : i64} {
  func.func @_combine_body(%arg0: memref<2x16x3x10000xf32, #tpu.memory_space<vmem>>, %arg1: memref<64x10000xf32, #tpu.memory_space<vmem>>, %arg2: memref<4x10000xf32, #tpu.memory_space<vmem>>, %arg3: memref<64x1xf32, #tpu.memory_space<vmem>>, %arg4: memref<64x10000xf32, #tpu.memory_space<vmem>>) attributes {dimension_semantics = [], scalar_prefetch = 0 : i64, scratch_operands = 0 : i64, tpu.core_type = #tpu.core_type<tc>} {
    %get3A = arith.constant 0 : index
    %get3A_0 = arith.constant 0 : index
    %get3A_1 = vector.load %arg2[%get3A, %get3A_0] : memref<4x10000xf32, #tpu.memory_space<vmem>>, vector<4x10000xf32>
    %slice3A = vector.extract_strided_slice %get3A_1 {offsets = [0, 0], sizes = [1, 10000], strides = [1, 1]} : vector<4x10000xf32> to vector<1x10000xf32>
    %squeeze3A = vector.shape_cast %slice3A : vector<1x10000xf32> to vector<10000xf32>
    %slice3A_2 = vector.extract_strided_slice %get3A_1 {offsets = [2, 0], sizes = [1, 10000], strides = [1, 1]} : vector<4x10000xf32> to vector<1x10000xf32>
    %squeeze3A_3 = vector.shape_cast %slice3A_2 : vector<1x10000xf32> to vector<10000xf32>
    %add3A = arith.addf %squeeze3A, %squeeze3A_3 : vector<10000xf32>
    %ge3A = arith.constant 0.000000e+00 : f32
    %ge3A_4 = vector.broadcast %ge3A : f32 to vector<10000xf32>
    %ge3A_5 = arith.cmpf oge, %add3A, %ge3A_4 : vector<10000xf32>
    %mul3A = arith.constant 2.000000e-01 : f32
    %mul3A_6 = vector.broadcast %mul3A : f32 to vector<10000xf32>
    %mul3A_7 = arith.mulf %mul3A_6, %add3A : vector<10000xf32>
    %select_n3A = arith.select %ge3A_5, %add3A, %mul3A_7 : vector<10000xi1>, vector<10000xf32>
    %exp3A = math.exp %select_n3A : vector<10000xf32>
    %get3A_8 = arith.constant 0 : index
    %get3A_9 = arith.constant 0 : index
    %get3A_10 = arith.constant 0 : index
    %get3A_11 = arith.constant 0 : index
    %get3A_12 = vector.load %arg0[%get3A_8, %get3A_9, %get3A_10, %get3A_11] : memref<2x16x3x10000xf32, #tpu.memory_space<vmem>>, vector<2x16x2x10000xf32>
    %reshape3A = vector.shape_cast %get3A_12 : vector<2x16x2x10000xf32> to vector<64x10000xf32>
    %get3A_13 = arith.constant 0 : index
    %get3A_14 = arith.constant 0 : index
    %get3A_15 = arith.constant 2 : index
    %get3A_16 = arith.constant 0 : index
    %get3A_17 = vector.load %arg0[%get3A_13, %get3A_14, %get3A_15, %get3A_16] : memref<2x16x3x10000xf32, #tpu.memory_space<vmem>>, vector<2x16x1x10000xf32>
    %get3A_18 = vector.shape_cast %get3A_17 : vector<2x16x1x10000xf32> to vector<2x16x10000xf32>
    %reduce_sum3A = arith.constant dense<0.000000e+00> : vector<10000xf32>
    %reduce_sum3A_19 = vector.multi_reduction <add>, %get3A_18, %reduce_sum3A [0, 1] : vector<2x16x10000xf32> to vector<10000xf32>
    %add3A_20 = arith.addf %reduce_sum3A_19, %exp3A : vector<10000xf32>
    %get3A_21 = arith.constant 0 : index
    %get3A_22 = arith.constant 0 : index
    %get3A_23 = vector.load %arg1[%get3A_21, %get3A_22] : memref<64x10000xf32, #tpu.memory_space<vmem>>, vector<64x10000xf32>
    %broadcast_in_dim3A = vector.shape_cast %exp3A : vector<10000xf32> to vector<1x10000xf32>
    %mul3A_24 = vector.broadcast %broadcast_in_dim3A : vector<1x10000xf32> to vector<64x10000xf32>
    %mul3A_25 = arith.mulf %get3A_23, %mul3A_24 : vector<64x10000xf32>
    %add3A_26 = arith.addf %reshape3A, %mul3A_25 : vector<64x10000xf32>
    %broadcast_in_dim3A_27 = vector.shape_cast %add3A_20 : vector<10000xf32> to vector<1x10000xf32>
    %div3A = vector.broadcast %broadcast_in_dim3A_27 : vector<1x10000xf32> to vector<64x10000xf32>
    %div3A_28 = arith.divf %add3A_26, %div3A : vector<64x10000xf32>
    %get3A_29 = arith.constant 0 : index
    %get3A_30 = arith.constant 0 : index
    %get3A_31 = vector.load %arg3[%get3A_29, %get3A_30] : memref<64x1xf32, #tpu.memory_space<vmem>>, vector<64x1xf32>
    %add3A_32 = vector.broadcast %get3A_31 : vector<64x1xf32> to vector<64x10000xf32>
    %add3A_33 = arith.addf %div3A_28, %add3A_32 : vector<64x10000xf32>
    %swap3A = arith.constant 0 : index
    %swap3A_34 = arith.constant 0 : index
    %swap3A_35 = vector.load %arg4[%swap3A, %swap3A_34] : memref<64x10000xf32, #tpu.memory_space<vmem>>, vector<64x10000xf32>
    tpu.vector_store %arg4[%swap3A, %swap3A_34], %add3A_33 {strides = array<i32>} : memref<64x10000xf32, #tpu.memory_space<vmem>>, vector<64x10000xf32>,
    return
  }
}

</mosaic_0001>

<sc_bundles>
// kernel: kernel.11.cloned.1.call-start
scs
__scs_entry_jumppad:
0x0: {  	(pc) =	sbr.rel $0x88, $3  }
0x1: {  	(tag) =	ssettag $0x0;
	lr =	simm.s32 $0x1  }
0x2: {  	[smem:$0x3F97] =	sst lr;
	_ =	strace $0xD0000000  }
0x3: {  	_ = 	snop  }
0x4: {  	_ = 	snop  }
0x5: {  	_ = 	snop  }
0x6: {  	_ = 	snop  }
0x7: {  	_ = 	snop  }
__scs_overlays_trampoline_lowered:
0x8: {  	[smem:$0x3FA6] =	sst s0  }
0x9: {  	[smem:$0x3FA7] =	sst s1  }
0xa: {  	[smem:$0x3FA8] =	sst s2  }
0xb: {  	[smem:$0x3FA9] =	sst s3  }
0xc: {  	[smem:$0x3FAA] =	sst s4  }
0xd: {  	[smem:$0x3FAB] =	sst s5  }
0xe: {  	[smem:$0x3FAC] =	sst s6  }
0xf: {  	[smem:$0x3FAD] =	sst s7  }
0x10: {  	[smem:$0x3FAE] =	sst s8  }
0x11: {  	[smem:$0x3FAF] =	sst s9;
	s0 =	simm.s32 @!p0 $0x0  }
0x12: {  	s1 =	sld [smem:$0x3F95];
	s0 =	simm.s32 @p0 $0x1  }
0x13: {  	[smem:$0x3FB0] =	sst s0;
	s0 =	simm.s32 @!p1 $0x0  }
0x14: {  	s2 =	sld [smem:$0x3F94];
	s0 =	simm.s32 @p1 $0x1  }
0x15: {  	[smem:$0x3FB1] =	sst s0;
	s0 =	simm.s32 @!p2 $0x0  }
0x16: {  	s3 =	sld [smem:$0x3FDB];
	s0 =	simm.s32 @p2 $0x1  }
0x17: {  	s4 =	simm.s32 $0x1BF5;
	[smem:$0x3FB3] =	sst s0  }
0x18: {  	s0 =	sld [smem:$0x3F96];
	_ =	swait.ge [sflag:s4], $0x0  }
0x19: {  	s7 =	sld [smem:$0x3F97]  }
0x1a: {  	s8 =	sadd.s32 $0xFFFFE003, lr  }
0x1b: {  	s9 =	sadd.s32 $0xFFFFFEF7, lr;
	s5 =	simm.s32 $0xFFFFFFFF;
	p2 =	slt.u32 s8, $0xFFFFF086  }
0x1c: {  	p1 =	slt.u32 s9, $0xF7A;
	s5 =	simm.s32 @!p2 $0x0  }
0x1d: {  	s5 =	simm.s32 @p1 $0x1;
	p0 =	seq.s32 s7, s2  }
0x1e: {  	s7 =	smul.u32 @!p0 $0xF7A, s2;
	p2 =	seq.s32 @!p0 s5, $0x0  }
0x1f: {  	s9 =	smul.u32 $0xF7A, s1;
	s8 =	simm.s32 @!p0 $0x1BF5;
	p2 =	por !p2, p0  }
0x20: {  	[sflag:s8] =	ssyncset.s32 @!p0 $0xFFFFF086;
	s6 =	sadd.s32 @!p0 s3, s7;
	s7 =	simm.s32 @!p0 $0x108  }
0x21: {  	s3 =	sadd.s32 s3, s9;
	s6 =	sadd.s32 @!p0 $0x88, s6;
	s7 =	simm.s32 @p2 $0x1082  }
0x22: {  	[simem:s7], [sflag:s8] =	dma.local @!p0 [hbm:s6], $0xF7A  }
0x23: {  	s9 =	sor.u32 $0xD0000000, s2;
	s6 =	simm.s32 $0x108;
	_ =	swait.ge @!p0 [sflag:s8], $0x0  }
0x24: {  	s3 =	sadd.s32 $0x88, s3;
	s6 =	simm.s32 @!p1 $0x1082;
	[sflag:s4] =	ssyncset.s32 $0xFFFFF086  }
0x25: {  	[simem:s6], [sflag:s4] =	dma.local [hbm:s3], $0xF7A  }
0x26: {  	[smem:$0x3F97] =	sst s1;
	(tag) =	ssettag s2;
	_ =	strace s9  }
0x27: {  	s1 =	sld [smem:$0x3FA7]  }
0x28: {  	s2 =	sld [smem:$0x3FA8]  }
0x29: {  	s4 =	sld [smem:$0x3FAA]  }
0x2a: {  	p0 =	seq.s32 s5, $0x0;
	s5 =	sld [smem:$0x3FAB]  }
0x2b: {  	s6 =	sld [smem:$0x3FAC]  }
0x2c: {  	s7 =	sld [smem:$0x3FAD]  }
0x2d: {  	s3 =	simm.s32 $0x108;
	s8 =	sld [smem:$0x3FAE]  }
0x2e: {  	s3 =	simm.s32 @!p0 $0x1082;
	s9 =	sld [smem:$0x3FAF]  }
0x2f: {  	lr =	sadd.s32 s0, s3;
	s0 =	sld [smem:$0x3FA6]  }
0x30: {  	s3 =	sld [smem:$0x3FA9]  }
0x31: {  	[smem:$0x3FB2] =	sst s10  }
0x32: {  	s10 =	sld [smem:$0x3FB0];
	_ =	sdelay $0x3  }
0x33: {  	p0 =	seq.s32 s10, $0x1;
	s10 =	sld [smem:$0x3FB2];
	_ =	sdelay $0x3  }
0x34: {  	[smem:$0x3FB2] =	sst s10  }
0x35: {  	s10 =	sld [smem:$0x3FB1];
	_ =	sdelay $0x3  }
0x36: {  	p1 =	seq.s32 s10, $0x1;
	s10 =	sld [smem:$0x3FB2];
	_ =	sdelay $0x3  }
0x37: {  	[smem:$0x3FB2] =	sst s10  }
0x38: {  	s10 =	sld [smem:$0x3FB3]  }
0x39: {  	_ = 	snop;
	(pc) =	sbr.ind lr, $3  }
0x3a: {  	_ = 	snop  }
0x3b: {  	_ = 	snop  }
0x3c: {  	p2 =	seq.s32 s10, $0x1;
	s10 =	sld [smem:$0x3FB2]  }
0x3d: {  	_ =	shalt  }
0x3e: {  	_ =	shalt  }
0x3f: {  	_ =	shalt  }
0x40: {  	_ =	shalt  }
0x41: {  	_ =	shalt  }
0x42: {  	_ =	shalt  }
0x43: {  	_ =	shalt  }
0x44: {  	_ =	shalt  }
0x45: {  	_ =	shalt  }
0x46: {  	_ =	shalt  }
0x47: {  	_ =	shalt  }
0x48: {  	_ =	shalt  }
0x49: {  	_ =	shalt  }
0x4a: {  	_ =	shalt  }
0x4b: {  	_ =	shalt  }
0x4c: {  	_ =	shalt  }
0x4d: {  	_ =	shalt  }
0x4e: {  	_ =	shalt  }
0x4f: {  	_ =	shalt  }
0x50: {  	_ =	shalt  }
0x51: {  	_ =	shalt  }
0x52: {  	_ =	shalt  }
0x53: {  	_ =	shalt  }
0x54: {  	_ =	shalt  }
0x55: {  	_ =	shalt  }
0x56: {  	_ =	shalt  }
0x57: {  	_ =	shalt  }
0x58: {  	_ =	shalt  }
0x59: {  	_ =	shalt  }
0x5a: {  	_ =	shalt  }
0x5b: {  	_ =	shalt  }
0x5c: {  	_ =	shalt  }
0x5d: {  	_ =	shalt  }
0x5e: {  	_ =	shalt  }
0x5f: {  	_ =	shalt  }
0x60: {  	_ =	shalt  }
0x61: {  	_ =	shalt  }
0x62: {  	_ =	shalt  }
0x63: {  	_ =	shalt  }
0x64: {  	_ =	shalt  }
0x65: {  	_ =	shalt  }
0x66: {  	_ =	shalt  }
0x67: {  	_ =	shalt  }
0x68: {  	_ =	shalt  }
0x69: {  	_ =	shalt  }
0x6a: {  	_ =	shalt  }
0x6b: {  	_ =	shalt  }
0x6c: {  	_ =	shalt  }
0x6d: {  	_ =	shalt  }
0x6e: {  	_ =	shalt  }
0x6f: {  	_ =	shalt  }
0x70: {  	_ =	shalt  }
0x71: {  	_ =	shalt  }
0x72: {  	_ =	shalt  }
0x73: {  	_ =	shalt  }
0x74: {  	_ =	shalt  }
0x75: {  	_ =	shalt  }
0x76: {  	_ =	shalt  }
0x77: {  	_ =	shalt  }
0x78: {  	_ =	shalt  }
0x79: {  	_ =	shalt  }
0x7a: {  	_ =	shalt  }
0x7b: {  	_ =	shalt  }
0x7c: {  	_ =	shalt  }
0x7d: {  	_ =	shalt  }
0x7e: {  	_ =	shalt  }
0x7f: {  	_ =	shalt  }
0x80: {  	_ =	shalt  }
0x81: {  	_ =	shalt  }
0x82: {  	_ =	shalt  }
0x83: {  	_ =	shalt  }
0x84: {  	_ =	shalt  }
0x85: {  	_ =	shalt  }
0x86: {  	_ =	shalt  }
0x87: {  	_ =	shalt  }
.Lfunc_end0:
.L_simem_size_0:
called_computation.1_lowered:
.L_overlay_start_0:
0x88: {  	s2 =	sld [smem:$0x3FD9]  }
0x89: {  	s3 =	sld [smem:$0x3FFE];
	_ =	sdelay $0x1  }
0x8a: {  	s1 =	srdreg.scid  }
0x8b: {  	s0 =	sand.u32 $0x1, s1  }
0x8c: {  	s17 =	sshll.u32 s0, $0xA;
	s2 =	sadd.s32 s3, s2  }
0x8d: {  	s2 =	sadd.s32 s2, s17  }
0x8e: {  	[smem:$0x3FBE] =	sst s2  }
0x8f: {  	_ = 	snop  }
0x90: {  	s2 =	sld [smem:$0x3FD0];
	(tm) =	ssettm $0x1  }
0x91: {  	s18 =	sld [smem:$0x3FFB];
	_ =	sdelay $0x3  }
0x92: {  	_ =	strace s18  }
0x93: {  	s3 =	sld [smem:$0x3FFC];
	_ =	sdelay $0x3  }
0x94: {  	_ =	strace s3  }
0x95: {  	s3 =	sld [smem:$0x3FFD];
	_ =	sdelay $0x3  }
0x96: {  	_ =	strace s3  }
0x97: {  	_ =	strace $0x8FFFFFFF  }
0x98: {  	s19 =	sld [smem:$0x3FDB];
	_ =	sdelay $0x1  }
0x99: {  	s4 =	simm.s32 $_scs_section_size  }
0x9a: {  	s5 =	simm.s32 $_size__tile_overlayer_lowered;
	s6 =	simm.s32 $_tile_overlayer_lowered  }
0x9b: {  	s22 =	simm.s32 $0x1BFF;
	s21 =	sshll.u32 s6, $0x1;
	s3 =	sadd.s32 s4, s19  }
0x9c: {  	s7 =	simm.s32 $0x0;
	s20 =	sshll.u32 s5, $0x1;
	s5 =	sadd.s32 s21, s3  }
0x9d: {  	[timem:s7], [sflag:s22] =	dma.local [hbm:s5], s20  }
0x9e: {  	_ =	swait.ge [sflag:s22], s20  }
0x9f: {  	s4 =	ssub.s32 $0x0, s20;
	[sflag:s22] =	ssyncset.done $0x0  }
0xa0: {  	[sflag:s22] =	ssyncadd.s32 s4;
	_ =	sdelay $0x1  }
0xa1: {  	s23 =	simm.s32 $0x1B8B  }
0xa2: {  	_ =	swait.ge [sflag:s23], $0x1  }
0xa3: {  	[sflag:s23] =	ssyncset.done $0x0  }
0xa4: {  	s25 =	simm.s32 $0x1B8E;
	s24 =	sld [smem:$0x3FFE];
	[sflag:s23] =	ssyncadd.s32 $0xFFFFFFFF  }
0xa5: {  	s26 =	simm.s32 $execute0_lowered;
	[smem:$0x3FD2] =	sst s25  }
0xa6: {  	s5 =	sshll.u32 s26, $0x1;
	_ =	strace $0x80000049;
	[dreg:$0x1] =	wrdreg $0xFFFFFFFF  }
0xa7: {  	s28 =	simm.s32 $_size_execute0_lowered;
	s3 =	sadd.s32 s3, s5;
	[dreg:$0x0] =	wrdreg $0x0  }
0xa8: {  	s5 =	sshll.u32 s28, $0x1;
	[dreg:$0x2] =	wrdreg s3  }
0xa9: {  	[dreg:$0x3] =	wrdreg s5  }
0xaa: {  	[dreg:$0x4] =	wrdreg $0xC0  }
0xab: {  	_ =	task [dreg:s7], $0x5FFFF  }
0xac: {  	[dreg:$0x1] =	wrdreg $0xFFFFFFFF  }
0xad: {  	[dreg:$0x0] =	wrdreg $0x60  }
0xae: {  	[dreg:$0x2] =	wrdreg s2  }
0xaf: {  	[dreg:$0x3] =	wrdreg s24  }
0xb0: {  	[dreg:$0x4] =	wrdreg $0x9  }
0xb1: {  	_ =	task.clear_ibuf [dreg:s7], $0x5FFFF;
	_ =	strace $0x90000049  }
0xb2: {  	s29 =	simm.s32 $0x9;
	_ =	strace $0x8000004B  }
0xb3: {  	_ =	swait.ge [sflag:s29], $0x1  }
0xb4: {  	[sflag:s29] =	ssyncadd.s32 $0xFFFFFFFF  }
0xb5: {  	_ =	strace $0x9000004B  }
0xb6: {  	_ =	sfence  }
0xb7: {  	s30 =	sld [smem:$0x0];
	_ =	sdelay $0x2  }
0xb8: {  	s31 =	sshll.u32 s1, $0xD;
	s1 =	sshrl.u32 s1, $0x2  }
0xb9: {  	s3 =	sand.u32 $0x4000, s31;
	s1 =	sadd.s32 s1, s30  }
0xba: {  	s0 =	sor.u32 s3, s0;
	s1 =	sshll.u32 s1, $0x11  }
0xbb: {  	s0 =	sor.u32 s1, s0  }
0xbc: {  	s0 =	sadd.s32 $0x8F2B, s0  }
0xbd: {  	[sflag:s0] =	ssyncadd.remote.s32 $0x1  }
0xbe: {  	_ =	sfence.sel $0xFFFF  }
0xbf: {  	[dreg:$0x0] =	wrdreg $0xFFFFFFFF;
	(pc) =	sbr.abs _section_cstart, $3  }
0xc0: {  	[dreg:$0x1] =	wrdreg $0xFFFFFFFF  }
0xc1: {  	_ =	task.clear_ibuf [dreg:s7], $0x2FFFF;
	_ =	strace $0x9FFFFFFF  }
0xc2: {  	(tm) =	ssettm $0x7FFFFFFF  }
0xc3: {  	_ =	shalt  }
tec
execute0_lowered:
.L_overlay_start_1:
0x0: {  	(tag) =	ssettag $0x1  }
0x1: {  	s0 =	rddreg [dreg:$0x0]  }
0x2: {  	s2 =	rddreg [dreg:$0x1];
	s1 =	simm.s32 $0x0  }
0x3: {  	s3 =	srdreg.scid;
	s11 =	stileid.u32;
	s14 =	simm.s32 $0x3  }
0x4: {  	s15 =	simm.s32 $0x4E20;
	s16 =	simm.s32 $0x7530;
	s17 =	simm.s32 $0x11170  }
0x5: {  	s18 =	simm.s32 $0x12570;
	s19 =	simm.s32 $0x11B70;
	s20 =	simm.s32 $0x12F70  }
0x6: {  	s21 =	simm.s32 $0x1;
	s22 =	simm.s32 $0x9C40;
	s23 =	simm.s32 $0x2  }
0x7: {  	s24 =	simm.s32 $0x0;
	[smem:$0x7FF] =	sst s1;
	s6 =	sand.u32 $0x1, s3  }
0x8: {  	s3 =	sadd.s32 $0x600, s2;
	s4 =	sadd.s32 $0x31600, s2;
	s8 =	smul.u32 $0x7530, s11  }
0x9: {  	s5 =	sadd.s32 $0x27800, s2;
	s10 =	sshll.u32 s11, $0x1;
	_ =	strace $0x8000004A  }
0xa: {  	s7 =	smul.u32 $0x75300, s6;
	s9 =	sshll.u32 s6, $0x5;
	s28 =	sshll.u32 s6, $0x4  }
0xb: {  	s29 =	ssub.s32 $0x2, s6;
	s26 =	sor.u32 s10, s9;
	s9 =	sor.u32 s11, s28  }
0xc: {  	s30 =	sshrl.u32 s29, $0x1;
	s7 =	sadd.s32 s8, s7;
	s8 =	smul.u32 $0x4E2, s26  }
0xd: {  	s6 =	smul.u32 $0x5, s9;
	s13 =	ssub.s32 s29, s30;
	s7 =	sshrl.u32 s7, $0x3  }
0xe: {  	s31 =	smul.u32 $0x50, s9;
	s13 =	smax.u32 s13, $0x1;
	s12 =	sadd.s32 s7, s2  }
0xf: {  	s7 =	sadd.s32 s0, s8;
	s8 =	sadd.s32 $0xFC4, s2;
	s9 =	sadd.s32 $0x1, s6  }
0x10: {  	v0 =	vimm.f32 $0.0e+00;
	s10 =	sadd.s32 $0x40, s31;
	s11 =	sadd.s32 $0xA40, s31;
	s12 =	sadd.s32 $0x1A00, s12  }
.LBB2_1:
0x11: {  	[tilespmem:s1], [sflag:$0x3] =	stream.linear.gather [hbm4b:s7+s1], $0x4E20, $0x38;
	[tilespmem:$0x13970] =	vst v63  }
0x12: {  	_ =	swait.ge [sflag:s14], $0x4E20  }
0x13: {  	[sflag:s14] =	ssyncset.done $0x0  }
0x14: {  	[sflag:s14] =	ssyncadd.s32 $0xFFFFB1E0  }
0x15: {  	[tilespmem:s15], [sflag:$0x3] =	stream.linear.gather [hbm4b:s3+s1], $0x2710, $0x38;
	[tilespmem:$0x13970] =	vst v63  }
0x16: {  	_ =	swait.ge [sflag:s14], $0x2710  }
0x17: {  	[sflag:s14] =	ssyncset.done $0x0  }
0x18: {  	[sflag:s14] =	ssyncadd.s32 $0xFFFFD8F0  }
0x19: {  	[tilespmem:s16], [sflag:$0x3] =	stream.linear.gather [hbm4b:s8+s1], $0x2710, $0x38;
	[tilespmem:$0x13970] =	vst v63  }
0x1a: {  	_ =	swait.ge [sflag:s14], $0x2710  }
0x1b: {  	[sflag:s14] =	ssyncset.done $0x0  }
0x1c: {  	s0 =	simm.s32 $0x40;
	s2 =	simm.s32 $0x0;
	[sflag:s14] =	ssyncadd.s32 $0xFFFFD8F0  }
.LBB2_2:
0x1d: {  	p0 =	sne.s32 s0, $0x9C00;
	[tilespmem:s2+$0xEA60] =	vst v0;
	s25 =	smov.u32 s0;
	s0 =	sadd.s32 $0x40, s0  }
.Ltmp0:
0x1e: {  	[tilespmem:s2+$0x9C40] =	vst v0;
	(pc) =	sbr.rel @p0 .LBB2_2-.Ltmp0, $2  }
0x1f: {  	[tilespmem:s2+$0xC350] =	vst v0;
	_ =	sdelay $0x2  }
0x20: {  	s2 =	sshra.s32 s25, $0x2  }
0x21: {  	[tilespmem:s2+$0xEA60] =	vst v0  }
0x22: {  	[tilespmem:s2+$0x9C40] =	vst v0  }
0x23: {  	[tilespmem:s2+$0xC350] =	vst v0;
	s25 =	simm.s32 $0x0  }
0x24: {  	[tilespmem:s17], [sflag:$0x1] =	stream.linear.gather [hbm4b:s4+s25], $0xA00, $0x38;
	[tilespmem:$0x13970] =	vst v63  }
0x25: {  	s26 =	simm.s32 $0x0  }
0x26: {  	[tilespmem:s18], [sflag:$0x1] =	stream.linear.gather [hbm4b:s5+s25], $0xA00, $0x38;
	[tilespmem:$0x13970] =	vst v63  }
.LBB2_4:
0x27: {  	s0 =	smul.u32 $0x1400, s26;
	_ =	sdelay $0x1  }
0x28: {  	s28 =	sshrl.u32 s0, $0x3  }
0x29: {  	s0 =	sadd.s32 $0x140, s28  }
0x2a: {  	s2 =	sadd.s32 s4, s0  }
0x2b: {  	[tilespmem:s19], [sflag:$0x2] =	stream.linear.gather [hbm4b:s2+s1], $0xA00, $0x38;
	[tilespmem:$0x13970] =	vst v63  }
0x2c: {  	s0 =	sadd.s32 s5, s0  }
0x2d: {  	[tilespmem:s20], [sflag:$0x2] =	stream.linear.gather [hbm4b:s0+s1], $0xA00, $0x38;
	[tilespmem:$0x13970] =	vst v63  }
0x2e: {  	_ =	swait.ge [sflag:s21], $0xA00  }
0x2f: {  	[sflag:s21] =	ssyncset.done $0x0  }
0x30: {  	[sflag:s21] =	ssyncadd.s32 $0xFFFFF600  }
0x31: {  	_ =	swait.ge [sflag:s21], $0xA00  }
0x32: {  	[sflag:s21] =	ssyncset.done $0x0  }
0x33: {  	s0 =	simm.s32 $0x125B0;
	[sflag:s21] =	ssyncadd.s32 $0xFFFFF600  }
0x34: {  	s2 =	simm.s32 $0x111B0;
	v2 =	vld [tilespmem:s0+$0x30]  }
0x35: {  	v3 =	vld [tilespmem:s2+$0x30]  }
0x36: {  	v4 =	vld [tilespmem:s0+$0xFFFFFFC0]  }
0x37: {  	v5 =	vld [tilespmem:s0+$0xFFFFFFD0]  }
0x38: {  	v6 =	vld [tilespmem:s0+$0xFFFFFFE0]  }
0x39: {  	v7 =	vld [tilespmem:s0+$0xFFFFFFF0]  }
0x3a: {  	v23 =	vld [tilespmem:s0+$0x0]  }
0x3b: {  	v24 =	vld [tilespmem:s0+$0x10]  }
0x3c: {  	v19 =	vld [tilespmem:s0+$0x20]  }
0x3d: {  	v8 =	vld [tilespmem:s2+$0xFFFFFFD0]  }
0x3e: {  	v20 =	vld [tilespmem:s2+$0xFFFFFFE0]  }
0x3f: {  	v21 =	vld [tilespmem:s2+$0xFFFFFFF0]  }
0x40: {  	v18 =	vld [tilespmem:s2+$0x0]  }
0x41: {  	v15 =	vld [tilespmem:s2+$0x10];
	v22 =	vadd.s32 $0x2710, v2  }
0x42: {  	s29 =	simm.s32 $0x11230;
	v12 =	vld [tilespmem:s2+$0x20]  }
0x43: {  	v42 =	vld [tilespmem:s29+$0x30]  }
0x44: {  	v1 =	vld.idx.msk [tilespmem:v3+s15+$0x0], $0xffff  }
0x45: {  	v31 =	vld.idx.msk [tilespmem:v8+s15+$0x0], $0xffff  }
0x46: {  	v9 =	vld.idx.msk [tilespmem:v22+s15+$0x0], $0xffff  }
0x47: {  	v32 =	vld.idx.msk [tilespmem:v3+s25+$0x0], $0xffff  }
0x48: {  	v33 =	vld.idx.msk [tilespmem:v20+s15+$0x0], $0xffff  }
0x49: {  	v17 =	vadd.s32 $0x2710, v4;
	v34 =	vld.idx.msk [tilespmem:v21+s15+$0x0], $0xffff  }
0x4a: {  	v16 =	vadd.s32 $0x2710, v5;
	v35 =	vld.idx.msk [tilespmem:v18+s15+$0x0], $0xffff  }
0x4b: {  	v13 =	vadd.s32 $0x2710, v7;
	v1 =	vadd.f32 v9, v1;
	v9 =	vld [tilespmem:s2+$0xFFFFFFC0]  }
0x4c: {  	v11 =	vadd.s32 $0x2710, v23;
	v36 =	vld.idx.msk [tilespmem:v15+s15+$0x0], $0xffff  }
0x4d: {  	v10 =	vadd.s32 $0x2710, v24;
	v52 =	vld.idx.msk [tilespmem:v12+s15+$0x0], $0xffff  }
0x4e: {  	v26 =	vld.idx.msk [tilespmem:v17+s15+$0x0], $0xffff  }
0x4f: {  	v14 =	vadd.s32 $0x2710, v6;
	v27 =	vld.idx.msk [tilespmem:v16+s15+$0x0], $0xffff  }
0x50: {  	v28 =	vld.idx.msk [tilespmem:v13+s15+$0x0], $0xffff;
	v25 =	vmul.f32 $2.000000030e-01, v1  }
0x51: {  	v29 =	vld.idx.msk [tilespmem:v11+s15+$0x0], $0xffff;
	vm0 =	vge.f32 v1, $0.0e+00  }
0x52: {  	v30 =	vld.idx.msk [tilespmem:v10+s15+$0x0], $0xffff;
	v1 =	vsel vm0, v1, v25  }
0x53: {  	v59 =	vadd.s32 $0x2710, v19;
	v1 =	vmul.f32 $1.442695020e+00, v1;
	v46 =	vld.idx.msk [tilespmem:v9+s15+$0x0], $0xffff  }
0x54: {  	v25 =	vld.idx.msk [tilespmem:v14+s15+$0x0], $0xffff  }
0x55: {  	v55 =	vld.idx.msk [tilespmem:v21+s25+$0x0], $0xffff;
	s2 =	simm.s32 $0x12630;
	(erf) = vpow2.f32 v1  }
0x56: {  	v27 =	vadd.f32 v27, v31;
	v40 =	vld [tilespmem:s2+$0x30]  }
0x57: {  	v3 =	vadd.s32 $0x2710, v3;
	v61 =	vld.idx.msk [tilespmem:v42+s15+$0x0], $0xffff;
	v28 =	vadd.f32 v28, v34;
	v29 =	vadd.f32 v29, v35  }
0x58: {  	v51 =	vld.idx.msk [tilespmem:v59+s15+$0x0], $0xffff;
	v30 =	vadd.f32 v30, v36;
	vm1 =	vge.f32 v27, $0.0e+00;
	v26 =	vadd.f32 v26, v46  }
0x59: {  	v36 =	vld.idx.msk [tilespmem:v12+s25+$0x0], $0xffff;
	v47 =	vmul.f32 $2.000000030e-01, v27;
	v49 =	vmul.f32 $2.000000030e-01, v28;
	v25 =	vadd.f32 v25, v33  }
0x5a: {  	v35 =	vld [tilespmem:s29+$0x10];
	vm3 =	vge.f32 v29, $0.0e+00;
	v50 =	vmul.f32 $2.000000030e-01, v29;
	v37 =	vmul.f32 $2.000000030e-01, v26  }
0x5b: {  	v34 =	vld [tilespmem:s29+$0x20];
	v45 =	vadd.s32 $0x2710, v40;
	v48 =	vmul.f32 $2.000000030e-01, v25;
	vm14 =	vge.f32 v26, $0.0e+00  }
0x5c: {  	v0 =	vld [tilespmem:s2+$0x20];
	v27 =	vsel vm1, v27, v47;
	vm15 =	vge.f32 v25, $0.0e+00;
	v26 =	vsel vm14, v26, v37  }
0x5d: {  	v54 =	vsel vm3, v29, v50;
	v29 =	vld.idx.msk [tilespmem:v15+s25+$0x0], $0xffff;
	v25 =	vsel vm15, v25, v48;
	v26 =	vmul.f32 $1.442695020e+00, v26  }
0x5e: {  	vm2 =	vge.f32 v28, $0.0e+00;
	v27 =	vmul.f32 $1.442695020e+00, v27;
	v53 =	vld.idx.msk [tilespmem:v9+s25+$0x0], $0xffff;
	v25 =	vmul.f32 $1.442695020e+00, v25;
	v31 =	vpop (erf)  }
0x5f: {  	v28 =	vsel vm2, v28, v49;
	v33 =	vld [tilespmem:s29+$0xFFFFFFF0];
	v32 =	vmul.f32 v31, v32;
	(erf) = vpow2.f32 v26  }
0x60: {  	v62 =	vld.idx.msk [tilespmem:v45+s15+$0x0], $0xffff;
	v26 =	vmul.f32 $1.442695020e+00, v28;
	(erf) = vpow2.f32 v27  }
0x61: {  	v48 =	vld.idx.msk [tilespmem:v42+s25+$0x0], $0xffff;
	(erf) = vpow2.f32 v25  }
0x62: {  	[tilespmem:v2+s22+$0x0] =	vst.idx.add.f32.msk $0xffff, v32;
	(erf) = vpow2.f32 v26  }
0x63: {  	v38 =	vmul.f32 $2.000000030e-01, v30;
	v3 =	vld.idx.msk [tilespmem:v3+s25+$0x0], $0xffff  }
0x64: {  	vm6 =	vge.f32 v30, $0.0e+00;
	v32 =	vld [tilespmem:s29+$0x0]  }
0x65: {  	v2 =	vmul.f32 $1.442695020e+00, v54;
	v27 =	vsel vm6, v30, v38;
	v30 =	vld [tilespmem:s29+$0xFFFFFFC0]  }
0x66: {  	v25 =	vld.idx.msk [tilespmem:v8+s25+$0x0], $0xffff;
	v27 =	vmul.f32 $1.442695020e+00, v27  }
0x67: {  	v26 =	vld.idx.msk [tilespmem:v20+s25+$0x0], $0xffff;
	(erf) = vpow2.f32 v2  }
0x68: {  	(erf) = vpow2.f32 v27;
	v27 =	vld.idx.msk [tilespmem:v18+s25+$0x0], $0xffff;
	v3 =	vmul.f32 v31, v3;
	v38 =	vpop (erf)  }
0x69: {  	v31 =	vld [tilespmem:s29+$0xFFFFFFD0];
	v39 =	vpop (erf)  }
0x6a: {  	[tilespmem:v22+s22+$0x0] =	vst.idx.add.f32.msk $0xffff, v3;
	v56 =	vmul.f32 v38, v53;
	v41 =	vpop (erf)  }
0x6b: {  	v22 =	vmul.f32 v39, v25;
	v25 =	vld [tilespmem:s2+$0xFFFFFFE0];
	v43 =	vpop (erf)  }
0x6c: {  	[tilespmem:v4+s22+$0x0] =	vst.idx.add.f32.msk $0xffff, v56;
	v2 =	vmul.f32 v43, v55  }
0x6d: {  	v57 =	vmul.f32 v41, v26;
	v26 =	vld [tilespmem:s2+$0xFFFFFFD0];
	v4 =	vadd.f32 v51, v52  }
0x6e: {  	[tilespmem:v7+s22+$0x0] =	vst.idx.add.f32.msk $0xffff, v2;
	v2 =	vadd.f32 v62, v61  }
0x6f: {  	v52 =	vld.idx.msk [tilespmem:v30+s15+$0x0], $0xffff;
	v63 =	vmul.f32 $2.000000030e-01, v4  }
0x70: {  	[tilespmem:v5+s22+$0x0] =	vst.idx.add.f32.msk $0xffff, v22;
	vm7 =	vge.f32 v4, $0.0e+00;
	v5 =	vmul.f32 $2.000000030e-01, v2  }
0x71: {  	v44 =	vpop (erf);
	v22 =	vld [tilespmem:s2+$0x0];
	v3 =	vsel vm7, v4, v63;
	vm8 =	vge.f32 v2, $0.0e+00  }
0x72: {  	v53 =	vld.idx.msk [tilespmem:v31+s15+$0x0], $0xffff;
	v58 =	vmul.f32 v44, v27;
	v28 =	vpop (erf);
	v4 =	vmul.f32 $1.442695020e+00, v3;
	v5 =	vsel vm8, v2, v5  }
0x73: {  	v27 =	vld [tilespmem:s2+$0xFFFFFFC0];
	v60 =	vmul.f32 v28, v29;
	v5 =	vmul.f32 $1.442695020e+00, v5  }
0x74: {  	v29 =	vld [tilespmem:s29+$0xFFFFFFE0];
	(erf) = vpow2.f32 v4  }
0x75: {  	[tilespmem:v24+s22+$0x0] =	vst.idx.add.f32.msk $0xffff, v60;
	(erf) = vpow2.f32 v5  }
0x76: {  	v62 =	vadd.s32 $0x2710, v25;
	v24 =	vld [tilespmem:s2+$0xFFFFFFF0]  }
0x77: {  	[tilespmem:v6+s22+$0x0] =	vst.idx.add.f32.msk $0xffff, v57;
	v60 =	vadd.s32 $0x2710, v26  }
0x78: {  	v57 =	vld.idx.msk [tilespmem:v33+s15+$0x0], $0xffff;
	v63 =	vadd.s32 $0x2710, v22  }
0x79: {  	[tilespmem:v23+s22+$0x0] =	vst.idx.add.f32.msk $0xffff, v58  }
0x7a: {  	v23 =	vld [tilespmem:s2+$0x10];
	v61 =	vadd.s32 $0x2710, v27  }
0x7b: {  	v47 =	vld.idx.msk [tilespmem:v62+s15+$0x0], $0xffff;
	v7 =	vadd.s32 $0x2710, v24  }
0x7c: {  	v46 =	vld.idx.msk [tilespmem:v60+s15+$0x0], $0xffff  }
0x7d: {  	v50 =	vld.idx.msk [tilespmem:v63+s15+$0x0], $0xffff;
	v51 =	vpop (erf)  }
0x7e: {  	v42 =	vadd.s32 $0x2710, v42;
	v55 =	vld.idx.msk [tilespmem:v29+s15+$0x0], $0xffff;
	v54 =	vpop (erf)  }
0x7f: {  	v3 =	vld.idx.msk [tilespmem:v61+s15+$0x0], $0xffff;
	v48 =	vmul.f32 v54, v48  }
0x80: {  	v56 =	vadd.s32 $0x2710, v9;
	v49 =	vld.idx.msk [tilespmem:v7+s15+$0x0], $0xffff  }
0x81: {  	v58 =	vadd.s32 $0x2710, v8;
	[tilespmem:v40+s22+$0x0] =	vst.idx.add.f32.msk $0xffff, v48  }
0x82: {  	v9 =	vadd.s32 $0x2710, v23;
	v36 =	vmul.f32 v51, v36;
	v40 =	vld.idx.msk [tilespmem:v32+s15+$0x0], $0xffff  }
0x83: {  	v42 =	vld.idx.msk [tilespmem:v42+s25+$0x0], $0xffff;
	[tilespmem:$0x1FFF0] =	vst v0  }
0x84: {  	v18 =	vadd.s32 $0x2710, v18;
	[tilespmem:v19+s22+$0x0] =	vst.idx.add.f32.msk $0xffff, v36  }
0x85: {  	v19 =	vadd.s32 $0x2710, v20;
	v20 =	vld.idx.msk [tilespmem:v56+s25+$0x0], $0xffff  }
0x86: {  	v21 =	vadd.s32 $0x2710, v21;
	v37 =	vadd.f32 v3, v52;
	v58 =	vld.idx.msk [tilespmem:v58+s25+$0x0], $0xffff  }
0x87: {  	v12 =	vadd.s32 $0x2710, v12;
	v46 =	vadd.f32 v46, v53;
	v47 =	vadd.f32 v47, v55;
	v1 =	vld.idx.msk [tilespmem:v9+s15+$0x0], $0xffff  }
0x88: {  	v49 =	vadd.f32 v49, v57;
	v0 =	vadd.s32 $0x2710, v0;
	v56 =	vmul.f32 $2.000000030e-01, v37;
	v2 =	vld.idx.msk [tilespmem:v35+s15+$0x0], $0xffff  }
0x89: {  	v15 =	vadd.s32 $0x2710, v15;
	vm10 =	vge.f32 v46, $0.0e+00;
	vm9 =	vge.f32 v37, $0.0e+00;
	v18 =	vld.idx.msk [tilespmem:v18+s25+$0x0], $0xffff  }
0x8a: {  	vm11 =	vge.f32 v47, $0.0e+00;
	v57 =	vmul.f32 $2.000000030e-01, v49;
	v36 =	vsel vm9, v37, v56;
	v19 =	vld.idx.msk [tilespmem:v19+s25+$0x0], $0xffff  }
0x8b: {  	vm12 =	vge.f32 v49, $0.0e+00;
	v21 =	vld.idx.msk [tilespmem:v21+s25+$0x0], $0xffff;
	v56 =	vmul.f32 $2.000000030e-01, v47;
	v36 =	vmul.f32 $1.442695020e+00, v36  }
0x8c: {  	v55 =	vld.idx.msk [tilespmem:v34+s15+$0x0], $0xffff;
	v40 =	vadd.f32 v50, v40;
	v42 =	vmul.f32 v54, v42;
	v54 =	vmul.f32 $2.000000030e-01, v46  }
0x8d: {  	v3 =	vld.idx.msk [tilespmem:v0+s15+$0x0], $0xffff;
	v20 =	vmul.f32 v38, v20;
	v39 =	vmul.f32 v39, v58;
	v37 =	vadd.f32 v1, v2  }
0x8e: {  	(erf) = vpow2.f32 v36;
	v18 =	vmul.f32 v44, v18;
	v38 =	vsel vm10, v46, v54  }
0x8f: {  	vm13 =	vge.f32 v40, $0.0e+00;
	[tilespmem:v17+s22+$0x0] =	vst.idx.add.f32.msk $0xffff, v20;
	v17 =	vsel vm11, v47, v56;
	v19 =	vmul.f32 v41, v19  }
0x90: {  	v38 =	vmul.f32 $1.442695020e+00, v38;
	[tilespmem:v16+s22+$0x0] =	vst.idx.add.f32.msk $0xffff, v39;
	v16 =	vsel vm12, v49, v57;
	v20 =	vmul.f32 v43, v21  }
0x91: {  	vm14 =	vge.f32 v37, $0.0e+00;
	v17 =	vmul.f32 $1.442695020e+00, v17;
	[tilespmem:v14+s22+$0x0] =	vst.idx.add.f32.msk $0xffff, v19;
	v19 =	vmul.f32 $2.000000030e-01, v40  }
0x92: {  	(erf) = vpow2.f32 v38;
	[tilespmem:v13+s22+$0x0] =	vst.idx.add.f32.msk $0xffff, v20;
	v13 =	vmul.f32 $2.000000030e-01, v37;
	v14 =	vadd.f32 v3, v55  }
0x93: {  	v15 =	vld.idx.msk [tilespmem:v15+s25+$0x0], $0xffff;
	v16 =	vmul.f32 $1.442695020e+00, v16;
	(erf) = vpow2.f32 v17;
	v17 =	vsel vm13, v40, v19  }
0x94: {  	v58 =	vld.idx.msk [tilespmem:v12+s25+$0x0], $0xffff;
	v13 =	vsel vm14, v37, v13;
	v20 =	vmul.f32 $2.000000030e-01, v14;
	v17 =	vmul.f32 $1.442695020e+00, v17  }
0x95: {  	[tilespmem:v45+s22+$0x0] =	vst.idx.add.f32.msk $0xffff, v42;
	(erf) = vpow2.f32 v16;
	v13 =	vmul.f32 $1.442695020e+00, v13;
	vm15 =	vge.f32 v14, $0.0e+00  }
0x96: {  	[tilespmem:v11+s22+$0x0] =	vst.idx.add.f32.msk $0xffff, v18;
	v14 =	vsel vm15, v14, v20;
	(erf) = vpow2.f32 v17  }
0x97: {  	v19 =	vld.idx.msk [tilespmem:v30+s25+$0x0], $0xffff;
	(erf) = vpow2.f32 v13;
	v13 =	vmul.f32 $1.442695020e+00, v14  }
0x98: {  	v11 =	vld.idx.msk [tilespmem:v33+s25+$0x0], $0xffff  }
0x99: {  	v16 =	vld.idx.msk [tilespmem:v31+s25+$0x0], $0xffff;
	(erf) = vpow2.f32 v13;
	v13 =	vmul.f32 v28, v15  }
0x9a: {  	v17 =	vld.idx.msk [tilespmem:v29+s25+$0x0], $0xffff  }
0x9b: {  	v18 =	vpop (erf);
	v20 =	vld.idx.msk [tilespmem:v35+s25+$0x0], $0xffff  }
0x9c: {  	v14 =	vld.idx.msk [tilespmem:v32+s25+$0x0], $0xffff;
	v12 =	vmul.f32 v18, v19  }
0x9d: {  	[tilespmem:v10+s22+$0x0] =	vst.idx.add.f32.msk $0xffff, v13;
	v13 =	vpop (erf)  }
0x9e: {  	[tilespmem:v27+s22+$0x0] =	vst.idx.add.f32.msk $0xffff, v12;
	v10 =	vmul.f32 v13, v16;
	v16 =	vpop (erf)  }
0x9f: {  	v27 =	vld.idx.msk [tilespmem:v34+s25+$0x0], $0xffff;
	v12 =	vmul.f32 v16, v17;
	v17 =	vpop (erf)  }
0xa0: {  	[tilespmem:v26+s22+$0x0] =	vst.idx.add.f32.msk $0xffff, v10;
	v11 =	vmul.f32 v17, v11;
	v19 =	vpop (erf)  }
0xa1: {  	v28 =	vadd.s32 $0x2710, v31;
	[tilespmem:v25+s22+$0x0] =	vst.idx.add.f32.msk $0xffff, v12;
	v14 =	vmul.f32 v19, v14;
	v21 =	vpop (erf)  }
0xa2: {  	v15 =	vadd.s32 $0x2710, v32;
	v12 =	vadd.s32 $0x2710, v33;
	[tilespmem:v24+s22+$0x0] =	vst.idx.add.f32.msk $0xffff, v11;
	v20 =	vmul.f32 v21, v20  }
0xa3: {  	p0 =	por $0x1, $0x1;
	v11 =	vadd.s32 $0x2710, v29;
	v24 =	vmul.f32 v51, v58;
	[tilespmem:v22+s22+$0x0] =	vst.idx.add.f32.msk $0xffff, v14;
	v14 =	vadd.s32 $0x2710, v35;
	v22 =	vpop (erf)  }
0xa4: {  	s31 =	simm.s32 $0x8;
	s30 =	simm.s32 $0x0;
	s0 =	simm.s32 $0x126B0;
	v53 =	vmovc v0;
	[tilespmem:v23+s22+$0x0] =	vst.idx.add.f32.msk $0xffff, v20;
	v20 =	vadd.s32 $0x2710, v34;
	v23 =	vadd.s32 $0x2710, v30;
	v37 =	vmul.f32 v22, v27  }
.LBB2_5:
0xa5: {  	v40 =	vld [tilespmem:s0+$0x30];
	s29 =	sadd.s32 $0x80, s29  }
0xa6: {  	v41 =	vld [tilespmem:s29+$0x30];
	_ =	sdelay $0x3  }
0xa7: {  	v39 =	vadd.s32 $0x2710, v40;
	_ =	sdelay $0x2  }
0xa8: {  	v30 =	vld [tilespmem:s0+$0xFFFFFFC0]  }
0xa9: {  	v43 =	vld.idx.msk [tilespmem:v41+s15+$0x0], $0xffff  }
0xaa: {  	v44 =	vld.idx.msk [tilespmem:v39+s15+$0x0], $0xffff  }
0xab: {  	v29 =	vld [tilespmem:s0+$0xFFFFFFD0]  }
0xac: {  	v3 =	vld [tilespmem:s0+$0xFFFFFFE0]  }
0xad: {  	v2 =	vld [tilespmem:s0+$0xFFFFFFF0]  }
0xae: {  	v0 =	vld [tilespmem:s0+$0x0]  }
0xaf: {  	v1 =	vld [tilespmem:s0+$0x10];
	v43 =	vadd.f32 v44, v43  }
0xb0: {  	v45 =	vld [tilespmem:s29+$0xFFFFFFD0]  }
0xb1: {  	v42 =	vld [tilespmem:s0+$0x20];
	v55 =	vmul.f32 $2.000000030e-01, v43  }
0xb2: {  	v44 =	vld [tilespmem:s29+$0xFFFFFFC0];
	vm0 =	vge.f32 v43, $0.0e+00  }
0xb3: {  	v46 =	vld [tilespmem:s29+$0xFFFFFFE0];
	v43 =	vsel vm0, v43, v55  }
0xb4: {  	v47 =	vld [tilespmem:s29+$0xFFFFFFF0];
	v36 =	vadd.s32 $0x2710, v30;
	v43 =	vmul.f32 $1.442695020e+00, v43  }
0xb5: {  	v48 =	vld [tilespmem:s29+$0x0]  }
0xb6: {  	v49 =	vld [tilespmem:s29+$0x10];
	(erf) = vpow2.f32 v43  }
0xb7: {  	v51 =	vld [tilespmem:s29+$0x20]  }
0xb8: {  	[tilespmem:$0x1FFE0] =	vst v1;
	v31 =	vadd.s32 $0x2710, v1;
	v1 =	vld.idx.msk [tilespmem:v45+s15+$0x0], $0xffff  }
0xb9: {  	[tilespmem:$0x1FF80] =	vst v53;
	v53 =	vld.idx.msk [tilespmem:v36+s15+$0x0], $0xffff  }
0xba: {  	s2 =	simm.s32 $0x0;
	[tilespmem:$0x1FFD0] =	vst v0;
	v32 =	vadd.s32 $0x2710, v0;
	v0 =	vld.idx.msk [tilespmem:v44+s15+$0x0], $0xffff  }
0xbb: {  	[tilespmem:$0x1FFC0] =	vst v2;
	v33 =	vadd.s32 $0x2710, v2;
	v2 =	vld.idx.msk [tilespmem:v41+s2+$0x0], $0xffff  }
0xbc: {  	[tilespmem:$0x1FFB0] =	vst v3;
	v35 =	vadd.s32 $0x2710, v29;
	v34 =	vadd.s32 $0x2710, v3;
	v3 =	vld.idx.msk [tilespmem:v46+s15+$0x0], $0xffff  }
0xbd: {  	v4 =	vld.idx.msk [tilespmem:v47+s15+$0x0], $0xffff  }
0xbe: {  	v5 =	vld.idx.msk [tilespmem:v48+s15+$0x0], $0xffff;
	v41 =	vadd.s32 $0x2710, v41  }
0xbf: {  	v50 =	vadd.s32 $0x2710, v45;
	v45 =	vld.idx.msk [tilespmem:v45+s2+$0x0], $0xffff;
	v0 =	vadd.f32 v53, v0;
	v6 =	vpop (erf)  }
0xc0: {  	v54 =	vadd.s32 $0x2710, v47;
	v47 =	vld.idx.msk [tilespmem:v47+s2+$0x0], $0xffff;
	v2 =	vmul.f32 v6, v2  }
0xc1: {  	v10 =	vmov v7;
	v56 =	vld.idx.msk [tilespmem:v35+s15+$0x0], $0xffff;
	v7 =	vmul.f32 $2.000000030e-01, v0  }
0xc2: {  	vm12 =	vge.f32 v0, $0.0e+00;
	[tilespmem:v40+s22+$0x0] =	vst.idx.add.f32.msk $0xffff, v2  }
0xc3: {  	v0 =	vsel vm12, v0, v7;
	v7 =	vld.idx.msk [tilespmem:v41+s2+$0x0], $0xffff  }
0xc4: {  	v58 =	vld.idx.msk [tilespmem:v34+s15+$0x0], $0xffff  }
0xc5: {  	v27 =	vmov v62;
	v62 =	vld.idx.msk [tilespmem:v32+s15+$0x0], $0xffff  }
0xc6: {  	[tilespmem:$0x1FF90] =	vst v63;
	v63 =	vld.idx.msk [tilespmem:v31+s15+$0x0], $0xffff;
	v1 =	vadd.f32 v56, v1  }
0xc7: {  	v56 =	vld.idx.msk [tilespmem:v51+s15+$0x0], $0xffff  }
0xc8: {  	v38 =	vadd.s32 $0x2710, v42;
	v8 =	vmul.f32 $2.000000030e-01, v1;
	v6 =	vmul.f32 v6, v7;
	v7 =	vld [tilespmem:$0x1FFF0]  }
0xc9: {  	vm1 =	vge.f32 v1, $0.0e+00;
	v55 =	vld.idx.msk [tilespmem:v33+s15+$0x0], $0xffff  }
0xca: {  	v1 =	vsel vm1, v1, v8;
	v8 =	vld.idx.msk [tilespmem:v48+s2+$0x0], $0xffff  }
0xcb: {  	v57 =	vadd.s32 $0x2710, v48;
	v48 =	vld.idx.msk [tilespmem:v28+s30+$0x0], $0xffff  }
0xcc: {  	v28 =	vmov v50;
	v50 =	vld.idx.msk [tilespmem:v12+s30+$0x0], $0xffff  }
0xcd: {  	v43 =	vld.idx.msk [tilespmem:v38+s15+$0x0], $0xffff  }
0xce: {  	v3 =	vadd.f32 v58, v3;
	v40 =	vld.idx.msk [tilespmem:v46+s2+$0x0], $0xffff  }
0xcf: {  	v52 =	vadd.s32 $0x2710, v46;
	v4 =	vadd.f32 v55, v4;
	v46 =	vld.idx.msk [tilespmem:v51+s2+$0x0], $0xffff  }
0xd0: {  	vm13 =	vge.f32 v3, $0.0e+00;
	v58 =	vmul.f32 $2.000000030e-01, v3;
	[tilespmem:v7+s22+$0x0] =	vst.idx.add.f32.msk $0xffff, v37  }
0xd1: {  	[tilespmem:$0x1FFA0] =	vst v9;
	v9 =	vmovc v61;
	v61 =	vadd.s32 $0x2710, v44;
	v0 =	vmul.f32 $1.442695020e+00, v0;
	v41 =	vmul.f32 $2.000000030e-01, v4;
	v7 =	vld.idx.msk [tilespmem:v23+s30+$0x0], $0xffff  }
0xd2: {  	v1 =	vmul.f32 $1.442695020e+00, v1;
	v44 =	vld.idx.msk [tilespmem:v44+s2+$0x0], $0xffff;
	vm2 =	vge.f32 v4, $0.0e+00;
	v2 =	vsel vm13, v3, v58  }
0xd3: {  	v55 =	vld [tilespmem:$0x1FFC0];
	v2 =	vmul.f32 $1.442695020e+00, v2;
	(erf) = vpow2.f32 v0;
	v4 =	vsel vm2, v4, v41  }
0xd4: {  	v53 =	vld.idx.msk [tilespmem:v49+s15+$0x0], $0xffff;
	(erf) = vpow2.f32 v1;
	v4 =	vmul.f32 $1.442695020e+00, v4  }
0xd5: {  	v25 =	vmov v60;
	v43 =	vadd.f32 v43, v56;
	v3 =	vld.idx.msk [tilespmem:v49+s2+$0x0], $0xffff;
	(erf) = vpow2.f32 v2  }
0xd6: {  	v26 =	vmovc v59;
	v59 =	vadd.s32 $0x2710, v49;
	v49 =	vld.idx.msk [tilespmem:v11+s30+$0x0], $0xffff;
	(erf) = vpow2.f32 v4;
	v4 =	vmul.f32 v18, v7  }
0xd7: {  	v58 =	vmul.f32 $2.000000030e-01, v43;
	v11 =	vmov v52;
	v52 =	vld [tilespmem:$0x1FFB0]  }
0xd8: {  	v5 =	vadd.f32 v62, v5;
	vm15 =	vge.f32 v43, $0.0e+00;
	[tilespmem:v9+s22+$0x0] =	vst.idx.add.f32.msk $0xffff, v4;
	v4 =	vmul.f32 v13, v48  }
0xd9: {  	v43 =	vsel vm15, v43, v58;
	v58 =	vld [tilespmem:$0x1FFE0]  }
0xda: {  	v62 =	vadd.f32 v63, v53;
	v63 =	vmul.f32 $2.000000030e-01, v5;
	[tilespmem:v25+s22+$0x0] =	vst.idx.add.f32.msk $0xffff, v4  }
0xdb: {  	vm3 =	vge.f32 v5, $0.0e+00;
	v4 =	vld [tilespmem:$0x1FF90]  }
0xdc: {  	v56 =	vmul.f32 $2.000000030e-01, v62;
	v5 =	vsel vm3, v5, v63;
	v1 =	vmul.f32 v17, v50;
	v41 =	vld.idx.msk [tilespmem:v15+s30+$0x0], $0xffff  }
0xdd: {  	vm14 =	vge.f32 v62, $0.0e+00;
	v5 =	vmul.f32 $1.442695020e+00, v5;
	v15 =	vmov v57;
	v57 =	vld [tilespmem:$0x1FFD0]  }
0xde: {  	v62 =	vsel vm14, v62, v56;
	[tilespmem:v10+s22+$0x0] =	vst.idx.add.f32.msk $0xffff, v1;
	v0 =	vmul.f32 v16, v49  }
0xdf: {  	(erf) = vpow2.f32 v5;
	[tilespmem:v39+s22+$0x0] =	vst.idx.add.f32.msk $0xffff, v6;
	v6 =	vmul.f32 $1.442695020e+00, v62  }
0xe0: {  	v43 =	vmul.f32 $1.442695020e+00, v43;
	[tilespmem:v27+s22+$0x0] =	vst.idx.add.f32.msk $0xffff, v0  }
0xe1: {  	v63 =	vmov v42;
	v42 =	vmul.f32 v19, v41;
	(erf) = vpow2.f32 v6;
	v6 =	vld [tilespmem:$0x1FF80]  }
0xe2: {  	v5 =	vld.idx.msk [tilespmem:v20+s30+$0x0], $0xffff  }
0xe3: {  	(erf) = vpow2.f32 v43;
	[tilespmem:v4+s22+$0x0] =	vst.idx.add.f32.msk $0xffff, v42  }
0xe4: {  	v18 =	vpop (erf);
	v4 =	vld [tilespmem:$0x1FFA0]  }
0xe5: {  	[tilespmem:$0x1FFF0] =	vst v63;
	v7 =	vld.idx.msk [tilespmem:v14+s30+$0x0], $0xffff;
	v48 =	vmul.f32 v18, v44;
	v13 =	vpop (erf)  }
0xe6: {  	[tilespmem:v26+s22+$0x0] =	vst.idx.add.f32.msk $0xffff, v24;
	v49 =	vmul.f32 v13, v45;
	v16 =	vpop (erf)  }
0xe7: {  	s31 =	sadd.s32 $0x8, s31;
	[tilespmem:v30+s22+$0x0] =	vst.idx.add.f32.msk $0xffff, v48;
	v50 =	vmul.f32 v16, v40;
	v17 =	vpop (erf)  }
0xe8: {  	p1 =	slt.u32 s31, $0x98;
	v60 =	vadd.s32 $0x2710, v51;
	[tilespmem:v29+s22+$0x0] =	vst.idx.add.f32.msk $0xffff, v49;
	v51 =	vmul.f32 v17, v47;
	v19 =	vpop (erf)  }
.Ltmp1:
0xe9: {  	v12 =	vmov v54;
	v53 =	vmov v38;
	[tilespmem:v52+s22+$0x0] =	vst.idx.add.f32.msk $0xffff, v50;
	v54 =	vmul.f32 v19, v8;
	(pc) =	sbr.rel @p1 .LBB2_5-.Ltmp1, $4  }
0xea: {  	v63 =	vmov v32;
	v62 =	vmov v34;
	v43 =	vmul.f32 v21, v7;
	v21 =	vpop (erf);
	[tilespmem:v55+s22+$0x0] =	vst.idx.add.f32.msk $0xffff, v51  }
0xeb: {  	v23 =	vmovc v61;
	v61 =	vmov v36;
	v20 =	vmov v60;
	v56 =	vmul.f32 v21, v3;
	[tilespmem:v57+s22+$0x0] =	vst.idx.add.f32.msk $0xffff, v54  }
0xec: {  	v60 =	vmov v35;
	v14 =	vmov v59;
	v24 =	vmul.f32 v22, v5;
	v22 =	vpop (erf);
	[tilespmem:v4+s22+$0x0] =	vst.idx.add.f32.msk $0xffff, v43  }
0xed: {  	s0 =	sadd.s32 $0x80, s0;
	s30 =	smov.u32 s2;
	v59 =	vmovc v6;
	v9 =	vmov v31;
	v7 =	vmov v33;
	v37 =	vmul.f32 v22, v46;
	[tilespmem:v58+s22+$0x0] =	vst.idx.add.f32.msk $0xffff, v56  }
0xee: {  	_ =	sdelay $0x2  }
0xef: {  	v0 =	vld [tilespmem:$0x1FFF0]  }
0xf0: {  	v56 =	vld.idx.msk [tilespmem:v23+s30+$0x0], $0xffff  }
0xf1: {  	v1 =	vld.idx.msk [tilespmem:v28+s30+$0x0], $0xffff  }
0xf2: {  	v2 =	vld.idx.msk [tilespmem:v11+s30+$0x0], $0xffff  }
0xf3: {  	v3 =	vld.idx.msk [tilespmem:v12+s30+$0x0], $0xffff  }
0xf4: {  	v4 =	vld.idx.msk [tilespmem:v15+s30+$0x0], $0xffff  }
0xf5: {  	v5 =	vld.idx.msk [tilespmem:v14+s30+$0x0], $0xffff  }
0xf6: {  	[tilespmem:v59+s22+$0x0] =	vst.idx.add.f32.msk $0xffff, v24  }
0xf7: {  	v57 =	vmul.f32 v13, v1;
	[tilespmem:v0+s22+$0x0] =	vst.idx.add.f32.msk $0xffff, v37  }
0xf8: {  	v58 =	vmul.f32 v16, v2;
	v6 =	vld.idx.msk [tilespmem:v20+s30+$0x0], $0xffff  }
0xf9: {  	[tilespmem:v60+s22+$0x0] =	vst.idx.add.f32.msk $0xffff, v57;
	v0 =	vmul.f32 v18, v56  }
0xfa: {  	v60 =	vmul.f32 v17, v3;
	[tilespmem:v62+s22+$0x0] =	vst.idx.add.f32.msk $0xffff, v58  }
0xfb: {  	[tilespmem:v61+s22+$0x0] =	vst.idx.add.f32.msk $0xffff, v0;
	v61 =	vmul.f32 v19, v4  }
0xfc: {  	v62 =	vmul.f32 v21, v5;
	[tilespmem:v7+s22+$0x0] =	vst.idx.add.f32.msk $0xffff, v60  }
0xfd: {  	[tilespmem:v63+s22+$0x0] =	vst.idx.add.f32.msk $0xffff, v61;
	v63 =	vmul.f32 v22, v6  }
0xfe: {  	[tilespmem:v9+s22+$0x0] =	vst.idx.add.f32.msk $0xffff, v62  }
0xff: {  	[tilespmem:v53+s22+$0x0] =	vst.idx.add.f32.msk $0xffff, v63  }
.LBB2_7:
0x100: {  	s0 =	sadd.s32 s6, s2  }
0x101: {  	s0 =	sshll.u32 s0, $0x4  }
0x102: {  	s30 =	sadd.s32 s2, s9;
	v0 =	vld [tilespmem:s0+$0x12570]  }
0x103: {  	s31 =	sshll.u32 s30, $0x4;
	v1 =	vld [tilespmem:s0+$0x11170]  }
0x104: {  	v2 =	vld [tilespmem:s31+$0x12570]  }
0x105: {  	v3 =	vld [tilespmem:s31+$0x11170];
	_ =	sdelay $0x3  }
0x106: {  	v4 =	vadd.s32 $0x2710, v0  }
0x107: {  	v5 =	vadd.s32 $0x2710, v2;
	_ =	sdelay $0x1  }
0x108: {  	v1 =	vld.idx.msk [tilespmem:v1+s15+$0x0], $0xffff  }
0x109: {  	v3 =	vld.idx.msk [tilespmem:v3+s15+$0x0], $0xffff  }
0x10a: {  	v4 =	vld.idx.msk [tilespmem:v4+s15+$0x0], $0xffff  }
0x10b: {  	v5 =	vld.idx.msk [tilespmem:v5+s15+$0x0], $0xffff;
	_ =	sdelay $0x3  }
0x10c: {  	v1 =	vadd.f32 v4, v1  }
0x10d: {  	v3 =	vadd.f32 v5, v3  }
0x10e: {  	v4 =	vmul.f32 $2.000000030e-01, v1  }
0x10f: {  	vm0 =	vge.f32 v1, $0.0e+00;
	v5 =	vmul.f32 $2.000000030e-01, v3  }
0x110: {  	vm15 =	vge.f32 v3, $0.0e+00;
	v1 =	vsel vm0, v1, v4  }
0x111: {  	v3 =	vsel vm15, v3, v5;
	v1 =	vmul.f32 $1.442695020e+00, v1  }
0x112: {  	v3 =	vmul.f32 $1.442695020e+00, v3  }
0x113: {  	(erf) = vpow2.f32 v1  }
0x114: {  	(erf) = vpow2.f32 v3;
	_ =	sdelay $0x3  }
0x115: {  	v0 =	vadd.s32 $0x4E20, v0  }
0x116: {  	p1 =	por p0, p0;
	v61 =	vadd.s32 $0x4E20, v2  }
.Ltmp2:
0x117: {  	_ = 	snop;
	(pc) =	sbr.rel @p1 .LBB2_7-.Ltmp2, $4  }
0x118: {  	_ = 	snop  }
0x119: {  	v62 =	vpop (erf)  }
0x11a: {  	[tilespmem:v0+s22+$0x0] =	vst.idx.add.f32.msk $0xffff, v62;
	v63 =	vpop (erf)  }
0x11b: {  	s2 =	simm.s32 $0x2;
	p0 =	por $0x0, $0x0;
	[tilespmem:v61+s22+$0x0] =	vst.idx.add.f32.msk $0xffff, v63  }
0x11c: {  	v0 =	vld [tilespmem:s10+$0x12570]  }
0x11d: {  	v1 =	vld [tilespmem:s10+$0x11170];
	_ =	sdelay $0x3  }
0x11e: {  	v2 =	vadd.s32 $0x2710, v0;
	_ =	sdelay $0x3  }
0x11f: {  	v1 =	vld.idx.msk [tilespmem:v1+s15+$0x0], $0xffff  }
0x120: {  	v2 =	vld.idx.msk [tilespmem:v2+s15+$0x0], $0xffff;
	_ =	sdelay $0x4  }
0x121: {  	v1 =	vadd.f32 v2, v1;
	_ =	sdelay $0x1  }
0x122: {  	v2 =	vmul.f32 $2.000000030e-01, v1  }
0x123: {  	vm0 =	vge.f32 v1, $0.0e+00  }
0x124: {  	v1 =	vsel vm0, v1, v2  }
0x125: {  	v1 =	vmul.f32 $1.442695020e+00, v1;
	_ =	sdelay $0x1  }
0x126: {  	(erf) = vpow2.f32 v1;
	_ =	sdelay $0x4  }
0x127: {  	v0 =	vadd.s32 $0x4E20, v0;
	_ =	sdelay $0x3  }
0x128: {  	s0 =	sadd.s32 $0x280, s28;
	v1 =	vpop (erf)  }
0x129: {  	s2 =	sadd.s32 s4, s0;
	[tilespmem:v0+s22+$0x0] =	vst.idx.add.f32.msk $0xffff, v1  }
0x12a: {  	[tilespmem:s17], [sflag:$0x1] =	stream.linear.gather [hbm4b:s2+s1], $0xA00, $0x38;
	[tilespmem:$0x13970] =	vst v63  }
0x12b: {  	s0 =	sadd.s32 s5, s0  }
0x12c: {  	[tilespmem:s18], [sflag:$0x1] =	stream.linear.gather [hbm4b:s0+s1], $0xA00, $0x38;
	[tilespmem:$0x13970] =	vst v63  }
0x12d: {  	_ =	swait.ge [sflag:s23], $0xA00  }
0x12e: {  	[sflag:s23] =	ssyncset.done $0x0  }
0x12f: {  	[sflag:s23] =	ssyncadd.s32 $0xFFFFF600  }
0x130: {  	_ =	swait.ge [sflag:s23], $0xA00  }
0x131: {  	[sflag:s23] =	ssyncset.done $0x0  }
0x132: {  	s0 =	simm.s32 $0x12FE0;
	[sflag:s23] =	ssyncadd.s32 $0xFFFFF600  }
0x133: {  	s2 =	simm.s32 $0x11BE0;
	v53 =	vld [tilespmem:s0+$0x0]  }
0x134: {  	v54 =	vld [tilespmem:s2+$0x0]  }
0x135: {  	v3 =	vld [tilespmem:s0+$0xFFFFFF90]  }
0x136: {  	v4 =	vld [tilespmem:s0+$0xFFFFFFA0]  }
0x137: {  	v5 =	vld [tilespmem:s0+$0xFFFFFFB0]  }
0x138: {  	v6 =	vld [tilespmem:s0+$0xFFFFFFC0]  }
0x139: {  	v22 =	vld [tilespmem:s0+$0xFFFFFFD0]  }
0x13a: {  	v23 =	vld [tilespmem:s0+$0xFFFFFFE0]  }
0x13b: {  	v19 =	vld [tilespmem:s0+$0xFFFFFFF0]  }
0x13c: {  	v8 =	vld [tilespmem:s2+$0xFFFFFFA0]  }
0x13d: {  	v20 =	vld [tilespmem:s2+$0xFFFFFFB0]  }
0x13e: {  	v21 =	vld [tilespmem:s2+$0xFFFFFFC0]  }
0x13f: {  	v18 =	vld [tilespmem:s2+$0xFFFFFFD0]  }
0x140: {  	v15 =	vld [tilespmem:s2+$0xFFFFFFE0]  }
0x141: {  	s29 =	simm.s32 $0x11C60;
	v12 =	vld [tilespmem:s2+$0xFFFFFFF0];
	v7 =	vadd.s32 $0x2710, v53  }
0x142: {  	v42 =	vld [tilespmem:s29+$0x0]  }
0x143: {  	v55 =	vld.idx.msk [tilespmem:v54+s15+$0x0], $0xffff  }
0x144: {  	s28 =	simm.s32 $0x0;
	v30 =	vld.idx.msk [tilespmem:v8+s15+$0x0], $0xffff  }
0x145: {  	v31 =	vld.idx.msk [tilespmem:v54+s28+$0x0], $0xffff  }
0x146: {  	v9 =	vld.idx.msk [tilespmem:v7+s15+$0x0], $0xffff  }
0x147: {  	v32 =	vld.idx.msk [tilespmem:v20+s15+$0x0], $0xffff  }
0x148: {  	v33 =	vld.idx.msk [tilespmem:v21+s15+$0x0], $0xffff  }
0x149: {  	v34 =	vld.idx.msk [tilespmem:v18+s15+$0x0], $0xffff  }
0x14a: {  	v17 =	vadd.s32 $0x2710, v3;
	v35 =	vld.idx.msk [tilespmem:v15+s15+$0x0], $0xffff  }
0x14b: {  	v16 =	vadd.s32 $0x2710, v4;
	v1 =	vadd.f32 v9, v55;
	v9 =	vld [tilespmem:s2+$0xFFFFFF90]  }
0x14c: {  	v13 =	vadd.s32 $0x2710, v6;
	v63 =	vld.idx.msk [tilespmem:v12+s15+$0x0], $0xffff  }
0x14d: {  	v11 =	vadd.s32 $0x2710, v22;
	v50 =	vld.idx.msk [tilespmem:v21+s28+$0x0], $0xffff  }
0x14e: {  	v47 =	vld.idx.msk [tilespmem:v42+s28+$0x0], $0xffff  }
0x14f: {  	v10 =	vadd.s32 $0x2710, v23;
	v25 =	vld.idx.msk [tilespmem:v17+s15+$0x0], $0xffff;
	v24 =	vmul.f32 $2.000000030e-01, v1  }
0x150: {  	v26 =	vld.idx.msk [tilespmem:v16+s15+$0x0], $0xffff;
	vm13 =	vge.f32 v1, $0.0e+00  }
0x151: {  	v14 =	vadd.s32 $0x2710, v5;
	v27 =	vld.idx.msk [tilespmem:v13+s15+$0x0], $0xffff;
	v1 =	vsel vm13, v1, v24  }
0x152: {  	v58 =	vadd.s32 $0x2710, v19;
	v28 =	vld.idx.msk [tilespmem:v11+s15+$0x0], $0xffff;
	v1 =	vmul.f32 $1.442695020e+00, v1  }
0x153: {  	v56 =	vld.idx.msk [tilespmem:v9+s15+$0x0], $0xffff  }
0x154: {  	v29 =	vld.idx.msk [tilespmem:v10+s15+$0x0], $0xffff;
	s2 =	simm.s32 $0x13060;
	(erf) = vpow2.f32 v1  }
0x155: {  	v40 =	vld [tilespmem:s2+$0x0]  }
0x156: {  	v24 =	vld.idx.msk [tilespmem:v14+s15+$0x0], $0xffff  }
0x157: {  	v62 =	vld.idx.msk [tilespmem:v58+s15+$0x0], $0xffff;
	v26 =	vadd.f32 v26, v30  }
0x158: {  	v27 =	vadd.f32 v27, v33;
	v55 =	vld.idx.msk [tilespmem:v42+s15+$0x0], $0xffff;
	v25 =	vadd.f32 v25, v56  }
0x159: {  	v28 =	vadd.f32 v28, v34;
	v29 =	vadd.f32 v29, v35;
	v33 =	vld [tilespmem:s29+$0xFFFFFFD0]  }
0x15a: {  	v35 =	vld [tilespmem:s29+$0xFFFFFFE0];
	v57 =	vmul.f32 $2.000000030e-01, v26;
	v45 =	vadd.s32 $0x2710, v40;
	v36 =	vmul.f32 $2.000000030e-01, v25  }
0x15b: {  	v34 =	vld [tilespmem:s29+$0xFFFFFFF0];
	vm1 =	vge.f32 v26, $0.0e+00;
	v24 =	vadd.f32 v24, v32;
	vm14 =	vge.f32 v25, $0.0e+00  }
0x15c: {  	v26 =	vsel vm1, v26, v57;
	v57 =	vadd.f32 v62, v63;
	v63 =	vld [tilespmem:s2+$0xFFFFFFF0];
	v25 =	vsel vm14, v25, v36  }
0x15d: {  	v2 =	vadd.s32 $0x2710, v54;
	v48 =	vld.idx.msk [tilespmem:v9+s28+$0x0], $0xffff;
	v59 =	vmul.f32 $2.000000030e-01, v24;
	v30 =	vpop (erf);
	v25 =	vmul.f32 $1.442695020e+00, v25  }
0x15e: {  	v26 =	vmul.f32 $1.442695020e+00, v26;
	v32 =	vld [tilespmem:s29+$0xFFFFFFC0];
	vm15 =	vge.f32 v24, $0.0e+00;
	v31 =	vmul.f32 v30, v31  }
0x15f: {  	v60 =	vmul.f32 $2.000000030e-01, v27;
	v24 =	vsel vm15, v24, v59;
	v56 =	vld.idx.msk [tilespmem:v45+s15+$0x0], $0xffff;
	(erf) = vpow2.f32 v25  }
0x160: {  	v24 =	vmul.f32 $1.442695020e+00, v24;
	[tilespmem:v53+s22+$0x0] =	vst.idx.add.f32.msk $0xffff, v31;
	(erf) = vpow2.f32 v26  }
0x161: {  	vm2 =	vge.f32 v27, $0.0e+00;
	vm3 =	vge.f32 v28, $0.0e+00;
	v61 =	vmul.f32 $2.000000030e-01, v28;
	v31 =	vld [tilespmem:s29+$0xFFFFFF90]  }
0x162: {  	v37 =	vmul.f32 $2.000000030e-01, v29;
	v27 =	vsel vm2, v27, v60;
	v2 =	vld.idx.msk [tilespmem:v2+s28+$0x0], $0xffff;
	(erf) = vpow2.f32 v24  }
0x163: {  	vm6 =	vge.f32 v29, $0.0e+00;
	v49 =	vsel vm3, v28, v61;
	v25 =	vmul.f32 $1.442695020e+00, v27;
	v27 =	vld.idx.msk [tilespmem:v15+s28+$0x0], $0xffff  }
0x164: {  	v0 =	vmul.f32 $1.442695020e+00, v49;
	v26 =	vsel vm6, v29, v37;
	v37 =	vld.idx.msk [tilespmem:v12+s28+$0x0], $0xffff  }
0x165: {  	v24 =	vld.idx.msk [tilespmem:v8+s28+$0x0], $0xffff;
	v26 =	vmul.f32 $1.442695020e+00, v26;
	(erf) = vpow2.f32 v25  }
0x166: {  	v25 =	vld.idx.msk [tilespmem:v20+s28+$0x0], $0xffff;
	(erf) = vpow2.f32 v0  }
0x167: {  	(erf) = vpow2.f32 v26;
	v26 =	vld.idx.msk [tilespmem:v18+s28+$0x0], $0xffff;
	v2 =	vmul.f32 v30, v2  }
0x168: {  	v30 =	vld [tilespmem:s29+$0xFFFFFFA0];
	v38 =	vpop (erf)  }
0x169: {  	[tilespmem:v7+s22+$0x0] =	vst.idx.add.f32.msk $0xffff, v2;
	v51 =	vmul.f32 v38, v48;
	v39 =	vpop (erf)  }
0x16a: {  	v7 =	vmul.f32 v39, v24;
	v24 =	vld [tilespmem:s2+$0xFFFFFFC0]  }
0x16b: {  	v41 =	vpop (erf);
	[tilespmem:v3+s22+$0x0] =	vst.idx.add.f32.msk $0xffff, v51  }
0x16c: {  	v59 =	vmul.f32 $2.000000030e-01, v57;
	v52 =	vmul.f32 v41, v25;
	v25 =	vld [tilespmem:s2+$0xFFFFFFB0]  }
0x16d: {  	vm7 =	vge.f32 v57, $0.0e+00;
	v3 =	vld [tilespmem:s29+$0xFFFFFFB0]  }
0x16e: {  	v2 =	vsel vm7, v57, v59;
	v57 =	vadd.s32 $0x2710, v8;
	v51 =	vld.idx.msk [tilespmem:v31+s15+$0x0], $0xffff  }
0x16f: {  	v43 =	vpop (erf);
	[tilespmem:v4+s22+$0x0] =	vst.idx.add.f32.msk $0xffff, v7  }
0x170: {  	v44 =	vpop (erf);
	[tilespmem:v5+s22+$0x0] =	vst.idx.add.f32.msk $0xffff, v52  }
0x171: {  	v53 =	vmul.f32 v44, v26;
	v26 =	vld [tilespmem:s2+$0xFFFFFFA0]  }
0x172: {  	v0 =	vmul.f32 v43, v50;
	v52 =	vld.idx.msk [tilespmem:v30+s15+$0x0], $0xffff  }
0x173: {  	v57 =	vld.idx.msk [tilespmem:v57+s28+$0x0], $0xffff  }
0x174: {  	v21 =	vadd.s32 $0x2710, v21;
	v28 =	vpop (erf);
	[tilespmem:v6+s22+$0x0] =	vst.idx.add.f32.msk $0xffff, v0  }
0x175: {  	v5 =	vmul.f32 $1.442695020e+00, v2;
	v54 =	vmul.f32 v28, v27;
	v27 =	vld [tilespmem:s2+$0xFFFFFF90]  }
0x176: {  	v0 =	vadd.f32 v56, v55;
	v56 =	vld.idx.msk [tilespmem:v32+s15+$0x0], $0xffff  }
0x177: {  	v18 =	vadd.s32 $0x2710, v18;
	[tilespmem:v22+s22+$0x0] =	vst.idx.add.f32.msk $0xffff, v53;
	(erf) = vpow2.f32 v5  }
0x178: {  	v22 =	vld [tilespmem:s2+$0xFFFFFFD0];
	v4 =	vmul.f32 $2.000000030e-01, v0  }
0x179: {  	v61 =	vadd.s32 $0x2710, v24;
	v21 =	vld.idx.msk [tilespmem:v21+s28+$0x0], $0xffff;
	vm8 =	vge.f32 v0, $0.0e+00  }
0x17a: {  	[tilespmem:v23+s22+$0x0] =	vst.idx.add.f32.msk $0xffff, v54;
	v60 =	vadd.s32 $0x2710, v25;
	v0 =	vsel vm8, v0, v4  }
0x17b: {  	v23 =	vld [tilespmem:s2+$0xFFFFFFE0];
	v7 =	vadd.s32 $0x2710, v26;
	v0 =	vmul.f32 $1.442695020e+00, v0  }
0x17c: {  	v18 =	vld.idx.msk [tilespmem:v18+s28+$0x0], $0xffff;
	v59 =	vadd.s32 $0x2710, v27  }
0x17d: {  	v54 =	vld.idx.msk [tilespmem:v3+s15+$0x0], $0xffff;
	v62 =	vadd.s32 $0x2710, v22;
	(erf) = vpow2.f32 v0  }
0x17e: {  	v48 =	vld.idx.msk [tilespmem:v61+s15+$0x0], $0xffff  }
0x17f: {  	v46 =	vld.idx.msk [tilespmem:v60+s15+$0x0], $0xffff  }
0x180: {  	v55 =	vadd.s32 $0x2710, v9;
	v36 =	vld.idx.msk [tilespmem:v7+s15+$0x0], $0xffff;
	v50 =	vpop (erf)  }
0x181: {  	v0 =	vld.idx.msk [tilespmem:v59+s15+$0x0], $0xffff;
	v37 =	vmul.f32 v50, v37  }
0x182: {  	v9 =	vadd.s32 $0x2710, v23;
	v49 =	vld.idx.msk [tilespmem:v62+s15+$0x0], $0xffff  }
0x183: {  	[tilespmem:v19+s22+$0x0] =	vst.idx.add.f32.msk $0xffff, v37;
	v19 =	vadd.s32 $0x2710, v20  }
0x184: {  	v48 =	vadd.f32 v48, v56;
	v56 =	vld.idx.msk [tilespmem:v34+s15+$0x0], $0xffff  }
0x185: {  	v20 =	vld.idx.msk [tilespmem:v55+s28+$0x0], $0xffff  }
0x186: {  	v42 =	vadd.s32 $0x2710, v42;
	v1 =	vadd.s32 $0x2710, v63;
	v37 =	vld.idx.msk [tilespmem:v35+s15+$0x0], $0xffff;
	v53 =	vpop (erf)  }
0x187: {  	v46 =	vadd.f32 v46, v54;
	v0 =	vadd.f32 v0, v51;
	v51 =	vld.idx.msk [tilespmem:v9+s15+$0x0], $0xffff;
	v47 =	vmul.f32 v53, v47  }
0x188: {  	v15 =	vadd.s32 $0x2710, v15;
	v39 =	vmul.f32 v39, v57;
	v36 =	vadd.f32 v36, v52;
	v19 =	vld.idx.msk [tilespmem:v19+s28+$0x0], $0xffff  }
0x189: {  	v12 =	vadd.s32 $0x2710, v12;
	v18 =	vmul.f32 v44, v18;
	v57 =	vmul.f32 $2.000000030e-01, v46;
	[tilespmem:v40+s22+$0x0] =	vst.idx.add.f32.msk $0xffff, v47  }
0x18a: {  	vm12 =	vge.f32 v48, $0.0e+00;
	v55 =	vmul.f32 $2.000000030e-01, v36;
	v2 =	vmul.f32 $2.000000030e-01, v0;
	v40 =	vld.idx.msk [tilespmem:v33+s15+$0x0], $0xffff  }
0x18b: {  	v54 =	vld.idx.msk [tilespmem:v1+s15+$0x0], $0xffff;
	vm10 =	vge.f32 v36, $0.0e+00;
	vm9 =	vge.f32 v0, $0.0e+00;
	v20 =	vmul.f32 v38, v20  }
0x18c: {  	vm11 =	vge.f32 v46, $0.0e+00;
	v36 =	vsel vm10, v36, v55;
	v0 =	vsel vm9, v0, v2;
	v42 =	vld.idx.msk [tilespmem:v42+s28+$0x0], $0xffff  }
0x18d: {  	v36 =	vmul.f32 $1.442695020e+00, v36;
	v0 =	vmul.f32 $1.442695020e+00, v0;
	[tilespmem:v17+s22+$0x0] =	vst.idx.add.f32.msk $0xffff, v20;
	v17 =	vsel vm11, v46, v57  }
0x18e: {  	v37 =	vadd.f32 v51, v37;
	v51 =	vmul.f32 $2.000000030e-01, v48;
	v17 =	vmul.f32 $1.442695020e+00, v17  }
0x18f: {  	[tilespmem:v16+s22+$0x0] =	vst.idx.add.f32.msk $0xffff, v39;
	(erf) = vpow2.f32 v0;
	v16 =	vmul.f32 v41, v19;
	v40 =	vadd.f32 v49, v40  }
0x190: {  	vm14 =	vge.f32 v37, $0.0e+00;
	(erf) = vpow2.f32 v36;
	v19 =	vmul.f32 v43, v21  }
0x191: {  	v42 =	vmul.f32 v53, v42;
	v53 =	vsel vm12, v48, v51;
	[tilespmem:v14+s22+$0x0] =	vst.idx.add.f32.msk $0xffff, v16;
	v16 =	vmul.f32 $2.000000030e-01, v40  }
0x192: {  	v14 =	vadd.f32 v54, v56;
	[tilespmem:v13+s22+$0x0] =	vst.idx.add.f32.msk $0xffff, v19;
	v13 =	vmul.f32 $2.000000030e-01, v37;
	vm13 =	vge.f32 v40, $0.0e+00  }
0x193: {  	v15 =	vld.idx.msk [tilespmem:v15+s28+$0x0], $0xffff;
	(erf) = vpow2.f32 v17;
	v0 =	vmul.f32 $1.442695020e+00, v53;
	v16 =	vsel vm13, v40, v16  }
0x194: {  	[tilespmem:v11+s22+$0x0] =	vst.idx.add.f32.msk $0xffff, v18;
	v13 =	vsel vm14, v37, v13;
	v19 =	vmul.f32 $2.000000030e-01, v14;
	v16 =	vmul.f32 $1.442695020e+00, v16  }
0x195: {  	v11 =	vld.idx.msk [tilespmem:v32+s28+$0x0], $0xffff;
	vm15 =	vge.f32 v14, $0.0e+00;
	(erf) = vpow2.f32 v0;
	v13 =	vmul.f32 $1.442695020e+00, v13  }
0x196: {  	v18 =	vld.idx.msk [tilespmem:v35+s28+$0x0], $0xffff;
	v14 =	vsel vm15, v14, v19;
	(erf) = vpow2.f32 v16  }
0x197: {  	v17 =	vld.idx.msk [tilespmem:v31+s28+$0x0], $0xffff;
	(erf) = vpow2.f32 v13;
	v13 =	vmul.f32 $1.442695020e+00, v14  }
0x198: {  	v55 =	vld.idx.msk [tilespmem:v12+s28+$0x0], $0xffff  }
0x199: {  	v54 =	vld.idx.msk [tilespmem:v30+s28+$0x0], $0xffff;
	(erf) = vpow2.f32 v13;
	v13 =	vmul.f32 v28, v15  }
0x19a: {  	v20 =	vld.idx.msk [tilespmem:v3+s28+$0x0], $0xffff  }
0x19b: {  	[tilespmem:v45+s22+$0x0] =	vst.idx.add.f32.msk $0xffff, v42;
	v19 =	vpop (erf)  }
0x19c: {  	v14 =	vld.idx.msk [tilespmem:v33+s28+$0x0], $0xffff;
	v12 =	vmul.f32 v19, v17  }
0x19d: {  	[tilespmem:v10+s22+$0x0] =	vst.idx.add.f32.msk $0xffff, v13;
	v13 =	vpop (erf)  }
0x19e: {  	[tilespmem:v27+s22+$0x0] =	vst.idx.add.f32.msk $0xffff, v12;
	v0 =	vmul.f32 v13, v54;
	v16 =	vpop (erf)  }
0x19f: {  	v27 =	vld.idx.msk [tilespmem:v34+s28+$0x0], $0xffff;
	v10 =	vmul.f32 v16, v20;
	v17 =	vpop (erf)  }
0x1a0: {  	[tilespmem:v26+s22+$0x0] =	vst.idx.add.f32.msk $0xffff, v0;
	v56 =	vmul.f32 v17, v11;
	v20 =	vpop (erf)  }
0x1a1: {  	v29 =	vadd.s32 $0x2710, v30;
	[tilespmem:v25+s22+$0x0] =	vst.idx.add.f32.msk $0xffff, v10;
	v14 =	vmul.f32 v20, v14;
	v21 =	vpop (erf)  }
0x1a2: {  	v12 =	vadd.s32 $0x2710, v32;
	v15 =	vadd.s32 $0x2710, v33;
	[tilespmem:v24+s22+$0x0] =	vst.idx.add.f32.msk $0xffff, v56;
	v57 =	vmul.f32 v21, v18  }
0x1a3: {  	v11 =	vadd.s32 $0x2710, v3;
	v24 =	vmul.f32 v50, v55;
	v18 =	vadd.s32 $0x2710, v34;
	[tilespmem:v22+s22+$0x0] =	vst.idx.add.f32.msk $0xffff, v14;
	v22 =	vpop (erf)  }
0x1a4: {  	s31 =	simm.s32 $0x8;
	s30 =	simm.s32 $0x0;
	s0 =	simm.s32 $0x130E0;
	v52 =	vmovc v1;
	v14 =	vadd.s32 $0x2710, v35;
	[tilespmem:v23+s22+$0x0] =	vst.idx.add.f32.msk $0xffff, v57;
	v23 =	vadd.s32 $0x2710, v31;
	v38 =	vmul.f32 v22, v27  }
.LBB2_9:
0x1a5: {  	v0 =	vld [tilespmem:s0+$0x0]  }
0x1a6: {  	v30 =	vld [tilespmem:s0+$0xFFFFFF90]  }
0x1a7: {  	v5 =	vld [tilespmem:s0+$0xFFFFFFA0]  }
0x1a8: {  	v4 =	vld [tilespmem:s0+$0xFFFFFFB0]  }
0x1a9: {  	v3 =	vld [tilespmem:s0+$0xFFFFFFC0]  }
0x1aa: {  	s29 =	sadd.s32 $0x80, s29;
	v1 =	vld [tilespmem:s0+$0xFFFFFFD0]  }
0x1ab: {  	v40 =	vld [tilespmem:s29+$0x0]  }
0x1ac: {  	v2 =	vld [tilespmem:s0+$0xFFFFFFE0]  }
0x1ad: {  	v41 =	vld [tilespmem:s0+$0xFFFFFFF0]  }
0x1ae: {  	v44 =	vld [tilespmem:s29+$0xFFFFFFA0]  }
0x1af: {  	v45 =	vld [tilespmem:s29+$0xFFFFFFB0];
	v39 =	vadd.s32 $0x2710, v0  }
0x1b0: {  	v46 =	vld [tilespmem:s29+$0xFFFFFFC0]  }
0x1b1: {  	v47 =	vld [tilespmem:s29+$0xFFFFFFD0]  }
0x1b2: {  	v48 =	vld [tilespmem:s29+$0xFFFFFFE0]  }
0x1b3: {  	v42 =	vld.idx.msk [tilespmem:v40+s15+$0x0], $0xffff  }
0x1b4: {  	v43 =	vld.idx.msk [tilespmem:v39+s15+$0x0], $0xffff  }
0x1b5: {  	v50 =	vld [tilespmem:s29+$0xFFFFFFF0]  }
0x1b6: {  	[tilespmem:$0x1FF60] =	vst v1;
	v32 =	vadd.s32 $0x2710, v1;
	v1 =	vld.idx.msk [tilespmem:v44+s15+$0x0], $0xffff  }
0x1b7: {  	[tilespmem:$0x1FF70] =	vst v2;
	v31 =	vadd.s32 $0x2710, v2;
	v2 =	vld.idx.msk [tilespmem:v40+s28+$0x0], $0xffff  }
0x1b8: {  	[tilespmem:$0x1FF50] =	vst v3;
	v35 =	vadd.s32 $0x2710, v5;
	v33 =	vadd.s32 $0x2710, v3;
	v3 =	vld.idx.msk [tilespmem:v45+s15+$0x0], $0xffff  }
0x1b9: {  	[tilespmem:$0x1FF40] =	vst v4;
	v34 =	vadd.s32 $0x2710, v4;
	v4 =	vld.idx.msk [tilespmem:v46+s15+$0x0], $0xffff;
	v42 =	vadd.f32 v43, v42  }
0x1ba: {  	[tilespmem:$0x1FF30] =	vst v5;
	v36 =	vadd.s32 $0x2710, v30;
	v5 =	vld.idx.msk [tilespmem:v47+s15+$0x0], $0xffff  }
0x1bb: {  	v43 =	vld [tilespmem:s29+$0xFFFFFF90];
	v54 =	vmul.f32 $2.000000030e-01, v42  }
0x1bc: {  	v49 =	vadd.s32 $0x2710, v44;
	v44 =	vld.idx.msk [tilespmem:v44+s28+$0x0], $0xffff;
	vm0 =	vge.f32 v42, $0.0e+00  }
0x1bd: {  	v55 =	vld.idx.msk [tilespmem:v35+s15+$0x0], $0xffff;
	v42 =	vsel vm0, v42, v54  }
0x1be: {  	v53 =	vadd.s32 $0x2710, v46;
	v46 =	vld.idx.msk [tilespmem:v46+s28+$0x0], $0xffff;
	v42 =	vmul.f32 $1.442695020e+00, v42  }
0x1bf: {  	[tilespmem:$0x1FF00] =	vst v52;
	v52 =	vld.idx.msk [tilespmem:v36+s15+$0x0], $0xffff  }
0x1c0: {  	v57 =	vld.idx.msk [tilespmem:v34+s15+$0x0], $0xffff;
	(erf) = vpow2.f32 v42  }
0x1c1: {  	[tilespmem:$0x1FF10] =	vst v61;
	v61 =	vld.idx.msk [tilespmem:v32+s15+$0x0], $0xffff  }
0x1c2: {  	[tilespmem:$0x1FF20] =	vst v62;
	v37 =	vadd.s32 $0x2710, v41;
	v62 =	vld.idx.msk [tilespmem:v31+s15+$0x0], $0xffff;
	v1 =	vadd.f32 v55, v1  }
0x1c3: {  	v26 =	vmov v63;
	v63 =	vld.idx.msk [tilespmem:v43+s15+$0x0], $0xffff  }
0x1c4: {  	v55 =	vld.idx.msk [tilespmem:v50+s15+$0x0], $0xffff;
	v8 =	vmul.f32 $2.000000030e-01, v1  }
0x1c5: {  	vm1 =	vge.f32 v1, $0.0e+00;
	v54 =	vld.idx.msk [tilespmem:v33+s15+$0x0], $0xffff  }
0x1c6: {  	v1 =	vsel vm1, v1, v8;
	v8 =	vld.idx.msk [tilespmem:v47+s28+$0x0], $0xffff  }
0x1c7: {  	v42 =	vld.idx.msk [tilespmem:v37+s15+$0x0], $0xffff  }
0x1c8: {  	v56 =	vadd.s32 $0x2710, v47;
	v40 =	vadd.s32 $0x2710, v40;
	v47 =	vld.idx.msk [tilespmem:v50+s28+$0x0], $0xffff;
	v52 =	vadd.f32 v52, v63  }
0x1c9: {  	v63 =	vld.idx.msk [tilespmem:v48+s15+$0x0], $0xffff;
	v6 =	vpop (erf)  }
0x1ca: {  	v28 =	vmovc v9;
	v9 =	vmov v7;
	[tilespmem:v26+s22+$0x0] =	vst.idx.add.f32.msk $0xffff, v38;
	v7 =	vmul.f32 $2.000000030e-01, v52;
	v2 =	vmul.f32 v6, v2  }
0x1cb: {  	v27 =	vmov v60;
	v60 =	vadd.s32 $0x2710, v43;
	v43 =	vld.idx.msk [tilespmem:v43+s28+$0x0], $0xffff;
	vm12 =	vge.f32 v52, $0.0e+00  }
0x1cc: {  	v42 =	vadd.f32 v42, v55;
	v7 =	vsel vm12, v52, v7;
	[tilespmem:v0+s22+$0x0] =	vst.idx.add.f32.msk $0xffff, v2  }
0x1cd: {  	v3 =	vadd.f32 v57, v3;
	v7 =	vmul.f32 $1.442695020e+00, v7;
	v2 =	vadd.f32 v61, v5;
	v5 =	vld.idx.msk [tilespmem:v40+s28+$0x0], $0xffff  }
0x1ce: {  	v57 =	vadd.f32 v62, v63;
	v63 =	vmul.f32 $2.000000030e-01, v42;
	v40 =	vld.idx.msk [tilespmem:v45+s28+$0x0], $0xffff  }
0x1cf: {  	v25 =	vmovc v58;
	v51 =	vadd.s32 $0x2710, v45;
	v0 =	vmul.f32 $2.000000030e-01, v3;
	(erf) = vpow2.f32 v7;
	v7 =	vld.idx.msk [tilespmem:v11+s30+$0x0], $0xffff  }
0x1d0: {  	vm13 =	vge.f32 v3, $0.0e+00;
	v62 =	vmul.f32 $2.000000030e-01, v57;
	v11 =	vmov v51;
	v51 =	vld [tilespmem:$0x1FF40]  }
0x1d1: {  	vm14 =	vge.f32 v57, $0.0e+00;
	v0 =	vsel vm13, v3, v0;
	v3 =	vld.idx.msk [tilespmem:v48+s28+$0x0], $0xffff  }
0x1d2: {  	v4 =	vadd.f32 v54, v4;
	vm15 =	vge.f32 v42, $0.0e+00;
	v54 =	vsel vm14, v57, v62;
	v62 =	vld.idx.msk [tilespmem:v15+s30+$0x0], $0xffff  }
0x1d3: {  	v42 =	vsel vm15, v42, v63;
	v63 =	vmov v41;
	v41 =	vld.idx.msk [tilespmem:v18+s30+$0x0], $0xffff  }
0x1d4: {  	v1 =	vmul.f32 $1.442695020e+00, v1;
	v45 =	vmul.f32 $2.000000030e-01, v4;
	[tilespmem:v25+s22+$0x0] =	vst.idx.add.f32.msk $0xffff, v24  }
0x1d5: {  	vm2 =	vge.f32 v4, $0.0e+00;
	vm3 =	vge.f32 v2, $0.0e+00;
	v61 =	vmul.f32 $2.000000030e-01, v2;
	v15 =	vmovc v56;
	v56 =	vld [tilespmem:$0x1FF60]  }
0x1d6: {  	(erf) = vpow2.f32 v1;
	v4 =	vsel vm2, v4, v45;
	v0 =	vmul.f32 $1.442695020e+00, v0;
	v57 =	vld [tilespmem:$0x1FF70]  }
0x1d7: {  	v2 =	vsel vm3, v2, v61;
	v4 =	vmul.f32 $1.442695020e+00, v4;
	v5 =	vmul.f32 v6, v5;
	v6 =	vld.idx.msk [tilespmem:v23+s30+$0x0], $0xffff  }
0x1d8: {  	v61 =	vld.idx.msk [tilespmem:v12+s30+$0x0], $0xffff;
	v2 =	vmul.f32 $1.442695020e+00, v2;
	(erf) = vpow2.f32 v0  }
0x1d9: {  	(erf) = vpow2.f32 v4;
	[tilespmem:v39+s22+$0x0] =	vst.idx.add.f32.msk $0xffff, v5;
	v5 =	vmul.f32 $1.442695020e+00, v54  }
0x1da: {  	v10 =	vmov v59;
	v23 =	vmov v60;
	v60 =	vld.idx.msk [tilespmem:v29+s30+$0x0], $0xffff;
	(erf) = vpow2.f32 v2  }
0x1db: {  	v29 =	vmov v49;
	v49 =	vld [tilespmem:$0x1FF30];
	(erf) = vpow2.f32 v5;
	v5 =	vmul.f32 v16, v7  }
0x1dc: {  	v4 =	vmul.f32 v19, v6;
	v6 =	vld.idx.msk [tilespmem:v14+s30+$0x0], $0xffff  }
0x1dd: {  	[tilespmem:v27+s22+$0x0] =	vst.idx.add.f32.msk $0xffff, v5  }
0x1de: {  	v5 =	vld [tilespmem:$0x1FF20]  }
0x1df: {  	[tilespmem:v10+s22+$0x0] =	vst.idx.add.f32.msk $0xffff, v4;
	v4 =	vmul.f32 v13, v60  }
0x1e0: {  	v55 =	vmul.f32 $1.442695020e+00, v42;
	v54 =	vld [tilespmem:$0x1FF50];
	v19 =	vpop (erf)  }
0x1e1: {  	v13 =	vpop (erf);
	[tilespmem:v9+s22+$0x0] =	vst.idx.add.f32.msk $0xffff, v4  }
0x1e2: {  	(erf) = vpow2.f32 v55;
	v45 =	vmul.f32 v13, v44;
	v16 =	vpop (erf);
	v4 =	vld [tilespmem:$0x1FF10]  }
0x1e3: {  	v58 =	vadd.s32 $0x2710, v48;
	v7 =	vld [tilespmem:$0x1FF00];
	v48 =	vmul.f32 v16, v40  }
0x1e4: {  	v1 =	vmul.f32 v17, v61;
	v17 =	vpop (erf);
	v42 =	vmul.f32 v21, v6;
	[tilespmem:v49+s22+$0x0] =	vst.idx.add.f32.msk $0xffff, v45  }
0x1e5: {  	v0 =	vmul.f32 v20, v62;
	v20 =	vpop (erf);
	[tilespmem:v51+s22+$0x0] =	vst.idx.add.f32.msk $0xffff, v48  }
0x1e6: {  	s31 =	sadd.s32 $0x8, s31;
	v59 =	vadd.s32 $0x2710, v50;
	v12 =	vmov v53;
	v53 =	vmul.f32 v20, v8;
	[tilespmem:v28+s22+$0x0] =	vst.idx.add.f32.msk $0xffff, v42;
	v21 =	vpop (erf)  }
0x1e7: {  	p0 =	slt.u32 s31, $0x98;
	[tilespmem:v5+s22+$0x0] =	vst.idx.add.f32.msk $0xffff, v0;
	v55 =	vmul.f32 v21, v3  }
.Ltmp3:
0x1e8: {  	[tilespmem:v56+s22+$0x0] =	vst.idx.add.f32.msk $0xffff, v53;
	(pc) =	sbr.rel @p0 .LBB2_9-.Ltmp3, $4  }
0x1e9: {  	v52 =	vmovc v37;
	v18 =	vmov v59;
	v59 =	vmov v36;
	v50 =	vmul.f32 v17, v46;
	[tilespmem:v57+s22+$0x0] =	vst.idx.add.f32.msk $0xffff, v55  }
0x1ea: {  	v24 =	vmul.f32 v22, v41;
	v62 =	vmov v32;
	[tilespmem:v4+s22+$0x0] =	vst.idx.add.f32.msk $0xffff, v1;
	v4 =	vmul.f32 v19, v43  }
0x1eb: {  	v61 =	vmov v33;
	v14 =	vmov v58;
	v60 =	vmov v34;
	v22 =	vpop (erf);
	[tilespmem:v54+s22+$0x0] =	vst.idx.add.f32.msk $0xffff, v50  }
0x1ec: {  	p1 =	por $0x1, $0x1;
	s0 =	sadd.s32 $0x80, s0;
	s30 =	smov.u32 s28;
	v58 =	vmovc v7;
	v7 =	vmov v35;
	v9 =	vmov v31;
	v38 =	vmul.f32 v22, v47;
	[tilespmem:v30+s22+$0x0] =	vst.idx.add.f32.msk $0xffff, v4  }
0x1ed: {  	_ =	sdelay $0x3  }
0x1ee: {  	v0 =	vld.idx.msk [tilespmem:v23+s30+$0x0], $0xffff  }
0x1ef: {  	v1 =	vld.idx.msk [tilespmem:v29+s30+$0x0], $0xffff  }
0x1f0: {  	v2 =	vld.idx.msk [tilespmem:v11+s30+$0x0], $0xffff  }
0x1f1: {  	v3 =	vld.idx.msk [tilespmem:v12+s30+$0x0], $0xffff  }
0x1f2: {  	v4 =	vld.idx.msk [tilespmem:v15+s30+$0x0], $0xffff  }
0x1f3: {  	v5 =	vld.idx.msk [tilespmem:v14+s30+$0x0], $0xffff  }
0x1f4: {  	[tilespmem:v63+s22+$0x0] =	vst.idx.add.f32.msk $0xffff, v38  }
0x1f5: {  	v6 =	vld.idx.msk [tilespmem:v18+s30+$0x0], $0xffff;
	v0 =	vmul.f32 v19, v0  }
0x1f6: {  	[tilespmem:v58+s22+$0x0] =	vst.idx.add.f32.msk $0xffff, v24;
	v56 =	vmul.f32 v13, v1  }
0x1f7: {  	v57 =	vmul.f32 v16, v2;
	[tilespmem:v59+s22+$0x0] =	vst.idx.add.f32.msk $0xffff, v0  }
0x1f8: {  	[tilespmem:v7+s22+$0x0] =	vst.idx.add.f32.msk $0xffff, v56;
	v59 =	vmul.f32 v17, v3  }
0x1f9: {  	[tilespmem:v60+s22+$0x0] =	vst.idx.add.f32.msk $0xffff, v57;
	v60 =	vmul.f32 v20, v4  }
0x1fa: {  	v63 =	vmul.f32 v22, v6;
	[tilespmem:v61+s22+$0x0] =	vst.idx.add.f32.msk $0xffff, v59  }
0x1fb: {  	v61 =	vmul.f32 v21, v5;
	[tilespmem:v62+s22+$0x0] =	vst.idx.add.f32.msk $0xffff, v60  }
0x1fc: {  	[tilespmem:v52+s22+$0x0] =	vst.idx.add.f32.msk $0xffff, v63  }
0x1fd: {  	[tilespmem:v9+s22+$0x0] =	vst.idx.add.f32.msk $0xffff, v61  }
.LBB2_11:
0x1fe: {  	s0 =	sadd.s32 s6, s28  }
0x1ff: {  	s0 =	sshll.u32 s0, $0x4  }
0x200: {  	s2 =	sadd.s32 s28, s9;
	v0 =	vld [tilespmem:s0+$0x12F70]  }
0x201: {  	s31 =	sshll.u32 s2, $0x4;
	v1 =	vld [tilespmem:s0+$0x11B70]  }
0x202: {  	v2 =	vld [tilespmem:s31+$0x12F70]  }
0x203: {  	v3 =	vld [tilespmem:s31+$0x11B70];
	_ =	sdelay $0x3  }
0x204: {  	v4 =	vadd.s32 $0x2710, v0  }
0x205: {  	v5 =	vadd.s32 $0x2710, v2;
	_ =	sdelay $0x1  }
0x206: {  	v1 =	vld.idx.msk [tilespmem:v1+s15+$0x0], $0xffff  }
0x207: {  	v3 =	vld.idx.msk [tilespmem:v3+s15+$0x0], $0xffff  }
0x208: {  	v4 =	vld.idx.msk [tilespmem:v4+s15+$0x0], $0xffff  }
0x209: {  	v5 =	vld.idx.msk [tilespmem:v5+s15+$0x0], $0xffff;
	_ =	sdelay $0x3  }
0x20a: {  	v1 =	vadd.f32 v4, v1  }
0x20b: {  	v3 =	vadd.f32 v5, v3  }
0x20c: {  	v4 =	vmul.f32 $2.000000030e-01, v1  }
0x20d: {  	vm0 =	vge.f32 v1, $0.0e+00;
	v5 =	vmul.f32 $2.000000030e-01, v3  }
0x20e: {  	vm15 =	vge.f32 v3, $0.0e+00;
	v1 =	vsel vm0, v1, v4  }
0x20f: {  	v3 =	vsel vm15, v3, v5;
	v1 =	vmul.f32 $1.442695020e+00, v1  }
0x210: {  	v3 =	vmul.f32 $1.442695020e+00, v3  }
0x211: {  	(erf) = vpow2.f32 v1  }
0x212: {  	(erf) = vpow2.f32 v3;
	_ =	sdelay $0x3  }
0x213: {  	v0 =	vadd.s32 $0x4E20, v0  }
0x214: {  	p0 =	por p1, p1;
	v61 =	vadd.s32 $0x4E20, v2  }
.Ltmp4:
0x215: {  	_ = 	snop;
	(pc) =	sbr.rel @p0 .LBB2_11-.Ltmp4, $4  }
0x216: {  	_ = 	snop  }
0x217: {  	v62 =	vpop (erf)  }
0x218: {  	[tilespmem:v0+s22+$0x0] =	vst.idx.add.f32.msk $0xffff, v62;
	v63 =	vpop (erf)  }
0x219: {  	s28 =	simm.s32 $0x2;
	p1 =	por $0x0, $0x0;
	[tilespmem:v61+s22+$0x0] =	vst.idx.add.f32.msk $0xffff, v63  }
0x21a: {  	v0 =	vld [tilespmem:s11+$0x12570]  }
0x21b: {  	v1 =	vld [tilespmem:s11+$0x11170];
	_ =	sdelay $0x3  }
0x21c: {  	v2 =	vadd.s32 $0x2710, v0;
	_ =	sdelay $0x3  }
0x21d: {  	v1 =	vld.idx.msk [tilespmem:v1+s15+$0x0], $0xffff  }
0x21e: {  	v2 =	vld.idx.msk [tilespmem:v2+s15+$0x0], $0xffff;
	_ =	sdelay $0x4  }
0x21f: {  	v1 =	vadd.f32 v2, v1;
	_ =	sdelay $0x1  }
0x220: {  	v2 =	vmul.f32 $2.000000030e-01, v1  }
0x221: {  	vm0 =	vge.f32 v1, $0.0e+00  }
0x222: {  	v1 =	vsel vm0, v1, v2  }
0x223: {  	v1 =	vmul.f32 $1.442695020e+00, v1;
	_ =	sdelay $0x1  }
0x224: {  	(erf) = vpow2.f32 v1;
	_ =	sdelay $0x3  }
0x225: {  	s26 =	sadd.s32 $0x1, s26  }
0x226: {  	p0 =	sne.s32 s26, $0x3E;
	v0 =	vadd.s32 $0x4E20, v0  }
.Ltmp5:
0x227: {  	_ = 	snop;
	(pc) =	sbr.rel @p0 .LBB2_4-.Ltmp5, $3  }
0x228: {  	_ =	sdelay $0x1  }
0x229: {  	v1 =	vpop (erf)  }
0x22a: {  	[tilespmem:v0+s22+$0x0] =	vst.idx.add.f32.msk $0xffff, v1  }
0x22b: {  	_ =	swait.ge [sflag:s21], $0xA00  }
0x22c: {  	[sflag:s21] =	ssyncset.done $0x0  }
0x22d: {  	[sflag:s21] =	ssyncadd.s32 $0xFFFFF600  }
0x22e: {  	_ =	swait.ge [sflag:s21], $0xA00  }
0x22f: {  	[sflag:s21] =	ssyncset.done $0x0  }
0x230: {  	s0 =	simm.s32 $0x125B0;
	[sflag:s21] =	ssyncadd.s32 $0xFFFFF600  }
0x231: {  	s2 =	simm.s32 $0x111B0;
	v0 =	vld [tilespmem:s0+$0x30]  }
0x232: {  	v2 =	vld [tilespmem:s2+$0x30]  }
0x233: {  	v3 =	vld [tilespmem:s0+$0xFFFFFFC0]  }
0x234: {  	v4 =	vld [tilespmem:s0+$0xFFFFFFD0]  }
0x235: {  	v5 =	vld [tilespmem:s0+$0xFFFFFFE0]  }
0x236: {  	v6 =	vld [tilespmem:s0+$0xFFFFFFF0]  }
0x237: {  	v22 =	vld [tilespmem:s0+$0x0]  }
0x238: {  	v23 =	vld [tilespmem:s0+$0x10]  }
0x239: {  	v19 =	vld [tilespmem:s0+$0x20]  }
0x23a: {  	v8 =	vld [tilespmem:s2+$0xFFFFFFD0]  }
0x23b: {  	v20 =	vld [tilespmem:s2+$0xFFFFFFE0]  }
0x23c: {  	v21 =	vld [tilespmem:s2+$0xFFFFFFF0]  }
0x23d: {  	v18 =	vld [tilespmem:s2+$0x0]  }
0x23e: {  	v15 =	vld [tilespmem:s2+$0x10]  }
0x23f: {  	s31 =	simm.s32 $0x12630;
	v12 =	vld [tilespmem:s2+$0x20];
	v7 =	vadd.s32 $0x2710, v0  }
0x240: {  	s26 =	simm.s32 $0x11230;
	v40 =	vld [tilespmem:s31+$0x30]  }
0x241: {  	v42 =	vld [tilespmem:s26+$0x30]  }
0x242: {  	v1 =	vld.idx.msk [tilespmem:v2+s15+$0x0], $0xffff  }
0x243: {  	v30 =	vld.idx.msk [tilespmem:v8+s15+$0x0], $0xffff  }
0x244: {  	s25 =	simm.s32 $0x0;
	v9 =	vld.idx.msk [tilespmem:v7+s15+$0x0], $0xffff  }
0x245: {  	v31 =	vld.idx.msk [tilespmem:v2+s25+$0x0], $0xffff  }
0x246: {  	v32 =	vld.idx.msk [tilespmem:v20+s15+$0x0], $0xffff  }
0x247: {  	v33 =	vld.idx.msk [tilespmem:v21+s15+$0x0], $0xffff  }
0x248: {  	v34 =	vld.idx.msk [tilespmem:v18+s15+$0x0], $0xffff  }
0x249: {  	v17 =	vadd.s32 $0x2710, v3;
	v1 =	vadd.f32 v9, v1;
	v9 =	vld [tilespmem:s2+$0xFFFFFFC0]  }
0x24a: {  	v16 =	vadd.s32 $0x2710, v4;
	v35 =	vld.idx.msk [tilespmem:v15+s15+$0x0], $0xffff  }
0x24b: {  	v13 =	vadd.s32 $0x2710, v6;
	v63 =	vld.idx.msk [tilespmem:v12+s15+$0x0], $0xffff  }
0x24c: {  	v50 =	vld.idx.msk [tilespmem:v21+s25+$0x0], $0xffff  }
0x24d: {  	v11 =	vadd.s32 $0x2710, v22;
	v55 =	vld.idx.msk [tilespmem:v42+s15+$0x0], $0xffff;
	v24 =	vmul.f32 $2.000000030e-01, v1  }
0x24e: {  	v10 =	vadd.s32 $0x2710, v23;
	v25 =	vld.idx.msk [tilespmem:v17+s15+$0x0], $0xffff;
	vm0 =	vge.f32 v1, $0.0e+00  }
0x24f: {  	v14 =	vadd.s32 $0x2710, v5;
	v26 =	vld.idx.msk [tilespmem:v16+s15+$0x0], $0xffff;
	v1 =	vsel vm0, v1, v24  }
0x250: {  	v58 =	vadd.s32 $0x2710, v19;
	v27 =	vld.idx.msk [tilespmem:v13+s15+$0x0], $0xffff;
	v1 =	vmul.f32 $1.442695020e+00, v1  }
0x251: {  	v56 =	vld.idx.msk [tilespmem:v9+s15+$0x0], $0xffff  }
0x252: {  	v28 =	vld.idx.msk [tilespmem:v11+s15+$0x0], $0xffff;
	(erf) = vpow2.f32 v1  }
0x253: {  	v29 =	vld.idx.msk [tilespmem:v10+s15+$0x0], $0xffff  }
0x254: {  	v24 =	vld.idx.msk [tilespmem:v14+s15+$0x0], $0xffff  }
0x255: {  	v62 =	vld.idx.msk [tilespmem:v58+s15+$0x0], $0xffff  }
0x256: {  	v47 =	vld.idx.msk [tilespmem:v42+s25+$0x0], $0xffff;
	v26 =	vadd.f32 v26, v30;
	v25 =	vadd.f32 v25, v56  }
0x257: {  	v45 =	vadd.s32 $0x2710, v40;
	v27 =	vadd.f32 v27, v33;
	v28 =	vadd.f32 v28, v34;
	v33 =	vld [tilespmem:s26+$0x0]  }
0x258: {  	v29 =	vadd.f32 v29, v35;
	v35 =	vld [tilespmem:s26+$0x10];
	v57 =	vmul.f32 $2.000000030e-01, v26;
	v36 =	vmul.f32 $2.000000030e-01, v25  }
0x259: {  	v34 =	vld [tilespmem:s26+$0x20];
	vm1 =	vge.f32 v26, $0.0e+00;
	v24 =	vadd.f32 v24, v32;
	vm14 =	vge.f32 v25, $0.0e+00  }
0x25a: {  	v26 =	vsel vm1, v26, v57;
	v57 =	vadd.f32 v62, v63;
	v63 =	vld [tilespmem:s31+$0x20];
	v25 =	vsel vm14, v25, v36  }
0x25b: {  	v2 =	vadd.s32 $0x2710, v2;
	v48 =	vld.idx.msk [tilespmem:v9+s25+$0x0], $0xffff;
	v59 =	vmul.f32 $2.000000030e-01, v24;
	v30 =	vpop (erf);
	v25 =	vmul.f32 $1.442695020e+00, v25  }
0x25c: {  	v26 =	vmul.f32 $1.442695020e+00, v26;
	v32 =	vld [tilespmem:s26+$0xFFFFFFF0];
	vm15 =	vge.f32 v24, $0.0e+00;
	v31 =	vmul.f32 v30, v31  }
0x25d: {  	v60 =	vmul.f32 $2.000000030e-01, v27;
	v24 =	vsel vm15, v24, v59;
	v56 =	vld.idx.msk [tilespmem:v45+s15+$0x0], $0xffff;
	(erf) = vpow2.f32 v25  }
0x25e: {  	v24 =	vmul.f32 $1.442695020e+00, v24;
	[tilespmem:v0+s22+$0x0] =	vst.idx.add.f32.msk $0xffff, v31;
	(erf) = vpow2.f32 v26  }
0x25f: {  	vm2 =	vge.f32 v27, $0.0e+00;
	vm3 =	vge.f32 v28, $0.0e+00;
	v61 =	vmul.f32 $2.000000030e-01, v28;
	v31 =	vld [tilespmem:s26+$0xFFFFFFC0]  }
0x260: {  	v37 =	vmul.f32 $2.000000030e-01, v29;
	v27 =	vsel vm2, v27, v60;
	v2 =	vld.idx.msk [tilespmem:v2+s25+$0x0], $0xffff;
	(erf) = vpow2.f32 v24  }
0x261: {  	vm6 =	vge.f32 v29, $0.0e+00;
	v49 =	vsel vm3, v28, v61;
	v25 =	vmul.f32 $1.442695020e+00, v27;
	v27 =	vld.idx.msk [tilespmem:v15+s25+$0x0], $0xffff  }
0x262: {  	v0 =	vmul.f32 $1.442695020e+00, v49;
	v26 =	vsel vm6, v29, v37;
	v37 =	vld.idx.msk [tilespmem:v12+s25+$0x0], $0xffff  }
0x263: {  	v24 =	vld.idx.msk [tilespmem:v8+s25+$0x0], $0xffff;
	v26 =	vmul.f32 $1.442695020e+00, v26;
	(erf) = vpow2.f32 v25  }
0x264: {  	v25 =	vld.idx.msk [tilespmem:v20+s25+$0x0], $0xffff;
	(erf) = vpow2.f32 v0  }
0x265: {  	(erf) = vpow2.f32 v26;
	v26 =	vld.idx.msk [tilespmem:v18+s25+$0x0], $0xffff;
	v2 =	vmul.f32 v30, v2  }
0x266: {  	v30 =	vld [tilespmem:s26+$0xFFFFFFD0];
	v38 =	vpop (erf)  }
0x267: {  	[tilespmem:v7+s22+$0x0] =	vst.idx.add.f32.msk $0xffff, v2;
	v51 =	vmul.f32 v38, v48;
	v39 =	vpop (erf)  }
0x268: {  	v7 =	vmul.f32 v39, v24;
	v24 =	vld [tilespmem:s31+$0xFFFFFFF0]  }
0x269: {  	v41 =	vpop (erf);
	[tilespmem:v3+s22+$0x0] =	vst.idx.add.f32.msk $0xffff, v51  }
0x26a: {  	v59 =	vmul.f32 $2.000000030e-01, v57;
	v52 =	vmul.f32 v41, v25;
	v25 =	vld [tilespmem:s31+$0xFFFFFFE0]  }
0x26b: {  	vm7 =	vge.f32 v57, $0.0e+00;
	v3 =	vld [tilespmem:s26+$0xFFFFFFE0]  }
0x26c: {  	v2 =	vsel vm7, v57, v59;
	v57 =	vadd.s32 $0x2710, v8;
	v51 =	vld.idx.msk [tilespmem:v31+s15+$0x0], $0xffff  }
0x26d: {  	v43 =	vpop (erf);
	[tilespmem:v4+s22+$0x0] =	vst.idx.add.f32.msk $0xffff, v7  }
0x26e: {  	v44 =	vpop (erf);
	[tilespmem:v5+s22+$0x0] =	vst.idx.add.f32.msk $0xffff, v52  }
0x26f: {  	v53 =	vmul.f32 v44, v26;
	v26 =	vld [tilespmem:s31+$0xFFFFFFD0]  }
0x270: {  	v0 =	vmul.f32 v43, v50;
	v52 =	vld.idx.msk [tilespmem:v30+s15+$0x0], $0xffff  }
0x271: {  	v57 =	vld.idx.msk [tilespmem:v57+s25+$0x0], $0xffff  }
0x272: {  	v21 =	vadd.s32 $0x2710, v21;
	v28 =	vpop (erf);
	[tilespmem:v6+s22+$0x0] =	vst.idx.add.f32.msk $0xffff, v0  }
0x273: {  	v5 =	vmul.f32 $1.442695020e+00, v2;
	v54 =	vmul.f32 v28, v27;
	v27 =	vld [tilespmem:s31+$0xFFFFFFC0]  }
0x274: {  	v0 =	vadd.f32 v56, v55;
	v56 =	vld.idx.msk [tilespmem:v32+s15+$0x0], $0xffff  }
0x275: {  	v18 =	vadd.s32 $0x2710, v18;
	[tilespmem:v22+s22+$0x0] =	vst.idx.add.f32.msk $0xffff, v53;
	(erf) = vpow2.f32 v5  }
0x276: {  	v22 =	vld [tilespmem:s31+$0x0];
	v4 =	vmul.f32 $2.000000030e-01, v0  }
0x277: {  	v61 =	vadd.s32 $0x2710, v24;
	v21 =	vld.idx.msk [tilespmem:v21+s25+$0x0], $0xffff;
	vm8 =	vge.f32 v0, $0.0e+00  }
0x278: {  	[tilespmem:v23+s22+$0x0] =	vst.idx.add.f32.msk $0xffff, v54;
	v60 =	vadd.s32 $0x2710, v25;
	v0 =	vsel vm8, v0, v4  }
0x279: {  	v23 =	vld [tilespmem:s31+$0x10];
	v7 =	vadd.s32 $0x2710, v26;
	v0 =	vmul.f32 $1.442695020e+00, v0  }
0x27a: {  	v18 =	vld.idx.msk [tilespmem:v18+s25+$0x0], $0xffff;
	v59 =	vadd.s32 $0x2710, v27  }
0x27b: {  	v54 =	vld.idx.msk [tilespmem:v3+s15+$0x0], $0xffff;
	v62 =	vadd.s32 $0x2710, v22;
	(erf) = vpow2.f32 v0  }
0x27c: {  	v48 =	vld.idx.msk [tilespmem:v61+s15+$0x0], $0xffff  }
0x27d: {  	v46 =	vld.idx.msk [tilespmem:v60+s15+$0x0], $0xffff  }
0x27e: {  	v55 =	vadd.s32 $0x2710, v9;
	v36 =	vld.idx.msk [tilespmem:v7+s15+$0x0], $0xffff;
	v50 =	vpop (erf)  }
0x27f: {  	v0 =	vld.idx.msk [tilespmem:v59+s15+$0x0], $0xffff;
	v37 =	vmul.f32 v50, v37  }
0x280: {  	v9 =	vadd.s32 $0x2710, v23;
	v49 =	vld.idx.msk [tilespmem:v62+s15+$0x0], $0xffff  }
0x281: {  	[tilespmem:v19+s22+$0x0] =	vst.idx.add.f32.msk $0xffff, v37;
	v19 =	vadd.s32 $0x2710, v20  }
0x282: {  	v48 =	vadd.f32 v48, v56;
	v56 =	vld.idx.msk [tilespmem:v34+s15+$0x0], $0xffff  }
0x283: {  	v20 =	vld.idx.msk [tilespmem:v55+s25+$0x0], $0xffff  }
0x284: {  	v42 =	vadd.s32 $0x2710, v42;
	v1 =	vadd.s32 $0x2710, v63;
	v37 =	vld.idx.msk [tilespmem:v35+s15+$0x0], $0xffff;
	v53 =	vpop (erf)  }
0x285: {  	v46 =	vadd.f32 v46, v54;
	v0 =	vadd.f32 v0, v51;
	v51 =	vld.idx.msk [tilespmem:v9+s15+$0x0], $0xffff;
	v47 =	vmul.f32 v53, v47  }
0x286: {  	v15 =	vadd.s32 $0x2710, v15;
	v39 =	vmul.f32 v39, v57;
	v36 =	vadd.f32 v36, v52;
	v19 =	vld.idx.msk [tilespmem:v19+s25+$0x0], $0xffff  }
0x287: {  	v12 =	vadd.s32 $0x2710, v12;
	v18 =	vmul.f32 v44, v18;
	v57 =	vmul.f32 $2.000000030e-01, v46;
	[tilespmem:v40+s22+$0x0] =	vst.idx.add.f32.msk $0xffff, v47  }
0x288: {  	vm12 =	vge.f32 v48, $0.0e+00;
	v55 =	vmul.f32 $2.000000030e-01, v36;
	v2 =	vmul.f32 $2.000000030e-01, v0;
	v40 =	vld.idx.msk [tilespmem:v33+s15+$0x0], $0xffff  }
0x289: {  	v54 =	vld.idx.msk [tilespmem:v1+s15+$0x0], $0xffff;
	vm10 =	vge.f32 v36, $0.0e+00;
	vm9 =	vge.f32 v0, $0.0e+00;
	v20 =	vmul.f32 v38, v20  }
0x28a: {  	vm11 =	vge.f32 v46, $0.0e+00;
	v36 =	vsel vm10, v36, v55;
	v0 =	vsel vm9, v0, v2;
	v42 =	vld.idx.msk [tilespmem:v42+s25+$0x0], $0xffff  }
0x28b: {  	v36 =	vmul.f32 $1.442695020e+00, v36;
	v0 =	vmul.f32 $1.442695020e+00, v0;
	[tilespmem:v17+s22+$0x0] =	vst.idx.add.f32.msk $0xffff, v20;
	v17 =	vsel vm11, v46, v57  }
0x28c: {  	v37 =	vadd.f32 v51, v37;
	v51 =	vmul.f32 $2.000000030e-01, v48;
	v17 =	vmul.f32 $1.442695020e+00, v17  }
0x28d: {  	[tilespmem:v16+s22+$0x0] =	vst.idx.add.f32.msk $0xffff, v39;
	(erf) = vpow2.f32 v0;
	v16 =	vmul.f32 v41, v19;
	v40 =	vadd.f32 v49, v40  }
0x28e: {  	vm14 =	vge.f32 v37, $0.0e+00;
	(erf) = vpow2.f32 v36;
	v19 =	vmul.f32 v43, v21  }
0x28f: {  	v42 =	vmul.f32 v53, v42;
	v53 =	vsel vm12, v48, v51;
	[tilespmem:v14+s22+$0x0] =	vst.idx.add.f32.msk $0xffff, v16;
	v16 =	vmul.f32 $2.000000030e-01, v40  }
0x290: {  	v14 =	vadd.f32 v54, v56;
	[tilespmem:v13+s22+$0x0] =	vst.idx.add.f32.msk $0xffff, v19;
	v13 =	vmul.f32 $2.000000030e-01, v37;
	vm13 =	vge.f32 v40, $0.0e+00  }
0x291: {  	v15 =	vld.idx.msk [tilespmem:v15+s25+$0x0], $0xffff;
	(erf) = vpow2.f32 v17;
	v0 =	vmul.f32 $1.442695020e+00, v53;
	v16 =	vsel vm13, v40, v16  }
0x292: {  	[tilespmem:v11+s22+$0x0] =	vst.idx.add.f32.msk $0xffff, v18;
	v13 =	vsel vm14, v37, v13;
	v19 =	vmul.f32 $2.000000030e-01, v14;
	v16 =	vmul.f32 $1.442695020e+00, v16  }
0x293: {  	v11 =	vld.idx.msk [tilespmem:v32+s25+$0x0], $0xffff;
	vm15 =	vge.f32 v14, $0.0e+00;
	(erf) = vpow2.f32 v0;
	v13 =	vmul.f32 $1.442695020e+00, v13  }
0x294: {  	v18 =	vld.idx.msk [tilespmem:v35+s25+$0x0], $0xffff;
	v14 =	vsel vm15, v14, v19;
	(erf) = vpow2.f32 v16  }
0x295: {  	v17 =	vld.idx.msk [tilespmem:v31+s25+$0x0], $0xffff;
	(erf) = vpow2.f32 v13;
	v13 =	vmul.f32 $1.442695020e+00, v14  }
0x296: {  	v55 =	vld.idx.msk [tilespmem:v12+s25+$0x0], $0xffff  }
0x297: {  	v54 =	vld.idx.msk [tilespmem:v30+s25+$0x0], $0xffff;
	(erf) = vpow2.f32 v13;
	v13 =	vmul.f32 v28, v15  }
0x298: {  	v20 =	vld.idx.msk [tilespmem:v3+s25+$0x0], $0xffff  }
0x299: {  	[tilespmem:v45+s22+$0x0] =	vst.idx.add.f32.msk $0xffff, v42;
	v19 =	vpop (erf)  }
0x29a: {  	v14 =	vld.idx.msk [tilespmem:v33+s25+$0x0], $0xffff;
	v12 =	vmul.f32 v19, v17  }
0x29b: {  	[tilespmem:v10+s22+$0x0] =	vst.idx.add.f32.msk $0xffff, v13;
	v13 =	vpop (erf)  }
0x29c: {  	[tilespmem:v27+s22+$0x0] =	vst.idx.add.f32.msk $0xffff, v12;
	v0 =	vmul.f32 v13, v54;
	v16 =	vpop (erf)  }
0x29d: {  	v27 =	vld.idx.msk [tilespmem:v34+s25+$0x0], $0xffff;
	v10 =	vmul.f32 v16, v20;
	v17 =	vpop (erf)  }
0x29e: {  	[tilespmem:v26+s22+$0x0] =	vst.idx.add.f32.msk $0xffff, v0;
	v56 =	vmul.f32 v17, v11;
	v20 =	vpop (erf)  }
0x29f: {  	v29 =	vadd.s32 $0x2710, v30;
	[tilespmem:v25+s22+$0x0] =	vst.idx.add.f32.msk $0xffff, v10;
	v14 =	vmul.f32 v20, v14;
	v21 =	vpop (erf)  }
0x2a0: {  	v12 =	vadd.s32 $0x2710, v32;
	v15 =	vadd.s32 $0x2710, v33;
	[tilespmem:v24+s22+$0x0] =	vst.idx.add.f32.msk $0xffff, v56;
	v57 =	vmul.f32 v21, v18  }
0x2a1: {  	v11 =	vadd.s32 $0x2710, v3;
	v24 =	vmul.f32 v50, v55;
	v18 =	vadd.s32 $0x2710, v34;
	[tilespmem:v22+s22+$0x0] =	vst.idx.add.f32.msk $0xffff, v14;
	v22 =	vpop (erf)  }
0x2a2: {  	s29 =	simm.s32 $0x8;
	s28 =	simm.s32 $0x0;
	s0 =	simm.s32 $0x126B0;
	v52 =	vmovc v1;
	v14 =	vadd.s32 $0x2710, v35;
	[tilespmem:v23+s22+$0x0] =	vst.idx.add.f32.msk $0xffff, v57;
	v23 =	vadd.s32 $0x2710, v31;
	v38 =	vmul.f32 v22, v27  }
.LBB2_14:
0x2a3: {  	v0 =	vld [tilespmem:s0+$0x30]  }
0x2a4: {  	v30 =	vld [tilespmem:s0+$0xFFFFFFC0]  }
0x2a5: {  	v5 =	vld [tilespmem:s0+$0xFFFFFFD0]  }
0x2a6: {  	v4 =	vld [tilespmem:s0+$0xFFFFFFE0]  }
0x2a7: {  	v3 =	vld [tilespmem:s0+$0xFFFFFFF0]  }
0x2a8: {  	s26 =	sadd.s32 $0x80, s26;
	v1 =	vld [tilespmem:s0+$0x0]  }
0x2a9: {  	v40 =	vld [tilespmem:s26+$0x30]  }
0x2aa: {  	v2 =	vld [tilespmem:s0+$0x10]  }
0x2ab: {  	v41 =	vld [tilespmem:s0+$0x20]  }
0x2ac: {  	v44 =	vld [tilespmem:s26+$0xFFFFFFD0]  }
0x2ad: {  	v45 =	vld [tilespmem:s26+$0xFFFFFFE0];
	v39 =	vadd.s32 $0x2710, v0  }
0x2ae: {  	v46 =	vld [tilespmem:s26+$0xFFFFFFF0]  }
0x2af: {  	v47 =	vld [tilespmem:s26+$0x0]  }
0x2b0: {  	v48 =	vld [tilespmem:s26+$0x10]  }
0x2b1: {  	v42 =	vld.idx.msk [tilespmem:v40+s15+$0x0], $0xffff  }
0x2b2: {  	v43 =	vld.idx.msk [tilespmem:v39+s15+$0x0], $0xffff  }
0x2b3: {  	v50 =	vld [tilespmem:s26+$0x20]  }
0x2b4: {  	[tilespmem:$0x1FEE0] =	vst v1;
	v32 =	vadd.s32 $0x2710, v1;
	v1 =	vld.idx.msk [tilespmem:v44+s15+$0x0], $0xffff  }
0x2b5: {  	[tilespmem:$0x1FEF0] =	vst v2;
	v31 =	vadd.s32 $0x2710, v2;
	v2 =	vld.idx.msk [tilespmem:v40+s25+$0x0], $0xffff  }
0x2b6: {  	[tilespmem:$0x1FED0] =	vst v3;
	v35 =	vadd.s32 $0x2710, v5;
	v33 =	vadd.s32 $0x2710, v3;
	v3 =	vld.idx.msk [tilespmem:v45+s15+$0x0], $0xffff  }
0x2b7: {  	[tilespmem:$0x1FEC0] =	vst v4;
	v34 =	vadd.s32 $0x2710, v4;
	v4 =	vld.idx.msk [tilespmem:v46+s15+$0x0], $0xffff;
	v42 =	vadd.f32 v43, v42  }
0x2b8: {  	[tilespmem:$0x1FEB0] =	vst v5;
	v36 =	vadd.s32 $0x2710, v30;
	v5 =	vld.idx.msk [tilespmem:v47+s15+$0x0], $0xffff  }
0x2b9: {  	v43 =	vld [tilespmem:s26+$0xFFFFFFC0];
	v54 =	vmul.f32 $2.000000030e-01, v42  }
0x2ba: {  	v49 =	vadd.s32 $0x2710, v44;
	v44 =	vld.idx.msk [tilespmem:v44+s25+$0x0], $0xffff;
	vm0 =	vge.f32 v42, $0.0e+00  }
0x2bb: {  	v55 =	vld.idx.msk [tilespmem:v35+s15+$0x0], $0xffff;
	v42 =	vsel vm0, v42, v54  }
0x2bc: {  	v53 =	vadd.s32 $0x2710, v46;
	v46 =	vld.idx.msk [tilespmem:v46+s25+$0x0], $0xffff;
	v42 =	vmul.f32 $1.442695020e+00, v42  }
0x2bd: {  	[tilespmem:$0x1FE80] =	vst v52;
	v52 =	vld.idx.msk [tilespmem:v36+s15+$0x0], $0xffff  }
0x2be: {  	v57 =	vld.idx.msk [tilespmem:v34+s15+$0x0], $0xffff;
	(erf) = vpow2.f32 v42  }
0x2bf: {  	[tilespmem:$0x1FE90] =	vst v61;
	v61 =	vld.idx.msk [tilespmem:v32+s15+$0x0], $0xffff  }
0x2c0: {  	[tilespmem:$0x1FEA0] =	vst v62;
	v37 =	vadd.s32 $0x2710, v41;
	v62 =	vld.idx.msk [tilespmem:v31+s15+$0x0], $0xffff;
	v1 =	vadd.f32 v55, v1  }
0x2c1: {  	v26 =	vmov v63;
	v63 =	vld.idx.msk [tilespmem:v43+s15+$0x0], $0xffff  }
0x2c2: {  	v55 =	vld.idx.msk [tilespmem:v50+s15+$0x0], $0xffff;
	v8 =	vmul.f32 $2.000000030e-01, v1  }
0x2c3: {  	vm1 =	vge.f32 v1, $0.0e+00;
	v54 =	vld.idx.msk [tilespmem:v33+s15+$0x0], $0xffff  }
0x2c4: {  	v1 =	vsel vm1, v1, v8;
	v8 =	vld.idx.msk [tilespmem:v47+s25+$0x0], $0xffff  }
0x2c5: {  	v42 =	vld.idx.msk [tilespmem:v37+s15+$0x0], $0xffff  }
0x2c6: {  	v56 =	vadd.s32 $0x2710, v47;
	v40 =	vadd.s32 $0x2710, v40;
	v47 =	vld.idx.msk [tilespmem:v50+s25+$0x0], $0xffff;
	v52 =	vadd.f32 v52, v63  }
0x2c7: {  	v63 =	vld.idx.msk [tilespmem:v48+s15+$0x0], $0xffff;
	v6 =	vpop (erf)  }
0x2c8: {  	v28 =	vmovc v9;
	v9 =	vmov v7;
	[tilespmem:v26+s22+$0x0] =	vst.idx.add.f32.msk $0xffff, v38;
	v7 =	vmul.f32 $2.000000030e-01, v52;
	v2 =	vmul.f32 v6, v2  }
0x2c9: {  	v27 =	vmov v60;
	v60 =	vadd.s32 $0x2710, v43;
	v43 =	vld.idx.msk [tilespmem:v43+s25+$0x0], $0xffff;
	vm12 =	vge.f32 v52, $0.0e+00  }
0x2ca: {  	v42 =	vadd.f32 v42, v55;
	v7 =	vsel vm12, v52, v7;
	[tilespmem:v0+s22+$0x0] =	vst.idx.add.f32.msk $0xffff, v2  }
0x2cb: {  	v3 =	vadd.f32 v57, v3;
	v7 =	vmul.f32 $1.442695020e+00, v7;
	v2 =	vadd.f32 v61, v5;
	v5 =	vld.idx.msk [tilespmem:v40+s25+$0x0], $0xffff  }
0x2cc: {  	v57 =	vadd.f32 v62, v63;
	v63 =	vmul.f32 $2.000000030e-01, v42;
	v40 =	vld.idx.msk [tilespmem:v45+s25+$0x0], $0xffff  }
0x2cd: {  	v25 =	vmovc v58;
	v51 =	vadd.s32 $0x2710, v45;
	v0 =	vmul.f32 $2.000000030e-01, v3;
	(erf) = vpow2.f32 v7;
	v7 =	vld.idx.msk [tilespmem:v11+s28+$0x0], $0xffff  }
0x2ce: {  	vm13 =	vge.f32 v3, $0.0e+00;
	v62 =	vmul.f32 $2.000000030e-01, v57;
	v11 =	vmov v51;
	v51 =	vld [tilespmem:$0x1FEC0]  }
0x2cf: {  	vm14 =	vge.f32 v57, $0.0e+00;
	v0 =	vsel vm13, v3, v0;
	v3 =	vld.idx.msk [tilespmem:v48+s25+$0x0], $0xffff  }
0x2d0: {  	v4 =	vadd.f32 v54, v4;
	vm15 =	vge.f32 v42, $0.0e+00;
	v54 =	vsel vm14, v57, v62;
	v62 =	vld.idx.msk [tilespmem:v15+s28+$0x0], $0xffff  }
0x2d1: {  	v42 =	vsel vm15, v42, v63;
	v63 =	vmov v41;
	v41 =	vld.idx.msk [tilespmem:v18+s28+$0x0], $0xffff  }
0x2d2: {  	v1 =	vmul.f32 $1.442695020e+00, v1;
	v45 =	vmul.f32 $2.000000030e-01, v4;
	[tilespmem:v25+s22+$0x0] =	vst.idx.add.f32.msk $0xffff, v24  }
0x2d3: {  	vm2 =	vge.f32 v4, $0.0e+00;
	vm3 =	vge.f32 v2, $0.0e+00;
	v61 =	vmul.f32 $2.000000030e-01, v2;
	v15 =	vmovc v56;
	v56 =	vld [tilespmem:$0x1FEE0]  }
0x2d4: {  	(erf) = vpow2.f32 v1;
	v4 =	vsel vm2, v4, v45;
	v0 =	vmul.f32 $1.442695020e+00, v0;
	v57 =	vld [tilespmem:$0x1FEF0]  }
0x2d5: {  	v2 =	vsel vm3, v2, v61;
	v4 =	vmul.f32 $1.442695020e+00, v4;
	v5 =	vmul.f32 v6, v5;
	v6 =	vld.idx.msk [tilespmem:v23+s28+$0x0], $0xffff  }
0x2d6: {  	v61 =	vld.idx.msk [tilespmem:v12+s28+$0x0], $0xffff;
	v2 =	vmul.f32 $1.442695020e+00, v2;
	(erf) = vpow2.f32 v0  }
0x2d7: {  	(erf) = vpow2.f32 v4;
	[tilespmem:v39+s22+$0x0] =	vst.idx.add.f32.msk $0xffff, v5;
	v5 =	vmul.f32 $1.442695020e+00, v54  }
0x2d8: {  	v10 =	vmov v59;
	v23 =	vmov v60;
	v60 =	vld.idx.msk [tilespmem:v29+s28+$0x0], $0xffff;
	(erf) = vpow2.f32 v2  }
0x2d9: {  	v29 =	vmov v49;
	v49 =	vld [tilespmem:$0x1FEB0];
	(erf) = vpow2.f32 v5;
	v5 =	vmul.f32 v16, v7  }
0x2da: {  	v4 =	vmul.f32 v19, v6;
	v6 =	vld.idx.msk [tilespmem:v14+s28+$0x0], $0xffff  }
0x2db: {  	[tilespmem:v27+s22+$0x0] =	vst.idx.add.f32.msk $0xffff, v5  }
0x2dc: {  	v5 =	vld [tilespmem:$0x1FEA0]  }
0x2dd: {  	[tilespmem:v10+s22+$0x0] =	vst.idx.add.f32.msk $0xffff, v4;
	v4 =	vmul.f32 v13, v60  }
0x2de: {  	v55 =	vmul.f32 $1.442695020e+00, v42;
	v54 =	vld [tilespmem:$0x1FED0];
	v19 =	vpop (erf)  }
0x2df: {  	v13 =	vpop (erf);
	[tilespmem:v9+s22+$0x0] =	vst.idx.add.f32.msk $0xffff, v4  }
0x2e0: {  	(erf) = vpow2.f32 v55;
	v45 =	vmul.f32 v13, v44;
	v16 =	vpop (erf);
	v4 =	vld [tilespmem:$0x1FE90]  }
0x2e1: {  	v58 =	vadd.s32 $0x2710, v48;
	v7 =	vld [tilespmem:$0x1FE80];
	v48 =	vmul.f32 v16, v40  }
0x2e2: {  	v1 =	vmul.f32 v17, v61;
	v17 =	vpop (erf);
	v42 =	vmul.f32 v21, v6;
	[tilespmem:v49+s22+$0x0] =	vst.idx.add.f32.msk $0xffff, v45  }
0x2e3: {  	v0 =	vmul.f32 v20, v62;
	v20 =	vpop (erf);
	[tilespmem:v51+s22+$0x0] =	vst.idx.add.f32.msk $0xffff, v48  }
0x2e4: {  	s29 =	sadd.s32 $0x8, s29;
	v59 =	vadd.s32 $0x2710, v50;
	v12 =	vmov v53;
	v53 =	vmul.f32 v20, v8;
	[tilespmem:v28+s22+$0x0] =	vst.idx.add.f32.msk $0xffff, v42;
	v21 =	vpop (erf)  }
0x2e5: {  	p0 =	slt.u32 s29, $0x98;
	[tilespmem:v5+s22+$0x0] =	vst.idx.add.f32.msk $0xffff, v0;
	v55 =	vmul.f32 v21, v3  }
.Ltmp6:
0x2e6: {  	[tilespmem:v56+s22+$0x0] =	vst.idx.add.f32.msk $0xffff, v53;
	(pc) =	sbr.rel @p0 .LBB2_14-.Ltmp6, $4  }
0x2e7: {  	v52 =	vmovc v37;
	v18 =	vmov v59;
	v59 =	vmov v36;
	v50 =	vmul.f32 v17, v46;
	[tilespmem:v57+s22+$0x0] =	vst.idx.add.f32.msk $0xffff, v55  }
0x2e8: {  	v24 =	vmul.f32 v22, v41;
	v62 =	vmov v32;
	[tilespmem:v4+s22+$0x0] =	vst.idx.add.f32.msk $0xffff, v1;
	v4 =	vmul.f32 v19, v43  }
0x2e9: {  	v61 =	vmov v33;
	v14 =	vmov v58;
	v60 =	vmov v34;
	v22 =	vpop (erf);
	[tilespmem:v54+s22+$0x0] =	vst.idx.add.f32.msk $0xffff, v50  }
0x2ea: {  	p1 =	por $0x1, $0x1;
	s0 =	sadd.s32 $0x80, s0;
	s28 =	smov.u32 s25;
	v58 =	vmovc v7;
	v7 =	vmov v35;
	v9 =	vmov v31;
	v38 =	vmul.f32 v22, v47;
	[tilespmem:v30+s22+$0x0] =	vst.idx.add.f32.msk $0xffff, v4  }
0x2eb: {  	_ =	sdelay $0x3  }
0x2ec: {  	v0 =	vld.idx.msk [tilespmem:v23+s28+$0x0], $0xffff  }
0x2ed: {  	v1 =	vld.idx.msk [tilespmem:v29+s28+$0x0], $0xffff  }
0x2ee: {  	v2 =	vld.idx.msk [tilespmem:v11+s28+$0x0], $0xffff  }
0x2ef: {  	v3 =	vld.idx.msk [tilespmem:v12+s28+$0x0], $0xffff  }
0x2f0: {  	v4 =	vld.idx.msk [tilespmem:v15+s28+$0x0], $0xffff  }
0x2f1: {  	v5 =	vld.idx.msk [tilespmem:v14+s28+$0x0], $0xffff  }
0x2f2: {  	[tilespmem:v63+s22+$0x0] =	vst.idx.add.f32.msk $0xffff, v38  }
0x2f3: {  	v6 =	vld.idx.msk [tilespmem:v18+s28+$0x0], $0xffff;
	v0 =	vmul.f32 v19, v0  }
0x2f4: {  	[tilespmem:v58+s22+$0x0] =	vst.idx.add.f32.msk $0xffff, v24;
	v56 =	vmul.f32 v13, v1  }
0x2f5: {  	v57 =	vmul.f32 v16, v2;
	[tilespmem:v59+s22+$0x0] =	vst.idx.add.f32.msk $0xffff, v0  }
0x2f6: {  	[tilespmem:v7+s22+$0x0] =	vst.idx.add.f32.msk $0xffff, v56;
	v59 =	vmul.f32 v17, v3  }
0x2f7: {  	[tilespmem:v60+s22+$0x0] =	vst.idx.add.f32.msk $0xffff, v57;
	v60 =	vmul.f32 v20, v4  }
0x2f8: {  	v63 =	vmul.f32 v22, v6;
	[tilespmem:v61+s22+$0x0] =	vst.idx.add.f32.msk $0xffff, v59  }
0x2f9: {  	v61 =	vmul.f32 v21, v5;
	[tilespmem:v62+s22+$0x0] =	vst.idx.add.f32.msk $0xffff, v60  }
0x2fa: {  	[tilespmem:v52+s22+$0x0] =	vst.idx.add.f32.msk $0xffff, v63  }
0x2fb: {  	[tilespmem:v9+s22+$0x0] =	vst.idx.add.f32.msk $0xffff, v61  }
.LBB2_16:
0x2fc: {  	s0 =	sadd.s32 s6, s25  }
0x2fd: {  	s0 =	sshll.u32 s0, $0x4  }
0x2fe: {  	s2 =	sadd.s32 s25, s9;
	v0 =	vld [tilespmem:s0+$0x12570]  }
0x2ff: {  	s31 =	sshll.u32 s2, $0x4;
	v1 =	vld [tilespmem:s0+$0x11170]  }
0x300: {  	v2 =	vld [tilespmem:s31+$0x12570]  }
0x301: {  	v3 =	vld [tilespmem:s31+$0x11170];
	_ =	sdelay $0x3  }
0x302: {  	v4 =	vadd.s32 $0x2710, v0  }
0x303: {  	v5 =	vadd.s32 $0x2710, v2;
	_ =	sdelay $0x1  }
0x304: {  	v1 =	vld.idx.msk [tilespmem:v1+s15+$0x0], $0xffff  }
0x305: {  	v3 =	vld.idx.msk [tilespmem:v3+s15+$0x0], $0xffff  }
0x306: {  	v4 =	vld.idx.msk [tilespmem:v4+s15+$0x0], $0xffff  }
0x307: {  	v5 =	vld.idx.msk [tilespmem:v5+s15+$0x0], $0xffff;
	_ =	sdelay $0x3  }
0x308: {  	v1 =	vadd.f32 v4, v1  }
0x309: {  	v3 =	vadd.f32 v5, v3  }
0x30a: {  	v4 =	vmul.f32 $2.000000030e-01, v1  }
0x30b: {  	vm0 =	vge.f32 v1, $0.0e+00;
	v5 =	vmul.f32 $2.000000030e-01, v3  }
0x30c: {  	vm15 =	vge.f32 v3, $0.0e+00;
	v1 =	vsel vm0, v1, v4  }
0x30d: {  	v3 =	vsel vm15, v3, v5;
	v1 =	vmul.f32 $1.442695020e+00, v1  }
0x30e: {  	v3 =	vmul.f32 $1.442695020e+00, v3  }
0x30f: {  	(erf) = vpow2.f32 v1  }
0x310: {  	(erf) = vpow2.f32 v3;
	_ =	sdelay $0x3  }
0x311: {  	v0 =	vadd.s32 $0x4E20, v0  }
0x312: {  	p0 =	por p1, p1;
	v61 =	vadd.s32 $0x4E20, v2  }
.Ltmp7:
0x313: {  	_ = 	snop;
	(pc) =	sbr.rel @p0 .LBB2_16-.Ltmp7, $4  }
0x314: {  	_ = 	snop  }
0x315: {  	v62 =	vpop (erf)  }
0x316: {  	[tilespmem:v0+s22+$0x0] =	vst.idx.add.f32.msk $0xffff, v62;
	v63 =	vpop (erf)  }
0x317: {  	s25 =	simm.s32 $0x2;
	p1 =	por $0x0, $0x0;
	[tilespmem:v61+s22+$0x0] =	vst.idx.add.f32.msk $0xffff, v63  }
0x318: {  	v0 =	vld [tilespmem:s10+$0x12570]  }
0x319: {  	v1 =	vld [tilespmem:s10+$0x11170];
	_ =	sdelay $0x3  }
0x31a: {  	v2 =	vadd.s32 $0x2710, v0;
	_ =	sdelay $0x3  }
0x31b: {  	v1 =	vld.idx.msk [tilespmem:v1+s15+$0x0], $0xffff  }
0x31c: {  	v2 =	vld.idx.msk [tilespmem:v2+s15+$0x0], $0xffff;
	_ =	sdelay $0x4  }
0x31d: {  	v1 =	vadd.f32 v2, v1;
	_ =	sdelay $0x1  }
0x31e: {  	v2 =	vmul.f32 $2.000000030e-01, v1  }
0x31f: {  	vm0 =	vge.f32 v1, $0.0e+00  }
0x320: {  	v1 =	vsel vm0, v1, v2  }
0x321: {  	v1 =	vmul.f32 $1.442695020e+00, v1;
	_ =	sdelay $0x1  }
0x322: {  	(erf) = vpow2.f32 v1;
	_ =	sdelay $0x4  }
0x323: {  	v0 =	vadd.s32 $0x4E20, v0;
	_ =	sdelay $0x2  }
0x324: {  	s24 =	sadd.s32 $0x1, s24  }
0x325: {  	p0 =	sne.s32 s24, s13;
	v1 =	vpop (erf)  }
.Ltmp8:
0x326: {  	[tilespmem:v0+s22+$0x0] =	vst.idx.add.f32.msk $0xffff, v1;
	(pc) =	sbr.rel @p0 .LBB2_1-.Ltmp8, $4  }
0x327: {  	[hbm4b:s12+s1] =	stream.linear.scatter [tilespmem:s22], [sflag:$0x3], $0x7530, $0x38;
	[tilespmem:$0x13970] =	vst v63  }
0x328: {  	_ =	swait.ge [sflag:s14], $0x7530  }
0x329: {  	[sflag:s14] =	ssyncset.done $0x0  }
0x32a: {  	v0 =	vimm.f32 $0.0e+00;
	[sflag:s14] =	ssyncadd.s32 $0xFFFF8AD0  }
0x32b: {  	_ =	sfence.sel $0x180000  }
0x32c: {  	[bflag:$0x0] =	sbarrier.arrive $0xFFFF  }
0x32d: {  	_ =	strace $0x9000004A  }
0x32e: {  	s0 =	stileid.u32;
	[bflag:$0x2] =	sbarrier.arrive $0xFFFF  }
0x32f: {  	p0 =	sne.s32 s0, $0x0;
	s0 =	rddreg [dreg:$0x2]  }
0x330: {  	s0 =	sadd.s32 @!p0 $0x100000, s0  }
0x331: {  	[sflag:s0] =	ssyncadd.tile.s32 @!p0 $0x1;
	_ =	shalt  }
.Lfunc_end2:
_tile_overlayer_lowered:
.L_overlay_start_2:
0x332: {  	(tag) =	ssettag $0x2  }
0x333: {  	s0 =	rddreg [dreg:$0x0];
	s2 =	stileid.u32  }
0x334: {  	s1 =	rddreg [dreg:$0x1];
	p0 =	sne.s32 s2, $0x0  }
0x335: {  	s3 =	rddreg [dreg:$0x2];
	[bflag:$0x3] =	sbarrier.arrive $0xFFFF;
	s2 =	simm.s32 @!p0 $0x1C03  }
0x336: {  	[timem:s3], [sflag:s2] =	dma.local @!p0 [hbm:s0], s1  }
0x337: {  	s0 =	simm.s32 @!p0 $0x3  }
0x338: {  	_ =	swait.ge @!p0 [sflag:s0], s1  }
0x339: {  	s1 =	ssub.s32 @!p0 $0x0, s1;
	[sflag:s0] =	ssyncset.done @!p0 $0x0  }
0x33a: {  	[sflag:s0] =	ssyncadd.s32 @!p0 s1  }
0x33b: {  	[bflag:$0x3] =	sbarrier.arrive $0xFFFF  }
0x33c: {  	_ =	shalt  }

// kernel: kernel.8.cloned.1.call-start
scs
__scs_entry_jumppad:
0x0: {  	(pc) =	sbr.rel $0x88, $3  }
0x1: {  	(tag) =	ssettag $0x0;
	lr =	simm.s32 $0x1  }
0x2: {  	[smem:$0x3F97] =	sst lr;
	_ =	strace $0xD0000000  }
0x3: {  	_ = 	snop  }
0x4: {  	_ = 	snop  }
0x5: {  	_ = 	snop  }
0x6: {  	_ = 	snop  }
0x7: {  	_ = 	snop  }
__scs_overlays_trampoline_lowered:
0x8: {  	[smem:$0x3FA6] =	sst s0  }
0x9: {  	[smem:$0x3FA7] =	sst s1  }
0xa: {  	[smem:$0x3FA8] =	sst s2  }
0xb: {  	[smem:$0x3FA9] =	sst s3  }
0xc: {  	[smem:$0x3FAA] =	sst s4  }
0xd: {  	[smem:$0x3FAB] =	sst s5  }
0xe: {  	[smem:$0x3FAC] =	sst s6  }
0xf: {  	[smem:$0x3FAD] =	sst s7  }
0x10: {  	[smem:$0x3FAE] =	sst s8  }
0x11: {  	[smem:$0x3FAF] =	sst s9;
	s0 =	simm.s32 @!p0 $0x0  }
0x12: {  	s1 =	sld [smem:$0x3F95];
	s0 =	simm.s32 @p0 $0x1  }
0x13: {  	[smem:$0x3FB0] =	sst s0;
	s0 =	simm.s32 @!p1 $0x0  }
0x14: {  	s2 =	sld [smem:$0x3F94];
	s0 =	simm.s32 @p1 $0x1  }
0x15: {  	[smem:$0x3FB1] =	sst s0;
	s0 =	simm.s32 @!p2 $0x0  }
0x16: {  	s3 =	sld [smem:$0x3FDB];
	s0 =	simm.s32 @p2 $0x1  }
0x17: {  	s4 =	simm.s32 $0x1BF5;
	[smem:$0x3FB3] =	sst s0  }
0x18: {  	s0 =	sld [smem:$0x3F96];
	_ =	swait.ge [sflag:s4], $0x0  }
0x19: {  	s7 =	sld [smem:$0x3F97]  }
0x1a: {  	s8 =	sadd.s32 $0xFFFFE003, lr  }
0x1b: {  	s9 =	sadd.s32 $0xFFFFFEF7, lr;
	s5 =	simm.s32 $0xFFFFFFFF;
	p2 =	slt.u32 s8, $0xFFFFF086  }
0x1c: {  	p1 =	slt.u32 s9, $0xF7A;
	s5 =	simm.s32 @!p2 $0x0  }
0x1d: {  	s5 =	simm.s32 @p1 $0x1;
	p0 =	seq.s32 s7, s2  }
0x1e: {  	s7 =	smul.u32 @!p0 $0xF7A, s2;
	p2 =	seq.s32 @!p0 s5, $0x0  }
0x1f: {  	s9 =	smul.u32 $0xF7A, s1;
	s8 =	simm.s32 @!p0 $0x1BF5;
	p2 =	por !p2, p0  }
0x20: {  	[sflag:s8] =	ssyncset.s32 @!p0 $0xFFFFF086;
	s6 =	sadd.s32 @!p0 s3, s7;
	s7 =	simm.s32 @!p0 $0x108  }
0x21: {  	s3 =	sadd.s32 s3, s9;
	s6 =	sadd.s32 @!p0 $0x88, s6;
	s7 =	simm.s32 @p2 $0x1082  }
0x22: {  	[simem:s7], [sflag:s8] =	dma.local @!p0 [hbm:s6], $0xF7A  }
0x23: {  	s9 =	sor.u32 $0xD0000000, s2;
	s6 =	simm.s32 $0x108;
	_ =	swait.ge @!p0 [sflag:s8], $0x0  }
0x24: {  	s3 =	sadd.s32 $0x88, s3;
	s6 =	simm.s32 @!p1 $0x1082;
	[sflag:s4] =	ssyncset.s32 $0xFFFFF086  }
0x25: {  	[simem:s6], [sflag:s4] =	dma.local [hbm:s3], $0xF7A  }
0x26: {  	[smem:$0x3F97] =	sst s1;
	(tag) =	ssettag s2;
	_ =	strace s9  }
0x27: {  	s1 =	sld [smem:$0x3FA7]  }
0x28: {  	s2 =	sld [smem:$0x3FA8]  }
0x29: {  	s4 =	sld [smem:$0x3FAA]  }
0x2a: {  	p0 =	seq.s32 s5, $0x0;
	s5 =	sld [smem:$0x3FAB]  }
0x2b: {  	s6 =	sld [smem:$0x3FAC]  }
0x2c: {  	s7 =	sld [smem:$0x3FAD]  }
0x2d: {  	s3 =	simm.s32 $0x108;
	s8 =	sld [smem:$0x3FAE]  }
0x2e: {  	s3 =	simm.s32 @!p0 $0x1082;
	s9 =	sld [smem:$0x3FAF]  }
0x2f: {  	lr =	sadd.s32 s0, s3;
	s0 =	sld [smem:$0x3FA6]  }
0x30: {  	s3 =	sld [smem:$0x3FA9]  }
0x31: {  	[smem:$0x3FB2] =	sst s10  }
0x32: {  	s10 =	sld [smem:$0x3FB0];
	_ =	sdelay $0x3  }
0x33: {  	p0 =	seq.s32 s10, $0x1;
	s10 =	sld [smem:$0x3FB2];
	_ =	sdelay $0x3  }
0x34: {  	[smem:$0x3FB2] =	sst s10  }
0x35: {  	s10 =	sld [smem:$0x3FB1];
	_ =	sdelay $0x3  }
0x36: {  	p1 =	seq.s32 s10, $0x1;
	s10 =	sld [smem:$0x3FB2];
	_ =	sdelay $0x3  }
0x37: {  	[smem:$0x3FB2] =	sst s10  }
0x38: {  	s10 =	sld [smem:$0x3FB3]  }
0x39: {  	_ = 	snop;
	(pc) =	sbr.ind lr, $3  }
0x3a: {  	_ = 	snop  }
0x3b: {  	_ = 	snop  }
0x3c: {  	p2 =	seq.s32 s10, $0x1;
	s10 =	sld [smem:$0x3FB2]  }
0x3d: {  	_ =	shalt  }
0x3e: {  	_ =	shalt  }
0x3f: {  	_ =	shalt  }
0x40: {  	_ =	shalt  }
0x41: {  	_ =	shalt  }
0x42: {  	_ =	shalt  }
0x43: {  	_ =	shalt  }
0x44: {  	_ =	shalt  }
0x45: {  	_ =	shalt  }
0x46: {  	_ =	shalt  }
0x47: {  	_ =	shalt  }
0x48: {  	_ =	shalt  }
0x49: {  	_ =	shalt  }
0x4a: {  	_ =	shalt  }
0x4b: {  	_ =	shalt  }
0x4c: {  	_ =	shalt  }
0x4d: {  	_ =	shalt  }
0x4e: {  	_ =	shalt  }
0x4f: {  	_ =	shalt  }
0x50: {  	_ =	shalt  }
0x51: {  	_ =	shalt  }
0x52: {  	_ =	shalt  }
0x53: {  	_ =	shalt  }
0x54: {  	_ =	shalt  }
0x55: {  	_ =	shalt  }
0x56: {  	_ =	shalt  }
0x57: {  	_ =	shalt  }
0x58: {  	_ =	shalt  }
0x59: {  	_ =	shalt  }
0x5a: {  	_ =	shalt  }
0x5b: {  	_ =	shalt  }
0x5c: {  	_ =	shalt  }
0x5d: {  	_ =	shalt  }
0x5e: {  	_ =	shalt  }
0x5f: {  	_ =	shalt  }
0x60: {  	_ =	shalt  }
0x61: {  	_ =	shalt  }
0x62: {  	_ =	shalt  }
0x63: {  	_ =	shalt  }
0x64: {  	_ =	shalt  }
0x65: {  	_ =	shalt  }
0x66: {  	_ =	shalt  }
0x67: {  	_ =	shalt  }
0x68: {  	_ =	shalt  }
0x69: {  	_ =	shalt  }
0x6a: {  	_ =	shalt  }
0x6b: {  	_ =	shalt  }
0x6c: {  	_ =	shalt  }
0x6d: {  	_ =	shalt  }
0x6e: {  	_ =	shalt  }
0x6f: {  	_ =	shalt  }
0x70: {  	_ =	shalt  }
0x71: {  	_ =	shalt  }
0x72: {  	_ =	shalt  }
0x73: {  	_ =	shalt  }
0x74: {  	_ =	shalt  }
0x75: {  	_ =	shalt  }
0x76: {  	_ =	shalt  }
0x77: {  	_ =	shalt  }
0x78: {  	_ =	shalt  }
0x79: {  	_ =	shalt  }
0x7a: {  	_ =	shalt  }
0x7b: {  	_ =	shalt  }
0x7c: {  	_ =	shalt  }
0x7d: {  	_ =	shalt  }
0x7e: {  	_ =	shalt  }
0x7f: {  	_ =	shalt  }
0x80: {  	_ =	shalt  }
0x81: {  	_ =	shalt  }
0x82: {  	_ =	shalt  }
0x83: {  	_ =	shalt  }
0x84: {  	_ =	shalt  }
0x85: {  	_ =	shalt  }
0x86: {  	_ =	shalt  }
0x87: {  	_ =	shalt  }
.Lfunc_end0:
.L_simem_size_0:
called_computation_lowered:
.L_overlay_start_0:
0x88: {  	s2 =	sld [smem:$0x3FD9]  }
0x89: {  	s3 =	sld [smem:$0x3FFE];
	_ =	sdelay $0x1  }
0x8a: {  	s1 =	srdreg.scid  }
0x8b: {  	s0 =	sand.u32 $0x1, s1  }
0x8c: {  	s17 =	sshll.u32 s0, $0xA;
	s2 =	sadd.s32 s3, s2  }
0x8d: {  	s2 =	sadd.s32 s2, s17  }
0x8e: {  	[smem:$0x3FBE] =	sst s2  }
0x8f: {  	_ = 	snop  }
0x90: {  	s2 =	sld [smem:$0x3FD0];
	(tm) =	ssettm $0x1  }
0x91: {  	s18 =	sld [smem:$0x3FFB];
	_ =	sdelay $0x3  }
0x92: {  	_ =	strace s18  }
0x93: {  	s3 =	sld [smem:$0x3FFC];
	_ =	sdelay $0x3  }
0x94: {  	_ =	strace s3  }
0x95: {  	s3 =	sld [smem:$0x3FFD];
	_ =	sdelay $0x3  }
0x96: {  	_ =	strace s3  }
0x97: {  	_ =	strace $0x8FFFFFFF  }
0x98: {  	s19 =	sld [smem:$0x3FDB];
	_ =	sdelay $0x1  }
0x99: {  	s4 =	simm.s32 $_scs_section_size  }
0x9a: {  	s5 =	simm.s32 $_size__tile_overlayer_lowered;
	s6 =	simm.s32 $_tile_overlayer_lowered  }
0x9b: {  	s22 =	simm.s32 $0x1BFF;
	s21 =	sshll.u32 s6, $0x1;
	s3 =	sadd.s32 s4, s19  }
0x9c: {  	s7 =	simm.s32 $0x0;
	s20 =	sshll.u32 s5, $0x1;
	s5 =	sadd.s32 s21, s3  }
0x9d: {  	[timem:s7], [sflag:s22] =	dma.local [hbm:s5], s20  }
0x9e: {  	_ =	swait.ge [sflag:s22], s20  }
0x9f: {  	s4 =	ssub.s32 $0x0, s20;
	[sflag:s22] =	ssyncset.done $0x0  }
0xa0: {  	[sflag:s22] =	ssyncadd.s32 s4;
	_ =	sdelay $0x1  }
0xa1: {  	s23 =	simm.s32 $0x1B8B  }
0xa2: {  	_ =	swait.ge [sflag:s23], $0x1  }
0xa3: {  	[sflag:s23] =	ssyncset.done $0x0  }
0xa4: {  	s25 =	simm.s32 $0x1B8E;
	s24 =	sld [smem:$0x3FFE];
	[sflag:s23] =	ssyncadd.s32 $0xFFFFFFFF  }
0xa5: {  	s26 =	simm.s32 $execute0_lowered;
	[smem:$0x3FD2] =	sst s25  }
0xa6: {  	s5 =	sshll.u32 s26, $0x1;
	_ =	strace $0x80000046;
	[dreg:$0x1] =	wrdreg $0xFFFFFFFF  }
0xa7: {  	s28 =	simm.s32 $_size_execute0_lowered;
	s3 =	sadd.s32 s3, s5;
	[dreg:$0x0] =	wrdreg $0x0  }
0xa8: {  	s5 =	sshll.u32 s28, $0x1;
	[dreg:$0x2] =	wrdreg s3  }
0xa9: {  	[dreg:$0x3] =	wrdreg s5  }
0xaa: {  	[dreg:$0x4] =	wrdreg $0xC0  }
0xab: {  	_ =	task [dreg:s7], $0x5FFFF  }
0xac: {  	[dreg:$0x1] =	wrdreg $0xFFFFFFFF  }
0xad: {  	[dreg:$0x0] =	wrdreg $0x60  }
0xae: {  	[dreg:$0x2] =	wrdreg s24  }
0xaf: {  	[dreg:$0x3] =	wrdreg s2  }
0xb0: {  	[dreg:$0x4] =	wrdreg $0x9  }
0xb1: {  	_ =	task.clear_ibuf [dreg:s7], $0x5FFFF;
	_ =	strace $0x90000046  }
0xb2: {  	s29 =	simm.s32 $0x9;
	_ =	strace $0x80000048  }
0xb3: {  	_ =	swait.ge [sflag:s29], $0x1  }
0xb4: {  	[sflag:s29] =	ssyncadd.s32 $0xFFFFFFFF  }
0xb5: {  	_ =	strace $0x90000048  }
0xb6: {  	_ =	sfence  }
0xb7: {  	s30 =	sld [smem:$0x0];
	_ =	sdelay $0x2  }
0xb8: {  	s31 =	sshll.u32 s1, $0xD;
	s1 =	sshrl.u32 s1, $0x2  }
0xb9: {  	s3 =	sand.u32 $0x4000, s31;
	s1 =	sadd.s32 s1, s30  }
0xba: {  	s0 =	sor.u32 s3, s0;
	s1 =	sshll.u32 s1, $0x11  }
0xbb: {  	s0 =	sor.u32 s1, s0  }
0xbc: {  	s0 =	sadd.s32 $0x8F2B, s0  }
0xbd: {  	[sflag:s0] =	ssyncadd.remote.s32 $0x1  }
0xbe: {  	_ =	sfence.sel $0xFFFF  }
0xbf: {  	[dreg:$0x0] =	wrdreg $0xFFFFFFFF;
	(pc) =	sbr.abs _section_cstart, $3  }
0xc0: {  	[dreg:$0x1] =	wrdreg $0xFFFFFFFF  }
0xc1: {  	_ =	task.clear_ibuf [dreg:s7], $0x2FFFF;
	_ =	strace $0x9FFFFFFF  }
0xc2: {  	(tm) =	ssettm $0x7FFFFFFF  }
0xc3: {  	_ =	shalt  }
tec
execute0_lowered:
.L_overlay_start_1:
0x0: {  	(tag) =	ssettag $0x1  }
0x1: {  	s0 =	srdreg.scid;
	s5 =	rddreg [dreg:$0x0]  }
0x2: {  	s10 =	stileid.u32;
	s6 =	rddreg [dreg:$0x1]  }
0x3: {  	s14 =	simm.s32 $0x3;
	s15 =	simm.s32 $0x9C40;
	s17 =	simm.s32 $0x1ADB0  }
0x4: {  	s18 =	simm.s32 $0x1C1B0;
	s19 =	simm.s32 $0x1B7B0;
	s20 =	simm.s32 $0x1CBB0  }
0x5: {  	s21 =	simm.s32 $0x1;
	s22 =	simm.s32 $0xEA60;
	s4 =	smul.u32 $0xC350, s10  }
0x6: {  	s0 =	sand.u32 $0x1, s0;
	s2 =	sshll.u32 s10, $0x2;
	s10 =	smul.u32 $0x280, s10  }
0x7: {  	s23 =	simm.s32 $0x2;
	s24 =	simm.s32 $0x0;
	s3 =	smul.u32 $0xC3500, s0  }
0x8: {  	s1 =	sshll.u32 s0, $0x6;
	s8 =	smul.u32 $0x2710, s0;
	s29 =	ssub.s32 $0x2, s0  }
0x9: {  	s0 =	smul.u32 $0x4E2, s0;
	s1 =	sor.u32 s2, s1;
	s2 =	simm.s32 $0x0  }
0xa: {  	s9 =	sshrl.u32 s29, $0x1;
	s31 =	sshrl.u32 s10, $0x2;
	s1 =	smul.u32 $0x4E2, s1  }
0xb: {  	[smem:$0x7FF] =	sst s2;
	s4 =	sadd.s32 s4, s3;
	s3 =	sadd.s32 $0x31600, s5  }
0xc: {  	s8 =	sshrl.u32 s8, $0x3;
	s9 =	ssub.s32 s29, s9;
	s10 =	sadd.s32 $0x1ADC0, s31  }
0xd: {  	s11 =	sadd.s32 $0x1C1C0, s31;
	s12 =	sadd.s32 $0x1B7C0, s31;
	s13 =	sadd.s32 $0x1CBC0, s31  }
0xe: {  	_ =	strace $0x80000047;
	s7 =	sshrl.u32 s4, $0x3;
	s4 =	sadd.s32 $0x27800, s5  }
0xf: {  	s30 =	sadd.s32 s6, s8;
	s6 =	sadd.s32 s6, s0;
	s1 =	sadd.s32 s1, s5  }
0x10: {  	s9 =	smax.u32 s9, $0x1;
	s5 =	sadd.s32 s7, s5;
	s1 =	sadd.s32 $0x600, s1  }
0x11: {  	v0 =	vimm.f32 $0.0e+00;
	s7 =	sadd.s32 $0x9C4, s30;
	s8 =	sadd.s32 $0x3B400, s5;
	[dreg:$0x3] =	wrdreg s1  }
.LBB2_1:
0x12: {  	s0 =	rddreg [dreg:$0x3]  }
0x13: {  	[tilespmem:s2], [sflag:$0x3] =	stream.linear.gather [hbm4b:s0+s2], $0x9C40, $0x38;
	[tilespmem:$0x1D5B0] =	vst v63  }
0x14: {  	_ =	swait.ge [sflag:s14], $0x9C40  }
0x15: {  	[sflag:s14] =	ssyncset.done $0x0  }
0x16: {  	[sflag:s14] =	ssyncadd.s32 $0xFFFF63C0  }
0x17: {  	[tilespmem:s15], [sflag:$0x3] =	stream.linear.gather [hbm4b:s6+s2], $0x2710, $0x38;
	[tilespmem:$0x1D5B0] =	vst v63  }
0x18: {  	_ =	swait.ge [sflag:s14], $0x2710  }
0x19: {  	[sflag:s14] =	ssyncset.done $0x0  }
0x1a: {  	s31 =	simm.s32 $0xC350;
	[sflag:s14] =	ssyncadd.s32 $0xFFFFD8F0  }
0x1b: {  	[tilespmem:s31], [sflag:$0x3] =	stream.linear.gather [hbm4b:s7+s2], $0x2710, $0x38;
	[tilespmem:$0x1D5B0] =	vst v63  }
0x1c: {  	_ =	swait.ge [sflag:s14], $0x2710  }
0x1d: {  	[sflag:s14] =	ssyncset.done $0x0  }
0x1e: {  	s1 =	simm.s32 $0x40;
	s0 =	simm.s32 $0x0;
	[sflag:s14] =	ssyncadd.s32 $0xFFFFD8F0  }
.LBB2_2:
0x1f: {  	p0 =	sne.s32 s1, $0x9C00;
	[tilespmem:s0+$0x186A0] =	vst v0;
	s5 =	smov.u32 s1;
	s1 =	sadd.s32 $0x40, s1  }
.Ltmp0:
0x20: {  	[tilespmem:s0+$0x15F90] =	vst v0;
	(pc) =	sbr.rel @p0 .LBB2_2-.Ltmp0, $4  }
0x21: {  	[tilespmem:s0+$0x13880] =	vst v0  }
0x22: {  	[tilespmem:s0+$0xEA60] =	vst v0  }
0x23: {  	[tilespmem:s0+$0x11170] =	vst v0  }
0x24: {  	s0 =	sshra.s32 s5, $0x2  }
0x25: {  	[tilespmem:s0+$0x186A0] =	vst v0  }
0x26: {  	[tilespmem:s0+$0x15F90] =	vst v0  }
0x27: {  	[tilespmem:s0+$0x13880] =	vst v0  }
0x28: {  	[tilespmem:s0+$0xEA60] =	vst v0  }
0x29: {  	[tilespmem:s0+$0x11170] =	vst v0;
	s28 =	simm.s32 $0x0  }
0x2a: {  	[tilespmem:s17], [sflag:$0x1] =	stream.linear.gather [hbm4b:s3+s28], $0xA00, $0x38;
	[tilespmem:$0x1D5B0] =	vst v63  }
0x2b: {  	_ = 	snop  }
0x2c: {  	[tilespmem:s18], [sflag:$0x1] =	stream.linear.gather [hbm4b:s4+s28], $0xA00, $0x38;
	[tilespmem:$0x1D5B0] =	vst v63  }
.LBB2_4:
0x2d: {  	s0 =	smul.u32 $0x1400, s28;
	_ =	sdelay $0x1  }
0x2e: {  	s1 =	sshrl.u32 s0, $0x3  }
0x2f: {  	s0 =	sadd.s32 $0x140, s1  }
0x30: {  	s5 =	sadd.s32 s3, s0  }
0x31: {  	[tilespmem:s19], [sflag:$0x2] =	stream.linear.gather [hbm4b:s5+s2], $0xA00, $0x38;
	[tilespmem:$0x1D5B0] =	vst v63  }
0x32: {  	s0 =	sadd.s32 s4, s0  }
0x33: {  	[tilespmem:s20], [sflag:$0x2] =	stream.linear.gather [hbm4b:s0+s2], $0xA00, $0x38;
	[tilespmem:$0x1D5B0] =	vst v63  }
0x34: {  	_ =	swait.ge [sflag:s21], $0xA00  }
0x35: {  	[sflag:s21] =	ssyncset.done $0x0  }
0x36: {  	[sflag:s21] =	ssyncadd.s32 $0xFFFFF600  }
0x37: {  	_ =	swait.ge [sflag:s21], $0xA00  }
0x38: {  	[sflag:s21] =	ssyncset.done $0x0  }
0x39: {  	s31 =	simm.s32 $0x1C1F0;
	[sflag:s21] =	ssyncadd.s32 $0xFFFFF600  }
0x3a: {  	s25 =	simm.s32 $0x1ADF0;
	v1 =	vld [tilespmem:s31+$0x30]  }
0x3b: {  	v2 =	vld [tilespmem:s25+$0x30];
	_ =	sdelay $0x1  }
0x3c: {  	v8 =	vld [tilespmem:s31+$0xFFFFFFC0]  }
0x3d: {  	v9 =	vld [tilespmem:s31+$0xFFFFFFD0]  }
0x3e: {  	v10 =	vld [tilespmem:s31+$0xFFFFFFE0];
	v3 =	vadd.s32 $0x2710, v1  }
0x3f: {  	v16 =	vld [tilespmem:s31+$0xFFFFFFF0]  }
0x40: {  	v11 =	vld [tilespmem:s31+$0x0]  }
0x41: {  	v12 =	vld [tilespmem:s31+$0x10]  }
0x42: {  	v4 =	vld.idx.msk [tilespmem:v2+s15+$0x0], $0xffff  }
0x43: {  	v5 =	vld.idx.msk [tilespmem:v3+s15+$0x0], $0xffff  }
0x44: {  	v20 =	vld [tilespmem:s25+$0xFFFFFFC0]  }
0x45: {  	v14 =	vld [tilespmem:s31+$0x20]  }
0x46: {  	v15 =	vld [tilespmem:s25+$0xFFFFFFD0]  }
0x47: {  	v0 =	vld [tilespmem:s25+$0xFFFFFFE0]  }
0x48: {  	v17 =	vld [tilespmem:s25+$0xFFFFFFF0];
	v4 =	vadd.f32 v5, v4  }
0x49: {  	v18 =	vld [tilespmem:s25+$0x0]  }
0x4a: {  	v19 =	vld [tilespmem:s25+$0x10];
	v5 =	vmul.f32 $2.000000030e-01, v4  }
0x4b: {  	v22 =	vld [tilespmem:s25+$0x20];
	vm0 =	vge.f32 v4, $0.0e+00  }
0x4c: {  	v30 =	vld.idx.msk [tilespmem:v20+s15+$0x0], $0xffff;
	v4 =	vsel vm0, v4, v5  }
0x4d: {  	v24 =	vadd.s32 $0x2710, v8;
	v32 =	vld.idx.msk [tilespmem:v2+s2+$0x0], $0xffff;
	v4 =	vmul.f32 $1.442695020e+00, v4  }
0x4e: {  	v33 =	vld.idx.msk [tilespmem:v15+s15+$0x0], $0xffff  }
0x4f: {  	v34 =	vld.idx.msk [tilespmem:v0+s15+$0x0], $0xffff;
	(erf) = vpow2.f32 v4  }
0x50: {  	v26 =	vadd.s32 $0x2710, v10;
	v35 =	vld.idx.msk [tilespmem:v17+s15+$0x0], $0xffff  }
0x51: {  	v13 =	vadd.s32 $0x2710, v16;
	v36 =	vld.idx.msk [tilespmem:v18+s15+$0x0], $0xffff  }
0x52: {  	v23 =	vadd.s32 $0x2710, v12;
	v6 =	vld.idx.msk [tilespmem:v24+s15+$0x0], $0xffff  }
0x53: {  	v27 =	vadd.s32 $0x2710, v14;
	v38 =	vld.idx.msk [tilespmem:v19+s15+$0x0], $0xffff  }
0x54: {  	v25 =	vadd.s32 $0x2710, v9;
	v48 =	vld.idx.msk [tilespmem:v22+s15+$0x0], $0xffff  }
0x55: {  	v21 =	vadd.s32 $0x2710, v11;
	v7 =	vld.idx.msk [tilespmem:v26+s15+$0x0], $0xffff  }
0x56: {  	v28 =	vld.idx.msk [tilespmem:v13+s15+$0x0], $0xffff  }
0x57: {  	v29 =	vld.idx.msk [tilespmem:v23+s15+$0x0], $0xffff;
	v6 =	vadd.f32 v6, v30;
	v30 =	vadd.s32 $0x2710, v2  }
0x58: {  	v31 =	vld.idx.msk [tilespmem:v27+s15+$0x0], $0xffff;
	v37 =	vpop (erf)  }
0x59: {  	v5 =	vld.idx.msk [tilespmem:v25+s15+$0x0], $0xffff;
	v32 =	vmul.f32 v37, v32  }
0x5a: {  	v4 =	vld.idx.msk [tilespmem:v21+s15+$0x0], $0xffff  }
0x5b: {  	v7 =	vadd.f32 v7, v34;
	[tilespmem:v1+s22+$0x0] =	vst.idx.add.f32.msk $0xffff, v32  }
0x5c: {  	v50 =	vadd.s32 $0x4E20, v2;
	v28 =	vadd.f32 v28, v35;
	v29 =	vadd.f32 v29, v38;
	v30 =	vld.idx.msk [tilespmem:v30+s2+$0x0], $0xffff  }
0x5d: {  	v31 =	vadd.f32 v31, v48;
	v2 =	vadd.s32 $0x7530, v2;
	v39 =	vmul.f32 $2.000000030e-01, v6  }
0x5e: {  	vm11 =	vge.f32 v6, $0.0e+00;
	vm1 =	vge.f32 v7, $0.0e+00;
	v5 =	vadd.f32 v5, v33  }
0x5f: {  	v34 =	vmul.f32 $2.000000030e-01, v7;
	vm2 =	vge.f32 v28, $0.0e+00;
	v35 =	vmul.f32 $2.000000030e-01, v28  }
0x60: {  	v52 =	vmul.f32 $2.000000030e-01, v29;
	v6 =	vsel vm11, v6, v39;
	v49 =	vmul.f32 $2.000000030e-01, v5  }
0x61: {  	vm12 =	vge.f32 v5, $0.0e+00;
	v4 =	vadd.f32 v4, v36;
	v30 =	vmul.f32 v37, v30  }
0x62: {  	v53 =	vmul.f32 $2.000000030e-01, v31;
	v6 =	vmul.f32 $1.442695020e+00, v6;
	v5 =	vsel vm12, v5, v49  }
0x63: {  	v7 =	vsel vm1, v7, v34;
	v51 =	vmul.f32 $2.000000030e-01, v4;
	v5 =	vmul.f32 $1.442695020e+00, v5;
	[tilespmem:v3+s22+$0x0] =	vst.idx.add.f32.msk $0xffff, v30  }
0x64: {  	vm14 =	vge.f32 v29, $0.0e+00;
	(erf) = vpow2.f32 v6;
	v3 =	vmul.f32 $1.442695020e+00, v7;
	v7 =	vld.idx.msk [tilespmem:v50+s2+$0x0], $0xffff  }
0x65: {  	v28 =	vsel vm2, v28, v35;
	vm13 =	vge.f32 v4, $0.0e+00;
	(erf) = vpow2.f32 v5  }
0x66: {  	v6 =	vmul.f32 $1.442695020e+00, v28;
	v4 =	vsel vm13, v4, v51;
	(erf) = vpow2.f32 v3  }
0x67: {  	v5 =	vsel vm14, v29, v52;
	v3 =	vmul.f32 $1.442695020e+00, v4;
	v4 =	vadd.s32 $0x4E20, v1  }
0x68: {  	v54 =	vld.idx.msk [tilespmem:v19+s2+$0x0], $0xffff;
	vm15 =	vge.f32 v31, $0.0e+00;
	v5 =	vmul.f32 $1.442695020e+00, v5;
	(erf) = vpow2.f32 v6  }
0x69: {  	v28 =	vld.idx.msk [tilespmem:v20+s2+$0x0], $0xffff;
	v29 =	vsel vm15, v31, v53;
	(erf) = vpow2.f32 v3;
	v3 =	vmul.f32 v37, v7  }
0x6a: {  	v29 =	vmul.f32 $1.442695020e+00, v29;
	v6 =	vld.idx.msk [tilespmem:v15+s2+$0x0], $0xffff  }
0x6b: {  	v30 =	vld.idx.msk [tilespmem:v0+s2+$0x0], $0xffff;
	(erf) = vpow2.f32 v5  }
0x6c: {  	(erf) = vpow2.f32 v29;
	[tilespmem:v4+s22+$0x0] =	vst.idx.add.f32.msk $0xffff, v3  }
0x6d: {  	v29 =	vld.idx.msk [tilespmem:v2+s2+$0x0], $0xffff;
	v3 =	vpop (erf)  }
0x6e: {  	v31 =	vld.idx.msk [tilespmem:v17+s2+$0x0], $0xffff;
	v2 =	vmul.f32 v3, v28;
	v5 =	vpop (erf)  }
0x6f: {  	v55 =	vadd.s32 $0x7530, v1;
	v7 =	vld.idx.msk [tilespmem:v18+s2+$0x0], $0xffff;
	v4 =	vmul.f32 v5, v6;
	v1 =	vpop (erf)  }
0x70: {  	v28 =	vld.idx.msk [tilespmem:v22+s2+$0x0], $0xffff;
	v6 =	vmul.f32 v1, v30  }
0x71: {  	[tilespmem:v8+s22+$0x0] =	vst.idx.add.f32.msk $0xffff, v2  }
0x72: {  	v57 =	vadd.s32 $0x2710, v17;
	[tilespmem:v9+s22+$0x0] =	vst.idx.add.f32.msk $0xffff, v4;
	v29 =	vmul.f32 v29, v37;
	v2 =	vpop (erf)  }
0x73: {  	[tilespmem:v10+s22+$0x0] =	vst.idx.add.f32.msk $0xffff, v6;
	v30 =	vmul.f32 v2, v31;
	v4 =	vpop (erf)  }
0x74: {  	v31 =	vadd.s32 $0x2710, v20;
	[tilespmem:v55+s22+$0x0] =	vst.idx.add.f32.msk $0xffff, v29;
	v56 =	vmul.f32 v4, v7;
	v6 =	vpop (erf)  }
0x75: {  	[tilespmem:v16+s22+$0x0] =	vst.idx.add.f32.msk $0xffff, v30;
	v30 =	vadd.s32 $0x2710, v15;
	v7 =	vpop (erf)  }
0x76: {  	v29 =	vadd.s32 $0x2710, v0;
	v28 =	vmul.f32 v7, v28;
	[tilespmem:v11+s22+$0x0] =	vst.idx.add.f32.msk $0xffff, v56  }
0x77: {  	v33 =	vld.idx.msk [tilespmem:v57+s2+$0x0], $0xffff  }
0x78: {  	v58 =	vadd.s32 $0x2710, v18;
	[tilespmem:v14+s22+$0x0] =	vst.idx.add.f32.msk $0xffff, v28  }
0x79: {  	v28 =	vadd.s32 $0x2710, v19;
	v31 =	vld.idx.msk [tilespmem:v31+s2+$0x0], $0xffff  }
0x7a: {  	v59 =	vadd.s32 $0x2710, v22;
	v32 =	vmul.f32 v6, v54;
	v30 =	vld.idx.msk [tilespmem:v30+s2+$0x0], $0xffff  }
0x7b: {  	v29 =	vld.idx.msk [tilespmem:v29+s2+$0x0], $0xffff  }
0x7c: {  	[tilespmem:v12+s22+$0x0] =	vst.idx.add.f32.msk $0xffff, v32  }
0x7d: {  	v32 =	vld.idx.msk [tilespmem:v58+s2+$0x0], $0xffff  }
0x7e: {  	v28 =	vld.idx.msk [tilespmem:v28+s2+$0x0], $0xffff;
	v31 =	vmul.f32 v3, v31  }
0x7f: {  	v34 =	vld.idx.msk [tilespmem:v59+s2+$0x0], $0xffff;
	v30 =	vmul.f32 v5, v30  }
0x80: {  	[tilespmem:v24+s22+$0x0] =	vst.idx.add.f32.msk $0xffff, v31;
	v24 =	vmul.f32 v1, v29  }
0x81: {  	[tilespmem:v25+s22+$0x0] =	vst.idx.add.f32.msk $0xffff, v30;
	v25 =	vmul.f32 v2, v33  }
0x82: {  	v29 =	vadd.s32 $0x4E20, v20;
	[tilespmem:v26+s22+$0x0] =	vst.idx.add.f32.msk $0xffff, v24;
	v24 =	vmul.f32 v4, v32  }
0x83: {  	v26 =	vadd.s32 $0x4E20, v15;
	[tilespmem:v13+s22+$0x0] =	vst.idx.add.f32.msk $0xffff, v25;
	v13 =	vmul.f32 v6, v28  }
0x84: {  	v25 =	vadd.s32 $0x4E20, v0;
	[tilespmem:v21+s22+$0x0] =	vst.idx.add.f32.msk $0xffff, v24;
	v21 =	vmul.f32 v7, v34  }
0x85: {  	v24 =	vadd.s32 $0x4E20, v17;
	[tilespmem:v23+s22+$0x0] =	vst.idx.add.f32.msk $0xffff, v13  }
0x86: {  	v13 =	vadd.s32 $0x4E20, v18;
	[tilespmem:v27+s22+$0x0] =	vst.idx.add.f32.msk $0xffff, v21  }
0x87: {  	v21 =	vadd.s32 $0x4E20, v19;
	v23 =	vld.idx.msk [tilespmem:v29+s2+$0x0], $0xffff  }
0x88: {  	v27 =	vadd.s32 $0x4E20, v22;
	v26 =	vld.idx.msk [tilespmem:v26+s2+$0x0], $0xffff  }
0x89: {  	v28 =	vadd.s32 $0x4E20, v8;
	v60 =	vld.idx.msk [tilespmem:v25+s2+$0x0], $0xffff  }
0x8a: {  	v25 =	vadd.s32 $0x4E20, v9;
	v30 =	vld.idx.msk [tilespmem:v24+s2+$0x0], $0xffff  }
0x8b: {  	v31 =	vadd.s32 $0x4E20, v10;
	v61 =	vld.idx.msk [tilespmem:v13+s2+$0x0], $0xffff  }
0x8c: {  	v62 =	vadd.s32 $0x4E20, v16;
	v21 =	vld.idx.msk [tilespmem:v21+s2+$0x0], $0xffff;
	v13 =	vmul.f32 v3, v23  }
0x8d: {  	v29 =	vadd.s32 $0x4E20, v11;
	v63 =	vld.idx.msk [tilespmem:v27+s2+$0x0], $0xffff;
	v24 =	vmul.f32 v5, v26  }
0x8e: {  	v46 =	vadd.s32 $0x7530, v8;
	v8 =	vadd.s32 $0x4E20, v12;
	[tilespmem:v28+s22+$0x0] =	vst.idx.add.f32.msk $0xffff, v13;
	v13 =	vmul.f32 v1, v60  }
0x8f: {  	v48 =	vadd.s32 $0x7530, v9;
	[tilespmem:v25+s22+$0x0] =	vst.idx.add.f32.msk $0xffff, v24;
	v24 =	vadd.s32 $0x4E20, v14;
	v25 =	vmul.f32 v2, v30  }
0x90: {  	v39 =	vadd.s32 $0x7530, v10;
	[tilespmem:v31+s22+$0x0] =	vst.idx.add.f32.msk $0xffff, v13;
	v31 =	vadd.s32 $0x7530, v16;
	v16 =	vmul.f32 v4, v61  }
0x91: {  	v32 =	vadd.s32 $0x7530, v15;
	v17 =	vadd.s32 $0x7530, v17;
	[tilespmem:v62+s22+$0x0] =	vst.idx.add.f32.msk $0xffff, v25;
	v21 =	vmul.f32 v6, v21  }
0x92: {  	v19 =	vadd.s32 $0x7530, v19;
	v26 =	vadd.s32 $0x7530, v12;
	v25 =	vmul.f32 v7, v63;
	[tilespmem:v29+s22+$0x0] =	vst.idx.add.f32.msk $0xffff, v16  }
0x93: {  	v30 =	vadd.s32 $0x7530, v11;
	v14 =	vadd.s32 $0x7530, v14;
	[tilespmem:v8+s22+$0x0] =	vst.idx.add.f32.msk $0xffff, v21;
	v21 =	vadd.s32 $0x7530, v20  }
0x94: {  	s26 =	simm.s32 $0x0;
	s0 =	simm.s32 $0x1C270;
	v16 =	vadd.s32 $0x7530, v0;
	v20 =	vadd.s32 $0x7530, v18;
	v18 =	vadd.s32 $0x7530, v22;
	[tilespmem:v24+s22+$0x0] =	vst.idx.add.f32.msk $0xffff, v25  }
.LBB2_5:
0x95: {  	v49 =	vld [tilespmem:s0+$0x30]  }
0x96: {  	v50 =	vld [tilespmem:s0+$0xFFFFFFC0]  }
0x97: {  	v47 =	vld [tilespmem:s0+$0xFFFFFFD0]  }
0x98: {  	v45 =	vld [tilespmem:s0+$0xFFFFFFE0]  }
0x99: {  	s25 =	sadd.s32 $0x80, s25;
	v42 =	vld [tilespmem:s0+$0xFFFFFFF0]  }
0x9a: {  	v62 =	vld [tilespmem:s25+$0x30]  }
0x9b: {  	v38 =	vld [tilespmem:s0+$0x0]  }
0x9c: {  	[tilespmem:$0x1FEB0] =	vst v26;
	v41 =	vld [tilespmem:s0+$0x10];
	v0 =	vadd.s32 $0x2710, v49;
	v8 =	vadd.s32 $0x4E20, v50  }
0x9d: {  	v44 =	vld [tilespmem:s0+$0x20];
	[tilespmem:$0x1FF90] =	vst v8;
	v8 =	vadd.s32 $0x7530, v50  }
0x9e: {  	v24 =	vld [tilespmem:s25+$0xFFFFFFD0];
	[tilespmem:$0x1FDF0] =	vst v8;
	v8 =	vadd.s32 $0x4E20, v47  }
0x9f: {  	v25 =	vld [tilespmem:s25+$0xFFFFFFE0];
	[tilespmem:$0x1FFA0] =	vst v8;
	v8 =	vadd.s32 $0x7530, v47  }
0xa0: {  	v26 =	vld [tilespmem:s25+$0xFFFFFFF0];
	[tilespmem:$0x1FE00] =	vst v8;
	v8 =	vadd.s32 $0x4E20, v45  }
0xa1: {  	[tilespmem:$0x1FFB0] =	vst v8;
	v8 =	vadd.s32 $0x7530, v45;
	v22 =	vld.idx.msk [tilespmem:v0+s15+$0x0], $0xffff  }
0xa2: {  	[tilespmem:$0x1FE10] =	vst v8;
	v8 =	vld.idx.msk [tilespmem:v62+s15+$0x0], $0xffff  }
0xa3: {  	v27 =	vld [tilespmem:s25+$0x0]  }
0xa4: {  	[tilespmem:$0x1FF70] =	vst v14;
	v28 =	vld [tilespmem:s25+$0x10];
	v10 =	vadd.s32 $0x2710, v50  }
0xa5: {  	v29 =	vld [tilespmem:s25+$0x20];
	v9 =	vadd.s32 $0x4E20, v42;
	[tilespmem:$0x1FED0] =	vst v10  }
0xa6: {  	v37 =	vld [tilespmem:s25+$0xFFFFFFC0];
	[tilespmem:$0x1FFC0] =	vst v9;
	v60 =	vadd.s32 $0x2710, v25  }
0xa7: {  	v12 =	vadd.s32 $0x2710, v45;
	v61 =	vadd.s32 $0x4E20, v25;
	[tilespmem:$0x1FE60] =	vst v60;
	v60 =	vld.idx.msk [tilespmem:v24+s15+$0x0], $0xffff;
	v8 =	vadd.f32 v22, v8  }
0xa8: {  	v51 =	vadd.s32 $0x7530, v42;
	[tilespmem:$0x1FF20] =	vst v61;
	v61 =	vld.idx.msk [tilespmem:v62+s2+$0x0], $0xffff  }
0xa9: {  	[tilespmem:$0x1FE20] =	vst v51;
	v63 =	vadd.s32 $0x2710, v26;
	v23 =	vld.idx.msk [tilespmem:v25+s15+$0x0], $0xffff;
	v22 =	vmul.f32 $2.000000030e-01, v8  }
0xaa: {  	v11 =	vadd.s32 $0x2710, v47;
	v52 =	vadd.s32 $0x4E20, v38;
	[tilespmem:$0x1FE70] =	vst v63;
	v63 =	vld.idx.msk [tilespmem:v26+s15+$0x0], $0xffff;
	vm0 =	vge.f32 v8, $0.0e+00  }
0xab: {  	v53 =	vadd.s32 $0x7530, v38;
	[tilespmem:$0x1FFD0] =	vst v52;
	v9 =	vld.idx.msk [tilespmem:v27+s15+$0x0], $0xffff;
	v8 =	vsel vm0, v8, v22  }
0xac: {  	v14 =	vmov v46;
	v54 =	vadd.s32 $0x4E20, v41;
	[tilespmem:$0x1FE40] =	vst v53;
	v46 =	vld.idx.msk [tilespmem:v12+s15+$0x0], $0xffff;
	v8 =	vmul.f32 $1.442695020e+00, v8  }
0xad: {  	v56 =	vadd.s32 $0x4E20, v44;
	[tilespmem:$0x1FFE0] =	vst v54;
	v40 =	vld.idx.msk [tilespmem:v10+s15+$0x0], $0xffff  }
0xae: {  	v33 =	vadd.s32 $0x2710, v42;
	[tilespmem:$0x1FFF0] =	vst v56;
	v43 =	vadd.s32 $0x4E20, v26;
	(erf) = vpow2.f32 v8;
	v8 =	vld.idx.msk [tilespmem:v37+s15+$0x0], $0xffff  }
0xaf: {  	v34 =	vadd.s32 $0x2710, v38;
	v35 =	vadd.s32 $0x2710, v41;
	v53 =	vadd.s32 $0x2710, v28;
	[tilespmem:$0x1FF30] =	vst v43;
	v43 =	vld.idx.msk [tilespmem:v11+s15+$0x0], $0xffff  }
0xb0: {  	v36 =	vadd.s32 $0x2710, v44;
	v54 =	vadd.s32 $0x4E20, v28;
	[tilespmem:$0x1FE90] =	vst v53;
	v53 =	vadd.s32 $0x7530, v25;
	v25 =	vld.idx.msk [tilespmem:v25+s2+$0x0], $0xffff  }
0xb1: {  	v56 =	vadd.s32 $0x4E20, v29;
	[tilespmem:$0x1FF50] =	vst v54;
	v54 =	vadd.s32 $0x7530, v26;
	v26 =	vld.idx.msk [tilespmem:v26+s2+$0x0], $0xffff;
	v23 =	vadd.f32 v46, v23  }
0xb2: {  	v51 =	vadd.s32 $0x2710, v27;
	v52 =	vadd.s32 $0x4E20, v27;
	[tilespmem:$0x1FF60] =	vst v56;
	v56 =	vadd.s32 $0x7530, v27;
	v27 =	vld.idx.msk [tilespmem:v27+s2+$0x0], $0xffff  }
0xb3: {  	v15 =	vmov v48;
	[tilespmem:$0x1FEF0] =	vst v12;
	v48 =	vld.idx.msk [tilespmem:v33+s15+$0x0], $0xffff;
	v46 =	vmul.f32 $2.000000030e-01, v23;
	v40 =	vadd.f32 v40, v8  }
0xb4: {  	v55 =	vadd.s32 $0x7530, v41;
	[tilespmem:$0x1FF40] =	vst v52;
	v52 =	vld.idx.msk [tilespmem:v34+s15+$0x0], $0xffff;
	v43 =	vadd.f32 v43, v60;
	vm14 =	vge.f32 v23, $0.0e+00  }
0xb5: {  	[tilespmem:$0x1FEC0] =	vst v55;
	v55 =	vadd.s32 $0x2710, v29;
	v23 =	vsel vm14, v23, v46;
	v46 =	vld.idx.msk [tilespmem:v21+s2+$0x0], $0xffff;
	v12 =	vmul.f32 $2.000000030e-01, v40  }
0xb6: {  	v58 =	vadd.s32 $0x2710, v24;
	[tilespmem:$0x1FEA0] =	vst v55;
	v55 =	vld.idx.msk [tilespmem:v35+s15+$0x0], $0xffff;
	v13 =	vmul.f32 $2.000000030e-01, v43;
	vm13 =	vge.f32 v40, $0.0e+00  }
0xb7: {  	v57 =	vadd.s32 $0x7530, v44;
	[tilespmem:$0x1FE50] =	vst v58;
	v58 =	vld.idx.msk [tilespmem:v36+s15+$0x0], $0xffff;
	vm1 =	vge.f32 v43, $0.0e+00;
	v12 =	vsel vm13, v40, v12  }
0xb8: {  	[tilespmem:$0x1FF80] =	vst v57;
	v10 =	vld.idx.msk [tilespmem:v28+s15+$0x0], $0xffff;
	v13 =	vsel vm1, v43, v13;
	v12 =	vmul.f32 $1.442695020e+00, v12  }
0xb9: {  	v57 =	vadd.s32 $0x4E20, v37;
	[tilespmem:$0x1FE80] =	vst v51;
	v51 =	vadd.s32 $0x7530, v37;
	v60 =	vld.idx.msk [tilespmem:v29+s15+$0x0], $0xffff;
	v13 =	vmul.f32 $1.442695020e+00, v13  }
0xba: {  	v22 =	vadd.s32 $0x2710, v37;
	v37 =	vld.idx.msk [tilespmem:v37+s2+$0x0], $0xffff;
	v3 =	vmul.f32 v46, v3;
	v8 =	vpop (erf);
	(erf) = vpow2.f32 v12  }
0xbb: {  	[tilespmem:$0x1FEE0] =	vst v11;
	v11 =	vadd.s32 $0x2710, v62;
	(erf) = vpow2.f32 v13;
	v13 =	vld.idx.msk [tilespmem:v17+s2+$0x0], $0xffff  }
0xbc: {  	[tilespmem:v14+s22+$0x0] =	vst.idx.add.f32.msk $0xffff, v3  }
0xbd: {  	v61 =	vmul.f32 v8, v61;
	v12 =	vld.idx.msk [tilespmem:v16+s2+$0x0], $0xffff  }
0xbe: {  	[tilespmem:$0x1FE30] =	vst v30;
	v3 =	vld [tilespmem:$0x1FDF0]  }
0xbf: {  	v30 =	vmov v39;
	v23 =	vmul.f32 $1.442695020e+00, v23;
	[tilespmem:v49+s22+$0x0] =	vst.idx.add.f32.msk $0xffff, v61  }
0xc0: {  	v11 =	vld.idx.msk [tilespmem:v11+s2+$0x0], $0xffff;
	v2 =	vmul.f32 v13, v2  }
0xc1: {  	v40 =	vadd.f32 v48, v63;
	(erf) = vpow2.f32 v23;
	v23 =	vld.idx.msk [tilespmem:v20+s2+$0x0], $0xffff  }
0xc2: {  	v1 =	vmul.f32 v12, v1;
	[tilespmem:v31+s22+$0x0] =	vst.idx.add.f32.msk $0xffff, v2  }
0xc3: {  	v10 =	vadd.f32 v55, v10;
	v48 =	vmul.f32 $2.000000030e-01, v40;
	v2 =	vld [tilespmem:$0x1FE30]  }
0xc4: {  	v55 =	vadd.f32 v58, v60;
	v60 =	vadd.s32 $0x4E20, v62;
	vm2 =	vge.f32 v40, $0.0e+00;
	[tilespmem:v30+s22+$0x0] =	vst.idx.add.f32.msk $0xffff, v1  }
0xc5: {  	v9 =	vadd.f32 v52, v9;
	v40 =	vsel vm2, v40, v48;
	v1 =	vld [tilespmem:$0x1FE10]  }
0xc6: {  	v61 =	vld.idx.msk [tilespmem:v32+s2+$0x0], $0xffff;
	v63 =	vmul.f32 $1.442695020e+00, v40;
	v11 =	vmul.f32 v8, v11  }
0xc7: {  	v39 =	vadd.s32 $0x7530, v24;
	v52 =	vmul.f32 $2.000000030e-01, v9;
	v46 =	vmov v3;
	v3 =	vld [tilespmem:$0x1FE00]  }
0xc8: {  	vm3 =	vge.f32 v9, $0.0e+00;
	(erf) = vpow2.f32 v63;
	[tilespmem:v0+s22+$0x0] =	vst.idx.add.f32.msk $0xffff, v11  }
0xc9: {  	v9 =	vsel vm3, v9, v52;
	v4 =	vmul.f32 v23, v4;
	v52 =	vld.idx.msk [tilespmem:v60+s2+$0x0], $0xffff  }
0xca: {  	v59 =	vadd.s32 $0x4E20, v24;
	v43 =	vmul.f32 $2.000000030e-01, v10;
	v58 =	vmul.f32 $2.000000030e-01, v55;
	v32 =	vmovc v39;
	v39 =	vmovc v1;
	v1 =	vld [tilespmem:$0x1FE20]  }
0xcb: {  	vm15 =	vge.f32 v10, $0.0e+00;
	vm4 =	vge.f32 v55, $0.0e+00;
	v5 =	vmul.f32 v61, v5;
	[tilespmem:v2+s22+$0x0] =	vst.idx.add.f32.msk $0xffff, v4  }
0xcc: {  	[tilespmem:$0x1FF00] =	vst v57;
	v57 =	vadd.s32 $0x7530, v28;
	v10 =	vsel vm15, v10, v43;
	v58 =	vsel vm4, v55, v58;
	v2 =	vld [tilespmem:$0x1FE40]  }
0xcd: {  	v24 =	vld.idx.msk [tilespmem:v24+s2+$0x0], $0xffff;
	v21 =	vmovc v51;
	v55 =	vmul.f32 $1.442695020e+00, v58;
	v58 =	vadd.s32 $0x4E20, v49;
	v0 =	vmul.f32 $1.442695020e+00, v9  }
0xce: {  	v28 =	vld.idx.msk [tilespmem:v28+s2+$0x0], $0xffff;
	v51 =	vmul.f32 $1.442695020e+00, v10;
	v48 =	vmov v3;
	v60 =	vadd.s32 $0x7530, v62;
	v3 =	vpop (erf)  }
0xcf: {  	[tilespmem:v15+s22+$0x0] =	vst.idx.add.f32.msk $0xffff, v5;
	(erf) = vpow2.f32 v0;
	v5 =	vpop (erf)  }
0xd0: {  	v61 =	vld.idx.msk [tilespmem:v19+s2+$0x0], $0xffff;
	(erf) = vpow2.f32 v51;
	v10 =	vmul.f32 v8, v52;
	v31 =	vmov v1;
	v1 =	vpop (erf)  }
0xd1: {  	v0 =	vld.idx.msk [tilespmem:v18+s2+$0x0], $0xffff;
	v30 =	vmov v2;
	v2 =	vpop (erf)  }
0xd2: {  	[tilespmem:v58+s22+$0x0] =	vst.idx.add.f32.msk $0xffff, v10;
	v14 =	vmul.f32 v2, v26  }
0xd3: {  	v62 =	vld.idx.msk [tilespmem:v60+s2+$0x0], $0xffff  }
0xd4: {  	[tilespmem:v42+s22+$0x0] =	vst.idx.add.f32.msk $0xffff, v14  }
0xd5: {  	v43 =	vadd.s32 $0x7530, v49;
	v63 =	vmul.f32 v61, v6;
	v6 =	vmul.f32 v3, v37;
	v14 =	vld [tilespmem:$0x1FE90];
	_ =	sdelay $0x1  }
0xd6: {  	[tilespmem:$0x1FF10] =	vst v59;
	v59 =	vadd.s32 $0x7530, v29;
	v29 =	vld.idx.msk [tilespmem:v29+s2+$0x0], $0xffff;
	v0 =	vmul.f32 v0, v7;
	v7 =	vmul.f32 v5, v24  }
0xd7: {  	(erf) = vpow2.f32 v55;
	[tilespmem:v50+s22+$0x0] =	vst.idx.add.f32.msk $0xffff, v6;
	v4 =	vpop (erf);
	v8 =	vmul.f32 v62, v8  }
0xd8: {  	[tilespmem:v47+s22+$0x0] =	vst.idx.add.f32.msk $0xffff, v7;
	v6 =	vpop (erf)  }
0xd9: {  	v47 =	vmul.f32 v6, v28;
	[tilespmem:v43+s22+$0x0] =	vst.idx.add.f32.msk $0xffff, v8  }
0xda: {  	v8 =	vld.idx.msk [tilespmem:v22+s2+$0x0], $0xffff  }
0xdb: {  	[tilespmem:v41+s22+$0x0] =	vst.idx.add.f32.msk $0xffff, v47  }
0xdc: {  	v22 =	vld.idx.msk [tilespmem:v14+s2+$0x0], $0xffff  }
0xdd: {  	v14 =	vld [tilespmem:$0x1FEA0];
	_ =	sdelay $0x1  }
0xde: {  	v13 =	vmul.f32 v1, v25  }
0xdf: {  	v7 =	vpop (erf)  }
0xe0: {  	[tilespmem:v45+s22+$0x0] =	vst.idx.add.f32.msk $0xffff, v13;
	v13 =	vmul.f32 v7, v29  }
0xe1: {  	v50 =	vld [tilespmem:$0x1FE60]  }
0xe2: {  	[tilespmem:v44+s22+$0x0] =	vst.idx.add.f32.msk $0xffff, v13  }
0xe3: {  	v13 =	vld [tilespmem:$0x1FE80]  }
0xe4: {  	v23 =	vld.idx.msk [tilespmem:v14+s2+$0x0], $0xffff  }
0xe5: {  	v14 =	vld [tilespmem:$0x1FEB0];
	_ =	sdelay $0x1  }
0xe6: {  	v52 =	vld [tilespmem:$0x1FED0];
	_ =	sdelay $0x1  }
0xe7: {  	v55 =	vld [tilespmem:$0x1FEF0];
	v12 =	vmul.f32 v4, v27  }
0xe8: {  	v11 =	vld.idx.msk [tilespmem:v50+s2+$0x0], $0xffff  }
0xe9: {  	[tilespmem:v38+s22+$0x0] =	vst.idx.add.f32.msk $0xffff, v12  }
0xea: {  	v13 =	vld.idx.msk [tilespmem:v13+s2+$0x0], $0xffff  }
0xeb: {  	v8 =	vmul.f32 v3, v8;
	[tilespmem:v14+s22+$0x0] =	vst.idx.add.f32.msk $0xffff, v63  }
0xec: {  	v14 =	vld [tilespmem:$0x1FF60]  }
0xed: {  	[tilespmem:v52+s22+$0x0] =	vst.idx.add.f32.msk $0xffff, v8;
	v8 =	vmul.f32 v1, v11;
	_ =	sdelay $0x1  }
0xee: {  	[tilespmem:v55+s22+$0x0] =	vst.idx.add.f32.msk $0xffff, v8;
	v8 =	vmul.f32 v4, v13;
	_ =	sdelay $0x1  }
0xef: {  	[tilespmem:v34+s22+$0x0] =	vst.idx.add.f32.msk $0xffff, v8;
	v8 =	vmul.f32 v7, v23;
	_ =	sdelay $0x1  }
0xf0: {  	[tilespmem:v36+s22+$0x0] =	vst.idx.add.f32.msk $0xffff, v8  }
0xf1: {  	v20 =	vmov v56;
	v56 =	vmul.f32 v6, v22;
	v22 =	vld.idx.msk [tilespmem:v14+s2+$0x0], $0xffff  }
0xf2: {  	v14 =	vld [tilespmem:$0x1FF70];
	_ =	sdelay $0x2  }
0xf3: {  	v49 =	vld [tilespmem:$0x1FE50];
	_ =	sdelay $0x1  }
0xf4: {  	v16 =	vmov v53;
	v53 =	vld [tilespmem:$0x1FEE0]  }
0xf5: {  	v12 =	vld [tilespmem:$0x1FE70]  }
0xf6: {  	v8 =	vld [tilespmem:$0x1FF00]  }
0xf7: {  	[tilespmem:v14+s22+$0x0] =	vst.idx.add.f32.msk $0xffff, v0  }
0xf8: {  	v0 =	vld [tilespmem:$0x1FF80]  }
0xf9: {  	v19 =	vmov v57;
	v57 =	vld [tilespmem:$0x1FF10]  }
0xfa: {  	v9 =	vld.idx.msk [tilespmem:v49+s2+$0x0], $0xffff  }
0xfb: {  	v18 =	vmov v59;
	v59 =	vld [tilespmem:$0x1FF30]  }
0xfc: {  	v61 =	vld [tilespmem:$0x1FFC0]  }
0xfd: {  	v14 =	vmov v0;
	v0 =	vld [tilespmem:$0x1FF90]  }
0xfe: {  	v8 =	vld.idx.msk [tilespmem:v8+s2+$0x0], $0xffff  }
0xff: {  	v9 =	vmul.f32 v5, v9;
	v12 =	vld.idx.msk [tilespmem:v12+s2+$0x0], $0xffff  }
0x100: {  	v58 =	vld [tilespmem:$0x1FF20]  }
0x101: {  	[tilespmem:v53+s22+$0x0] =	vst.idx.add.f32.msk $0xffff, v9  }
0x102: {  	v9 =	vld.idx.msk [tilespmem:v57+s2+$0x0], $0xffff  }
0x103: {  	v13 =	vld [tilespmem:$0x1FF50];
	v8 =	vmul.f32 v3, v8  }
0x104: {  	v17 =	vmov v54;
	v54 =	vmul.f32 v2, v12;
	v12 =	vld [tilespmem:$0x1FF40]  }
0x105: {  	[tilespmem:v0+s22+$0x0] =	vst.idx.add.f32.msk $0xffff, v8  }
0x106: {  	v8 =	vld [tilespmem:$0x1FFA0]  }
0x107: {  	[tilespmem:v33+s22+$0x0] =	vst.idx.add.f32.msk $0xffff, v54  }
0x108: {  	v11 =	vld.idx.msk [tilespmem:v59+s2+$0x0], $0xffff  }
0x109: {  	v63 =	vld [tilespmem:$0x1FFE0]  }
0x10a: {  	[tilespmem:v35+s22+$0x0] =	vst.idx.add.f32.msk $0xffff, v56  }
0x10b: {  	v13 =	vld.idx.msk [tilespmem:v13+s2+$0x0], $0xffff  }
0x10c: {  	v60 =	vld [tilespmem:$0x1FFB0];
	v9 =	vmul.f32 v5, v9  }
0x10d: {  	v62 =	vld [tilespmem:$0x1FFD0]  }
0x10e: {  	[tilespmem:v8+s22+$0x0] =	vst.idx.add.f32.msk $0xffff, v9;
	v8 =	vmul.f32 v2, v11  }
0x10f: {  	v10 =	vld.idx.msk [tilespmem:v58+s2+$0x0], $0xffff  }
0x110: {  	[tilespmem:v61+s22+$0x0] =	vst.idx.add.f32.msk $0xffff, v8;
	v8 =	vmul.f32 v6, v13  }
0x111: {  	v12 =	vld.idx.msk [tilespmem:v12+s2+$0x0], $0xffff  }
0x112: {  	[tilespmem:v63+s22+$0x0] =	vst.idx.add.f32.msk $0xffff, v8  }
0x113: {  	v8 =	vld [tilespmem:$0x1FFF0];
	_ =	sdelay $0x1  }
0x114: {  	s26 =	sadd.s32 $0x8, s26;
	v0 =	vmul.f32 v1, v10  }
0x115: {  	p0 =	slt.u32 s26, $0x98;
	v51 =	vld [tilespmem:$0x1FEC0]  }
.Ltmp1:
0x116: {  	[tilespmem:v60+s22+$0x0] =	vst.idx.add.f32.msk $0xffff, v0;
	v0 =	vmul.f32 v4, v12;
	(pc) =	sbr.rel @p0 .LBB2_5-.Ltmp1, $3  }
0x117: {  	_ = 	snop  }
0x118: {  	[tilespmem:v62+s22+$0x0] =	vst.idx.add.f32.msk $0xffff, v0;
	v0 =	vmul.f32 v7, v22;
	_ =	sdelay $0x1  }
0x119: {  	s0 =	sadd.s32 $0x80, s0;
	v26 =	vmov v51;
	[tilespmem:v8+s22+$0x0] =	vst.idx.add.f32.msk $0xffff, v0  }
0x11a: {  	_ =	sdelay $0x3  }
0x11b: {  	v0 =	vld.idx.msk [tilespmem:v21+s2+$0x0], $0xffff  }
0x11c: {  	v8 =	vld.idx.msk [tilespmem:v32+s2+$0x0], $0xffff  }
0x11d: {  	v9 =	vld.idx.msk [tilespmem:v16+s2+$0x0], $0xffff  }
0x11e: {  	v10 =	vld.idx.msk [tilespmem:v17+s2+$0x0], $0xffff  }
0x11f: {  	v11 =	vld.idx.msk [tilespmem:v20+s2+$0x0], $0xffff  }
0x120: {  	v0 =	vmul.f32 v0, v3;
	v3 =	vld.idx.msk [tilespmem:v19+s2+$0x0], $0xffff  }
0x121: {  	v5 =	vmul.f32 v8, v5;
	v8 =	vld.idx.msk [tilespmem:v18+s2+$0x0], $0xffff  }
0x122: {  	[tilespmem:v46+s22+$0x0] =	vst.idx.add.f32.msk $0xffff, v0;
	v0 =	vmul.f32 v9, v1  }
0x123: {  	[tilespmem:v48+s22+$0x0] =	vst.idx.add.f32.msk $0xffff, v5;
	v1 =	vmul.f32 v10, v2  }
0x124: {  	v2 =	vmul.f32 v11, v4;
	[tilespmem:v39+s22+$0x0] =	vst.idx.add.f32.msk $0xffff, v0  }
0x125: {  	[tilespmem:v31+s22+$0x0] =	vst.idx.add.f32.msk $0xffff, v1;
	v0 =	vmul.f32 v3, v6  }
0x126: {  	[tilespmem:v30+s22+$0x0] =	vst.idx.add.f32.msk $0xffff, v2;
	v1 =	vmul.f32 v8, v7  }
0x127: {  	[tilespmem:v26+s22+$0x0] =	vst.idx.add.f32.msk $0xffff, v0  }
0x128: {  	[tilespmem:v14+s22+$0x0] =	vst.idx.add.f32.msk $0xffff, v1  }
0x129: {  	v2 =	vld [tilespmem:s11+$0x0]  }
0x12a: {  	v1 =	vld [tilespmem:s10+$0x0];
	_ =	sdelay $0x3  }
0x12b: {  	v4 =	vld [tilespmem:s11+$0xFFFFFFF0];
	v3 =	vadd.s32 $0x2710, v2  }
0x12c: {  	s30 =	sadd.s32 $0x20, s11;
	v5 =	vld [tilespmem:s10+$0xFFFFFFF0]  }
0x12d: {  	s31 =	sadd.s32 $0x20, s10;
	v0 =	vld [tilespmem:s30+$0x0]  }
0x12e: {  	v7 =	vld [tilespmem:s31+$0x0]  }
0x12f: {  	v1 =	vld.idx.msk [tilespmem:v1+s15+$0x0], $0xffff  }
0x130: {  	v3 =	vld.idx.msk [tilespmem:v3+s15+$0x0], $0xffff;
	_ =	sdelay $0x3  }
0x131: {  	v6 =	vadd.s32 $0x2710, v4  }
0x132: {  	v8 =	vld [tilespmem:s30+$0xFFFFFFF0];
	v10 =	vadd.s32 $0x2710, v0;
	v3 =	vadd.f32 v3, v1  }
0x133: {  	v9 =	vld [tilespmem:s31+$0xFFFFFFF0]  }
0x134: {  	v5 =	vld.idx.msk [tilespmem:v5+s15+$0x0], $0xffff;
	v11 =	vmul.f32 $2.000000030e-01, v3  }
0x135: {  	v7 =	vld.idx.msk [tilespmem:v7+s15+$0x0], $0xffff;
	vm0 =	vge.f32 v3, $0.0e+00  }
0x136: {  	v6 =	vld.idx.msk [tilespmem:v6+s15+$0x0], $0xffff;
	v3 =	vsel vm0, v3, v11  }
0x137: {  	s29 =	sadd.s32 $0x20, s30;
	v10 =	vld.idx.msk [tilespmem:v10+s15+$0x0], $0xffff;
	v3 =	vmul.f32 $1.442695020e+00, v3  }
0x138: {  	v1 =	vld [tilespmem:s29+$0x0]  }
0x139: {  	(erf) = vpow2.f32 v3  }
0x13a: {  	s26 =	sadd.s32 $0x20, s31;
	v12 =	vadd.s32 $0x2710, v8  }
0x13b: {  	v6 =	vadd.f32 v6, v5;
	v11 =	vld [tilespmem:s26+$0x0];
	_ =	sdelay $0x1  }
0x13c: {  	v13 =	vld [tilespmem:s29+$0xFFFFFFF0];
	v7 =	vadd.f32 v10, v7;
	v10 =	vmul.f32 $2.000000030e-01, v6;
	v3 =	vadd.s32 $0x2710, v1  }
0x13d: {  	v9 =	vld.idx.msk [tilespmem:v9+s15+$0x0], $0xffff;
	vm13 =	vge.f32 v6, $0.0e+00  }
0x13e: {  	v12 =	vld.idx.msk [tilespmem:v12+s15+$0x0], $0xffff;
	v6 =	vsel vm13, v6, v10  }
0x13f: {  	s25 =	sadd.s32 $0x20, s29;
	v14 =	vld [tilespmem:s26+$0xFFFFFFF0];
	v15 =	vadd.s32 $0x9C40, v2;
	v2 =	vmul.f32 $2.000000030e-01, v7;
	v6 =	vmul.f32 $1.442695020e+00, v6  }
0x140: {  	v5 =	vld [tilespmem:s25+$0x0];
	vm14 =	vge.f32 v7, $0.0e+00  }
0x141: {  	v62 =	vld.idx.msk [tilespmem:v3+s15+$0x0], $0xffff;
	v3 =	vsel vm14, v7, v2;
	v2 =	vadd.s32 $0x9C40, v4;
	v4 =	vpop (erf);
	(erf) = vpow2.f32 v6  }
0x142: {  	s0 =	sadd.s32 $0x20, s26;
	v11 =	vld.idx.msk [tilespmem:v11+s15+$0x0], $0xffff  }
0x143: {  	v9 =	vadd.f32 v12, v9;
	v10 =	vadd.s32 $0x2710, v13;
	v7 =	vld [tilespmem:s0+$0x0];
	v12 =	vmul.f32 $1.442695020e+00, v3  }
0x144: {  	v63 =	vld [tilespmem:s25+$0xFFFFFFF0]  }
0x145: {  	(erf) = vpow2.f32 v12  }
0x146: {  	v6 =	vmul.f32 $2.000000030e-01, v9;
	v12 =	vld [tilespmem:s0+$0xFFFFFFF0]  }
0x147: {  	vm15 =	vge.f32 v9, $0.0e+00;
	[tilespmem:v15+s22+$0x0] =	vst.idx.add.f32.msk $0xffff, v4;
	v4 =	vadd.s32 $0x9C40, v13;
	v13 =	vadd.s32 $0x2710, v5  }
0x148: {  	v3 =	vadd.s32 $0x9C40, v8;
	v8 =	vld.idx.msk [tilespmem:v10+s15+$0x0], $0xffff;
	v11 =	vadd.f32 v62, v11;
	v15 =	vsel vm15, v9, v6  }
0x149: {  	s16 =	simm.s32 $0x6;
	s5 =	sadd.s32 $0x20, s25;
	v10 =	vld.idx.msk [tilespmem:v14+s15+$0x0], $0xffff;
	v9 =	vadd.s32 $0x2710, v63;
	v6 =	vadd.s32 $0x9C40, v63;
	v14 =	vmul.f32 $1.442695020e+00, v15  }
.LBB2_7:
0x14a: {  	v15 =	vld [tilespmem:s5+$0x0];
	v16 =	vmul.f32 $2.000000030e-01, v11;
	v17 =	vadd.s32 $0x9C40, v0;
	v18 =	vpop (erf);
	v0 =	vmov v1  }
0x14b: {  	vm0 =	vge.f32 v11, $0.0e+00;
	v1 =	vmovc v5;
	v20 =	vmovc v4;
	v19 =	vld.idx.msk [tilespmem:v7+s15+$0x0], $0xffff;
	(erf) = vpow2.f32 v14;
	v14 =	vmov v12  }
0x14c: {  	s16 =	sadd.s32 $0x2, s16;
	s0 =	sadd.s32 $0x20, s0;
	v4 =	vmov v6;
	v21 =	vld.idx.msk [tilespmem:v13+s15+$0x0], $0xffff;
	v5 =	vsel vm0, v11, v16  }
0x14d: {  	p0 =	slt.u32 s16, $0x8;
	v7 =	vld [tilespmem:s0+$0x0];
	v11 =	vmul.f32 $1.442695020e+00, v5  }
0x14e: {  	v16 =	vadd.f32 v8, v10;
	v6 =	vld [tilespmem:s5+$0xFFFFFFF0];
	v8 =	vpop (erf)  }
.Ltmp2:
0x14f: {  	(erf) = vpow2.f32 v11;
	[tilespmem:v17+s22+$0x0] =	vst.idx.add.f32.msk $0xffff, v8;
	v5 =	vmov v15;
	(pc) =	sbr.rel @p0 .LBB2_7-.Ltmp2, $4  }
0x150: {  	vm0 =	vge.f32 v16, $0.0e+00;
	v15 =	vmul.f32 $2.000000030e-01, v16;
	v12 =	vld [tilespmem:s0+$0xFFFFFFF0]  }
0x151: {  	v13 =	vadd.s32 $0x2710, v5;
	v8 =	vld.idx.msk [tilespmem:v9+s15+$0x0], $0xffff  }
0x152: {  	v11 =	vadd.f32 v21, v19;
	v10 =	vld.idx.msk [tilespmem:v14+s15+$0x0], $0xffff;
	v14 =	vsel vm0, v16, v15  }
0x153: {  	s5 =	sadd.s32 $0x20, s5;
	v9 =	vadd.s32 $0x2710, v6;
	v6 =	vadd.s32 $0x9C40, v6;
	v14 =	vmul.f32 $1.442695020e+00, v14;
	[tilespmem:v2+s22+$0x0] =	vst.idx.add.f32.msk $0xffff, v18;
	v2 =	vmovc v3;
	v3 =	vmovc v20  }
0x154: {  	_ =	sdelay $0x3  }
0x155: {  	v7 =	vld.idx.msk [tilespmem:v7+s15+$0x0], $0xffff  }
0x156: {  	v13 =	vld.idx.msk [tilespmem:v13+s15+$0x0], $0xffff  }
0x157: {  	v9 =	vld.idx.msk [tilespmem:v9+s15+$0x0], $0xffff  }
0x158: {  	v12 =	vld.idx.msk [tilespmem:v12+s15+$0x0], $0xffff;
	_ =	sdelay $0x1  }
0x159: {  	v15 =	vmul.f32 $2.000000030e-01, v11;
	v8 =	vadd.f32 v8, v10  }
0x15a: {  	vm0 =	vge.f32 v11, $0.0e+00;
	v7 =	vadd.f32 v13, v7  }
0x15b: {  	(erf) = vpow2.f32 v14;
	v39 =	vsel vm0, v11, v15;
	v40 =	vmul.f32 $2.000000030e-01, v8  }
0x15c: {  	vm7 =	vge.f32 v8, $0.0e+00;
	v9 =	vadd.f32 v9, v12;
	v13 =	vmul.f32 $2.000000030e-01, v7  }
0x15d: {  	v10 =	vmul.f32 $1.442695020e+00, v39;
	v8 =	vsel vm7, v8, v40;
	vm8 =	vge.f32 v7, $0.0e+00  }
0x15e: {  	v8 =	vmul.f32 $1.442695020e+00, v8;
	v41 =	vmul.f32 $2.000000030e-01, v9;
	v7 =	vsel vm8, v7, v13  }
0x15f: {  	(erf) = vpow2.f32 v10;
	vm9 =	vge.f32 v9, $0.0e+00;
	v7 =	vmul.f32 $1.442695020e+00, v7  }
0x160: {  	(erf) = vpow2.f32 v8;
	v8 =	vsel vm9, v9, v41  }
0x161: {  	(erf) = vpow2.f32 v7;
	v7 =	vmul.f32 $1.442695020e+00, v8;
	_ =	sdelay $0x1  }
0x162: {  	v0 =	vadd.s32 $0x9C40, v0;
	(erf) = vpow2.f32 v7;
	_ =	sdelay $0x1  }
0x163: {  	v1 =	vadd.s32 $0x9C40, v1  }
0x164: {  	v7 =	vpop (erf)  }
0x165: {  	v5 =	vadd.s32 $0x9C40, v5;
	v8 =	vpop (erf);
	[tilespmem:v2+s22+$0x0] =	vst.idx.add.f32.msk $0xffff, v7  }
0x166: {  	[tilespmem:v0+s22+$0x0] =	vst.idx.add.f32.msk $0xffff, v8;
	v0 =	vpop (erf)  }
0x167: {  	v2 =	vpop (erf);
	[tilespmem:v3+s22+$0x0] =	vst.idx.add.f32.msk $0xffff, v0  }
0x168: {  	[tilespmem:v1+s22+$0x0] =	vst.idx.add.f32.msk $0xffff, v2;
	v1 =	vpop (erf)  }
0x169: {  	v0 =	vpop (erf);
	[tilespmem:v4+s22+$0x0] =	vst.idx.add.f32.msk $0xffff, v1  }
0x16a: {  	s0 =	sadd.s32 $0x280, s1;
	[tilespmem:v5+s22+$0x0] =	vst.idx.add.f32.msk $0xffff, v0;
	v0 =	vpop (erf)  }
0x16b: {  	s1 =	sadd.s32 s3, s0;
	[tilespmem:v6+s22+$0x0] =	vst.idx.add.f32.msk $0xffff, v0  }
0x16c: {  	[tilespmem:s17], [sflag:$0x1] =	stream.linear.gather [hbm4b:s1+s2], $0xA00, $0x38;
	[tilespmem:$0x1D5B0] =	vst v63  }
0x16d: {  	s0 =	sadd.s32 s4, s0  }
0x16e: {  	[tilespmem:s18], [sflag:$0x1] =	stream.linear.gather [hbm4b:s0+s2], $0xA00, $0x38;
	[tilespmem:$0x1D5B0] =	vst v63  }
0x16f: {  	_ =	swait.ge [sflag:s23], $0xA00  }
0x170: {  	[sflag:s23] =	ssyncset.done $0x0  }
0x171: {  	[sflag:s23] =	ssyncadd.s32 $0xFFFFF600  }
0x172: {  	_ =	swait.ge [sflag:s23], $0xA00  }
0x173: {  	[sflag:s23] =	ssyncset.done $0x0  }
0x174: {  	s16 =	simm.s32 $0x1CC20;
	[sflag:s23] =	ssyncadd.s32 $0xFFFFF600  }
0x175: {  	s1 =	simm.s32 $0x1B820;
	v1 =	vld [tilespmem:s16+$0x0]  }
0x176: {  	v2 =	vld [tilespmem:s1+$0x0];
	_ =	sdelay $0x2  }
0x177: {  	v8 =	vld [tilespmem:s16+$0xFFFFFF90]  }
0x178: {  	v9 =	vld [tilespmem:s16+$0xFFFFFFA0];
	v3 =	vadd.s32 $0x2710, v1  }
0x179: {  	v42 =	vld [tilespmem:s16+$0xFFFFFFB0]  }
0x17a: {  	v16 =	vld [tilespmem:s16+$0xFFFFFFC0]  }
0x17b: {  	v43 =	vld [tilespmem:s16+$0xFFFFFFD0]  }
0x17c: {  	v4 =	vld.idx.msk [tilespmem:v2+s15+$0x0], $0xffff  }
0x17d: {  	v5 =	vld.idx.msk [tilespmem:v3+s15+$0x0], $0xffff  }
0x17e: {  	v12 =	vld [tilespmem:s16+$0xFFFFFFE0]  }
0x17f: {  	v20 =	vld [tilespmem:s1+$0xFFFFFF90]  }
0x180: {  	v14 =	vld [tilespmem:s16+$0xFFFFFFF0]  }
0x181: {  	v15 =	vld [tilespmem:s1+$0xFFFFFFA0]  }
0x182: {  	v0 =	vld [tilespmem:s1+$0xFFFFFFB0];
	v4 =	vadd.f32 v5, v4  }
0x183: {  	v17 =	vld [tilespmem:s1+$0xFFFFFFC0]  }
0x184: {  	v18 =	vld [tilespmem:s1+$0xFFFFFFD0];
	v5 =	vmul.f32 $2.000000030e-01, v4  }
0x185: {  	v19 =	vld [tilespmem:s1+$0xFFFFFFE0];
	vm10 =	vge.f32 v4, $0.0e+00  }
0x186: {  	v22 =	vld [tilespmem:s1+$0xFFFFFFF0];
	v4 =	vsel vm10, v4, v5  }
0x187: {  	v24 =	vadd.s32 $0x2710, v8;
	v30 =	vld.idx.msk [tilespmem:v20+s15+$0x0], $0xffff;
	v4 =	vmul.f32 $1.442695020e+00, v4  }
0x188: {  	v32 =	vld.idx.msk [tilespmem:v2+s2+$0x0], $0xffff  }
0x189: {  	v33 =	vld.idx.msk [tilespmem:v15+s15+$0x0], $0xffff;
	(erf) = vpow2.f32 v4  }
0x18a: {  	v26 =	vadd.s32 $0x2710, v42;
	v34 =	vld.idx.msk [tilespmem:v0+s15+$0x0], $0xffff  }
0x18b: {  	v13 =	vadd.s32 $0x2710, v16;
	v35 =	vld.idx.msk [tilespmem:v17+s15+$0x0], $0xffff  }
0x18c: {  	v23 =	vadd.s32 $0x2710, v12;
	v6 =	vld.idx.msk [tilespmem:v24+s15+$0x0], $0xffff  }
0x18d: {  	v27 =	vadd.s32 $0x2710, v14;
	v38 =	vld.idx.msk [tilespmem:v19+s15+$0x0], $0xffff  }
0x18e: {  	v25 =	vadd.s32 $0x2710, v9;
	v48 =	vld.idx.msk [tilespmem:v22+s15+$0x0], $0xffff  }
0x18f: {  	v7 =	vld.idx.msk [tilespmem:v26+s15+$0x0], $0xffff  }
0x190: {  	v28 =	vld.idx.msk [tilespmem:v13+s15+$0x0], $0xffff  }
0x191: {  	v29 =	vld.idx.msk [tilespmem:v23+s15+$0x0], $0xffff;
	v6 =	vadd.f32 v6, v30;
	v30 =	vadd.s32 $0x2710, v2  }
0x192: {  	v21 =	vadd.s32 $0x2710, v43;
	v31 =	vld.idx.msk [tilespmem:v27+s15+$0x0], $0xffff;
	v37 =	vpop (erf)  }
0x193: {  	v5 =	vld.idx.msk [tilespmem:v25+s15+$0x0], $0xffff;
	v32 =	vmul.f32 v37, v32  }
0x194: {  	v36 =	vld.idx.msk [tilespmem:v18+s15+$0x0], $0xffff  }
0x195: {  	v7 =	vadd.f32 v7, v34;
	[tilespmem:v1+s22+$0x0] =	vst.idx.add.f32.msk $0xffff, v32  }
0x196: {  	v50 =	vadd.s32 $0x4E20, v2;
	v28 =	vadd.f32 v28, v35;
	v29 =	vadd.f32 v29, v38;
	v30 =	vld.idx.msk [tilespmem:v30+s2+$0x0], $0xffff  }
0x197: {  	v31 =	vadd.f32 v31, v48;
	v2 =	vadd.s32 $0x7530, v2;
	v39 =	vmul.f32 $2.000000030e-01, v6;
	v4 =	vld.idx.msk [tilespmem:v21+s15+$0x0], $0xffff  }
0x198: {  	vm11 =	vge.f32 v6, $0.0e+00;
	vm1 =	vge.f32 v7, $0.0e+00;
	v5 =	vadd.f32 v5, v33  }
0x199: {  	v34 =	vmul.f32 $2.000000030e-01, v7;
	vm2 =	vge.f32 v28, $0.0e+00;
	v35 =	vmul.f32 $2.000000030e-01, v28  }
0x19a: {  	v52 =	vmul.f32 $2.000000030e-01, v29;
	v6 =	vsel vm11, v6, v39;
	v49 =	vmul.f32 $2.000000030e-01, v5  }
0x19b: {  	v6 =	vmul.f32 $1.442695020e+00, v6;
	vm12 =	vge.f32 v5, $0.0e+00;
	v30 =	vmul.f32 v37, v30  }
0x19c: {  	v53 =	vmul.f32 $2.000000030e-01, v31;
	v4 =	vadd.f32 v4, v36;
	v5 =	vsel vm12, v5, v49  }
0x19d: {  	v7 =	vsel vm1, v7, v34;
	(erf) = vpow2.f32 v6;
	v5 =	vmul.f32 $1.442695020e+00, v5;
	[tilespmem:v3+s22+$0x0] =	vst.idx.add.f32.msk $0xffff, v30  }
0x19e: {  	vm14 =	vge.f32 v29, $0.0e+00;
	v51 =	vmul.f32 $2.000000030e-01, v4;
	v3 =	vmul.f32 $1.442695020e+00, v7;
	v7 =	vld.idx.msk [tilespmem:v50+s2+$0x0], $0xffff  }
0x19f: {  	v28 =	vsel vm2, v28, v35;
	vm13 =	vge.f32 v4, $0.0e+00;
	(erf) = vpow2.f32 v5  }
0x1a0: {  	v6 =	vmul.f32 $1.442695020e+00, v28;
	v4 =	vsel vm13, v4, v51;
	(erf) = vpow2.f32 v3  }
0x1a1: {  	v5 =	vsel vm14, v29, v52;
	v3 =	vmul.f32 $1.442695020e+00, v4;
	v4 =	vadd.s32 $0x4E20, v1  }
0x1a2: {  	v54 =	vld.idx.msk [tilespmem:v19+s2+$0x0], $0xffff;
	vm15 =	vge.f32 v31, $0.0e+00;
	v5 =	vmul.f32 $1.442695020e+00, v5;
	(erf) = vpow2.f32 v6  }
0x1a3: {  	v28 =	vld.idx.msk [tilespmem:v20+s2+$0x0], $0xffff;
	v29 =	vsel vm15, v31, v53;
	(erf) = vpow2.f32 v3;
	v3 =	vmul.f32 v37, v7  }
0x1a4: {  	v29 =	vmul.f32 $1.442695020e+00, v29;
	v6 =	vld.idx.msk [tilespmem:v15+s2+$0x0], $0xffff  }
0x1a5: {  	v30 =	vld.idx.msk [tilespmem:v0+s2+$0x0], $0xffff;
	(erf) = vpow2.f32 v5  }
0x1a6: {  	(erf) = vpow2.f32 v29;
	[tilespmem:v4+s22+$0x0] =	vst.idx.add.f32.msk $0xffff, v3  }
0x1a7: {  	v29 =	vld.idx.msk [tilespmem:v2+s2+$0x0], $0xffff;
	v3 =	vpop (erf)  }
0x1a8: {  	v31 =	vld.idx.msk [tilespmem:v17+s2+$0x0], $0xffff;
	v2 =	vmul.f32 v3, v28;
	v5 =	vpop (erf)  }
0x1a9: {  	v55 =	vadd.s32 $0x7530, v1;
	v7 =	vld.idx.msk [tilespmem:v18+s2+$0x0], $0xffff;
	v4 =	vmul.f32 v5, v6;
	v1 =	vpop (erf)  }
0x1aa: {  	v28 =	vld.idx.msk [tilespmem:v22+s2+$0x0], $0xffff;
	v6 =	vmul.f32 v1, v30  }
0x1ab: {  	[tilespmem:v8+s22+$0x0] =	vst.idx.add.f32.msk $0xffff, v2  }
0x1ac: {  	v57 =	vadd.s32 $0x2710, v17;
	[tilespmem:v9+s22+$0x0] =	vst.idx.add.f32.msk $0xffff, v4;
	v29 =	vmul.f32 v29, v37;
	v2 =	vpop (erf)  }
0x1ad: {  	[tilespmem:v42+s22+$0x0] =	vst.idx.add.f32.msk $0xffff, v6;
	v30 =	vmul.f32 v2, v31;
	v4 =	vpop (erf)  }
0x1ae: {  	v31 =	vadd.s32 $0x2710, v20;
	[tilespmem:v55+s22+$0x0] =	vst.idx.add.f32.msk $0xffff, v29;
	v56 =	vmul.f32 v4, v7;
	v6 =	vpop (erf)  }
0x1af: {  	[tilespmem:v16+s22+$0x0] =	vst.idx.add.f32.msk $0xffff, v30;
	v30 =	vadd.s32 $0x2710, v15;
	v7 =	vpop (erf)  }
0x1b0: {  	v29 =	vadd.s32 $0x2710, v0;
	v28 =	vmul.f32 v7, v28;
	[tilespmem:v43+s22+$0x0] =	vst.idx.add.f32.msk $0xffff, v56  }
0x1b1: {  	v33 =	vld.idx.msk [tilespmem:v57+s2+$0x0], $0xffff  }
0x1b2: {  	v58 =	vadd.s32 $0x2710, v18;
	[tilespmem:v14+s22+$0x0] =	vst.idx.add.f32.msk $0xffff, v28  }
0x1b3: {  	v28 =	vadd.s32 $0x2710, v19;
	v31 =	vld.idx.msk [tilespmem:v31+s2+$0x0], $0xffff  }
0x1b4: {  	v59 =	vadd.s32 $0x2710, v22;
	v32 =	vmul.f32 v6, v54;
	v30 =	vld.idx.msk [tilespmem:v30+s2+$0x0], $0xffff  }
0x1b5: {  	v29 =	vld.idx.msk [tilespmem:v29+s2+$0x0], $0xffff  }
0x1b6: {  	[tilespmem:v12+s22+$0x0] =	vst.idx.add.f32.msk $0xffff, v32  }
0x1b7: {  	v32 =	vld.idx.msk [tilespmem:v58+s2+$0x0], $0xffff  }
0x1b8: {  	v28 =	vld.idx.msk [tilespmem:v28+s2+$0x0], $0xffff;
	v31 =	vmul.f32 v3, v31  }
0x1b9: {  	v34 =	vld.idx.msk [tilespmem:v59+s2+$0x0], $0xffff;
	v30 =	vmul.f32 v5, v30  }
0x1ba: {  	[tilespmem:v24+s22+$0x0] =	vst.idx.add.f32.msk $0xffff, v31;
	v24 =	vmul.f32 v1, v29  }
0x1bb: {  	[tilespmem:v25+s22+$0x0] =	vst.idx.add.f32.msk $0xffff, v30;
	v25 =	vmul.f32 v2, v33  }
0x1bc: {  	v29 =	vadd.s32 $0x4E20, v20;
	[tilespmem:v26+s22+$0x0] =	vst.idx.add.f32.msk $0xffff, v24;
	v24 =	vmul.f32 v4, v32  }
0x1bd: {  	v26 =	vadd.s32 $0x4E20, v15;
	[tilespmem:v13+s22+$0x0] =	vst.idx.add.f32.msk $0xffff, v25;
	v13 =	vmul.f32 v6, v28  }
0x1be: {  	v25 =	vadd.s32 $0x4E20, v0;
	[tilespmem:v21+s22+$0x0] =	vst.idx.add.f32.msk $0xffff, v24;
	v21 =	vmul.f32 v7, v34  }
0x1bf: {  	v24 =	vadd.s32 $0x4E20, v17;
	[tilespmem:v23+s22+$0x0] =	vst.idx.add.f32.msk $0xffff, v13  }
0x1c0: {  	v13 =	vadd.s32 $0x4E20, v18;
	[tilespmem:v27+s22+$0x0] =	vst.idx.add.f32.msk $0xffff, v21  }
0x1c1: {  	v21 =	vadd.s32 $0x4E20, v19;
	v23 =	vld.idx.msk [tilespmem:v29+s2+$0x0], $0xffff  }
0x1c2: {  	v27 =	vadd.s32 $0x4E20, v22;
	v26 =	vld.idx.msk [tilespmem:v26+s2+$0x0], $0xffff  }
0x1c3: {  	v28 =	vadd.s32 $0x4E20, v8;
	v60 =	vld.idx.msk [tilespmem:v25+s2+$0x0], $0xffff  }
0x1c4: {  	v25 =	vadd.s32 $0x4E20, v9;
	v30 =	vld.idx.msk [tilespmem:v24+s2+$0x0], $0xffff  }
0x1c5: {  	v31 =	vadd.s32 $0x4E20, v42;
	v61 =	vld.idx.msk [tilespmem:v13+s2+$0x0], $0xffff  }
0x1c6: {  	v62 =	vadd.s32 $0x4E20, v16;
	v21 =	vld.idx.msk [tilespmem:v21+s2+$0x0], $0xffff;
	v13 =	vmul.f32 v3, v23  }
0x1c7: {  	v29 =	vadd.s32 $0x4E20, v43;
	v63 =	vld.idx.msk [tilespmem:v27+s2+$0x0], $0xffff;
	v24 =	vmul.f32 v5, v26  }
0x1c8: {  	v46 =	vadd.s32 $0x7530, v8;
	v8 =	vadd.s32 $0x4E20, v12;
	[tilespmem:v28+s22+$0x0] =	vst.idx.add.f32.msk $0xffff, v13;
	v13 =	vmul.f32 v1, v60  }
0x1c9: {  	v48 =	vadd.s32 $0x7530, v9;
	[tilespmem:v25+s22+$0x0] =	vst.idx.add.f32.msk $0xffff, v24;
	v24 =	vadd.s32 $0x4E20, v14;
	v25 =	vmul.f32 v2, v30  }
0x1ca: {  	v39 =	vadd.s32 $0x7530, v42;
	[tilespmem:v31+s22+$0x0] =	vst.idx.add.f32.msk $0xffff, v13;
	v31 =	vadd.s32 $0x7530, v16;
	v16 =	vmul.f32 v4, v61  }
0x1cb: {  	v32 =	vadd.s32 $0x7530, v15;
	v17 =	vadd.s32 $0x7530, v17;
	[tilespmem:v62+s22+$0x0] =	vst.idx.add.f32.msk $0xffff, v25;
	v21 =	vmul.f32 v6, v21  }
0x1cc: {  	v19 =	vadd.s32 $0x7530, v19;
	v26 =	vadd.s32 $0x7530, v12;
	v25 =	vmul.f32 v7, v63;
	[tilespmem:v29+s22+$0x0] =	vst.idx.add.f32.msk $0xffff, v16  }
0x1cd: {  	v30 =	vadd.s32 $0x7530, v43;
	v14 =	vadd.s32 $0x7530, v14;
	[tilespmem:v8+s22+$0x0] =	vst.idx.add.f32.msk $0xffff, v21;
	v21 =	vadd.s32 $0x7530, v20  }
0x1ce: {  	s0 =	simm.s32 $0x0;
	s16 =	simm.s32 $0x1CCA0;
	v16 =	vadd.s32 $0x7530, v0;
	v20 =	vadd.s32 $0x7530, v18;
	v18 =	vadd.s32 $0x7530, v22;
	[tilespmem:v24+s22+$0x0] =	vst.idx.add.f32.msk $0xffff, v25  }
.LBB2_9:
0x1cf: {  	v49 =	vld [tilespmem:s16+$0x0]  }
0x1d0: {  	v50 =	vld [tilespmem:s16+$0xFFFFFF90]  }
0x1d1: {  	v47 =	vld [tilespmem:s16+$0xFFFFFFA0]  }
0x1d2: {  	v45 =	vld [tilespmem:s16+$0xFFFFFFB0]  }
0x1d3: {  	s1 =	sadd.s32 $0x80, s1;
	v42 =	vld [tilespmem:s16+$0xFFFFFFC0]  }
0x1d4: {  	v62 =	vld [tilespmem:s1+$0x0]  }
0x1d5: {  	v38 =	vld [tilespmem:s16+$0xFFFFFFD0]  }
0x1d6: {  	[tilespmem:$0x1FCA0] =	vst v26;
	v41 =	vld [tilespmem:s16+$0xFFFFFFE0];
	v0 =	vadd.s32 $0x2710, v49;
	v8 =	vadd.s32 $0x4E20, v50  }
0x1d7: {  	v44 =	vld [tilespmem:s16+$0xFFFFFFF0];
	[tilespmem:$0x1FD80] =	vst v8;
	v8 =	vadd.s32 $0x7530, v50  }
0x1d8: {  	v24 =	vld [tilespmem:s1+$0xFFFFFFA0];
	[tilespmem:$0x1FBE0] =	vst v8;
	v8 =	vadd.s32 $0x4E20, v47  }
0x1d9: {  	v25 =	vld [tilespmem:s1+$0xFFFFFFB0];
	[tilespmem:$0x1FD90] =	vst v8;
	v8 =	vadd.s32 $0x7530, v47  }
0x1da: {  	v26 =	vld [tilespmem:s1+$0xFFFFFFC0];
	[tilespmem:$0x1FBF0] =	vst v8;
	v8 =	vadd.s32 $0x4E20, v45  }
0x1db: {  	[tilespmem:$0x1FDA0] =	vst v8;
	v8 =	vadd.s32 $0x7530, v45;
	v22 =	vld.idx.msk [tilespmem:v0+s15+$0x0], $0xffff  }
0x1dc: {  	[tilespmem:$0x1FC00] =	vst v8;
	v8 =	vld.idx.msk [tilespmem:v62+s15+$0x0], $0xffff  }
0x1dd: {  	v27 =	vld [tilespmem:s1+$0xFFFFFFD0]  }
0x1de: {  	[tilespmem:$0x1FD60] =	vst v14;
	v28 =	vld [tilespmem:s1+$0xFFFFFFE0];
	v10 =	vadd.s32 $0x2710, v50  }
0x1df: {  	v29 =	vld [tilespmem:s1+$0xFFFFFFF0];
	v9 =	vadd.s32 $0x4E20, v42;
	[tilespmem:$0x1FCC0] =	vst v10  }
0x1e0: {  	v37 =	vld [tilespmem:s1+$0xFFFFFF90];
	[tilespmem:$0x1FDB0] =	vst v9;
	v60 =	vadd.s32 $0x2710, v25  }
0x1e1: {  	v12 =	vadd.s32 $0x2710, v45;
	v61 =	vadd.s32 $0x4E20, v25;
	[tilespmem:$0x1FC50] =	vst v60;
	v60 =	vld.idx.msk [tilespmem:v24+s15+$0x0], $0xffff;
	v8 =	vadd.f32 v22, v8  }
0x1e2: {  	v51 =	vadd.s32 $0x7530, v42;
	[tilespmem:$0x1FD10] =	vst v61;
	v61 =	vld.idx.msk [tilespmem:v62+s2+$0x0], $0xffff  }
0x1e3: {  	[tilespmem:$0x1FC10] =	vst v51;
	v63 =	vadd.s32 $0x2710, v26;
	v23 =	vld.idx.msk [tilespmem:v25+s15+$0x0], $0xffff;
	v22 =	vmul.f32 $2.000000030e-01, v8  }
0x1e4: {  	v11 =	vadd.s32 $0x2710, v47;
	v52 =	vadd.s32 $0x4E20, v38;
	[tilespmem:$0x1FC60] =	vst v63;
	v63 =	vld.idx.msk [tilespmem:v26+s15+$0x0], $0xffff;
	vm0 =	vge.f32 v8, $0.0e+00  }
0x1e5: {  	v53 =	vadd.s32 $0x7530, v38;
	[tilespmem:$0x1FDC0] =	vst v52;
	v9 =	vld.idx.msk [tilespmem:v27+s15+$0x0], $0xffff;
	v8 =	vsel vm0, v8, v22  }
0x1e6: {  	v14 =	vmov v46;
	v54 =	vadd.s32 $0x4E20, v41;
	[tilespmem:$0x1FC30] =	vst v53;
	v46 =	vld.idx.msk [tilespmem:v12+s15+$0x0], $0xffff;
	v8 =	vmul.f32 $1.442695020e+00, v8  }
0x1e7: {  	v56 =	vadd.s32 $0x4E20, v44;
	[tilespmem:$0x1FDD0] =	vst v54;
	v40 =	vld.idx.msk [tilespmem:v10+s15+$0x0], $0xffff  }
0x1e8: {  	v33 =	vadd.s32 $0x2710, v42;
	[tilespmem:$0x1FDE0] =	vst v56;
	v43 =	vadd.s32 $0x4E20, v26;
	(erf) = vpow2.f32 v8;
	v8 =	vld.idx.msk [tilespmem:v37+s15+$0x0], $0xffff  }
0x1e9: {  	v34 =	vadd.s32 $0x2710, v38;
	v35 =	vadd.s32 $0x2710, v41;
	v53 =	vadd.s32 $0x2710, v28;
	[tilespmem:$0x1FD20] =	vst v43;
	v43 =	vld.idx.msk [tilespmem:v11+s15+$0x0], $0xffff  }
0x1ea: {  	v36 =	vadd.s32 $0x2710, v44;
	v54 =	vadd.s32 $0x4E20, v28;
	[tilespmem:$0x1FC80] =	vst v53;
	v53 =	vadd.s32 $0x7530, v25;
	v25 =	vld.idx.msk [tilespmem:v25+s2+$0x0], $0xffff  }
0x1eb: {  	v56 =	vadd.s32 $0x4E20, v29;
	[tilespmem:$0x1FD40] =	vst v54;
	v54 =	vadd.s32 $0x7530, v26;
	v26 =	vld.idx.msk [tilespmem:v26+s2+$0x0], $0xffff;
	v23 =	vadd.f32 v46, v23  }
0x1ec: {  	v51 =	vadd.s32 $0x2710, v27;
	v52 =	vadd.s32 $0x4E20, v27;
	[tilespmem:$0x1FD50] =	vst v56;
	v56 =	vadd.s32 $0x7530, v27;
	v27 =	vld.idx.msk [tilespmem:v27+s2+$0x0], $0xffff  }
0x1ed: {  	v15 =	vmov v48;
	[tilespmem:$0x1FCE0] =	vst v12;
	v48 =	vld.idx.msk [tilespmem:v33+s15+$0x0], $0xffff;
	v46 =	vmul.f32 $2.000000030e-01, v23;
	v40 =	vadd.f32 v40, v8  }
0x1ee: {  	v55 =	vadd.s32 $0x7530, v41;
	[tilespmem:$0x1FD30] =	vst v52;
	v52 =	vld.idx.msk [tilespmem:v34+s15+$0x0], $0xffff;
	v43 =	vadd.f32 v43, v60;
	vm14 =	vge.f32 v23, $0.0e+00  }
0x1ef: {  	[tilespmem:$0x1FCB0] =	vst v55;
	v55 =	vadd.s32 $0x2710, v29;
	v23 =	vsel vm14, v23, v46;
	v46 =	vld.idx.msk [tilespmem:v21+s2+$0x0], $0xffff;
	v12 =	vmul.f32 $2.000000030e-01, v40  }
0x1f0: {  	v58 =	vadd.s32 $0x2710, v24;
	[tilespmem:$0x1FC90] =	vst v55;
	v55 =	vld.idx.msk [tilespmem:v35+s15+$0x0], $0xffff;
	v13 =	vmul.f32 $2.000000030e-01, v43;
	vm13 =	vge.f32 v40, $0.0e+00  }
0x1f1: {  	v57 =	vadd.s32 $0x7530, v44;
	[tilespmem:$0x1FC40] =	vst v58;
	v58 =	vld.idx.msk [tilespmem:v36+s15+$0x0], $0xffff;
	vm1 =	vge.f32 v43, $0.0e+00;
	v12 =	vsel vm13, v40, v12  }
0x1f2: {  	[tilespmem:$0x1FD70] =	vst v57;
	v10 =	vld.idx.msk [tilespmem:v28+s15+$0x0], $0xffff;
	v13 =	vsel vm1, v43, v13;
	v12 =	vmul.f32 $1.442695020e+00, v12  }
0x1f3: {  	v57 =	vadd.s32 $0x4E20, v37;
	[tilespmem:$0x1FC70] =	vst v51;
	v51 =	vadd.s32 $0x7530, v37;
	v60 =	vld.idx.msk [tilespmem:v29+s15+$0x0], $0xffff;
	v13 =	vmul.f32 $1.442695020e+00, v13  }
0x1f4: {  	v22 =	vadd.s32 $0x2710, v37;
	v37 =	vld.idx.msk [tilespmem:v37+s2+$0x0], $0xffff;
	v3 =	vmul.f32 v46, v3;
	v8 =	vpop (erf);
	(erf) = vpow2.f32 v12  }
0x1f5: {  	[tilespmem:$0x1FCD0] =	vst v11;
	v11 =	vadd.s32 $0x2710, v62;
	(erf) = vpow2.f32 v13;
	v13 =	vld.idx.msk [tilespmem:v17+s2+$0x0], $0xffff  }
0x1f6: {  	[tilespmem:v14+s22+$0x0] =	vst.idx.add.f32.msk $0xffff, v3  }
0x1f7: {  	v61 =	vmul.f32 v8, v61;
	v12 =	vld.idx.msk [tilespmem:v16+s2+$0x0], $0xffff  }
0x1f8: {  	[tilespmem:$0x1FC20] =	vst v30;
	v3 =	vld [tilespmem:$0x1FBE0]  }
0x1f9: {  	v30 =	vmov v39;
	v23 =	vmul.f32 $1.442695020e+00, v23;
	[tilespmem:v49+s22+$0x0] =	vst.idx.add.f32.msk $0xffff, v61  }
0x1fa: {  	v11 =	vld.idx.msk [tilespmem:v11+s2+$0x0], $0xffff;
	v2 =	vmul.f32 v13, v2  }
0x1fb: {  	v40 =	vadd.f32 v48, v63;
	(erf) = vpow2.f32 v23;
	v23 =	vld.idx.msk [tilespmem:v20+s2+$0x0], $0xffff  }
0x1fc: {  	v1 =	vmul.f32 v12, v1;
	[tilespmem:v31+s22+$0x0] =	vst.idx.add.f32.msk $0xffff, v2  }
0x1fd: {  	v10 =	vadd.f32 v55, v10;
	v48 =	vmul.f32 $2.000000030e-01, v40;
	v2 =	vld [tilespmem:$0x1FC20]  }
0x1fe: {  	v55 =	vadd.f32 v58, v60;
	v60 =	vadd.s32 $0x4E20, v62;
	vm2 =	vge.f32 v40, $0.0e+00;
	[tilespmem:v30+s22+$0x0] =	vst.idx.add.f32.msk $0xffff, v1  }
0x1ff: {  	v9 =	vadd.f32 v52, v9;
	v40 =	vsel vm2, v40, v48;
	v1 =	vld [tilespmem:$0x1FC00]  }
0x200: {  	v61 =	vld.idx.msk [tilespmem:v32+s2+$0x0], $0xffff;
	v63 =	vmul.f32 $1.442695020e+00, v40;
	v11 =	vmul.f32 v8, v11  }
0x201: {  	v39 =	vadd.s32 $0x7530, v24;
	v52 =	vmul.f32 $2.000000030e-01, v9;
	v46 =	vmov v3;
	v3 =	vld [tilespmem:$0x1FBF0]  }
0x202: {  	vm3 =	vge.f32 v9, $0.0e+00;
	(erf) = vpow2.f32 v63;
	[tilespmem:v0+s22+$0x0] =	vst.idx.add.f32.msk $0xffff, v11  }
0x203: {  	v9 =	vsel vm3, v9, v52;
	v4 =	vmul.f32 v23, v4;
	v52 =	vld.idx.msk [tilespmem:v60+s2+$0x0], $0xffff  }
0x204: {  	v59 =	vadd.s32 $0x4E20, v24;
	v43 =	vmul.f32 $2.000000030e-01, v10;
	v58 =	vmul.f32 $2.000000030e-01, v55;
	v32 =	vmovc v39;
	v39 =	vmovc v1;
	v1 =	vld [tilespmem:$0x1FC10]  }
0x205: {  	vm15 =	vge.f32 v10, $0.0e+00;
	vm4 =	vge.f32 v55, $0.0e+00;
	v5 =	vmul.f32 v61, v5;
	[tilespmem:v2+s22+$0x0] =	vst.idx.add.f32.msk $0xffff, v4  }
0x206: {  	[tilespmem:$0x1FCF0] =	vst v57;
	v57 =	vadd.s32 $0x7530, v28;
	v10 =	vsel vm15, v10, v43;
	v58 =	vsel vm4, v55, v58;
	v2 =	vld [tilespmem:$0x1FC30]  }
0x207: {  	v24 =	vld.idx.msk [tilespmem:v24+s2+$0x0], $0xffff;
	v21 =	vmovc v51;
	v55 =	vmul.f32 $1.442695020e+00, v58;
	v58 =	vadd.s32 $0x4E20, v49;
	v0 =	vmul.f32 $1.442695020e+00, v9  }
0x208: {  	v28 =	vld.idx.msk [tilespmem:v28+s2+$0x0], $0xffff;
	v51 =	vmul.f32 $1.442695020e+00, v10;
	v48 =	vmov v3;
	v60 =	vadd.s32 $0x7530, v62;
	v3 =	vpop (erf)  }
0x209: {  	[tilespmem:v15+s22+$0x0] =	vst.idx.add.f32.msk $0xffff, v5;
	(erf) = vpow2.f32 v0;
	v5 =	vpop (erf)  }
0x20a: {  	v61 =	vld.idx.msk [tilespmem:v19+s2+$0x0], $0xffff;
	(erf) = vpow2.f32 v51;
	v10 =	vmul.f32 v8, v52;
	v31 =	vmov v1;
	v1 =	vpop (erf)  }
0x20b: {  	v0 =	vld.idx.msk [tilespmem:v18+s2+$0x0], $0xffff;
	v30 =	vmov v2;
	v2 =	vpop (erf)  }
0x20c: {  	[tilespmem:v58+s22+$0x0] =	vst.idx.add.f32.msk $0xffff, v10;
	v14 =	vmul.f32 v2, v26  }
0x20d: {  	v62 =	vld.idx.msk [tilespmem:v60+s2+$0x0], $0xffff  }
0x20e: {  	[tilespmem:v42+s22+$0x0] =	vst.idx.add.f32.msk $0xffff, v14  }
0x20f: {  	v43 =	vadd.s32 $0x7530, v49;
	v63 =	vmul.f32 v61, v6;
	v6 =	vmul.f32 v3, v37;
	v14 =	vld [tilespmem:$0x1FC80];
	_ =	sdelay $0x1  }
0x210: {  	[tilespmem:$0x1FD00] =	vst v59;
	v59 =	vadd.s32 $0x7530, v29;
	v29 =	vld.idx.msk [tilespmem:v29+s2+$0x0], $0xffff;
	v0 =	vmul.f32 v0, v7;
	v7 =	vmul.f32 v5, v24  }
0x211: {  	(erf) = vpow2.f32 v55;
	[tilespmem:v50+s22+$0x0] =	vst.idx.add.f32.msk $0xffff, v6;
	v4 =	vpop (erf);
	v8 =	vmul.f32 v62, v8  }
0x212: {  	[tilespmem:v47+s22+$0x0] =	vst.idx.add.f32.msk $0xffff, v7;
	v6 =	vpop (erf)  }
0x213: {  	v47 =	vmul.f32 v6, v28;
	[tilespmem:v43+s22+$0x0] =	vst.idx.add.f32.msk $0xffff, v8  }
0x214: {  	v8 =	vld.idx.msk [tilespmem:v22+s2+$0x0], $0xffff  }
0x215: {  	[tilespmem:v41+s22+$0x0] =	vst.idx.add.f32.msk $0xffff, v47  }
0x216: {  	v22 =	vld.idx.msk [tilespmem:v14+s2+$0x0], $0xffff  }
0x217: {  	v14 =	vld [tilespmem:$0x1FC90];
	_ =	sdelay $0x1  }
0x218: {  	v13 =	vmul.f32 v1, v25  }
0x219: {  	v7 =	vpop (erf)  }
0x21a: {  	[tilespmem:v45+s22+$0x0] =	vst.idx.add.f32.msk $0xffff, v13;
	v13 =	vmul.f32 v7, v29  }
0x21b: {  	v50 =	vld [tilespmem:$0x1FC50]  }
0x21c: {  	[tilespmem:v44+s22+$0x0] =	vst.idx.add.f32.msk $0xffff, v13  }
0x21d: {  	v13 =	vld [tilespmem:$0x1FC70]  }
0x21e: {  	v23 =	vld.idx.msk [tilespmem:v14+s2+$0x0], $0xffff  }
0x21f: {  	v14 =	vld [tilespmem:$0x1FCA0];
	_ =	sdelay $0x1  }
0x220: {  	v52 =	vld [tilespmem:$0x1FCC0];
	_ =	sdelay $0x1  }
0x221: {  	v55 =	vld [tilespmem:$0x1FCE0];
	v12 =	vmul.f32 v4, v27  }
0x222: {  	v11 =	vld.idx.msk [tilespmem:v50+s2+$0x0], $0xffff  }
0x223: {  	[tilespmem:v38+s22+$0x0] =	vst.idx.add.f32.msk $0xffff, v12  }
0x224: {  	v13 =	vld.idx.msk [tilespmem:v13+s2+$0x0], $0xffff  }
0x225: {  	v8 =	vmul.f32 v3, v8;
	[tilespmem:v14+s22+$0x0] =	vst.idx.add.f32.msk $0xffff, v63  }
0x226: {  	v14 =	vld [tilespmem:$0x1FD50]  }
0x227: {  	[tilespmem:v52+s22+$0x0] =	vst.idx.add.f32.msk $0xffff, v8;
	v8 =	vmul.f32 v1, v11;
	_ =	sdelay $0x1  }
0x228: {  	[tilespmem:v55+s22+$0x0] =	vst.idx.add.f32.msk $0xffff, v8;
	v8 =	vmul.f32 v4, v13;
	_ =	sdelay $0x1  }
0x229: {  	[tilespmem:v34+s22+$0x0] =	vst.idx.add.f32.msk $0xffff, v8;
	v8 =	vmul.f32 v7, v23;
	_ =	sdelay $0x1  }
0x22a: {  	[tilespmem:v36+s22+$0x0] =	vst.idx.add.f32.msk $0xffff, v8  }
0x22b: {  	v20 =	vmov v56;
	v56 =	vmul.f32 v6, v22;
	v22 =	vld.idx.msk [tilespmem:v14+s2+$0x0], $0xffff  }
0x22c: {  	v14 =	vld [tilespmem:$0x1FD60];
	_ =	sdelay $0x2  }
0x22d: {  	v49 =	vld [tilespmem:$0x1FC40];
	_ =	sdelay $0x1  }
0x22e: {  	v16 =	vmov v53;
	v53 =	vld [tilespmem:$0x1FCD0]  }
0x22f: {  	v12 =	vld [tilespmem:$0x1FC60]  }
0x230: {  	v8 =	vld [tilespmem:$0x1FCF0]  }
0x231: {  	[tilespmem:v14+s22+$0x0] =	vst.idx.add.f32.msk $0xffff, v0  }
0x232: {  	v0 =	vld [tilespmem:$0x1FD70]  }
0x233: {  	v19 =	vmov v57;
	v57 =	vld [tilespmem:$0x1FD00]  }
0x234: {  	v9 =	vld.idx.msk [tilespmem:v49+s2+$0x0], $0xffff  }
0x235: {  	v18 =	vmov v59;
	v59 =	vld [tilespmem:$0x1FD20]  }
0x236: {  	v61 =	vld [tilespmem:$0x1FDB0]  }
0x237: {  	v14 =	vmov v0;
	v0 =	vld [tilespmem:$0x1FD80]  }
0x238: {  	v8 =	vld.idx.msk [tilespmem:v8+s2+$0x0], $0xffff  }
0x239: {  	v9 =	vmul.f32 v5, v9;
	v12 =	vld.idx.msk [tilespmem:v12+s2+$0x0], $0xffff  }
0x23a: {  	v58 =	vld [tilespmem:$0x1FD10]  }
0x23b: {  	[tilespmem:v53+s22+$0x0] =	vst.idx.add.f32.msk $0xffff, v9  }
0x23c: {  	v9 =	vld.idx.msk [tilespmem:v57+s2+$0x0], $0xffff  }
0x23d: {  	v13 =	vld [tilespmem:$0x1FD40];
	v8 =	vmul.f32 v3, v8  }
0x23e: {  	v17 =	vmov v54;
	v54 =	vmul.f32 v2, v12;
	v12 =	vld [tilespmem:$0x1FD30]  }
0x23f: {  	[tilespmem:v0+s22+$0x0] =	vst.idx.add.f32.msk $0xffff, v8  }
0x240: {  	v8 =	vld [tilespmem:$0x1FD90]  }
0x241: {  	[tilespmem:v33+s22+$0x0] =	vst.idx.add.f32.msk $0xffff, v54  }
0x242: {  	v11 =	vld.idx.msk [tilespmem:v59+s2+$0x0], $0xffff  }
0x243: {  	v63 =	vld [tilespmem:$0x1FDD0]  }
0x244: {  	[tilespmem:v35+s22+$0x0] =	vst.idx.add.f32.msk $0xffff, v56  }
0x245: {  	v13 =	vld.idx.msk [tilespmem:v13+s2+$0x0], $0xffff  }
0x246: {  	v60 =	vld [tilespmem:$0x1FDA0];
	v9 =	vmul.f32 v5, v9  }
0x247: {  	v62 =	vld [tilespmem:$0x1FDC0]  }
0x248: {  	[tilespmem:v8+s22+$0x0] =	vst.idx.add.f32.msk $0xffff, v9;
	v8 =	vmul.f32 v2, v11  }
0x249: {  	v10 =	vld.idx.msk [tilespmem:v58+s2+$0x0], $0xffff  }
0x24a: {  	[tilespmem:v61+s22+$0x0] =	vst.idx.add.f32.msk $0xffff, v8;
	v8 =	vmul.f32 v6, v13  }
0x24b: {  	v12 =	vld.idx.msk [tilespmem:v12+s2+$0x0], $0xffff  }
0x24c: {  	[tilespmem:v63+s22+$0x0] =	vst.idx.add.f32.msk $0xffff, v8  }
0x24d: {  	v8 =	vld [tilespmem:$0x1FDE0];
	_ =	sdelay $0x1  }
0x24e: {  	s0 =	sadd.s32 $0x8, s0;
	v0 =	vmul.f32 v1, v10  }
0x24f: {  	p0 =	slt.u32 s0, $0x98;
	v51 =	vld [tilespmem:$0x1FCB0]  }
.Ltmp3:
0x250: {  	[tilespmem:v60+s22+$0x0] =	vst.idx.add.f32.msk $0xffff, v0;
	v0 =	vmul.f32 v4, v12;
	(pc) =	sbr.rel @p0 .LBB2_9-.Ltmp3, $3  }
0x251: {  	_ = 	snop  }
0x252: {  	[tilespmem:v62+s22+$0x0] =	vst.idx.add.f32.msk $0xffff, v0;
	v0 =	vmul.f32 v7, v22;
	_ =	sdelay $0x1  }
0x253: {  	s16 =	sadd.s32 $0x80, s16;
	v26 =	vmov v51;
	[tilespmem:v8+s22+$0x0] =	vst.idx.add.f32.msk $0xffff, v0  }
0x254: {  	_ =	sdelay $0x3  }
0x255: {  	v0 =	vld.idx.msk [tilespmem:v21+s2+$0x0], $0xffff  }
0x256: {  	v8 =	vld.idx.msk [tilespmem:v32+s2+$0x0], $0xffff  }
0x257: {  	v9 =	vld.idx.msk [tilespmem:v16+s2+$0x0], $0xffff  }
0x258: {  	v10 =	vld.idx.msk [tilespmem:v17+s2+$0x0], $0xffff  }
0x259: {  	v11 =	vld.idx.msk [tilespmem:v20+s2+$0x0], $0xffff  }
0x25a: {  	v0 =	vmul.f32 v0, v3;
	v3 =	vld.idx.msk [tilespmem:v19+s2+$0x0], $0xffff  }
0x25b: {  	v5 =	vmul.f32 v8, v5;
	v8 =	vld.idx.msk [tilespmem:v18+s2+$0x0], $0xffff  }
0x25c: {  	[tilespmem:v46+s22+$0x0] =	vst.idx.add.f32.msk $0xffff, v0;
	v0 =	vmul.f32 v9, v1  }
0x25d: {  	[tilespmem:v48+s22+$0x0] =	vst.idx.add.f32.msk $0xffff, v5;
	v1 =	vmul.f32 v10, v2  }
0x25e: {  	v2 =	vmul.f32 v11, v4;
	[tilespmem:v39+s22+$0x0] =	vst.idx.add.f32.msk $0xffff, v0  }
0x25f: {  	[tilespmem:v31+s22+$0x0] =	vst.idx.add.f32.msk $0xffff, v1;
	v0 =	vmul.f32 v3, v6  }
0x260: {  	[tilespmem:v30+s22+$0x0] =	vst.idx.add.f32.msk $0xffff, v2;
	v1 =	vmul.f32 v8, v7  }
0x261: {  	[tilespmem:v26+s22+$0x0] =	vst.idx.add.f32.msk $0xffff, v0  }
0x262: {  	[tilespmem:v14+s22+$0x0] =	vst.idx.add.f32.msk $0xffff, v1  }
0x263: {  	v2 =	vld [tilespmem:s13+$0x0]  }
0x264: {  	v1 =	vld [tilespmem:s12+$0x0];
	_ =	sdelay $0x3  }
0x265: {  	v4 =	vld [tilespmem:s13+$0xFFFFFFF0];
	v3 =	vadd.s32 $0x2710, v2  }
0x266: {  	s0 =	sadd.s32 $0x20, s13;
	v5 =	vld [tilespmem:s12+$0xFFFFFFF0]  }
0x267: {  	s1 =	sadd.s32 $0x20, s12;
	v0 =	vld [tilespmem:s0+$0x0]  }
0x268: {  	v7 =	vld [tilespmem:s1+$0x0]  }
0x269: {  	v1 =	vld.idx.msk [tilespmem:v1+s15+$0x0], $0xffff  }
0x26a: {  	v3 =	vld.idx.msk [tilespmem:v3+s15+$0x0], $0xffff;
	_ =	sdelay $0x3  }
0x26b: {  	v6 =	vadd.s32 $0x2710, v4  }
0x26c: {  	v8 =	vld [tilespmem:s0+$0xFFFFFFF0];
	v10 =	vadd.s32 $0x2710, v0;
	v3 =	vadd.f32 v3, v1  }
0x26d: {  	v9 =	vld [tilespmem:s1+$0xFFFFFFF0]  }
0x26e: {  	v5 =	vld.idx.msk [tilespmem:v5+s15+$0x0], $0xffff;
	v11 =	vmul.f32 $2.000000030e-01, v3  }
0x26f: {  	v7 =	vld.idx.msk [tilespmem:v7+s15+$0x0], $0xffff;
	vm0 =	vge.f32 v3, $0.0e+00  }
0x270: {  	v6 =	vld.idx.msk [tilespmem:v6+s15+$0x0], $0xffff;
	v3 =	vsel vm0, v3, v11  }
0x271: {  	s0 =	sadd.s32 $0x20, s0;
	v10 =	vld.idx.msk [tilespmem:v10+s15+$0x0], $0xffff;
	v3 =	vmul.f32 $1.442695020e+00, v3  }
0x272: {  	v1 =	vld [tilespmem:s0+$0x0]  }
0x273: {  	(erf) = vpow2.f32 v3  }
0x274: {  	s1 =	sadd.s32 $0x20, s1;
	v12 =	vadd.s32 $0x2710, v8  }
0x275: {  	v6 =	vadd.f32 v6, v5;
	v11 =	vld [tilespmem:s1+$0x0];
	_ =	sdelay $0x1  }
0x276: {  	v13 =	vld [tilespmem:s0+$0xFFFFFFF0];
	v7 =	vadd.f32 v10, v7;
	v10 =	vmul.f32 $2.000000030e-01, v6;
	v3 =	vadd.s32 $0x2710, v1  }
0x277: {  	v9 =	vld.idx.msk [tilespmem:v9+s15+$0x0], $0xffff;
	vm13 =	vge.f32 v6, $0.0e+00  }
0x278: {  	v12 =	vld.idx.msk [tilespmem:v12+s15+$0x0], $0xffff;
	v6 =	vsel vm13, v6, v10  }
0x279: {  	v14 =	vld [tilespmem:s1+$0xFFFFFFF0];
	s5 =	sadd.s32 $0x20, s0;
	v15 =	vadd.s32 $0x9C40, v2;
	v2 =	vmul.f32 $2.000000030e-01, v7;
	v6 =	vmul.f32 $1.442695020e+00, v6  }
0x27a: {  	v5 =	vld [tilespmem:s5+$0x0];
	vm14 =	vge.f32 v7, $0.0e+00  }
0x27b: {  	v62 =	vld.idx.msk [tilespmem:v3+s15+$0x0], $0xffff;
	v3 =	vsel vm14, v7, v2;
	v2 =	vadd.s32 $0x9C40, v4;
	v4 =	vpop (erf);
	(erf) = vpow2.f32 v6  }
0x27c: {  	s0 =	sadd.s32 $0x20, s1;
	v11 =	vld.idx.msk [tilespmem:v11+s15+$0x0], $0xffff  }
0x27d: {  	v9 =	vadd.f32 v12, v9;
	v10 =	vadd.s32 $0x2710, v13;
	v7 =	vld [tilespmem:s0+$0x0];
	v12 =	vmul.f32 $1.442695020e+00, v3  }
0x27e: {  	v63 =	vld [tilespmem:s5+$0xFFFFFFF0]  }
0x27f: {  	(erf) = vpow2.f32 v12  }
0x280: {  	v6 =	vmul.f32 $2.000000030e-01, v9;
	v12 =	vld [tilespmem:s0+$0xFFFFFFF0]  }
0x281: {  	vm15 =	vge.f32 v9, $0.0e+00;
	[tilespmem:v15+s22+$0x0] =	vst.idx.add.f32.msk $0xffff, v4;
	v4 =	vadd.s32 $0x9C40, v13;
	v13 =	vadd.s32 $0x2710, v5  }
0x282: {  	v3 =	vadd.s32 $0x9C40, v8;
	v8 =	vld.idx.msk [tilespmem:v10+s15+$0x0], $0xffff;
	v11 =	vadd.f32 v62, v11;
	v15 =	vsel vm15, v9, v6  }
0x283: {  	s5 =	sadd.s32 $0x20, s5;
	s1 =	simm.s32 $0x6;
	v10 =	vld.idx.msk [tilespmem:v14+s15+$0x0], $0xffff;
	v9 =	vadd.s32 $0x2710, v63;
	v6 =	vadd.s32 $0x9C40, v63;
	v14 =	vmul.f32 $1.442695020e+00, v15  }
.LBB2_11:
0x284: {  	v15 =	vld [tilespmem:s5+$0x0];
	v16 =	vmul.f32 $2.000000030e-01, v11;
	v17 =	vadd.s32 $0x9C40, v0;
	v18 =	vpop (erf);
	v0 =	vmov v1  }
0x285: {  	vm0 =	vge.f32 v11, $0.0e+00;
	v1 =	vmovc v5;
	v20 =	vmovc v4;
	v19 =	vld.idx.msk [tilespmem:v7+s15+$0x0], $0xffff;
	(erf) = vpow2.f32 v14;
	v14 =	vmov v12  }
0x286: {  	s1 =	sadd.s32 $0x2, s1;
	s0 =	sadd.s32 $0x20, s0;
	v4 =	vmov v6;
	v21 =	vld.idx.msk [tilespmem:v13+s15+$0x0], $0xffff;
	v5 =	vsel vm0, v11, v16  }
0x287: {  	p0 =	slt.u32 s1, $0x8;
	v7 =	vld [tilespmem:s0+$0x0];
	v11 =	vmul.f32 $1.442695020e+00, v5  }
0x288: {  	v16 =	vadd.f32 v8, v10;
	v6 =	vld [tilespmem:s5+$0xFFFFFFF0];
	v8 =	vpop (erf)  }
.Ltmp4:
0x289: {  	(erf) = vpow2.f32 v11;
	[tilespmem:v17+s22+$0x0] =	vst.idx.add.f32.msk $0xffff, v8;
	v5 =	vmov v15;
	(pc) =	sbr.rel @p0 .LBB2_11-.Ltmp4, $4  }
0x28a: {  	vm0 =	vge.f32 v16, $0.0e+00;
	v15 =	vmul.f32 $2.000000030e-01, v16;
	v12 =	vld [tilespmem:s0+$0xFFFFFFF0]  }
0x28b: {  	v13 =	vadd.s32 $0x2710, v5;
	v8 =	vld.idx.msk [tilespmem:v9+s15+$0x0], $0xffff  }
0x28c: {  	v11 =	vadd.f32 v21, v19;
	v10 =	vld.idx.msk [tilespmem:v14+s15+$0x0], $0xffff;
	v14 =	vsel vm0, v16, v15  }
0x28d: {  	s5 =	sadd.s32 $0x20, s5;
	v9 =	vadd.s32 $0x2710, v6;
	v6 =	vadd.s32 $0x9C40, v6;
	v14 =	vmul.f32 $1.442695020e+00, v14;
	[tilespmem:v2+s22+$0x0] =	vst.idx.add.f32.msk $0xffff, v18;
	v2 =	vmovc v3;
	v3 =	vmovc v20  }
0x28e: {  	_ =	sdelay $0x3  }
0x28f: {  	v7 =	vld.idx.msk [tilespmem:v7+s15+$0x0], $0xffff  }
0x290: {  	v13 =	vld.idx.msk [tilespmem:v13+s15+$0x0], $0xffff  }
0x291: {  	v9 =	vld.idx.msk [tilespmem:v9+s15+$0x0], $0xffff  }
0x292: {  	v12 =	vld.idx.msk [tilespmem:v12+s15+$0x0], $0xffff;
	_ =	sdelay $0x2  }
0x293: {  	v15 =	vmul.f32 $2.000000030e-01, v11;
	v8 =	vadd.f32 v8, v10  }
0x294: {  	vm0 =	vge.f32 v11, $0.0e+00;
	(erf) = vpow2.f32 v14;
	v7 =	vadd.f32 v13, v7  }
0x295: {  	v52 =	vsel vm0, v11, v15;
	v53 =	vmul.f32 $2.000000030e-01, v8;
	v9 =	vadd.f32 v9, v12  }
0x296: {  	v10 =	vmul.f32 $1.442695020e+00, v52;
	vm13 =	vge.f32 v8, $0.0e+00;
	v13 =	vmul.f32 $2.000000030e-01, v7  }
0x297: {  	v8 =	vsel vm13, v8, v53;
	vm14 =	vge.f32 v7, $0.0e+00;
	v54 =	vmul.f32 $2.000000030e-01, v9  }
0x298: {  	v8 =	vmul.f32 $1.442695020e+00, v8;
	vm15 =	vge.f32 v9, $0.0e+00;
	v7 =	vsel vm14, v7, v13  }
0x299: {  	(erf) = vpow2.f32 v10;
	v7 =	vmul.f32 $1.442695020e+00, v7;
	v55 =	vsel vm15, v9, v54  }
0x29a: {  	(erf) = vpow2.f32 v8;
	v56 =	vmul.f32 $1.442695020e+00, v55  }
0x29b: {  	(erf) = vpow2.f32 v7  }
0x29c: {  	v0 =	vadd.s32 $0x9C40, v0;
	(erf) = vpow2.f32 v56;
	_ =	sdelay $0x1  }
0x29d: {  	v1 =	vadd.s32 $0x9C40, v1  }
0x29e: {  	v57 =	vpop (erf)  }
0x29f: {  	v5 =	vadd.s32 $0x9C40, v5;
	s28 =	sadd.s32 $0x1, s28;
	[tilespmem:v2+s22+$0x0] =	vst.idx.add.f32.msk $0xffff, v57;
	v58 =	vpop (erf)  }
0x2a0: {  	p0 =	sne.s32 s28, $0x3E;
	[tilespmem:v0+s22+$0x0] =	vst.idx.add.f32.msk $0xffff, v58;
	v59 =	vpop (erf)  }
.Ltmp5:
0x2a1: {  	[tilespmem:v3+s22+$0x0] =	vst.idx.add.f32.msk $0xffff, v59;
	v60 =	vpop (erf);
	(pc) =	sbr.rel @p0 .LBB2_4-.Ltmp5, $4  }
0x2a2: {  	[tilespmem:v1+s22+$0x0] =	vst.idx.add.f32.msk $0xffff, v60;
	v61 =	vpop (erf)  }
0x2a3: {  	[tilespmem:v4+s22+$0x0] =	vst.idx.add.f32.msk $0xffff, v61;
	v62 =	vpop (erf)  }
0x2a4: {  	[tilespmem:v5+s22+$0x0] =	vst.idx.add.f32.msk $0xffff, v62;
	v63 =	vpop (erf)  }
0x2a5: {  	[tilespmem:v6+s22+$0x0] =	vst.idx.add.f32.msk $0xffff, v63  }
0x2a6: {  	_ =	swait.ge [sflag:s21], $0xA00  }
0x2a7: {  	[sflag:s21] =	ssyncset.done $0x0  }
0x2a8: {  	[sflag:s21] =	ssyncadd.s32 $0xFFFFF600  }
0x2a9: {  	_ =	swait.ge [sflag:s21], $0xA00  }
0x2aa: {  	[sflag:s21] =	ssyncset.done $0x0  }
0x2ab: {  	s0 =	simm.s32 $0x1C1F0;
	[sflag:s21] =	ssyncadd.s32 $0xFFFFF600  }
0x2ac: {  	s1 =	simm.s32 $0x1ADF0;
	v1 =	vld [tilespmem:s0+$0x30]  }
0x2ad: {  	v2 =	vld [tilespmem:s1+$0x30];
	_ =	sdelay $0x1  }
0x2ae: {  	v8 =	vld [tilespmem:s0+$0xFFFFFFC0]  }
0x2af: {  	v9 =	vld [tilespmem:s0+$0xFFFFFFD0]  }
0x2b0: {  	v10 =	vld [tilespmem:s0+$0xFFFFFFE0];
	v3 =	vadd.s32 $0x2710, v1  }
0x2b1: {  	v16 =	vld [tilespmem:s0+$0xFFFFFFF0]  }
0x2b2: {  	v11 =	vld [tilespmem:s0+$0x0]  }
0x2b3: {  	v12 =	vld [tilespmem:s0+$0x10]  }
0x2b4: {  	v4 =	vld.idx.msk [tilespmem:v2+s15+$0x0], $0xffff  }
0x2b5: {  	v5 =	vld.idx.msk [tilespmem:v3+s15+$0x0], $0xffff  }
0x2b6: {  	v20 =	vld [tilespmem:s1+$0xFFFFFFC0]  }
0x2b7: {  	v14 =	vld [tilespmem:s0+$0x20]  }
0x2b8: {  	v15 =	vld [tilespmem:s1+$0xFFFFFFD0]  }
0x2b9: {  	v0 =	vld [tilespmem:s1+$0xFFFFFFE0]  }
0x2ba: {  	v17 =	vld [tilespmem:s1+$0xFFFFFFF0];
	v4 =	vadd.f32 v5, v4  }
0x2bb: {  	v18 =	vld [tilespmem:s1+$0x0]  }
0x2bc: {  	v19 =	vld [tilespmem:s1+$0x10];
	v5 =	vmul.f32 $2.000000030e-01, v4  }
0x2bd: {  	v22 =	vld [tilespmem:s1+$0x20];
	vm0 =	vge.f32 v4, $0.0e+00  }
0x2be: {  	v30 =	vld.idx.msk [tilespmem:v20+s15+$0x0], $0xffff;
	v4 =	vsel vm0, v4, v5  }
0x2bf: {  	v24 =	vadd.s32 $0x2710, v8;
	v32 =	vld.idx.msk [tilespmem:v2+s2+$0x0], $0xffff;
	v4 =	vmul.f32 $1.442695020e+00, v4  }
0x2c0: {  	v33 =	vld.idx.msk [tilespmem:v15+s15+$0x0], $0xffff  }
0x2c1: {  	v34 =	vld.idx.msk [tilespmem:v0+s15+$0x0], $0xffff;
	(erf) = vpow2.f32 v4  }
0x2c2: {  	v26 =	vadd.s32 $0x2710, v10;
	v35 =	vld.idx.msk [tilespmem:v17+s15+$0x0], $0xffff  }
0x2c3: {  	v13 =	vadd.s32 $0x2710, v16;
	v36 =	vld.idx.msk [tilespmem:v18+s15+$0x0], $0xffff  }
0x2c4: {  	v23 =	vadd.s32 $0x2710, v12;
	v6 =	vld.idx.msk [tilespmem:v24+s15+$0x0], $0xffff  }
0x2c5: {  	v27 =	vadd.s32 $0x2710, v14;
	v38 =	vld.idx.msk [tilespmem:v19+s15+$0x0], $0xffff  }
0x2c6: {  	v25 =	vadd.s32 $0x2710, v9;
	v48 =	vld.idx.msk [tilespmem:v22+s15+$0x0], $0xffff  }
0x2c7: {  	v21 =	vadd.s32 $0x2710, v11;
	v7 =	vld.idx.msk [tilespmem:v26+s15+$0x0], $0xffff  }
0x2c8: {  	v28 =	vld.idx.msk [tilespmem:v13+s15+$0x0], $0xffff  }
0x2c9: {  	v29 =	vld.idx.msk [tilespmem:v23+s15+$0x0], $0xffff;
	v6 =	vadd.f32 v6, v30;
	v30 =	vadd.s32 $0x2710, v2  }
0x2ca: {  	v31 =	vld.idx.msk [tilespmem:v27+s15+$0x0], $0xffff;
	v37 =	vpop (erf)  }
0x2cb: {  	v5 =	vld.idx.msk [tilespmem:v25+s15+$0x0], $0xffff;
	v32 =	vmul.f32 v37, v32  }
0x2cc: {  	v4 =	vld.idx.msk [tilespmem:v21+s15+$0x0], $0xffff  }
0x2cd: {  	v7 =	vadd.f32 v7, v34;
	[tilespmem:v1+s22+$0x0] =	vst.idx.add.f32.msk $0xffff, v32  }
0x2ce: {  	v50 =	vadd.s32 $0x4E20, v2;
	v28 =	vadd.f32 v28, v35;
	v29 =	vadd.f32 v29, v38;
	v30 =	vld.idx.msk [tilespmem:v30+s2+$0x0], $0xffff  }
0x2cf: {  	v31 =	vadd.f32 v31, v48;
	v2 =	vadd.s32 $0x7530, v2;
	v39 =	vmul.f32 $2.000000030e-01, v6  }
0x2d0: {  	vm11 =	vge.f32 v6, $0.0e+00;
	vm1 =	vge.f32 v7, $0.0e+00;
	v5 =	vadd.f32 v5, v33  }
0x2d1: {  	v34 =	vmul.f32 $2.000000030e-01, v7;
	vm2 =	vge.f32 v28, $0.0e+00;
	v35 =	vmul.f32 $2.000000030e-01, v28  }
0x2d2: {  	v52 =	vmul.f32 $2.000000030e-01, v29;
	v6 =	vsel vm11, v6, v39;
	v49 =	vmul.f32 $2.000000030e-01, v5  }
0x2d3: {  	vm12 =	vge.f32 v5, $0.0e+00;
	v4 =	vadd.f32 v4, v36;
	v30 =	vmul.f32 v37, v30  }
0x2d4: {  	v53 =	vmul.f32 $2.000000030e-01, v31;
	v6 =	vmul.f32 $1.442695020e+00, v6;
	v5 =	vsel vm12, v5, v49  }
0x2d5: {  	v7 =	vsel vm1, v7, v34;
	v51 =	vmul.f32 $2.000000030e-01, v4;
	v5 =	vmul.f32 $1.442695020e+00, v5;
	[tilespmem:v3+s22+$0x0] =	vst.idx.add.f32.msk $0xffff, v30  }
0x2d6: {  	vm14 =	vge.f32 v29, $0.0e+00;
	(erf) = vpow2.f32 v6;
	v3 =	vmul.f32 $1.442695020e+00, v7;
	v7 =	vld.idx.msk [tilespmem:v50+s2+$0x0], $0xffff  }
0x2d7: {  	v28 =	vsel vm2, v28, v35;
	vm13 =	vge.f32 v4, $0.0e+00;
	(erf) = vpow2.f32 v5  }
0x2d8: {  	v6 =	vmul.f32 $1.442695020e+00, v28;
	v4 =	vsel vm13, v4, v51;
	(erf) = vpow2.f32 v3  }
0x2d9: {  	v5 =	vsel vm14, v29, v52;
	v3 =	vmul.f32 $1.442695020e+00, v4;
	v4 =	vadd.s32 $0x4E20, v1  }
0x2da: {  	v54 =	vld.idx.msk [tilespmem:v19+s2+$0x0], $0xffff;
	vm15 =	vge.f32 v31, $0.0e+00;
	v5 =	vmul.f32 $1.442695020e+00, v5;
	(erf) = vpow2.f32 v6  }
0x2db: {  	v28 =	vld.idx.msk [tilespmem:v20+s2+$0x0], $0xffff;
	v29 =	vsel vm15, v31, v53;
	(erf) = vpow2.f32 v3;
	v3 =	vmul.f32 v37, v7  }
0x2dc: {  	v29 =	vmul.f32 $1.442695020e+00, v29;
	v6 =	vld.idx.msk [tilespmem:v15+s2+$0x0], $0xffff  }
0x2dd: {  	v30 =	vld.idx.msk [tilespmem:v0+s2+$0x0], $0xffff;
	(erf) = vpow2.f32 v5  }
0x2de: {  	(erf) = vpow2.f32 v29;
	[tilespmem:v4+s22+$0x0] =	vst.idx.add.f32.msk $0xffff, v3  }
0x2df: {  	v29 =	vld.idx.msk [tilespmem:v2+s2+$0x0], $0xffff;
	v3 =	vpop (erf)  }
0x2e0: {  	v31 =	vld.idx.msk [tilespmem:v17+s2+$0x0], $0xffff;
	v2 =	vmul.f32 v3, v28;
	v5 =	vpop (erf)  }
0x2e1: {  	v55 =	vadd.s32 $0x7530, v1;
	v7 =	vld.idx.msk [tilespmem:v18+s2+$0x0], $0xffff;
	v4 =	vmul.f32 v5, v6;
	v1 =	vpop (erf)  }
0x2e2: {  	v28 =	vld.idx.msk [tilespmem:v22+s2+$0x0], $0xffff;
	v6 =	vmul.f32 v1, v30  }
0x2e3: {  	[tilespmem:v8+s22+$0x0] =	vst.idx.add.f32.msk $0xffff, v2  }
0x2e4: {  	v57 =	vadd.s32 $0x2710, v17;
	[tilespmem:v9+s22+$0x0] =	vst.idx.add.f32.msk $0xffff, v4;
	v29 =	vmul.f32 v29, v37;
	v2 =	vpop (erf)  }
0x2e5: {  	[tilespmem:v10+s22+$0x0] =	vst.idx.add.f32.msk $0xffff, v6;
	v30 =	vmul.f32 v2, v31;
	v4 =	vpop (erf)  }
0x2e6: {  	v31 =	vadd.s32 $0x2710, v20;
	[tilespmem:v55+s22+$0x0] =	vst.idx.add.f32.msk $0xffff, v29;
	v56 =	vmul.f32 v4, v7;
	v6 =	vpop (erf)  }
0x2e7: {  	[tilespmem:v16+s22+$0x0] =	vst.idx.add.f32.msk $0xffff, v30;
	v30 =	vadd.s32 $0x2710, v15;
	v7 =	vpop (erf)  }
0x2e8: {  	v29 =	vadd.s32 $0x2710, v0;
	v28 =	vmul.f32 v7, v28;
	[tilespmem:v11+s22+$0x0] =	vst.idx.add.f32.msk $0xffff, v56  }
0x2e9: {  	v33 =	vld.idx.msk [tilespmem:v57+s2+$0x0], $0xffff  }
0x2ea: {  	v58 =	vadd.s32 $0x2710, v18;
	[tilespmem:v14+s22+$0x0] =	vst.idx.add.f32.msk $0xffff, v28  }
0x2eb: {  	v28 =	vadd.s32 $0x2710, v19;
	v31 =	vld.idx.msk [tilespmem:v31+s2+$0x0], $0xffff  }
0x2ec: {  	v59 =	vadd.s32 $0x2710, v22;
	v32 =	vmul.f32 v6, v54;
	v30 =	vld.idx.msk [tilespmem:v30+s2+$0x0], $0xffff  }
0x2ed: {  	v29 =	vld.idx.msk [tilespmem:v29+s2+$0x0], $0xffff  }
0x2ee: {  	[tilespmem:v12+s22+$0x0] =	vst.idx.add.f32.msk $0xffff, v32  }
0x2ef: {  	v32 =	vld.idx.msk [tilespmem:v58+s2+$0x0], $0xffff  }
0x2f0: {  	v28 =	vld.idx.msk [tilespmem:v28+s2+$0x0], $0xffff;
	v31 =	vmul.f32 v3, v31  }
0x2f1: {  	v34 =	vld.idx.msk [tilespmem:v59+s2+$0x0], $0xffff;
	v30 =	vmul.f32 v5, v30  }
0x2f2: {  	[tilespmem:v24+s22+$0x0] =	vst.idx.add.f32.msk $0xffff, v31;
	v24 =	vmul.f32 v1, v29  }
0x2f3: {  	[tilespmem:v25+s22+$0x0] =	vst.idx.add.f32.msk $0xffff, v30;
	v25 =	vmul.f32 v2, v33  }
0x2f4: {  	v29 =	vadd.s32 $0x4E20, v20;
	[tilespmem:v26+s22+$0x0] =	vst.idx.add.f32.msk $0xffff, v24;
	v24 =	vmul.f32 v4, v32  }
0x2f5: {  	v26 =	vadd.s32 $0x4E20, v15;
	[tilespmem:v13+s22+$0x0] =	vst.idx.add.f32.msk $0xffff, v25;
	v13 =	vmul.f32 v6, v28  }
0x2f6: {  	v25 =	vadd.s32 $0x4E20, v0;
	[tilespmem:v21+s22+$0x0] =	vst.idx.add.f32.msk $0xffff, v24;
	v21 =	vmul.f32 v7, v34  }
0x2f7: {  	v24 =	vadd.s32 $0x4E20, v17;
	[tilespmem:v23+s22+$0x0] =	vst.idx.add.f32.msk $0xffff, v13  }
0x2f8: {  	v13 =	vadd.s32 $0x4E20, v18;
	[tilespmem:v27+s22+$0x0] =	vst.idx.add.f32.msk $0xffff, v21  }
0x2f9: {  	v21 =	vadd.s32 $0x4E20, v19;
	v23 =	vld.idx.msk [tilespmem:v29+s2+$0x0], $0xffff  }
0x2fa: {  	v27 =	vadd.s32 $0x4E20, v22;
	v26 =	vld.idx.msk [tilespmem:v26+s2+$0x0], $0xffff  }
0x2fb: {  	v28 =	vadd.s32 $0x4E20, v8;
	v60 =	vld.idx.msk [tilespmem:v25+s2+$0x0], $0xffff  }
0x2fc: {  	v25 =	vadd.s32 $0x4E20, v9;
	v30 =	vld.idx.msk [tilespmem:v24+s2+$0x0], $0xffff  }
0x2fd: {  	v31 =	vadd.s32 $0x4E20, v10;
	v61 =	vld.idx.msk [tilespmem:v13+s2+$0x0], $0xffff  }
0x2fe: {  	v62 =	vadd.s32 $0x4E20, v16;
	v21 =	vld.idx.msk [tilespmem:v21+s2+$0x0], $0xffff;
	v13 =	vmul.f32 v3, v23  }
0x2ff: {  	v29 =	vadd.s32 $0x4E20, v11;
	v63 =	vld.idx.msk [tilespmem:v27+s2+$0x0], $0xffff;
	v24 =	vmul.f32 v5, v26  }
0x300: {  	v46 =	vadd.s32 $0x7530, v8;
	v8 =	vadd.s32 $0x4E20, v12;
	[tilespmem:v28+s22+$0x0] =	vst.idx.add.f32.msk $0xffff, v13;
	v13 =	vmul.f32 v1, v60  }
0x301: {  	v48 =	vadd.s32 $0x7530, v9;
	[tilespmem:v25+s22+$0x0] =	vst.idx.add.f32.msk $0xffff, v24;
	v24 =	vadd.s32 $0x4E20, v14;
	v25 =	vmul.f32 v2, v30  }
0x302: {  	v39 =	vadd.s32 $0x7530, v10;
	[tilespmem:v31+s22+$0x0] =	vst.idx.add.f32.msk $0xffff, v13;
	v31 =	vadd.s32 $0x7530, v16;
	v16 =	vmul.f32 v4, v61  }
0x303: {  	v32 =	vadd.s32 $0x7530, v15;
	v17 =	vadd.s32 $0x7530, v17;
	[tilespmem:v62+s22+$0x0] =	vst.idx.add.f32.msk $0xffff, v25;
	v21 =	vmul.f32 v6, v21  }
0x304: {  	v19 =	vadd.s32 $0x7530, v19;
	v26 =	vadd.s32 $0x7530, v12;
	v25 =	vmul.f32 v7, v63;
	[tilespmem:v29+s22+$0x0] =	vst.idx.add.f32.msk $0xffff, v16  }
0x305: {  	v30 =	vadd.s32 $0x7530, v11;
	v14 =	vadd.s32 $0x7530, v14;
	[tilespmem:v8+s22+$0x0] =	vst.idx.add.f32.msk $0xffff, v21;
	v21 =	vadd.s32 $0x7530, v20  }
0x306: {  	s16 =	simm.s32 $0x1C270;
	s0 =	simm.s32 $0x0;
	v16 =	vadd.s32 $0x7530, v0;
	v20 =	vadd.s32 $0x7530, v18;
	v18 =	vadd.s32 $0x7530, v22;
	[tilespmem:v24+s22+$0x0] =	vst.idx.add.f32.msk $0xffff, v25  }
.LBB2_14:
0x307: {  	v49 =	vld [tilespmem:s16+$0x30]  }
0x308: {  	v50 =	vld [tilespmem:s16+$0xFFFFFFC0]  }
0x309: {  	v47 =	vld [tilespmem:s16+$0xFFFFFFD0]  }
0x30a: {  	v45 =	vld [tilespmem:s16+$0xFFFFFFE0]  }
0x30b: {  	s1 =	sadd.s32 $0x80, s1;
	v42 =	vld [tilespmem:s16+$0xFFFFFFF0]  }
0x30c: {  	v62 =	vld [tilespmem:s1+$0x30]  }
0x30d: {  	v38 =	vld [tilespmem:s16+$0x0]  }
0x30e: {  	[tilespmem:$0x1FA90] =	vst v26;
	v41 =	vld [tilespmem:s16+$0x10];
	v0 =	vadd.s32 $0x2710, v49;
	v8 =	vadd.s32 $0x4E20, v50  }
0x30f: {  	v44 =	vld [tilespmem:s16+$0x20];
	[tilespmem:$0x1FB70] =	vst v8;
	v8 =	vadd.s32 $0x7530, v50  }
0x310: {  	v24 =	vld [tilespmem:s1+$0xFFFFFFD0];
	[tilespmem:$0x1F9D0] =	vst v8;
	v8 =	vadd.s32 $0x4E20, v47  }
0x311: {  	v25 =	vld [tilespmem:s1+$0xFFFFFFE0];
	[tilespmem:$0x1FB80] =	vst v8;
	v8 =	vadd.s32 $0x7530, v47  }
0x312: {  	v26 =	vld [tilespmem:s1+$0xFFFFFFF0];
	[tilespmem:$0x1F9E0] =	vst v8;
	v8 =	vadd.s32 $0x4E20, v45  }
0x313: {  	[tilespmem:$0x1FB90] =	vst v8;
	v8 =	vadd.s32 $0x7530, v45;
	v22 =	vld.idx.msk [tilespmem:v0+s15+$0x0], $0xffff  }
0x314: {  	[tilespmem:$0x1F9F0] =	vst v8;
	v8 =	vld.idx.msk [tilespmem:v62+s15+$0x0], $0xffff  }
0x315: {  	v27 =	vld [tilespmem:s1+$0x0]  }
0x316: {  	[tilespmem:$0x1FB50] =	vst v14;
	v28 =	vld [tilespmem:s1+$0x10];
	v10 =	vadd.s32 $0x2710, v50  }
0x317: {  	v29 =	vld [tilespmem:s1+$0x20];
	v9 =	vadd.s32 $0x4E20, v42;
	[tilespmem:$0x1FAB0] =	vst v10  }
0x318: {  	v37 =	vld [tilespmem:s1+$0xFFFFFFC0];
	[tilespmem:$0x1FBA0] =	vst v9;
	v60 =	vadd.s32 $0x2710, v25  }
0x319: {  	v12 =	vadd.s32 $0x2710, v45;
	v61 =	vadd.s32 $0x4E20, v25;
	[tilespmem:$0x1FA40] =	vst v60;
	v60 =	vld.idx.msk [tilespmem:v24+s15+$0x0], $0xffff;
	v8 =	vadd.f32 v22, v8  }
0x31a: {  	v51 =	vadd.s32 $0x7530, v42;
	[tilespmem:$0x1FB00] =	vst v61;
	v61 =	vld.idx.msk [tilespmem:v62+s2+$0x0], $0xffff  }
0x31b: {  	[tilespmem:$0x1FA00] =	vst v51;
	v63 =	vadd.s32 $0x2710, v26;
	v23 =	vld.idx.msk [tilespmem:v25+s15+$0x0], $0xffff;
	v22 =	vmul.f32 $2.000000030e-01, v8  }
0x31c: {  	v11 =	vadd.s32 $0x2710, v47;
	v52 =	vadd.s32 $0x4E20, v38;
	[tilespmem:$0x1FA50] =	vst v63;
	v63 =	vld.idx.msk [tilespmem:v26+s15+$0x0], $0xffff;
	vm0 =	vge.f32 v8, $0.0e+00  }
0x31d: {  	v53 =	vadd.s32 $0x7530, v38;
	[tilespmem:$0x1FBB0] =	vst v52;
	v9 =	vld.idx.msk [tilespmem:v27+s15+$0x0], $0xffff;
	v8 =	vsel vm0, v8, v22  }
0x31e: {  	v14 =	vmov v46;
	v54 =	vadd.s32 $0x4E20, v41;
	[tilespmem:$0x1FA20] =	vst v53;
	v46 =	vld.idx.msk [tilespmem:v12+s15+$0x0], $0xffff;
	v8 =	vmul.f32 $1.442695020e+00, v8  }
0x31f: {  	v56 =	vadd.s32 $0x4E20, v44;
	[tilespmem:$0x1FBC0] =	vst v54;
	v40 =	vld.idx.msk [tilespmem:v10+s15+$0x0], $0xffff  }
0x320: {  	v33 =	vadd.s32 $0x2710, v42;
	[tilespmem:$0x1FBD0] =	vst v56;
	v43 =	vadd.s32 $0x4E20, v26;
	(erf) = vpow2.f32 v8;
	v8 =	vld.idx.msk [tilespmem:v37+s15+$0x0], $0xffff  }
0x321: {  	v34 =	vadd.s32 $0x2710, v38;
	v35 =	vadd.s32 $0x2710, v41;
	v53 =	vadd.s32 $0x2710, v28;
	[tilespmem:$0x1FB10] =	vst v43;
	v43 =	vld.idx.msk [tilespmem:v11+s15+$0x0], $0xffff  }
0x322: {  	v36 =	vadd.s32 $0x2710, v44;
	v54 =	vadd.s32 $0x4E20, v28;
	[tilespmem:$0x1FA70] =	vst v53;
	v53 =	vadd.s32 $0x7530, v25;
	v25 =	vld.idx.msk [tilespmem:v25+s2+$0x0], $0xffff  }
0x323: {  	v56 =	vadd.s32 $0x4E20, v29;
	[tilespmem:$0x1FB30] =	vst v54;
	v54 =	vadd.s32 $0x7530, v26;
	v26 =	vld.idx.msk [tilespmem:v26+s2+$0x0], $0xffff;
	v23 =	vadd.f32 v46, v23  }
0x324: {  	v51 =	vadd.s32 $0x2710, v27;
	v52 =	vadd.s32 $0x4E20, v27;
	[tilespmem:$0x1FB40] =	vst v56;
	v56 =	vadd.s32 $0x7530, v27;
	v27 =	vld.idx.msk [tilespmem:v27+s2+$0x0], $0xffff  }
0x325: {  	v15 =	vmov v48;
	[tilespmem:$0x1FAD0] =	vst v12;
	v48 =	vld.idx.msk [tilespmem:v33+s15+$0x0], $0xffff;
	v46 =	vmul.f32 $2.000000030e-01, v23;
	v40 =	vadd.f32 v40, v8  }
0x326: {  	v55 =	vadd.s32 $0x7530, v41;
	[tilespmem:$0x1FB20] =	vst v52;
	v52 =	vld.idx.msk [tilespmem:v34+s15+$0x0], $0xffff;
	v43 =	vadd.f32 v43, v60;
	vm14 =	vge.f32 v23, $0.0e+00  }
0x327: {  	[tilespmem:$0x1FAA0] =	vst v55;
	v55 =	vadd.s32 $0x2710, v29;
	v23 =	vsel vm14, v23, v46;
	v46 =	vld.idx.msk [tilespmem:v21+s2+$0x0], $0xffff;
	v12 =	vmul.f32 $2.000000030e-01, v40  }
0x328: {  	v58 =	vadd.s32 $0x2710, v24;
	[tilespmem:$0x1FA80] =	vst v55;
	v55 =	vld.idx.msk [tilespmem:v35+s15+$0x0], $0xffff;
	v13 =	vmul.f32 $2.000000030e-01, v43;
	vm13 =	vge.f32 v40, $0.0e+00  }
0x329: {  	v57 =	vadd.s32 $0x7530, v44;
	[tilespmem:$0x1FA30] =	vst v58;
	v58 =	vld.idx.msk [tilespmem:v36+s15+$0x0], $0xffff;
	vm1 =	vge.f32 v43, $0.0e+00;
	v12 =	vsel vm13, v40, v12  }
0x32a: {  	[tilespmem:$0x1FB60] =	vst v57;
	v10 =	vld.idx.msk [tilespmem:v28+s15+$0x0], $0xffff;
	v13 =	vsel vm1, v43, v13;
	v12 =	vmul.f32 $1.442695020e+00, v12  }
0x32b: {  	v57 =	vadd.s32 $0x4E20, v37;
	[tilespmem:$0x1FA60] =	vst v51;
	v51 =	vadd.s32 $0x7530, v37;
	v60 =	vld.idx.msk [tilespmem:v29+s15+$0x0], $0xffff;
	v13 =	vmul.f32 $1.442695020e+00, v13  }
0x32c: {  	v22 =	vadd.s32 $0x2710, v37;
	v37 =	vld.idx.msk [tilespmem:v37+s2+$0x0], $0xffff;
	v3 =	vmul.f32 v46, v3;
	v8 =	vpop (erf);
	(erf) = vpow2.f32 v12  }
0x32d: {  	[tilespmem:$0x1FAC0] =	vst v11;
	v11 =	vadd.s32 $0x2710, v62;
	(erf) = vpow2.f32 v13;
	v13 =	vld.idx.msk [tilespmem:v17+s2+$0x0], $0xffff  }
0x32e: {  	[tilespmem:v14+s22+$0x0] =	vst.idx.add.f32.msk $0xffff, v3  }
0x32f: {  	v61 =	vmul.f32 v8, v61;
	v12 =	vld.idx.msk [tilespmem:v16+s2+$0x0], $0xffff  }
0x330: {  	[tilespmem:$0x1FA10] =	vst v30;
	v3 =	vld [tilespmem:$0x1F9D0]  }
0x331: {  	v30 =	vmov v39;
	v23 =	vmul.f32 $1.442695020e+00, v23;
	[tilespmem:v49+s22+$0x0] =	vst.idx.add.f32.msk $0xffff, v61  }
0x332: {  	v11 =	vld.idx.msk [tilespmem:v11+s2+$0x0], $0xffff;
	v2 =	vmul.f32 v13, v2  }
0x333: {  	v40 =	vadd.f32 v48, v63;
	(erf) = vpow2.f32 v23;
	v23 =	vld.idx.msk [tilespmem:v20+s2+$0x0], $0xffff  }
0x334: {  	v1 =	vmul.f32 v12, v1;
	[tilespmem:v31+s22+$0x0] =	vst.idx.add.f32.msk $0xffff, v2  }
0x335: {  	v10 =	vadd.f32 v55, v10;
	v48 =	vmul.f32 $2.000000030e-01, v40;
	v2 =	vld [tilespmem:$0x1FA10]  }
0x336: {  	v55 =	vadd.f32 v58, v60;
	v60 =	vadd.s32 $0x4E20, v62;
	vm2 =	vge.f32 v40, $0.0e+00;
	[tilespmem:v30+s22+$0x0] =	vst.idx.add.f32.msk $0xffff, v1  }
0x337: {  	v9 =	vadd.f32 v52, v9;
	v40 =	vsel vm2, v40, v48;
	v1 =	vld [tilespmem:$0x1F9F0]  }
0x338: {  	v61 =	vld.idx.msk [tilespmem:v32+s2+$0x0], $0xffff;
	v63 =	vmul.f32 $1.442695020e+00, v40;
	v11 =	vmul.f32 v8, v11  }
0x339: {  	v39 =	vadd.s32 $0x7530, v24;
	v52 =	vmul.f32 $2.000000030e-01, v9;
	v46 =	vmov v3;
	v3 =	vld [tilespmem:$0x1F9E0]  }
0x33a: {  	vm3 =	vge.f32 v9, $0.0e+00;
	(erf) = vpow2.f32 v63;
	[tilespmem:v0+s22+$0x0] =	vst.idx.add.f32.msk $0xffff, v11  }
0x33b: {  	v9 =	vsel vm3, v9, v52;
	v4 =	vmul.f32 v23, v4;
	v52 =	vld.idx.msk [tilespmem:v60+s2+$0x0], $0xffff  }
0x33c: {  	v59 =	vadd.s32 $0x4E20, v24;
	v43 =	vmul.f32 $2.000000030e-01, v10;
	v58 =	vmul.f32 $2.000000030e-01, v55;
	v32 =	vmovc v39;
	v39 =	vmovc v1;
	v1 =	vld [tilespmem:$0x1FA00]  }
0x33d: {  	vm15 =	vge.f32 v10, $0.0e+00;
	vm4 =	vge.f32 v55, $0.0e+00;
	v5 =	vmul.f32 v61, v5;
	[tilespmem:v2+s22+$0x0] =	vst.idx.add.f32.msk $0xffff, v4  }
0x33e: {  	[tilespmem:$0x1FAE0] =	vst v57;
	v57 =	vadd.s32 $0x7530, v28;
	v10 =	vsel vm15, v10, v43;
	v58 =	vsel vm4, v55, v58;
	v2 =	vld [tilespmem:$0x1FA20]  }
0x33f: {  	v24 =	vld.idx.msk [tilespmem:v24+s2+$0x0], $0xffff;
	v21 =	vmovc v51;
	v55 =	vmul.f32 $1.442695020e+00, v58;
	v58 =	vadd.s32 $0x4E20, v49;
	v0 =	vmul.f32 $1.442695020e+00, v9  }
0x340: {  	v28 =	vld.idx.msk [tilespmem:v28+s2+$0x0], $0xffff;
	v51 =	vmul.f32 $1.442695020e+00, v10;
	v48 =	vmov v3;
	v60 =	vadd.s32 $0x7530, v62;
	v3 =	vpop (erf)  }
0x341: {  	[tilespmem:v15+s22+$0x0] =	vst.idx.add.f32.msk $0xffff, v5;
	(erf) = vpow2.f32 v0;
	v5 =	vpop (erf)  }
0x342: {  	v61 =	vld.idx.msk [tilespmem:v19+s2+$0x0], $0xffff;
	(erf) = vpow2.f32 v51;
	v10 =	vmul.f32 v8, v52;
	v31 =	vmov v1;
	v1 =	vpop (erf)  }
0x343: {  	v0 =	vld.idx.msk [tilespmem:v18+s2+$0x0], $0xffff;
	v30 =	vmov v2;
	v2 =	vpop (erf)  }
0x344: {  	[tilespmem:v58+s22+$0x0] =	vst.idx.add.f32.msk $0xffff, v10;
	v14 =	vmul.f32 v2, v26  }
0x345: {  	v62 =	vld.idx.msk [tilespmem:v60+s2+$0x0], $0xffff  }
0x346: {  	[tilespmem:v42+s22+$0x0] =	vst.idx.add.f32.msk $0xffff, v14  }
0x347: {  	v43 =	vadd.s32 $0x7530, v49;
	v63 =	vmul.f32 v61, v6;
	v6 =	vmul.f32 v3, v37;
	v14 =	vld [tilespmem:$0x1FA70];
	_ =	sdelay $0x1  }
0x348: {  	[tilespmem:$0x1FAF0] =	vst v59;
	v59 =	vadd.s32 $0x7530, v29;
	v29 =	vld.idx.msk [tilespmem:v29+s2+$0x0], $0xffff;
	v0 =	vmul.f32 v0, v7;
	v7 =	vmul.f32 v5, v24  }
0x349: {  	(erf) = vpow2.f32 v55;
	[tilespmem:v50+s22+$0x0] =	vst.idx.add.f32.msk $0xffff, v6;
	v4 =	vpop (erf);
	v8 =	vmul.f32 v62, v8  }
0x34a: {  	[tilespmem:v47+s22+$0x0] =	vst.idx.add.f32.msk $0xffff, v7;
	v6 =	vpop (erf)  }
0x34b: {  	v47 =	vmul.f32 v6, v28;
	[tilespmem:v43+s22+$0x0] =	vst.idx.add.f32.msk $0xffff, v8  }
0x34c: {  	v8 =	vld.idx.msk [tilespmem:v22+s2+$0x0], $0xffff  }
0x34d: {  	[tilespmem:v41+s22+$0x0] =	vst.idx.add.f32.msk $0xffff, v47  }
0x34e: {  	v22 =	vld.idx.msk [tilespmem:v14+s2+$0x0], $0xffff  }
0x34f: {  	v14 =	vld [tilespmem:$0x1FA80];
	_ =	sdelay $0x1  }
0x350: {  	v13 =	vmul.f32 v1, v25  }
0x351: {  	v7 =	vpop (erf)  }
0x352: {  	[tilespmem:v45+s22+$0x0] =	vst.idx.add.f32.msk $0xffff, v13;
	v13 =	vmul.f32 v7, v29  }
0x353: {  	v50 =	vld [tilespmem:$0x1FA40]  }
0x354: {  	[tilespmem:v44+s22+$0x0] =	vst.idx.add.f32.msk $0xffff, v13  }
0x355: {  	v13 =	vld [tilespmem:$0x1FA60]  }
0x356: {  	v23 =	vld.idx.msk [tilespmem:v14+s2+$0x0], $0xffff  }
0x357: {  	v14 =	vld [tilespmem:$0x1FA90];
	_ =	sdelay $0x1  }
0x358: {  	v52 =	vld [tilespmem:$0x1FAB0];
	_ =	sdelay $0x1  }
0x359: {  	v55 =	vld [tilespmem:$0x1FAD0];
	v12 =	vmul.f32 v4, v27  }
0x35a: {  	v11 =	vld.idx.msk [tilespmem:v50+s2+$0x0], $0xffff  }
0x35b: {  	[tilespmem:v38+s22+$0x0] =	vst.idx.add.f32.msk $0xffff, v12  }
0x35c: {  	v13 =	vld.idx.msk [tilespmem:v13+s2+$0x0], $0xffff  }
0x35d: {  	v8 =	vmul.f32 v3, v8;
	[tilespmem:v14+s22+$0x0] =	vst.idx.add.f32.msk $0xffff, v63  }
0x35e: {  	v14 =	vld [tilespmem:$0x1FB40]  }
0x35f: {  	[tilespmem:v52+s22+$0x0] =	vst.idx.add.f32.msk $0xffff, v8;
	v8 =	vmul.f32 v1, v11;
	_ =	sdelay $0x1  }
0x360: {  	[tilespmem:v55+s22+$0x0] =	vst.idx.add.f32.msk $0xffff, v8;
	v8 =	vmul.f32 v4, v13;
	_ =	sdelay $0x1  }
0x361: {  	[tilespmem:v34+s22+$0x0] =	vst.idx.add.f32.msk $0xffff, v8;
	v8 =	vmul.f32 v7, v23;
	_ =	sdelay $0x1  }
0x362: {  	[tilespmem:v36+s22+$0x0] =	vst.idx.add.f32.msk $0xffff, v8  }
0x363: {  	v20 =	vmov v56;
	v56 =	vmul.f32 v6, v22;
	v22 =	vld.idx.msk [tilespmem:v14+s2+$0x0], $0xffff  }
0x364: {  	v14 =	vld [tilespmem:$0x1FB50];
	_ =	sdelay $0x2  }
0x365: {  	v49 =	vld [tilespmem:$0x1FA30];
	_ =	sdelay $0x1  }
0x366: {  	v16 =	vmov v53;
	v53 =	vld [tilespmem:$0x1FAC0]  }
0x367: {  	v12 =	vld [tilespmem:$0x1FA50]  }
0x368: {  	v8 =	vld [tilespmem:$0x1FAE0]  }
0x369: {  	[tilespmem:v14+s22+$0x0] =	vst.idx.add.f32.msk $0xffff, v0  }
0x36a: {  	v0 =	vld [tilespmem:$0x1FB60]  }
0x36b: {  	v19 =	vmov v57;
	v57 =	vld [tilespmem:$0x1FAF0]  }
0x36c: {  	v9 =	vld.idx.msk [tilespmem:v49+s2+$0x0], $0xffff  }
0x36d: {  	v18 =	vmov v59;
	v59 =	vld [tilespmem:$0x1FB10]  }
0x36e: {  	v61 =	vld [tilespmem:$0x1FBA0]  }
0x36f: {  	v14 =	vmov v0;
	v0 =	vld [tilespmem:$0x1FB70]  }
0x370: {  	v8 =	vld.idx.msk [tilespmem:v8+s2+$0x0], $0xffff  }
0x371: {  	v9 =	vmul.f32 v5, v9;
	v12 =	vld.idx.msk [tilespmem:v12+s2+$0x0], $0xffff  }
0x372: {  	v58 =	vld [tilespmem:$0x1FB00]  }
0x373: {  	[tilespmem:v53+s22+$0x0] =	vst.idx.add.f32.msk $0xffff, v9  }
0x374: {  	v9 =	vld.idx.msk [tilespmem:v57+s2+$0x0], $0xffff  }
0x375: {  	v13 =	vld [tilespmem:$0x1FB30];
	v8 =	vmul.f32 v3, v8  }
0x376: {  	v17 =	vmov v54;
	v54 =	vmul.f32 v2, v12;
	v12 =	vld [tilespmem:$0x1FB20]  }
0x377: {  	[tilespmem:v0+s22+$0x0] =	vst.idx.add.f32.msk $0xffff, v8  }
0x378: {  	v8 =	vld [tilespmem:$0x1FB80]  }
0x379: {  	[tilespmem:v33+s22+$0x0] =	vst.idx.add.f32.msk $0xffff, v54  }
0x37a: {  	v11 =	vld.idx.msk [tilespmem:v59+s2+$0x0], $0xffff  }
0x37b: {  	v63 =	vld [tilespmem:$0x1FBC0]  }
0x37c: {  	[tilespmem:v35+s22+$0x0] =	vst.idx.add.f32.msk $0xffff, v56  }
0x37d: {  	v13 =	vld.idx.msk [tilespmem:v13+s2+$0x0], $0xffff  }
0x37e: {  	v60 =	vld [tilespmem:$0x1FB90];
	v9 =	vmul.f32 v5, v9  }
0x37f: {  	v62 =	vld [tilespmem:$0x1FBB0]  }
0x380: {  	[tilespmem:v8+s22+$0x0] =	vst.idx.add.f32.msk $0xffff, v9;
	v8 =	vmul.f32 v2, v11  }
0x381: {  	v10 =	vld.idx.msk [tilespmem:v58+s2+$0x0], $0xffff  }
0x382: {  	[tilespmem:v61+s22+$0x0] =	vst.idx.add.f32.msk $0xffff, v8;
	v8 =	vmul.f32 v6, v13  }
0x383: {  	v12 =	vld.idx.msk [tilespmem:v12+s2+$0x0], $0xffff  }
0x384: {  	[tilespmem:v63+s22+$0x0] =	vst.idx.add.f32.msk $0xffff, v8  }
0x385: {  	v8 =	vld [tilespmem:$0x1FBD0];
	_ =	sdelay $0x1  }
0x386: {  	s0 =	sadd.s32 $0x8, s0;
	v0 =	vmul.f32 v1, v10  }
0x387: {  	p0 =	slt.u32 s0, $0x98;
	v51 =	vld [tilespmem:$0x1FAA0]  }
.Ltmp6:
0x388: {  	[tilespmem:v60+s22+$0x0] =	vst.idx.add.f32.msk $0xffff, v0;
	v0 =	vmul.f32 v4, v12;
	(pc) =	sbr.rel @p0 .LBB2_14-.Ltmp6, $3  }
0x389: {  	_ = 	snop  }
0x38a: {  	[tilespmem:v62+s22+$0x0] =	vst.idx.add.f32.msk $0xffff, v0;
	v0 =	vmul.f32 v7, v22;
	_ =	sdelay $0x1  }
0x38b: {  	s16 =	sadd.s32 $0x80, s16;
	v26 =	vmov v51;
	[tilespmem:v8+s22+$0x0] =	vst.idx.add.f32.msk $0xffff, v0  }
0x38c: {  	_ =	sdelay $0x3  }
0x38d: {  	v0 =	vld.idx.msk [tilespmem:v21+s2+$0x0], $0xffff  }
0x38e: {  	v8 =	vld.idx.msk [tilespmem:v32+s2+$0x0], $0xffff  }
0x38f: {  	v9 =	vld.idx.msk [tilespmem:v16+s2+$0x0], $0xffff  }
0x390: {  	v10 =	vld.idx.msk [tilespmem:v17+s2+$0x0], $0xffff  }
0x391: {  	v11 =	vld.idx.msk [tilespmem:v20+s2+$0x0], $0xffff  }
0x392: {  	v0 =	vmul.f32 v0, v3;
	v3 =	vld.idx.msk [tilespmem:v19+s2+$0x0], $0xffff  }
0x393: {  	v5 =	vmul.f32 v8, v5;
	v8 =	vld.idx.msk [tilespmem:v18+s2+$0x0], $0xffff  }
0x394: {  	[tilespmem:v46+s22+$0x0] =	vst.idx.add.f32.msk $0xffff, v0;
	v0 =	vmul.f32 v9, v1  }
0x395: {  	[tilespmem:v48+s22+$0x0] =	vst.idx.add.f32.msk $0xffff, v5;
	v1 =	vmul.f32 v10, v2  }
0x396: {  	v2 =	vmul.f32 v11, v4;
	[tilespmem:v39+s22+$0x0] =	vst.idx.add.f32.msk $0xffff, v0  }
0x397: {  	[tilespmem:v31+s22+$0x0] =	vst.idx.add.f32.msk $0xffff, v1;
	v0 =	vmul.f32 v3, v6  }
0x398: {  	[tilespmem:v30+s22+$0x0] =	vst.idx.add.f32.msk $0xffff, v2;
	v1 =	vmul.f32 v8, v7  }
0x399: {  	[tilespmem:v26+s22+$0x0] =	vst.idx.add.f32.msk $0xffff, v0  }
0x39a: {  	[tilespmem:v14+s22+$0x0] =	vst.idx.add.f32.msk $0xffff, v1  }
0x39b: {  	v2 =	vld [tilespmem:s11+$0x0]  }
0x39c: {  	v1 =	vld [tilespmem:s10+$0x0];
	_ =	sdelay $0x3  }
0x39d: {  	v4 =	vld [tilespmem:s11+$0xFFFFFFF0];
	v3 =	vadd.s32 $0x2710, v2  }
0x39e: {  	v5 =	vld [tilespmem:s10+$0xFFFFFFF0]  }
0x39f: {  	v0 =	vld [tilespmem:s30+$0x0]  }
0x3a0: {  	v7 =	vld [tilespmem:s31+$0x0]  }
0x3a1: {  	v1 =	vld.idx.msk [tilespmem:v1+s15+$0x0], $0xffff  }
0x3a2: {  	v3 =	vld.idx.msk [tilespmem:v3+s15+$0x0], $0xffff;
	_ =	sdelay $0x3  }
0x3a3: {  	v6 =	vadd.s32 $0x2710, v4  }
0x3a4: {  	v8 =	vld [tilespmem:s30+$0xFFFFFFF0];
	v10 =	vadd.s32 $0x2710, v0;
	v3 =	vadd.f32 v3, v1  }
0x3a5: {  	v9 =	vld [tilespmem:s31+$0xFFFFFFF0]  }
0x3a6: {  	v5 =	vld.idx.msk [tilespmem:v5+s15+$0x0], $0xffff;
	v11 =	vmul.f32 $2.000000030e-01, v3  }
0x3a7: {  	v7 =	vld.idx.msk [tilespmem:v7+s15+$0x0], $0xffff;
	vm0 =	vge.f32 v3, $0.0e+00  }
0x3a8: {  	v6 =	vld.idx.msk [tilespmem:v6+s15+$0x0], $0xffff;
	v3 =	vsel vm0, v3, v11  }
0x3a9: {  	v10 =	vld.idx.msk [tilespmem:v10+s15+$0x0], $0xffff;
	v3 =	vmul.f32 $1.442695020e+00, v3  }
0x3aa: {  	v1 =	vld [tilespmem:s29+$0x0]  }
0x3ab: {  	(erf) = vpow2.f32 v3  }
0x3ac: {  	v12 =	vadd.s32 $0x2710, v8  }
0x3ad: {  	v6 =	vadd.f32 v6, v5;
	v11 =	vld [tilespmem:s26+$0x0];
	_ =	sdelay $0x1  }
0x3ae: {  	v13 =	vld [tilespmem:s29+$0xFFFFFFF0];
	v7 =	vadd.f32 v10, v7;
	v10 =	vmul.f32 $2.000000030e-01, v6;
	v3 =	vadd.s32 $0x2710, v1  }
0x3af: {  	v9 =	vld.idx.msk [tilespmem:v9+s15+$0x0], $0xffff;
	vm13 =	vge.f32 v6, $0.0e+00  }
0x3b0: {  	v12 =	vld.idx.msk [tilespmem:v12+s15+$0x0], $0xffff;
	v6 =	vsel vm13, v6, v10  }
0x3b1: {  	v14 =	vld [tilespmem:s26+$0xFFFFFFF0];
	v15 =	vadd.s32 $0x9C40, v2;
	v2 =	vmul.f32 $2.000000030e-01, v7;
	v6 =	vmul.f32 $1.442695020e+00, v6  }
0x3b2: {  	v5 =	vld [tilespmem:s25+$0x0];
	vm14 =	vge.f32 v7, $0.0e+00  }
0x3b3: {  	v62 =	vld.idx.msk [tilespmem:v3+s15+$0x0], $0xffff;
	v3 =	vsel vm14, v7, v2;
	v2 =	vadd.s32 $0x9C40, v4;
	v4 =	vpop (erf);
	(erf) = vpow2.f32 v6  }
0x3b4: {  	s0 =	sadd.s32 $0x20, s26;
	v11 =	vld.idx.msk [tilespmem:v11+s15+$0x0], $0xffff  }
0x3b5: {  	v9 =	vadd.f32 v12, v9;
	v10 =	vadd.s32 $0x2710, v13;
	v7 =	vld [tilespmem:s0+$0x0];
	v12 =	vmul.f32 $1.442695020e+00, v3  }
0x3b6: {  	v63 =	vld [tilespmem:s25+$0xFFFFFFF0]  }
0x3b7: {  	(erf) = vpow2.f32 v12  }
0x3b8: {  	v6 =	vmul.f32 $2.000000030e-01, v9;
	v12 =	vld [tilespmem:s0+$0xFFFFFFF0]  }
0x3b9: {  	vm15 =	vge.f32 v9, $0.0e+00;
	[tilespmem:v15+s22+$0x0] =	vst.idx.add.f32.msk $0xffff, v4;
	v4 =	vadd.s32 $0x9C40, v13;
	v13 =	vadd.s32 $0x2710, v5  }
0x3ba: {  	v3 =	vadd.s32 $0x9C40, v8;
	v8 =	vld.idx.msk [tilespmem:v10+s15+$0x0], $0xffff;
	v11 =	vadd.f32 v62, v11;
	v15 =	vsel vm15, v9, v6  }
0x3bb: {  	s1 =	simm.s32 $0x6;
	s5 =	sadd.s32 $0x20, s25;
	v10 =	vld.idx.msk [tilespmem:v14+s15+$0x0], $0xffff;
	v9 =	vadd.s32 $0x2710, v63;
	v6 =	vadd.s32 $0x9C40, v63;
	v14 =	vmul.f32 $1.442695020e+00, v15  }
.LBB2_16:
0x3bc: {  	v15 =	vld [tilespmem:s5+$0x0];
	v16 =	vmul.f32 $2.000000030e-01, v11;
	v17 =	vadd.s32 $0x9C40, v0;
	v18 =	vpop (erf);
	v0 =	vmov v1  }
0x3bd: {  	vm0 =	vge.f32 v11, $0.0e+00;
	v1 =	vmovc v5;
	v20 =	vmovc v4;
	v19 =	vld.idx.msk [tilespmem:v7+s15+$0x0], $0xffff;
	(erf) = vpow2.f32 v14;
	v14 =	vmov v12  }
0x3be: {  	s1 =	sadd.s32 $0x2, s1;
	s0 =	sadd.s32 $0x20, s0;
	v4 =	vmov v6;
	v21 =	vld.idx.msk [tilespmem:v13+s15+$0x0], $0xffff;
	v5 =	vsel vm0, v11, v16  }
0x3bf: {  	p0 =	slt.u32 s1, $0x8;
	v7 =	vld [tilespmem:s0+$0x0];
	v11 =	vmul.f32 $1.442695020e+00, v5  }
0x3c0: {  	v16 =	vadd.f32 v8, v10;
	v6 =	vld [tilespmem:s5+$0xFFFFFFF0];
	v8 =	vpop (erf)  }
.Ltmp7:
0x3c1: {  	(erf) = vpow2.f32 v11;
	[tilespmem:v17+s22+$0x0] =	vst.idx.add.f32.msk $0xffff, v8;
	v5 =	vmov v15;
	(pc) =	sbr.rel @p0 .LBB2_16-.Ltmp7, $4  }
0x3c2: {  	vm0 =	vge.f32 v16, $0.0e+00;
	v15 =	vmul.f32 $2.000000030e-01, v16;
	v12 =	vld [tilespmem:s0+$0xFFFFFFF0]  }
0x3c3: {  	v13 =	vadd.s32 $0x2710, v5;
	v8 =	vld.idx.msk [tilespmem:v9+s15+$0x0], $0xffff  }
0x3c4: {  	v11 =	vadd.f32 v21, v19;
	v10 =	vld.idx.msk [tilespmem:v14+s15+$0x0], $0xffff;
	v14 =	vsel vm0, v16, v15  }
0x3c5: {  	s5 =	sadd.s32 $0x20, s5;
	v9 =	vadd.s32 $0x2710, v6;
	v6 =	vadd.s32 $0x9C40, v6;
	v14 =	vmul.f32 $1.442695020e+00, v14;
	[tilespmem:v2+s22+$0x0] =	vst.idx.add.f32.msk $0xffff, v18;
	v2 =	vmovc v3;
	v3 =	vmovc v20  }
0x3c6: {  	_ =	sdelay $0x3  }
0x3c7: {  	v7 =	vld.idx.msk [tilespmem:v7+s15+$0x0], $0xffff  }
0x3c8: {  	v13 =	vld.idx.msk [tilespmem:v13+s15+$0x0], $0xffff  }
0x3c9: {  	v9 =	vld.idx.msk [tilespmem:v9+s15+$0x0], $0xffff  }
0x3ca: {  	v12 =	vld.idx.msk [tilespmem:v12+s15+$0x0], $0xffff;
	_ =	sdelay $0x2  }
0x3cb: {  	v15 =	vmul.f32 $2.000000030e-01, v11;
	v8 =	vadd.f32 v8, v10  }
0x3cc: {  	vm0 =	vge.f32 v11, $0.0e+00;
	(erf) = vpow2.f32 v14;
	v7 =	vadd.f32 v13, v7  }
0x3cd: {  	v56 =	vsel vm0, v11, v15;
	v57 =	vmul.f32 $2.000000030e-01, v8;
	v9 =	vadd.f32 v9, v12  }
0x3ce: {  	v10 =	vmul.f32 $1.442695020e+00, v56;
	vm13 =	vge.f32 v8, $0.0e+00;
	v13 =	vmul.f32 $2.000000030e-01, v7  }
0x3cf: {  	v8 =	vsel vm13, v8, v57;
	vm14 =	vge.f32 v7, $0.0e+00;
	v58 =	vmul.f32 $2.000000030e-01, v9  }
0x3d0: {  	v8 =	vmul.f32 $1.442695020e+00, v8;
	vm15 =	vge.f32 v9, $0.0e+00;
	v7 =	vsel vm14, v7, v13  }
0x3d1: {  	(erf) = vpow2.f32 v10;
	v7 =	vmul.f32 $1.442695020e+00, v7;
	v59 =	vsel vm15, v9, v58  }
0x3d2: {  	(erf) = vpow2.f32 v8;
	v60 =	vmul.f32 $1.442695020e+00, v59  }
0x3d3: {  	(erf) = vpow2.f32 v7  }
0x3d4: {  	v0 =	vadd.s32 $0x9C40, v0;
	(erf) = vpow2.f32 v60;
	_ =	sdelay $0x1  }
0x3d5: {  	v1 =	vadd.s32 $0x9C40, v1  }
0x3d6: {  	v61 =	vpop (erf)  }
0x3d7: {  	v5 =	vadd.s32 $0x9C40, v5;
	[tilespmem:v2+s22+$0x0] =	vst.idx.add.f32.msk $0xffff, v61;
	v62 =	vpop (erf)  }
0x3d8: {  	[tilespmem:v0+s22+$0x0] =	vst.idx.add.f32.msk $0xffff, v62;
	v63 =	vpop (erf)  }
0x3d9: {  	[tilespmem:v3+s22+$0x0] =	vst.idx.add.f32.msk $0xffff, v63;
	v0 =	vpop (erf)  }
0x3da: {  	[tilespmem:v1+s22+$0x0] =	vst.idx.add.f32.msk $0xffff, v0;
	v2 =	vpop (erf)  }
0x3db: {  	s24 =	sadd.s32 $0x1, s24;
	[tilespmem:v4+s22+$0x0] =	vst.idx.add.f32.msk $0xffff, v2;
	v0 =	vpop (erf)  }
0x3dc: {  	p0 =	sne.s32 s24, s9;
	[tilespmem:v5+s22+$0x0] =	vst.idx.add.f32.msk $0xffff, v0;
	v0 =	vpop (erf)  }
.Ltmp8:
0x3dd: {  	[tilespmem:v6+s22+$0x0] =	vst.idx.add.f32.msk $0xffff, v0;
	(pc) =	sbr.rel @p0 .LBB2_1-.Ltmp8, $4  }
0x3de: {  	[hbm4b:s8+s2] =	stream.linear.scatter [tilespmem:s22], [sflag:$0x3], $0xC350, $0x38;
	[tilespmem:$0x1D5B0] =	vst v63  }
0x3df: {  	_ =	swait.ge [sflag:s14], $0xC350  }
0x3e0: {  	[sflag:s14] =	ssyncset.done $0x0  }
0x3e1: {  	v0 =	vimm.f32 $0.0e+00;
	[sflag:s14] =	ssyncadd.s32 $0xFFFF3CB0  }
0x3e2: {  	_ =	sfence.sel $0x180000  }
0x3e3: {  	[bflag:$0x0] =	sbarrier.arrive $0xFFFF  }
0x3e4: {  	_ =	strace $0x90000047  }
0x3e5: {  	s0 =	stileid.u32;
	[bflag:$0x2] =	sbarrier.arrive $0xFFFF  }
0x3e6: {  	p0 =	sne.s32 s0, $0x0;
	s0 =	rddreg [dreg:$0x2]  }
0x3e7: {  	s0 =	sadd.s32 @!p0 $0x100000, s0  }
0x3e8: {  	[sflag:s0] =	ssyncadd.tile.s32 @!p0 $0x1;
	_ =	shalt  }
.Lfunc_end2:
_tile_overlayer_lowered:
.L_overlay_start_2:
0x3e9: {  	(tag) =	ssettag $0x2  }
0x3ea: {  	s0 =	rddreg [dreg:$0x0];
	s2 =	stileid.u32  }
0x3eb: {  	s1 =	rddreg [dreg:$0x1];
	p0 =	sne.s32 s2, $0x0  }
0x3ec: {  	s3 =	rddreg [dreg:$0x2];
	[bflag:$0x3] =	sbarrier.arrive $0xFFFF;
	s2 =	simm.s32 @!p0 $0x1C03  }
0x3ed: {  	[timem:s3], [sflag:s2] =	dma.local @!p0 [hbm:s0], s1  }
0x3ee: {  	s0 =	simm.s32 @!p0 $0x3  }
0x3ef: {  	_ =	swait.ge @!p0 [sflag:s0], s1  }
0x3f0: {  	s1 =	ssub.s32 @!p0 $0x0, s1;
	[sflag:s0] =	ssyncset.done @!p0 $0x0  }
0x3f1: {  	[sflag:s0] =	ssyncadd.s32 @!p0 s1  }
0x3f2: {  	[bflag:$0x3] =	sbarrier.arrive $0xFFFF  }
0x3f3: {  	_ =	shalt  }

</sc_bundles>
